<compile_context>
chip_gen: v7x
topology: tpu7x:2x2x1
jax: 0.10.2.dev20260603
libtpu: 0.0.44.dev20260713+nightly
codegen_flags: <defaults>
</compile_context>

<pallas_src>
import functools

import jax
import jax.numpy as jnp
from jax import lax
from jax.experimental import pallas as pl
from jax.experimental.pallas import tpu as pltpu
from jax.experimental.pallas import tpu_sc as plsc

N = 10000
E = 320000
H = 128

NC = 2
NS = 16
NW = NC * NS
EPW = E // NW
BE = 80
NB = EPW // BE
ZB = 200
NCH = N // ZB
DW = 256

def _k1_body(feat_ref, x_ref, w1a_ref, w1b_ref, b1_ref, t_ref, u_ref):
    f = feat_ref[...]
    xx = x_ref[...]
    zpad = jnp.zeros((f.shape[0], DW - H - 3), jnp.float32)
    p = jnp.dot(f, w1a_ref[...], preferred_element_type=jnp.float32)
    q = jnp.dot(f, w1b_ref[...], preferred_element_type=jnp.float32) + b1_ref[...]
    t_ref[...] = jnp.concatenate([p, xx, zpad], axis=1)
    u_ref[...] = jnp.concatenate([q, -xx, zpad], axis=1)


def _k2_gather_body(t_hbm, u_hbm, w1c_hbm, src_hbm, dst_hbm, s_hbm, mom_hbm,
                    idx_s0, idx_d0, idx_s1, idx_d1,
                    bufP0, bufQ0, bufP1, bufQ1, w1cv, momv,
                    semG0, semG1, semW0, semW1, semI0, semI1):
    wid = lax.axis_index("s") * NC + lax.axis_index("c")
    ebase = wid * EPW
    buf0 = (idx_s0, idx_d0, bufP0, bufQ0, semG0, semW0)
    buf1 = (idx_s1, idx_d1, bufP1, bufQ1, semG1, semW1)
    pltpu.sync_copy(w1c_hbm, w1cv)
    w1c_regs = [w1cv[pl.ds(k * 16, 16)] for k in range(H // 16)]

    def fire_idx(blk, b, semI):
        idx_s, idx_d = b[0], b[1]
        base = ebase + blk * BE
        pltpu.async_copy(src_hbm.at[pl.ds(base, BE)], idx_s, semI)
        pltpu.async_copy(dst_hbm.at[pl.ds(base, BE)], idx_d, semI)

    def wait_idx(b, semI):
        idx_s, idx_d = b[0], b[1]
        pltpu.make_async_copy(src_hbm.at[pl.ds(0, BE)], idx_s, semI).wait()
        pltpu.make_async_copy(dst_hbm.at[pl.ds(0, BE)], idx_d, semI).wait()

    def fire_gather(b):
        idx_s, idx_d, bufP, bufQ, semG, _ = b
        pltpu.async_copy(t_hbm.at[idx_s], bufP, semG)
        pltpu.async_copy(u_hbm.at[idx_d], bufQ, semG)

    def wait_gather(b):
        idx_s, idx_d, bufP, bufQ, semG, _ = b
        pltpu.make_async_copy(t_hbm.at[idx_s], bufP, semG).wait()
        pltpu.make_async_copy(u_hbm.at[idx_d], bufQ, semG).wait()

    def fire_wb(blk, b):
        _, _, bufP, _, _, semW = b
        base = ebase + blk * BE
        pltpu.async_copy(bufP.at[:, pl.ds(0, H)], s_hbm.at[pl.ds(base, BE)], semW)

    def wait_wb(b):
        _, _, bufP, _, _, semW = b
        pltpu.make_async_copy(bufP.at[:, pl.ds(0, H)],
                              s_hbm.at[pl.ds(0, BE)], semW).wait()

    def compute(b, mom):
        _, _, bufP, bufQ, _, _ = b

        def row(j, mm):
            m1, m2 = mm
            vx = bufP[j, pl.ds(H, 16)] + bufQ[j, pl.ds(H, 16)]
            sq = vx[0] * vx[0] + vx[1] * vx[1] + vx[2] * vx[2]
            n1, n2 = [], []
            for k in range(H // 16):
                ksl = pl.ds(k * 16, 16)
                v = bufP[j, ksl] + bufQ[j, ksl] + sq * w1c_regs[k]
                bufP[j, ksl] = v
                n1.append(m1[k] + v)
                n2.append(m2[k] + v * v)
            return (tuple(n1), tuple(n2))

        return lax.fori_loop(0, BE, row, mom)

    def stage(it, cur, nxt, semIc, semIn, mom):
        wait_gather(cur)

        @pl.when(it + 2 < NB)
        def _():
            fire_idx(it + 2, cur, semIc)

        @pl.when(it >= 1)
        def _():
            wait_wb(nxt)

        @pl.when(it + 1 < NB)
        def _():
            wait_idx(nxt, semIn)
            fire_gather(nxt)

        mom = compute(cur, mom)
        fire_wb(it, cur)
        return mom

    pltpu.sync_copy(src_hbm.at[pl.ds(ebase, BE)], idx_s0)
    pltpu.sync_copy(dst_hbm.at[pl.ds(ebase, BE)], idx_d0)
    fire_gather(buf0)
    fire_idx(1, buf1, semI1)

    zv = jnp.zeros((16,), jnp.float32)
    mom0 = (tuple(zv for _ in range(H // 16)), tuple(zv for _ in range(H // 16)))

    def body(i2, mom):
        it = 2 * i2
        mom = stage(it, buf0, buf1, semI0, semI1, mom)
        mom = stage(it + 1, buf1, buf0, semI1, semI0, mom)
        return mom

    mom = lax.fori_loop(0, (NB - 1) // 2, body, mom0)
    mom = stage(jnp.int32(NB - 1), buf0, buf1, semI0, semI1, mom)
    wait_wb(buf0)
    for r in range(2, 8):
        for k in range(H // 16):
            momv[r, pl.ds(k * 16, 16)] = zv
    for k in range(H // 16):
        momv[0, pl.ds(k * 16, 16)] = mom[0][k]
        momv[1, pl.ds(k * 16, 16)] = mom[1][k]
    pltpu.sync_copy(momv, mom_hbm.at[wid])


def _k3_body(s_ref, st_ref):
    i = pl.program_id(0)
    pre1 = s_ref[...]

    @pl.when(i == 0)
    def _():
        st_ref[...] = jnp.zeros_like(st_ref)

    st_ref[0:1, :] += jnp.sum(pre1, axis=0, keepdims=True)
    st_ref[1:2, :] += jnp.sum(pre1 * pre1, axis=0, keepdims=True)


def _k4_body(s_ref, sc1_ref, sh1_ref, w2_ref, b2_ref,
             pre2_ref, st_ref):
    i = pl.program_id(0)
    h = jnp.maximum(s_ref[...] * sc1_ref[...] + sh1_ref[...], 0.0)
    pre2 = jnp.dot(h.astype(jnp.bfloat16), w2_ref[...].astype(jnp.bfloat16),
                   preferred_element_type=jnp.float32) + b2_ref[...]
    pre2_ref[...] = pre2.astype(jnp.bfloat16)

    @pl.when(i == 0)
    def _():
        st_ref[...] = jnp.zeros_like(st_ref)

    st_ref[0:1, :] += jnp.sum(pre2, axis=0, keepdims=True)
    st_ref[1:2, :] += jnp.sum(pre2 * pre2, axis=0, keepdims=True)


def _k5_body(pre2_ref, sc2_ref, sh2_ref, wse_ref, bse_ref, m_ref):
    msg = jnp.maximum(
        pre2_ref[...].astype(jnp.float32) * sc2_ref[...] + sh2_ref[...], 0.0)
    s = jnp.sum(msg * wse_ref[...], axis=1, keepdims=True) + bse_ref[0, 0]
    ew = jax.nn.sigmoid(s)
    m_ref[...] = msg * ew


def _k6_scatter_body(m_hbm, dst_hbm, out_hbm,
                     idx0, idx1, mb0, mb1, zbuf, acc,
                     semL0, semL1, semS0, semS1):
    cid = lax.axis_index("c")
    sid = lax.axis_index("s")
    wid = sid * NC + cid
    ebase = wid * EPW
    buf0 = (idx0, mb0, semL0, semS0)
    buf1 = (idx1, mb1, semL1, semS1)

    def zrow(j, c):
        for k in range(H // 16):
            zbuf[j, pl.ds(k * 16, 16)] = jnp.zeros((16,), jnp.float32)
        return c

    lax.fori_loop(0, ZB, zrow, 0)
    for cc in range((NCH + NS - 1) // NS):
        ch = sid + NS * cc

        @pl.when(ch < NCH)
        def _():
            pltpu.sync_copy(zbuf, acc.at[pl.ds(ch * ZB, ZB)])

    plsc.subcore_barrier()

    def fire_load(blk, b):
        idx, mb, semL, _ = b
        base = ebase + blk * BE
        pltpu.async_copy(dst_hbm.at[pl.ds(base, BE)], idx, semL)
        pltpu.async_copy(m_hbm.at[pl.ds(base, BE)], mb, semL)

    def wait_load(b):
        idx, mb, semL, _ = b
        pltpu.make_async_copy(dst_hbm.at[pl.ds(0, BE)], idx, semL).wait()
        pltpu.make_async_copy(m_hbm.at[pl.ds(0, BE)], mb, semL).wait()

    def fire_scatter(b):
        idx, mb, _, semS = b
        pltpu.async_copy(mb, acc.at[idx], semS, add=True)

    def wait_scatter(b):
        idx, mb, _, semS = b
        pltpu.make_async_copy(mb, acc.at[idx], semS).wait()

    def stage(it, cur, nxt):
        wait_load(cur)

        @pl.when(it >= 1)
        def _():
            wait_scatter(nxt)

        @pl.when(it + 1 < NB)
        def _():
            fire_load(it + 1, nxt)

        fire_scatter(cur)

    fire_load(0, buf0)

    def body(it, carry):
        @pl.when(it % 2 == 0)
        def _():
            stage(it, buf0, buf1)

        @pl.when(it % 2 == 1)
        def _():
            stage(it, buf1, buf0)

        return carry

    lax.fori_loop(0, NB, body, 0)
    wait_scatter(buf0 if (NB - 1) % 2 == 0 else buf1)
    plsc.subcore_barrier()
    for cc in range((NCH + NS - 1) // NS):
        ch = sid + NS * cc

        @pl.when(ch < NCH)
        def _():
            rows = pl.ds(ch * ZB, ZB)
            pltpu.sync_copy(acc.at[rows], out_hbm.at[cid, rows])


def _bn_scale_shift(s1, s2, n, g, be):
    mu = s1 / n
    var = s2 / n - mu * mu
    scale = g * lax.rsqrt(var + 1e-5)
    shift = be - mu * scale
    return scale, shift


@functools.cache
def _sc_kernels():
    mesh = plsc.VectorSubcoreMesh(core_axis_name="c", subcore_axis_name="s")
    k2 = functools.partial(
        pl.kernel,
        mesh=mesh,
        out_type=[
            jax.ShapeDtypeStruct((E, H), jnp.float32),
            jax.ShapeDtypeStruct((NW, 8, H), jnp.float32),
        ],
        scratch_types=[
            pltpu.VMEM((BE,), jnp.int32),
            pltpu.VMEM((BE,), jnp.int32),
            pltpu.VMEM((BE,), jnp.int32),
            pltpu.VMEM((BE,), jnp.int32),
            pltpu.VMEM((BE, DW), jnp.float32),
            pltpu.VMEM((BE, DW), jnp.float32),
            pltpu.VMEM((BE, DW), jnp.float32),
            pltpu.VMEM((BE, DW), jnp.float32),
            pltpu.VMEM((H,), jnp.float32),
            pltpu.VMEM((8, H), jnp.float32),
            pltpu.SemaphoreType.DMA,
            pltpu.SemaphoreType.DMA,
            pltpu.SemaphoreType.DMA,
            pltpu.SemaphoreType.DMA,
            pltpu.SemaphoreType.DMA,
            pltpu.SemaphoreType.DMA,
        ],
    )(_k2_gather_body)
    k6 = functools.partial(
        pl.kernel,
        mesh=mesh,
        out_type=jax.ShapeDtypeStruct((NC, N, H), jnp.float32),
        scratch_types=[
            pltpu.VMEM((BE,), jnp.int32),
            pltpu.VMEM((BE,), jnp.int32),
            pltpu.VMEM((BE, H), jnp.float32),
            pltpu.VMEM((BE, H), jnp.float32),
            pltpu.VMEM((ZB, H), jnp.float32),
            pltpu.VMEM_SHARED((N, H), jnp.float32),
            pltpu.SemaphoreType.DMA,
            pltpu.SemaphoreType.DMA,
            pltpu.SemaphoreType.DMA,
            pltpu.SemaphoreType.DMA,
        ],
    )(_k6_scatter_body)
    return k2, k6


def _k7_body(part_ref, feat_ref, wu1_ref, bu1_ref, gu1_ref, beu1_ref,
             wu2_ref, bu2_ref, gu2_ref, beu2_ref, out_ref):
    n = feat_ref.shape[0]
    feat = feat_ref[...]
    inp2 = part_ref[0] + part_ref[1] + feat
    pre1 = jnp.dot(inp2, wu1_ref[...], preferred_element_type=jnp.float32) + bu1_ref[...]
    s1 = jnp.sum(pre1, axis=0, keepdims=True)
    s2 = jnp.sum(pre1 * pre1, axis=0, keepdims=True)
    sc1, sh1 = _bn_scale_shift(s1, s2, n, gu1_ref[...], beu1_ref[...])
    hu = jnp.maximum(pre1 * sc1 + sh1, 0.0)
    pre2 = jnp.dot(hu, wu2_ref[...], preferred_element_type=jnp.float32) + bu2_ref[...]
    t1 = jnp.sum(pre2, axis=0, keepdims=True)
    t2 = jnp.sum(pre2 * pre2, axis=0, keepdims=True)
    sc2, sh2 = _bn_scale_shift(t1, t2, n, gu2_ref[...], beu2_ref[...])
    out_ref[...] = pre2 * sc2 + sh2 + feat


def kernel(x, feat, edge_index, W1, b1, g1, be1, W2, b2, g2, be2, Wse, bse,
           Wu1, bu1, gu1, beu1, Wu2, bu2, gu2, beu2):
    src = edge_index[0]
    dst = edge_index[1]
    w1a = W1[:H]
    w1b = W1[H:2 * H]
    w1c = W1[2 * H].reshape(1, H)
    t_tab, u_tab = pl.pallas_call(
        _k1_body,
        out_shape=[
            jax.ShapeDtypeStruct((N, DW), jnp.float32),
            jax.ShapeDtypeStruct((N, DW), jnp.float32),
        ],
    )(feat, x, w1a, w1b, b1.reshape(1, H))

    _k2_gather, _k6_scatter = _sc_kernels()
    s_arr, mom_arr = _k2_gather(t_tab, u_tab, w1c.reshape(H), src, dst)
    sc1, sh1 = _bn_scale_shift(jnp.sum(mom_arr[:, 0, :], axis=0).reshape(1, H),
                               jnp.sum(mom_arr[:, 1, :], axis=0).reshape(1, H),
                               E, g1.reshape(1, H), be1.reshape(1, H))

    GB4 = 8000
    pre2, st2 = pl.pallas_call(
        _k4_body,
        grid=(E // GB4,),
        in_specs=[
            pl.BlockSpec((GB4, H), lambda i: (i, 0)),
            pl.BlockSpec((1, H), lambda i: (0, 0)),
            pl.BlockSpec((1, H), lambda i: (0, 0)),
            pl.BlockSpec((H, H), lambda i: (0, 0)),
            pl.BlockSpec((1, H), lambda i: (0, 0)),
        ],
        out_specs=[
            pl.BlockSpec((GB4, H), lambda i: (i, 0)),
            pl.BlockSpec((8, H), lambda i: (0, 0)),
        ],
        out_shape=[
            jax.ShapeDtypeStruct((E, H), jnp.bfloat16),
            jax.ShapeDtypeStruct((8, H), jnp.float32),
        ],
    )(s_arr, sc1, sh1, W2, b2.reshape(1, H))
    sc2, sh2 = _bn_scale_shift(st2[0:1], st2[1:2], E, g2.reshape(1, H),
                               be2.reshape(1, H))

    GB5 = 8000
    m_arr = pl.pallas_call(
        _k5_body,
        grid=(E // GB5,),
        in_specs=[
            pl.BlockSpec((GB5, H), lambda i: (i, 0)),
            pl.BlockSpec((1, H), lambda i: (0, 0)),
            pl.BlockSpec((1, H), lambda i: (0, 0)),
            pl.BlockSpec((1, H), lambda i: (0, 0)),
            pl.BlockSpec((1, 1), lambda i: (0, 0)),
        ],
        out_specs=pl.BlockSpec((GB5, H), lambda i: (i, 0)),
        out_shape=jax.ShapeDtypeStruct((E, H), jnp.float32),
    )(pre2, sc2, sh2, Wse.reshape(1, H), bse.reshape(1, 1))

    partials = _k6_scatter(m_arr, dst)

    out = pl.pallas_call(
        _k7_body,
        out_shape=jax.ShapeDtypeStruct((N, H), jnp.float32),
    )(partials, feat, Wu1, bu1.reshape(1, H), gu1.reshape(1, H),
      beu1.reshape(1, H), Wu2, bu2.reshape(1, H), gu2.reshape(1, H),
      beu2.reshape(1, H))
    return out

# --- scband reference (transcript-rebuilt; emitter-appended) ---
"""Pipeline reference for scband-egclayer-5214090297740 (READ-ONLY COPY).

The authoritative reference and input builder live on the scoring server;
editing this copy changes nothing except your own understanding.
"""

import jax, jax.numpy as jnp
import numpy as np

N = 10000
E = 320000
H = 128
IN_MSG = 2 * H + 1


def _bn(h, g, b):
    mu = jnp.mean(h, axis=0, keepdims=True)
    var = jnp.var(h, axis=0, keepdims=True)
    return g * (h - mu) * jax.lax.rsqrt(var + 1e-5) + b


def setup_inputs(seed: int = 0):
    key = jax.random.key(seed)
    ks = jax.random.split(key, 32)
    inp = {}
    inp["x"] = jax.random.normal(ks[0], (N, 3), dtype=jnp.float32)
    inp["feat"] = jax.random.normal(ks[1], (N, H), dtype=jnp.float32)
    inp["edge_index"] = jax.random.randint(ks[2], (2, E), 0, N, dtype=jnp.int32)
    # message MLP (2 layers, BN + relu on both, last_activation == mid_activation)
    inp["W1"] = jax.random.normal(ks[3], (IN_MSG, H), dtype=jnp.float32) / np.sqrt(IN_MSG)
    inp["b1"] = jnp.zeros((H,), dtype=jnp.float32)
    inp["g1"] = jnp.ones((H,), dtype=jnp.float32)
    inp["be1"] = jnp.zeros((H,), dtype=jnp.float32)
    inp["W2"] = jax.random.normal(ks[4], (H, H), dtype=jnp.float32) / np.sqrt(H)
    inp["b2"] = jnp.zeros((H,), dtype=jnp.float32)
    inp["g2"] = jnp.ones((H,), dtype=jnp.float32)
    inp["be2"] = jnp.zeros((H,), dtype=jnp.float32)
    # soft edge network (Linear H -> 1)
    inp["Wse"] = jax.random.normal(ks[5], (H, 1), dtype=jnp.float32) / np.sqrt(H)
    inp["bse"] = jnp.zeros((1,), dtype=jnp.float32)
    # update MLP (2 layers, BN on both, relu mid, no last activation)
    inp["Wu1"] = jax.random.normal(ks[6], (H, H), dtype=jnp.float32) / np.sqrt(H)
    inp["bu1"] = jnp.zeros((H,), dtype=jnp.float32)
    inp["gu1"] = jnp.ones((H,), dtype=jnp.float32)
    inp["beu1"] = jnp.zeros((H,), dtype=jnp.float32)
    inp["Wu2"] = jax.random.normal(ks[7], (H, H), dtype=jnp.float32) / np.sqrt(H)
    inp["bu2"] = jnp.zeros((H,), dtype=jnp.float32)
    inp["gu2"] = jnp.ones((H,), dtype=jnp.float32)
    inp["beu2"] = jnp.zeros((H,), dtype=jnp.float32)
    return inp


def reference(x, feat, edge_index, W1, b1, g1, be1, W2, b2, g2, be2, Wse, bse, Wu1, bu1, gu1, beu1, Wu2, bu2, gu2, beu2):
    src = edge_index[0]
    dst = edge_index[1]
    n_nodes = feat.shape[0]
    # message function
    sq = jnp.sum((x[src] - x[dst]) ** 2, axis=-1, keepdims=True)
    mi = jnp.concatenate([feat[src], feat[dst], sq], axis=-1)
    h = jax.nn.relu(_bn(mi @ W1 + b1, g1, be1))
    msg = jax.nn.relu(_bn(h @ W2 + b2, g2, be2))
    ew = jax.nn.sigmoid(msg @ Wse + bse)
    m = msg * ew
    # reduce (sum over incoming edges at dst)
    m_sum = jax.ops.segment_sum(m, dst, num_segments=n_nodes)
    # update function
    inp2 = m_sum + feat
    hu = jax.nn.relu(_bn(inp2 @ Wu1 + bu1, gu1, beu1))
    h_new = _bn(hu @ Wu2 + bu2, gu2, beu2)
    return h_new + feat

if __name__ == "__main__":
    import jax
    _d = setup_inputs()
    print(jax.jit(kernel)(*tuple(_d.values())))

</pallas_src>

<mosaic_0001>
#map = affine_map<(d0, d1) -> (0, 0)>
#map1 = affine_map<(d0, d1) -> (0)>
#map2 = affine_map<(d0, d1) -> (0, 0, 0)>
module attributes {stable_mosaic.version = 14 : i64} {
  func.func @_k6_scatter_body(%arg0: i32, %arg1: i32, %arg2: memref<320000x128xf32, #tpu.memory_space<hbm>>, %arg3: memref<320000xi32, #tpu.memory_space<hbm>>, %arg4: memref<2x10000x128xf32, #tpu.memory_space<hbm>>, %arg5: memref<80xi32, #tpu.memory_space<vmem>>, %arg6: memref<80xi32, #tpu.memory_space<vmem>>, %arg7: memref<80x128xf32, #tpu.memory_space<vmem>>, %arg8: memref<80x128xf32, #tpu.memory_space<vmem>>, %arg9: memref<200x128xf32, #tpu.memory_space<vmem>>, %arg10: memref<10000x128xf32, #tpu.memory_space<vmem_shared>>, %arg11: memref<!tpu.dma_semaphore, #tpu.memory_space<semaphore_mem>>, %arg12: memref<!tpu.dma_semaphore, #tpu.memory_space<semaphore_mem>>, %arg13: memref<!tpu.dma_semaphore, #tpu.memory_space<semaphore_mem>>, %arg14: memref<!tpu.dma_semaphore, #tpu.memory_space<semaphore_mem>>) attributes {dimension_semantics = [#tpu.dimension_semantics<core_parallel>, #tpu.dimension_semantics<subcore_parallel>], iteration_bounds = array<i64: 2, 16>, scalar_prefetch = 0 : i64, scratch_operands = 10 : i64, tpu.core_type = #tpu.core_type<sc_vector_subcore>, window_params = [{transform_indices = #map}, {transform_indices = #map1}, {transform_indices = #map2}]} {
    %mul3A = arith.constant 2 : i32
    %mul3A_0 = arith.muli %arg1, %mul3A : i32
    %add3A = arith.addi %mul3A_0, %arg0 : i32
    %mul3A_1 = arith.constant 10000 : i32
    %mul3A_2 = arith.muli %add3A, %mul3A_1 : i32
    %scan3A = arith.constant 0 : i32
    %scan3A_3 = arith.constant 0 : i32
    %scan3A_4 = arith.constant 200 : i32
    %scan3A_5 = arith.addi %scan3A_3, %scan3A_4 : i32
    %scan3A_6 = arith.constant 1 : i32
    scf.for %scan3A_77 = %scan3A_3 to %scan3A_5 step %scan3A_6  : i32 {
      %broadcast_in_dim3A = arith.constant 0.000000e+00 : f32
      %broadcast_in_dim3A_78 = vector.broadcast %broadcast_in_dim3A : f32 to vector<16xf32>
      %swap3A = arith.index_cast %scan3A_77 : i32 to index
      %swap3A_79 = arith.constant 0 : index
      %swap3A_80 = tpu.vector_load %arg9[%swap3A, %swap3A_79] {strides = array<i32>} : memref<200x128xf32, #tpu.memory_space<vmem>>, vector<1x16xf32>,
      %swap3A_81 = vector.shape_cast %swap3A_80 : vector<1x16xf32> to vector<16xf32>
      %swap3A_82 = vector.shape_cast %broadcast_in_dim3A_78 : vector<16xf32> to vector<1x16xf32>
      tpu.vector_store %arg9[%swap3A, %swap3A_79], %swap3A_82 {strides = array<i32>} : memref<200x128xf32, #tpu.memory_space<vmem>>, vector<1x16xf32>,
      %broadcast_in_dim3A_83 = arith.constant 0.000000e+00 : f32
      %broadcast_in_dim3A_84 = vector.broadcast %broadcast_in_dim3A_83 : f32 to vector<16xf32>
      %swap3A_85 = arith.index_cast %scan3A_77 : i32 to index
      %swap3A_86 = arith.constant 16 : index
      %swap3A_87 = tpu.vector_load %arg9[%swap3A_85, %swap3A_86] {strides = array<i32>} : memref<200x128xf32, #tpu.memory_space<vmem>>, vector<1x16xf32>,
      %swap3A_88 = vector.shape_cast %swap3A_87 : vector<1x16xf32> to vector<16xf32>
      %swap3A_89 = vector.shape_cast %broadcast_in_dim3A_84 : vector<16xf32> to vector<1x16xf32>
      tpu.vector_store %arg9[%swap3A_85, %swap3A_86], %swap3A_89 {strides = array<i32>} : memref<200x128xf32, #tpu.memory_space<vmem>>, vector<1x16xf32>,
      %broadcast_in_dim3A_90 = arith.constant 0.000000e+00 : f32
      %broadcast_in_dim3A_91 = vector.broadcast %broadcast_in_dim3A_90 : f32 to vector<16xf32>
      %swap3A_92 = arith.index_cast %scan3A_77 : i32 to index
      %swap3A_93 = arith.constant 32 : index
      %swap3A_94 = tpu.vector_load %arg9[%swap3A_92, %swap3A_93] {strides = array<i32>} : memref<200x128xf32, #tpu.memory_space<vmem>>, vector<1x16xf32>,
      %swap3A_95 = vector.shape_cast %swap3A_94 : vector<1x16xf32> to vector<16xf32>
      %swap3A_96 = vector.shape_cast %broadcast_in_dim3A_91 : vector<16xf32> to vector<1x16xf32>
      tpu.vector_store %arg9[%swap3A_92, %swap3A_93], %swap3A_96 {strides = array<i32>} : memref<200x128xf32, #tpu.memory_space<vmem>>, vector<1x16xf32>,
      %broadcast_in_dim3A_97 = arith.constant 0.000000e+00 : f32
      %broadcast_in_dim3A_98 = vector.broadcast %broadcast_in_dim3A_97 : f32 to vector<16xf32>
      %swap3A_99 = arith.index_cast %scan3A_77 : i32 to index
      %swap3A_100 = arith.constant 48 : index
      %swap3A_101 = tpu.vector_load %arg9[%swap3A_99, %swap3A_100] {strides = array<i32>} : memref<200x128xf32, #tpu.memory_space<vmem>>, vector<1x16xf32>,
      %swap3A_102 = vector.shape_cast %swap3A_101 : vector<1x16xf32> to vector<16xf32>
      %swap3A_103 = vector.shape_cast %broadcast_in_dim3A_98 : vector<16xf32> to vector<1x16xf32>
      tpu.vector_store %arg9[%swap3A_99, %swap3A_100], %swap3A_103 {strides = array<i32>} : memref<200x128xf32, #tpu.memory_space<vmem>>, vector<1x16xf32>,
      %broadcast_in_dim3A_104 = arith.constant 0.000000e+00 : f32
      %broadcast_in_dim3A_105 = vector.broadcast %broadcast_in_dim3A_104 : f32 to vector<16xf32>
      %swap3A_106 = arith.index_cast %scan3A_77 : i32 to index
      %swap3A_107 = arith.constant 64 : index
      %swap3A_108 = tpu.vector_load %arg9[%swap3A_106, %swap3A_107] {strides = array<i32>} : memref<200x128xf32, #tpu.memory_space<vmem>>, vector<1x16xf32>,
      %swap3A_109 = vector.shape_cast %swap3A_108 : vector<1x16xf32> to vector<16xf32>
      %swap3A_110 = vector.shape_cast %broadcast_in_dim3A_105 : vector<16xf32> to vector<1x16xf32>
      tpu.vector_store %arg9[%swap3A_106, %swap3A_107], %swap3A_110 {strides = array<i32>} : memref<200x128xf32, #tpu.memory_space<vmem>>, vector<1x16xf32>,
      %broadcast_in_dim3A_111 = arith.constant 0.000000e+00 : f32
      %broadcast_in_dim3A_112 = vector.broadcast %broadcast_in_dim3A_111 : f32 to vector<16xf32>
      %swap3A_113 = arith.index_cast %scan3A_77 : i32 to index
      %swap3A_114 = arith.constant 80 : index
      %swap3A_115 = tpu.vector_load %arg9[%swap3A_113, %swap3A_114] {strides = array<i32>} : memref<200x128xf32, #tpu.memory_space<vmem>>, vector<1x16xf32>,
      %swap3A_116 = vector.shape_cast %swap3A_115 : vector<1x16xf32> to vector<16xf32>
      %swap3A_117 = vector.shape_cast %broadcast_in_dim3A_112 : vector<16xf32> to vector<1x16xf32>
      tpu.vector_store %arg9[%swap3A_113, %swap3A_114], %swap3A_117 {strides = array<i32>} : memref<200x128xf32, #tpu.memory_space<vmem>>, vector<1x16xf32>,
      %broadcast_in_dim3A_118 = arith.constant 0.000000e+00 : f32
      %broadcast_in_dim3A_119 = vector.broadcast %broadcast_in_dim3A_118 : f32 to vector<16xf32>
      %swap3A_120 = arith.index_cast %scan3A_77 : i32 to index
      %swap3A_121 = arith.constant 96 : index
      %swap3A_122 = tpu.vector_load %arg9[%swap3A_120, %swap3A_121] {strides = array<i32>} : memref<200x128xf32, #tpu.memory_space<vmem>>, vector<1x16xf32>,
      %swap3A_123 = vector.shape_cast %swap3A_122 : vector<1x16xf32> to vector<16xf32>
      %swap3A_124 = vector.shape_cast %broadcast_in_dim3A_119 : vector<16xf32> to vector<1x16xf32>
      tpu.vector_store %arg9[%swap3A_120, %swap3A_121], %swap3A_124 {strides = array<i32>} : memref<200x128xf32, #tpu.memory_space<vmem>>, vector<1x16xf32>,
      %broadcast_in_dim3A_125 = arith.constant 0.000000e+00 : f32
      %broadcast_in_dim3A_126 = vector.broadcast %broadcast_in_dim3A_125 : f32 to vector<16xf32>
      %swap3A_127 = arith.index_cast %scan3A_77 : i32 to index
      %swap3A_128 = arith.constant 112 : index
      %swap3A_129 = tpu.vector_load %arg9[%swap3A_127, %swap3A_128] {strides = array<i32>} : memref<200x128xf32, #tpu.memory_space<vmem>>, vector<1x16xf32>,
      %swap3A_130 = vector.shape_cast %swap3A_129 : vector<1x16xf32> to vector<16xf32>
      %swap3A_131 = vector.shape_cast %broadcast_in_dim3A_126 : vector<16xf32> to vector<1x16xf32>
      tpu.vector_store %arg9[%swap3A_127, %swap3A_128], %swap3A_131 {strides = array<i32>} : memref<200x128xf32, #tpu.memory_space<vmem>>, vector<1x16xf32>,
    }
    %scan3A_7 = arith.constant 200 : i32
    %add3A_8 = arith.constant 0 : i32
    %add3A_9 = arith.addi %arg1, %add3A_8 : i32
    %lt3A = arith.constant 50 : i32
    %lt3A_10 = arith.cmpi slt, %add3A_9, %lt3A : i32
    %convert_element_type3A = arith.extui %lt3A_10 : i1 to i32
    %cond3A = arith.constant 0 : i32
    %cond3A_11 = arith.cmpi ne, %convert_element_type3A, %cond3A : i32
    scf.if %cond3A_11 {
      %mul3A_77 = arith.constant 200 : i32
      %mul3A_78 = arith.muli %add3A_9, %mul3A_77 : i32
      "tpu.region"() ({
        %run_scoped3A = tpu.sem_alloc : memref<!tpu.dma_semaphore, #tpu.memory_space<semaphore_mem>>
        %dma_start3A_79 = arith.constant 0 : i32
        %dma_start3A_80 = tpu.memref_slice %arg10[%mul3A_78, %dma_start3A_79] : memref<10000x128xf32, #tpu.memory_space<vmem_shared>> -> memref<200x128xf32, #tpu.memory_space<vmem_shared>>
        %dma_start3A_81 = arith.constant 0 : i32
        %dma_start3A_82 = tpu.memref_slice %arg10[%mul3A_78, %dma_start3A_81] : memref<10000x128xf32, #tpu.memory_space<vmem_shared>> -> memref<200x128xf32, #tpu.memory_space<vmem_shared>>
        tpu.enqueue_dma source(%arg9 : memref<200x128xf32, #tpu.memory_space<vmem>>) target(%dma_start3A_82 : memref<200x128xf32, #tpu.memory_space<vmem_shared>>) target_semaphore(%run_scoped3A : memref<!tpu.dma_semaphore, #tpu.memory_space<semaphore_mem>>)
        %dma_wait3A_83 = arith.constant 0 : i32
        %dma_wait3A_84 = tpu.memref_slice %arg10[%mul3A_78, %dma_wait3A_83] : memref<10000x128xf32, #tpu.memory_space<vmem_shared>> -> memref<200x128xf32, #tpu.memory_space<vmem_shared>>
        %dma_wait3A_85 = arith.constant 0 : i32
        %dma_wait3A_86 = tpu.memref_slice %arg10[%mul3A_78, %dma_wait3A_85] : memref<10000x128xf32, #tpu.memory_space<vmem_shared>> -> memref<200x128xf32, #tpu.memory_space<vmem_shared>>
        tpu.wait_dma2 semaphore(%run_scoped3A : memref<!tpu.dma_semaphore, #tpu.memory_space<semaphore_mem>>) src(%arg9 : memref<200x128xf32, #tpu.memory_space<vmem>>) dst(%dma_wait3A_86 : memref<200x128xf32, #tpu.memory_space<vmem_shared>>)
        tpu.yield
      }) : () -> ()
    } else {
    }
    %add3A_12 = arith.constant 16 : i32
    %add3A_13 = arith.addi %arg1, %add3A_12 : i32
    %lt3A_14 = arith.constant 50 : i32
    %lt3A_15 = arith.cmpi slt, %add3A_13, %lt3A_14 : i32
    %convert_element_type3A_16 = arith.extui %lt3A_15 : i1 to i32
    %cond3A_17 = arith.constant 0 : i32
    %cond3A_18 = arith.cmpi ne, %convert_element_type3A_16, %cond3A_17 : i32
    scf.if %cond3A_18 {
      %mul3A_77 = arith.constant 200 : i32
      %mul3A_78 = arith.muli %add3A_13, %mul3A_77 : i32
      "tpu.region"() ({
        %run_scoped3A = tpu.sem_alloc : memref<!tpu.dma_semaphore, #tpu.memory_space<semaphore_mem>>
        %dma_start3A_79 = arith.constant 0 : i32
        %dma_start3A_80 = tpu.memref_slice %arg10[%mul3A_78, %dma_start3A_79] : memref<10000x128xf32, #tpu.memory_space<vmem_shared>> -> memref<200x128xf32, #tpu.memory_space<vmem_shared>>
        %dma_start3A_81 = arith.constant 0 : i32
        %dma_start3A_82 = tpu.memref_slice %arg10[%mul3A_78, %dma_start3A_81] : memref<10000x128xf32, #tpu.memory_space<vmem_shared>> -> memref<200x128xf32, #tpu.memory_space<vmem_shared>>
        tpu.enqueue_dma source(%arg9 : memref<200x128xf32, #tpu.memory_space<vmem>>) target(%dma_start3A_82 : memref<200x128xf32, #tpu.memory_space<vmem_shared>>) target_semaphore(%run_scoped3A : memref<!tpu.dma_semaphore, #tpu.memory_space<semaphore_mem>>)
        %dma_wait3A_83 = arith.constant 0 : i32
        %dma_wait3A_84 = tpu.memref_slice %arg10[%mul3A_78, %dma_wait3A_83] : memref<10000x128xf32, #tpu.memory_space<vmem_shared>> -> memref<200x128xf32, #tpu.memory_space<vmem_shared>>
        %dma_wait3A_85 = arith.constant 0 : i32
        %dma_wait3A_86 = tpu.memref_slice %arg10[%mul3A_78, %dma_wait3A_85] : memref<10000x128xf32, #tpu.memory_space<vmem_shared>> -> memref<200x128xf32, #tpu.memory_space<vmem_shared>>
        tpu.wait_dma2 semaphore(%run_scoped3A : memref<!tpu.dma_semaphore, #tpu.memory_space<semaphore_mem>>) src(%arg9 : memref<200x128xf32, #tpu.memory_space<vmem>>) dst(%dma_wait3A_86 : memref<200x128xf32, #tpu.memory_space<vmem_shared>>)
        tpu.yield
      }) : () -> ()
    } else {
    }
    %add3A_19 = arith.constant 32 : i32
    %add3A_20 = arith.addi %arg1, %add3A_19 : i32
    %lt3A_21 = arith.constant 50 : i32
    %lt3A_22 = arith.cmpi slt, %add3A_20, %lt3A_21 : i32
    %convert_element_type3A_23 = arith.extui %lt3A_22 : i1 to i32
    %cond3A_24 = arith.constant 0 : i32
    %cond3A_25 = arith.cmpi ne, %convert_element_type3A_23, %cond3A_24 : i32
    scf.if %cond3A_25 {
      %mul3A_77 = arith.constant 200 : i32
      %mul3A_78 = arith.muli %add3A_20, %mul3A_77 : i32
      "tpu.region"() ({
        %run_scoped3A = tpu.sem_alloc : memref<!tpu.dma_semaphore, #tpu.memory_space<semaphore_mem>>
        %dma_start3A_79 = arith.constant 0 : i32
        %dma_start3A_80 = tpu.memref_slice %arg10[%mul3A_78, %dma_start3A_79] : memref<10000x128xf32, #tpu.memory_space<vmem_shared>> -> memref<200x128xf32, #tpu.memory_space<vmem_shared>>
        %dma_start3A_81 = arith.constant 0 : i32
        %dma_start3A_82 = tpu.memref_slice %arg10[%mul3A_78, %dma_start3A_81] : memref<10000x128xf32, #tpu.memory_space<vmem_shared>> -> memref<200x128xf32, #tpu.memory_space<vmem_shared>>
        tpu.enqueue_dma source(%arg9 : memref<200x128xf32, #tpu.memory_space<vmem>>) target(%dma_start3A_82 : memref<200x128xf32, #tpu.memory_space<vmem_shared>>) target_semaphore(%run_scoped3A : memref<!tpu.dma_semaphore, #tpu.memory_space<semaphore_mem>>)
        %dma_wait3A_83 = arith.constant 0 : i32
        %dma_wait3A_84 = tpu.memref_slice %arg10[%mul3A_78, %dma_wait3A_83] : memref<10000x128xf32, #tpu.memory_space<vmem_shared>> -> memref<200x128xf32, #tpu.memory_space<vmem_shared>>
        %dma_wait3A_85 = arith.constant 0 : i32
        %dma_wait3A_86 = tpu.memref_slice %arg10[%mul3A_78, %dma_wait3A_85] : memref<10000x128xf32, #tpu.memory_space<vmem_shared>> -> memref<200x128xf32, #tpu.memory_space<vmem_shared>>
        tpu.wait_dma2 semaphore(%run_scoped3A : memref<!tpu.dma_semaphore, #tpu.memory_space<semaphore_mem>>) src(%arg9 : memref<200x128xf32, #tpu.memory_space<vmem>>) dst(%dma_wait3A_86 : memref<200x128xf32, #tpu.memory_space<vmem_shared>>)
        tpu.yield
      }) : () -> ()
    } else {
    }
    %add3A_26 = arith.constant 48 : i32
    %add3A_27 = arith.addi %arg1, %add3A_26 : i32
    %lt3A_28 = arith.constant 50 : i32
    %lt3A_29 = arith.cmpi slt, %add3A_27, %lt3A_28 : i32
    %convert_element_type3A_30 = arith.extui %lt3A_29 : i1 to i32
    %cond3A_31 = arith.constant 0 : i32
    %cond3A_32 = arith.cmpi ne, %convert_element_type3A_30, %cond3A_31 : i32
    scf.if %cond3A_32 {
      %mul3A_77 = arith.constant 200 : i32
      %mul3A_78 = arith.muli %add3A_27, %mul3A_77 : i32
      "tpu.region"() ({
        %run_scoped3A = tpu.sem_alloc : memref<!tpu.dma_semaphore, #tpu.memory_space<semaphore_mem>>
        %dma_start3A_79 = arith.constant 0 : i32
        %dma_start3A_80 = tpu.memref_slice %arg10[%mul3A_78, %dma_start3A_79] : memref<10000x128xf32, #tpu.memory_space<vmem_shared>> -> memref<200x128xf32, #tpu.memory_space<vmem_shared>>
        %dma_start3A_81 = arith.constant 0 : i32
        %dma_start3A_82 = tpu.memref_slice %arg10[%mul3A_78, %dma_start3A_81] : memref<10000x128xf32, #tpu.memory_space<vmem_shared>> -> memref<200x128xf32, #tpu.memory_space<vmem_shared>>
        tpu.enqueue_dma source(%arg9 : memref<200x128xf32, #tpu.memory_space<vmem>>) target(%dma_start3A_82 : memref<200x128xf32, #tpu.memory_space<vmem_shared>>) target_semaphore(%run_scoped3A : memref<!tpu.dma_semaphore, #tpu.memory_space<semaphore_mem>>)
        %dma_wait3A_83 = arith.constant 0 : i32
        %dma_wait3A_84 = tpu.memref_slice %arg10[%mul3A_78, %dma_wait3A_83] : memref<10000x128xf32, #tpu.memory_space<vmem_shared>> -> memref<200x128xf32, #tpu.memory_space<vmem_shared>>
        %dma_wait3A_85 = arith.constant 0 : i32
        %dma_wait3A_86 = tpu.memref_slice %arg10[%mul3A_78, %dma_wait3A_85] : memref<10000x128xf32, #tpu.memory_space<vmem_shared>> -> memref<200x128xf32, #tpu.memory_space<vmem_shared>>
        tpu.wait_dma2 semaphore(%run_scoped3A : memref<!tpu.dma_semaphore, #tpu.memory_space<semaphore_mem>>) src(%arg9 : memref<200x128xf32, #tpu.memory_space<vmem>>) dst(%dma_wait3A_86 : memref<200x128xf32, #tpu.memory_space<vmem_shared>>)
        tpu.yield
      }) : () -> ()
    } else {
    }
    %barrier3A = arith.constant 0 : index
    tpu.barrier barrier_id(%barrier3A)
    %add3A_33 = arith.constant 0 : i32
    %add3A_34 = arith.addi %mul3A_2, %add3A_33 : i32
    %dma_start3A = tpu.memref_slice %arg3[%add3A_34] : memref<320000xi32, #tpu.memory_space<hbm>> -> memref<80xi32, #tpu.memory_space<hbm>>
    %dma_start3A_35 = tpu.memref_slice %arg3[%add3A_34] : memref<320000xi32, #tpu.memory_space<hbm>> -> memref<80xi32, #tpu.memory_space<hbm>>
    tpu.enqueue_dma source(%dma_start3A_35 : memref<80xi32, #tpu.memory_space<hbm>>) target(%arg5 : memref<80xi32, #tpu.memory_space<vmem>>) target_semaphore(%arg11 : memref<!tpu.dma_semaphore, #tpu.memory_space<semaphore_mem>>)
    %dma_start3A_36 = arith.constant 0 : i32
    %dma_start3A_37 = tpu.memref_slice %arg2[%add3A_34, %dma_start3A_36] : memref<320000x128xf32, #tpu.memory_space<hbm>> -> memref<80x128xf32, #tpu.memory_space<hbm>>
    %dma_start3A_38 = arith.constant 0 : i32
    %dma_start3A_39 = tpu.memref_slice %arg2[%add3A_34, %dma_start3A_38] : memref<320000x128xf32, #tpu.memory_space<hbm>> -> memref<80x128xf32, #tpu.memory_space<hbm>>
    tpu.enqueue_dma source(%dma_start3A_39 : memref<80x128xf32, #tpu.memory_space<hbm>>) target(%arg7 : memref<80x128xf32, #tpu.memory_space<vmem>>) target_semaphore(%arg11 : memref<!tpu.dma_semaphore, #tpu.memory_space<semaphore_mem>>)
    %scan3A_40 = arith.constant 0 : i32
    %scan3A_41 = arith.constant 0 : i32
    %scan3A_42 = arith.constant 125 : i32
    %scan3A_43 = arith.addi %scan3A_41, %scan3A_42 : i32
    %scan3A_44 = arith.constant 1 : i32
    scf.for %scan3A_77 = %scan3A_41 to %scan3A_43 step %scan3A_44  : i32 {
      %jit3A = arith.constant 2 : i32
      %eq3A = arith.constant 0 : i32
      %eq3A_78 = arith.cmpi eq, %jit3A, %eq3A : i32
      %jit3A_79 = arith.constant 1 : i32
      %select_n3A = arith.select %eq3A_78, %jit3A_79, %jit3A : i32
      %rem3A = arith.remsi %scan3A_77, %select_n3A : i32
      %ne3A = arith.constant 0 : i32
      %ne3A_80 = arith.cmpi ne, %rem3A, %ne3A : i32
      %lt3A_81 = arith.constant 0 : i32
      %lt3A_82 = arith.cmpi slt, %rem3A, %lt3A_81 : i32
      %lt3A_83 = arith.constant 0 : i32
      %lt3A_84 = arith.cmpi slt, %select_n3A, %lt3A_83 : i32
      %ne3A_85 = arith.xori %lt3A_82, %lt3A_84 : i1
      %and3A = arith.andi %ne3A_85, %ne3A_80 : i1
      %add3A_86 = arith.addi %rem3A, %select_n3A : i32
      %select_n3A_87 = arith.select %and3A, %add3A_86, %rem3A : i32
      %eq3A_88 = arith.constant 0 : i32
      %eq3A_89 = arith.cmpi eq, %select_n3A_87, %eq3A_88 : i32
      %convert_element_type3A_90 = arith.extui %eq3A_89 : i1 to i32
      %cond3A_91 = arith.constant 0 : i32
      %cond3A_92 = arith.cmpi ne, %convert_element_type3A_90, %cond3A_91 : i32
      scf.if %cond3A_92 {
        %dma_wait3A_114 = arith.constant 0 : i32
        %dma_wait3A_115 = tpu.memref_slice %arg3[%dma_wait3A_114] : memref<320000xi32, #tpu.memory_space<hbm>> -> memref<80xi32, #tpu.memory_space<hbm>>
        %dma_wait3A_116 = arith.constant 0 : i32
        %dma_wait3A_117 = tpu.memref_slice %arg3[%dma_wait3A_116] : memref<320000xi32, #tpu.memory_space<hbm>> -> memref<80xi32, #tpu.memory_space<hbm>>
        tpu.wait_dma2 semaphore(%arg11 : memref<!tpu.dma_semaphore, #tpu.memory_space<semaphore_mem>>) src(%dma_wait3A_117 : memref<80xi32, #tpu.memory_space<hbm>>) dst(%arg5 : memref<80xi32, #tpu.memory_space<vmem>>)
        %dma_wait3A_118 = arith.constant 0 : i32
        %dma_wait3A_119 = arith.constant 0 : i32
        %dma_wait3A_120 = tpu.memref_slice %arg2[%dma_wait3A_118, %dma_wait3A_119] : memref<320000x128xf32, #tpu.memory_space<hbm>> -> memref<80x128xf32, #tpu.memory_space<hbm>>
        %dma_wait3A_121 = arith.constant 0 : i32
        %dma_wait3A_122 = arith.constant 0 : i32
        %dma_wait3A_123 = tpu.memref_slice %arg2[%dma_wait3A_121, %dma_wait3A_122] : memref<320000x128xf32, #tpu.memory_space<hbm>> -> memref<80x128xf32, #tpu.memory_space<hbm>>
        tpu.wait_dma2 semaphore(%arg11 : memref<!tpu.dma_semaphore, #tpu.memory_space<semaphore_mem>>) src(%dma_wait3A_123 : memref<80x128xf32, #tpu.memory_space<hbm>>) dst(%arg7 : memref<80x128xf32, #tpu.memory_space<vmem>>)
        %ge3A = arith.constant 1 : i32
        %ge3A_124 = arith.cmpi sge, %scan3A_77, %ge3A : i32
        %convert_element_type3A_125 = arith.extui %ge3A_124 : i1 to i32
        %cond3A_126 = arith.constant 0 : i32
        %cond3A_127 = arith.cmpi ne, %convert_element_type3A_125, %cond3A_126 : i32
        scf.if %cond3A_127 {
          %dma_wait3A_138 = arith.constant 0 : i32
          %dma_wait3A_139 = arith.constant 0 : i32
          %dma_wait3A_140 = tpu.memref_slice %arg10[%dma_wait3A_138, %dma_wait3A_139] : memref<10000x128xf32, #tpu.memory_space<vmem_shared>> -> memref<10000x128xf32, #tpu.memory_space<vmem_shared>>
          tpu.wait_indirect_dma semaphore(%arg14 : memref<!tpu.dma_semaphore, #tpu.memory_space<semaphore_mem>>) src(%arg8 : memref<80x128xf32, #tpu.memory_space<vmem>>) dst(%dma_wait3A_140 : memref<10000x128xf32, #tpu.memory_space<vmem_shared>>)
        } else {
        }
        %add3A_128 = arith.constant 1 : i32
        %add3A_129 = arith.addi %scan3A_77, %add3A_128 : i32
        %lt3A_130 = arith.constant 125 : i32
        %lt3A_131 = arith.cmpi slt, %add3A_129, %lt3A_130 : i32
        %convert_element_type3A_132 = arith.extui %lt3A_131 : i1 to i32
        %cond3A_133 = arith.constant 0 : i32
        %cond3A_134 = arith.cmpi ne, %convert_element_type3A_132, %cond3A_133 : i32
        scf.if %cond3A_134 {
          %add3A_138 = arith.constant 1 : i32
          %add3A_139 = arith.addi %scan3A_77, %add3A_138 : i32
          %mul3A_140 = arith.constant 80 : i32
          %mul3A_141 = arith.muli %add3A_139, %mul3A_140 : i32
          %add3A_142 = arith.addi %mul3A_2, %mul3A_141 : i32
          %dma_start3A_143 = tpu.memref_slice %arg3[%add3A_142] : memref<320000xi32, #tpu.memory_space<hbm>> -> memref<80xi32, #tpu.memory_space<hbm>>
          %dma_start3A_144 = tpu.memref_slice %arg3[%add3A_142] : memref<320000xi32, #tpu.memory_space<hbm>> -> memref<80xi32, #tpu.memory_space<hbm>>
          tpu.enqueue_dma source(%dma_start3A_144 : memref<80xi32, #tpu.memory_space<hbm>>) target(%arg6 : memref<80xi32, #tpu.memory_space<vmem>>) target_semaphore(%arg12 : memref<!tpu.dma_semaphore, #tpu.memory_space<semaphore_mem>>)
          %dma_start3A_145 = arith.constant 0 : i32
          %dma_start3A_146 = tpu.memref_slice %arg2[%add3A_142, %dma_start3A_145] : memref<320000x128xf32, #tpu.memory_space<hbm>> -> memref<80x128xf32, #tpu.memory_space<hbm>>
          %dma_start3A_147 = arith.constant 0 : i32
          %dma_start3A_148 = tpu.memref_slice %arg2[%add3A_142, %dma_start3A_147] : memref<320000x128xf32, #tpu.memory_space<hbm>> -> memref<80x128xf32, #tpu.memory_space<hbm>>
          tpu.enqueue_dma source(%dma_start3A_148 : memref<80x128xf32, #tpu.memory_space<hbm>>) target(%arg8 : memref<80x128xf32, #tpu.memory_space<vmem>>) target_semaphore(%arg12 : memref<!tpu.dma_semaphore, #tpu.memory_space<semaphore_mem>>)
        } else {
        }
        %dma_start3A_135 = arith.constant 0 : i32
        %dma_start3A_136 = arith.constant 0 : i32
        %dma_start3A_137 = tpu.memref_slice %arg10[%dma_start3A_135, %dma_start3A_136] : memref<10000x128xf32, #tpu.memory_space<vmem_shared>> -> memref<10000x128xf32, #tpu.memory_space<vmem_shared>>
        tpu.enqueue_indirect_dma source(%arg7 : memref<80x128xf32, #tpu.memory_space<vmem>>) target(%dma_start3A_137 : memref<10000x128xf32, #tpu.memory_space<vmem_shared>>) offsets(%arg5 : memref<80xi32, #tpu.memory_space<vmem>>) semaphore(%arg13 : memref<!tpu.dma_semaphore, #tpu.memory_space<semaphore_mem>>) {add = true}
      } else {
      }
      %jit3A_93 = arith.constant 2 : i32
      %eq3A_94 = arith.constant 0 : i32
      %eq3A_95 = arith.cmpi eq, %jit3A_93, %eq3A_94 : i32
      %jit3A_96 = arith.constant 1 : i32
      %select_n3A_97 = arith.select %eq3A_95, %jit3A_96, %jit3A_93 : i32
      %rem3A_98 = arith.remsi %scan3A_77, %select_n3A_97 : i32
      %ne3A_99 = arith.constant 0 : i32
      %ne3A_100 = arith.cmpi ne, %rem3A_98, %ne3A_99 : i32
      %lt3A_101 = arith.constant 0 : i32
      %lt3A_102 = arith.cmpi slt, %rem3A_98, %lt3A_101 : i32
      %lt3A_103 = arith.constant 0 : i32
      %lt3A_104 = arith.cmpi slt, %select_n3A_97, %lt3A_103 : i32
      %ne3A_105 = arith.xori %lt3A_102, %lt3A_104 : i1
      %and3A_106 = arith.andi %ne3A_105, %ne3A_100 : i1
      %add3A_107 = arith.addi %rem3A_98, %select_n3A_97 : i32
      %select_n3A_108 = arith.select %and3A_106, %add3A_107, %rem3A_98 : i32
      %eq3A_109 = arith.constant 1 : i32
      %eq3A_110 = arith.cmpi eq, %select_n3A_108, %eq3A_109 : i32
      %convert_element_type3A_111 = arith.extui %eq3A_110 : i1 to i32
      %cond3A_112 = arith.constant 0 : i32
      %cond3A_113 = arith.cmpi ne, %convert_element_type3A_111, %cond3A_112 : i32
      scf.if %cond3A_113 {
        %dma_wait3A_114 = arith.constant 0 : i32
        %dma_wait3A_115 = tpu.memref_slice %arg3[%dma_wait3A_114] : memref<320000xi32, #tpu.memory_space<hbm>> -> memref<80xi32, #tpu.memory_space<hbm>>
        %dma_wait3A_116 = arith.constant 0 : i32
        %dma_wait3A_117 = tpu.memref_slice %arg3[%dma_wait3A_116] : memref<320000xi32, #tpu.memory_space<hbm>> -> memref<80xi32, #tpu.memory_space<hbm>>
        tpu.wait_dma2 semaphore(%arg12 : memref<!tpu.dma_semaphore, #tpu.memory_space<semaphore_mem>>) src(%dma_wait3A_117 : memref<80xi32, #tpu.memory_space<hbm>>) dst(%arg6 : memref<80xi32, #tpu.memory_space<vmem>>)
        %dma_wait3A_118 = arith.constant 0 : i32
        %dma_wait3A_119 = arith.constant 0 : i32
        %dma_wait3A_120 = tpu.memref_slice %arg2[%dma_wait3A_118, %dma_wait3A_119] : memref<320000x128xf32, #tpu.memory_space<hbm>> -> memref<80x128xf32, #tpu.memory_space<hbm>>
        %dma_wait3A_121 = arith.constant 0 : i32
        %dma_wait3A_122 = arith.constant 0 : i32
        %dma_wait3A_123 = tpu.memref_slice %arg2[%dma_wait3A_121, %dma_wait3A_122] : memref<320000x128xf32, #tpu.memory_space<hbm>> -> memref<80x128xf32, #tpu.memory_space<hbm>>
        tpu.wait_dma2 semaphore(%arg12 : memref<!tpu.dma_semaphore, #tpu.memory_space<semaphore_mem>>) src(%dma_wait3A_123 : memref<80x128xf32, #tpu.memory_space<hbm>>) dst(%arg8 : memref<80x128xf32, #tpu.memory_space<vmem>>)
        %ge3A = arith.constant 1 : i32
        %ge3A_124 = arith.cmpi sge, %scan3A_77, %ge3A : i32
        %convert_element_type3A_125 = arith.extui %ge3A_124 : i1 to i32
        %cond3A_126 = arith.constant 0 : i32
        %cond3A_127 = arith.cmpi ne, %convert_element_type3A_125, %cond3A_126 : i32
        scf.if %cond3A_127 {
          %dma_wait3A_138 = arith.constant 0 : i32
          %dma_wait3A_139 = arith.constant 0 : i32
          %dma_wait3A_140 = tpu.memref_slice %arg10[%dma_wait3A_138, %dma_wait3A_139] : memref<10000x128xf32, #tpu.memory_space<vmem_shared>> -> memref<10000x128xf32, #tpu.memory_space<vmem_shared>>
          tpu.wait_indirect_dma semaphore(%arg13 : memref<!tpu.dma_semaphore, #tpu.memory_space<semaphore_mem>>) src(%arg7 : memref<80x128xf32, #tpu.memory_space<vmem>>) dst(%dma_wait3A_140 : memref<10000x128xf32, #tpu.memory_space<vmem_shared>>)
        } else {
        }
        %add3A_128 = arith.constant 1 : i32
        %add3A_129 = arith.addi %scan3A_77, %add3A_128 : i32
        %lt3A_130 = arith.constant 125 : i32
        %lt3A_131 = arith.cmpi slt, %add3A_129, %lt3A_130 : i32
        %convert_element_type3A_132 = arith.extui %lt3A_131 : i1 to i32
        %cond3A_133 = arith.constant 0 : i32
        %cond3A_134 = arith.cmpi ne, %convert_element_type3A_132, %cond3A_133 : i32
        scf.if %cond3A_134 {
          %add3A_138 = arith.constant 1 : i32
          %add3A_139 = arith.addi %scan3A_77, %add3A_138 : i32
          %mul3A_140 = arith.constant 80 : i32
          %mul3A_141 = arith.muli %add3A_139, %mul3A_140 : i32
          %add3A_142 = arith.addi %mul3A_2, %mul3A_141 : i32
          %dma_start3A_143 = tpu.memref_slice %arg3[%add3A_142] : memref<320000xi32, #tpu.memory_space<hbm>> -> memref<80xi32, #tpu.memory_space<hbm>>
          %dma_start3A_144 = tpu.memref_slice %arg3[%add3A_142] : memref<320000xi32, #tpu.memory_space<hbm>> -> memref<80xi32, #tpu.memory_space<hbm>>
          tpu.enqueue_dma source(%dma_start3A_144 : memref<80xi32, #tpu.memory_space<hbm>>) target(%arg5 : memref<80xi32, #tpu.memory_space<vmem>>) target_semaphore(%arg11 : memref<!tpu.dma_semaphore, #tpu.memory_space<semaphore_mem>>)
          %dma_start3A_145 = arith.constant 0 : i32
          %dma_start3A_146 = tpu.memref_slice %arg2[%add3A_142, %dma_start3A_145] : memref<320000x128xf32, #tpu.memory_space<hbm>> -> memref<80x128xf32, #tpu.memory_space<hbm>>
          %dma_start3A_147 = arith.constant 0 : i32
          %dma_start3A_148 = tpu.memref_slice %arg2[%add3A_142, %dma_start3A_147] : memref<320000x128xf32, #tpu.memory_space<hbm>> -> memref<80x128xf32, #tpu.memory_space<hbm>>
          tpu.enqueue_dma source(%dma_start3A_148 : memref<80x128xf32, #tpu.memory_space<hbm>>) target(%arg7 : memref<80x128xf32, #tpu.memory_space<vmem>>) target_semaphore(%arg11 : memref<!tpu.dma_semaphore, #tpu.memory_space<semaphore_mem>>)
        } else {
        }
        %dma_start3A_135 = arith.constant 0 : i32
        %dma_start3A_136 = arith.constant 0 : i32
        %dma_start3A_137 = tpu.memref_slice %arg10[%dma_start3A_135, %dma_start3A_136] : memref<10000x128xf32, #tpu.memory_space<vmem_shared>> -> memref<10000x128xf32, #tpu.memory_space<vmem_shared>>
        tpu.enqueue_indirect_dma source(%arg8 : memref<80x128xf32, #tpu.memory_space<vmem>>) target(%dma_start3A_137 : memref<10000x128xf32, #tpu.memory_space<vmem_shared>>) offsets(%arg6 : memref<80xi32, #tpu.memory_space<vmem>>) semaphore(%arg14 : memref<!tpu.dma_semaphore, #tpu.memory_space<semaphore_mem>>) {add = true}
      } else {
      }
    }
    %scan3A_45 = arith.constant 125 : i32
    %dma_wait3A = arith.constant 0 : i32
    %dma_wait3A_46 = arith.constant 0 : i32
    %dma_wait3A_47 = tpu.memref_slice %arg10[%dma_wait3A, %dma_wait3A_46] : memref<10000x128xf32, #tpu.memory_space<vmem_shared>> -> memref<10000x128xf32, #tpu.memory_space<vmem_shared>>
    tpu.wait_indirect_dma semaphore(%arg13 : memref<!tpu.dma_semaphore, #tpu.memory_space<semaphore_mem>>) src(%arg7 : memref<80x128xf32, #tpu.memory_space<vmem>>) dst(%dma_wait3A_47 : memref<10000x128xf32, #tpu.memory_space<vmem_shared>>)
    %barrier3A_48 = arith.constant 0 : index
    tpu.barrier barrier_id(%barrier3A_48)
    %add3A_49 = arith.constant 0 : i32
    %add3A_50 = arith.addi %arg1, %add3A_49 : i32
    %lt3A_51 = arith.constant 50 : i32
    %lt3A_52 = arith.cmpi slt, %add3A_50, %lt3A_51 : i32
    %convert_element_type3A_53 = arith.extui %lt3A_52 : i1 to i32
    %cond3A_54 = arith.constant 0 : i32
    %cond3A_55 = arith.cmpi ne, %convert_element_type3A_53, %cond3A_54 : i32
    scf.if %cond3A_55 {
      %mul3A_77 = arith.constant 200 : i32
      %mul3A_78 = arith.muli %add3A_50, %mul3A_77 : i32
      "tpu.region"() ({
        %run_scoped3A = tpu.sem_alloc : memref<!tpu.dma_semaphore, #tpu.memory_space<semaphore_mem>>
        %dma_start3A_79 = arith.constant 0 : i32
        %dma_start3A_80 = tpu.memref_slice %arg4[%arg0, %mul3A_78, %dma_start3A_79] : memref<2x10000x128xf32, #tpu.memory_space<hbm>> -> memref<1x200x128xf32, #tpu.memory_space<hbm>>
        %dma_start3A_81 = tpu.memref_squeeze %dma_start3A_80 : memref<1x200x128xf32, #tpu.memory_space<hbm>> -> memref<200x128xf32, #tpu.memory_space<hbm>>
        %dma_start3A_82 = arith.constant 0 : i32
        %dma_start3A_83 = tpu.memref_slice %arg10[%mul3A_78, %dma_start3A_82] : memref<10000x128xf32, #tpu.memory_space<vmem_shared>> -> memref<200x128xf32, #tpu.memory_space<vmem_shared>>
        tpu.enqueue_dma source(%dma_start3A_83 : memref<200x128xf32, #tpu.memory_space<vmem_shared>>) target(%dma_start3A_81 : memref<200x128xf32, #tpu.memory_space<hbm>>) target_semaphore(%run_scoped3A : memref<!tpu.dma_semaphore, #tpu.memory_space<semaphore_mem>>)
        %dma_wait3A_84 = arith.constant 0 : i32
        %dma_wait3A_85 = tpu.memref_slice %arg4[%arg0, %mul3A_78, %dma_wait3A_84] : memref<2x10000x128xf32, #tpu.memory_space<hbm>> -> memref<1x200x128xf32, #tpu.memory_space<hbm>>
        %dma_wait3A_86 = tpu.memref_squeeze %dma_wait3A_85 : memref<1x200x128xf32, #tpu.memory_space<hbm>> -> memref<200x128xf32, #tpu.memory_space<hbm>>
        %dma_wait3A_87 = arith.constant 0 : i32
        %dma_wait3A_88 = tpu.memref_slice %arg10[%mul3A_78, %dma_wait3A_87] : memref<10000x128xf32, #tpu.memory_space<vmem_shared>> -> memref<200x128xf32, #tpu.memory_space<vmem_shared>>
        tpu.wait_dma2 semaphore(%run_scoped3A : memref<!tpu.dma_semaphore, #tpu.memory_space<semaphore_mem>>) src(%dma_wait3A_88 : memref<200x128xf32, #tpu.memory_space<vmem_shared>>) dst(%dma_wait3A_86 : memref<200x128xf32, #tpu.memory_space<hbm>>)
        tpu.yield
      }) : () -> ()
    } else {
    }
    %add3A_56 = arith.constant 16 : i32
    %add3A_57 = arith.addi %arg1, %add3A_56 : i32
    %lt3A_58 = arith.constant 50 : i32
    %lt3A_59 = arith.cmpi slt, %add3A_57, %lt3A_58 : i32
    %convert_element_type3A_60 = arith.extui %lt3A_59 : i1 to i32
    %cond3A_61 = arith.constant 0 : i32
    %cond3A_62 = arith.cmpi ne, %convert_element_type3A_60, %cond3A_61 : i32
    scf.if %cond3A_62 {
      %mul3A_77 = arith.constant 200 : i32
      %mul3A_78 = arith.muli %add3A_57, %mul3A_77 : i32
      "tpu.region"() ({
        %run_scoped3A = tpu.sem_alloc : memref<!tpu.dma_semaphore, #tpu.memory_space<semaphore_mem>>
        %dma_start3A_79 = arith.constant 0 : i32
        %dma_start3A_80 = tpu.memref_slice %arg4[%arg0, %mul3A_78, %dma_start3A_79] : memref<2x10000x128xf32, #tpu.memory_space<hbm>> -> memref<1x200x128xf32, #tpu.memory_space<hbm>>
        %dma_start3A_81 = tpu.memref_squeeze %dma_start3A_80 : memref<1x200x128xf32, #tpu.memory_space<hbm>> -> memref<200x128xf32, #tpu.memory_space<hbm>>
        %dma_start3A_82 = arith.constant 0 : i32
        %dma_start3A_83 = tpu.memref_slice %arg10[%mul3A_78, %dma_start3A_82] : memref<10000x128xf32, #tpu.memory_space<vmem_shared>> -> memref<200x128xf32, #tpu.memory_space<vmem_shared>>
        tpu.enqueue_dma source(%dma_start3A_83 : memref<200x128xf32, #tpu.memory_space<vmem_shared>>) target(%dma_start3A_81 : memref<200x128xf32, #tpu.memory_space<hbm>>) target_semaphore(%run_scoped3A : memref<!tpu.dma_semaphore, #tpu.memory_space<semaphore_mem>>)
        %dma_wait3A_84 = arith.constant 0 : i32
        %dma_wait3A_85 = tpu.memref_slice %arg4[%arg0, %mul3A_78, %dma_wait3A_84] : memref<2x10000x128xf32, #tpu.memory_space<hbm>> -> memref<1x200x128xf32, #tpu.memory_space<hbm>>
        %dma_wait3A_86 = tpu.memref_squeeze %dma_wait3A_85 : memref<1x200x128xf32, #tpu.memory_space<hbm>> -> memref<200x128xf32, #tpu.memory_space<hbm>>
        %dma_wait3A_87 = arith.constant 0 : i32
        %dma_wait3A_88 = tpu.memref_slice %arg10[%mul3A_78, %dma_wait3A_87] : memref<10000x128xf32, #tpu.memory_space<vmem_shared>> -> memref<200x128xf32, #tpu.memory_space<vmem_shared>>
        tpu.wait_dma2 semaphore(%run_scoped3A : memref<!tpu.dma_semaphore, #tpu.memory_space<semaphore_mem>>) src(%dma_wait3A_88 : memref<200x128xf32, #tpu.memory_space<vmem_shared>>) dst(%dma_wait3A_86 : memref<200x128xf32, #tpu.memory_space<hbm>>)
        tpu.yield
      }) : () -> ()
    } else {
    }
    %add3A_63 = arith.constant 32 : i32
    %add3A_64 = arith.addi %arg1, %add3A_63 : i32
    %lt3A_65 = arith.constant 50 : i32
    %lt3A_66 = arith.cmpi slt, %add3A_64, %lt3A_65 : i32
    %convert_element_type3A_67 = arith.extui %lt3A_66 : i1 to i32
    %cond3A_68 = arith.constant 0 : i32
    %cond3A_69 = arith.cmpi ne, %convert_element_type3A_67, %cond3A_68 : i32
    scf.if %cond3A_69 {
      %mul3A_77 = arith.constant 200 : i32
      %mul3A_78 = arith.muli %add3A_64, %mul3A_77 : i32
      "tpu.region"() ({
        %run_scoped3A = tpu.sem_alloc : memref<!tpu.dma_semaphore, #tpu.memory_space<semaphore_mem>>
        %dma_start3A_79 = arith.constant 0 : i32
        %dma_start3A_80 = tpu.memref_slice %arg4[%arg0, %mul3A_78, %dma_start3A_79] : memref<2x10000x128xf32, #tpu.memory_space<hbm>> -> memref<1x200x128xf32, #tpu.memory_space<hbm>>
        %dma_start3A_81 = tpu.memref_squeeze %dma_start3A_80 : memref<1x200x128xf32, #tpu.memory_space<hbm>> -> memref<200x128xf32, #tpu.memory_space<hbm>>
        %dma_start3A_82 = arith.constant 0 : i32
        %dma_start3A_83 = tpu.memref_slice %arg10[%mul3A_78, %dma_start3A_82] : memref<10000x128xf32, #tpu.memory_space<vmem_shared>> -> memref<200x128xf32, #tpu.memory_space<vmem_shared>>
        tpu.enqueue_dma source(%dma_start3A_83 : memref<200x128xf32, #tpu.memory_space<vmem_shared>>) target(%dma_start3A_81 : memref<200x128xf32, #tpu.memory_space<hbm>>) target_semaphore(%run_scoped3A : memref<!tpu.dma_semaphore, #tpu.memory_space<semaphore_mem>>)
        %dma_wait3A_84 = arith.constant 0 : i32
        %dma_wait3A_85 = tpu.memref_slice %arg4[%arg0, %mul3A_78, %dma_wait3A_84] : memref<2x10000x128xf32, #tpu.memory_space<hbm>> -> memref<1x200x128xf32, #tpu.memory_space<hbm>>
        %dma_wait3A_86 = tpu.memref_squeeze %dma_wait3A_85 : memref<1x200x128xf32, #tpu.memory_space<hbm>> -> memref<200x128xf32, #tpu.memory_space<hbm>>
        %dma_wait3A_87 = arith.constant 0 : i32
        %dma_wait3A_88 = tpu.memref_slice %arg10[%mul3A_78, %dma_wait3A_87] : memref<10000x128xf32, #tpu.memory_space<vmem_shared>> -> memref<200x128xf32, #tpu.memory_space<vmem_shared>>
        tpu.wait_dma2 semaphore(%run_scoped3A : memref<!tpu.dma_semaphore, #tpu.memory_space<semaphore_mem>>) src(%dma_wait3A_88 : memref<200x128xf32, #tpu.memory_space<vmem_shared>>) dst(%dma_wait3A_86 : memref<200x128xf32, #tpu.memory_space<hbm>>)
        tpu.yield
      }) : () -> ()
    } else {
    }
    %add3A_70 = arith.constant 48 : i32
    %add3A_71 = arith.addi %arg1, %add3A_70 : i32
    %lt3A_72 = arith.constant 50 : i32
    %lt3A_73 = arith.cmpi slt, %add3A_71, %lt3A_72 : i32
    %convert_element_type3A_74 = arith.extui %lt3A_73 : i1 to i32
    %cond3A_75 = arith.constant 0 : i32
    %cond3A_76 = arith.cmpi ne, %convert_element_type3A_74, %cond3A_75 : i32
    scf.if %cond3A_76 {
      %mul3A_77 = arith.constant 200 : i32
      %mul3A_78 = arith.muli %add3A_71, %mul3A_77 : i32
      "tpu.region"() ({
        %run_scoped3A = tpu.sem_alloc : memref<!tpu.dma_semaphore, #tpu.memory_space<semaphore_mem>>
        %dma_start3A_79 = arith.constant 0 : i32
        %dma_start3A_80 = tpu.memref_slice %arg4[%arg0, %mul3A_78, %dma_start3A_79] : memref<2x10000x128xf32, #tpu.memory_space<hbm>> -> memref<1x200x128xf32, #tpu.memory_space<hbm>>
        %dma_start3A_81 = tpu.memref_squeeze %dma_start3A_80 : memref<1x200x128xf32, #tpu.memory_space<hbm>> -> memref<200x128xf32, #tpu.memory_space<hbm>>
        %dma_start3A_82 = arith.constant 0 : i32
        %dma_start3A_83 = tpu.memref_slice %arg10[%mul3A_78, %dma_start3A_82] : memref<10000x128xf32, #tpu.memory_space<vmem_shared>> -> memref<200x128xf32, #tpu.memory_space<vmem_shared>>
        tpu.enqueue_dma source(%dma_start3A_83 : memref<200x128xf32, #tpu.memory_space<vmem_shared>>) target(%dma_start3A_81 : memref<200x128xf32, #tpu.memory_space<hbm>>) target_semaphore(%run_scoped3A : memref<!tpu.dma_semaphore, #tpu.memory_space<semaphore_mem>>)
        %dma_wait3A_84 = arith.constant 0 : i32
        %dma_wait3A_85 = tpu.memref_slice %arg4[%arg0, %mul3A_78, %dma_wait3A_84] : memref<2x10000x128xf32, #tpu.memory_space<hbm>> -> memref<1x200x128xf32, #tpu.memory_space<hbm>>
        %dma_wait3A_86 = tpu.memref_squeeze %dma_wait3A_85 : memref<1x200x128xf32, #tpu.memory_space<hbm>> -> memref<200x128xf32, #tpu.memory_space<hbm>>
        %dma_wait3A_87 = arith.constant 0 : i32
        %dma_wait3A_88 = tpu.memref_slice %arg10[%mul3A_78, %dma_wait3A_87] : memref<10000x128xf32, #tpu.memory_space<vmem_shared>> -> memref<200x128xf32, #tpu.memory_space<vmem_shared>>
        tpu.wait_dma2 semaphore(%run_scoped3A : memref<!tpu.dma_semaphore, #tpu.memory_space<semaphore_mem>>) src(%dma_wait3A_88 : memref<200x128xf32, #tpu.memory_space<vmem_shared>>) dst(%dma_wait3A_86 : memref<200x128xf32, #tpu.memory_space<hbm>>)
        tpu.yield
      }) : () -> ()
    } else {
    }
    return
  }
}

#map = affine_map<(d0, d1) -> (0, 0)>
#map1 = affine_map<(d0, d1) -> (0)>
#map2 = affine_map<(d0, d1) -> (0, 0, 0)>
module attributes {stable_mosaic.version = 14 : i64} {
  func.func @_k2_gather_body(%arg0: i32, %arg1: i32, %arg2: memref<10000x256xf32, #tpu.memory_space<hbm>>, %arg3: memref<10000x256xf32, #tpu.memory_space<hbm>>, %arg4: memref<128xf32, #tpu.memory_space<hbm>>, %arg5: memref<320000xi32, #tpu.memory_space<hbm>>, %arg6: memref<320000xi32, #tpu.memory_space<hbm>>, %arg7: memref<320000x128xf32, #tpu.memory_space<hbm>>, %arg8: memref<32x8x128xf32, #tpu.memory_space<hbm>>, %arg9: memref<80xi32, #tpu.memory_space<vmem>>, %arg10: memref<80xi32, #tpu.memory_space<vmem>>, %arg11: memref<80xi32, #tpu.memory_space<vmem>>, %arg12: memref<80xi32, #tpu.memory_space<vmem>>, %arg13: memref<80x256xf32, #tpu.memory_space<vmem>>, %arg14: memref<80x256xf32, #tpu.memory_space<vmem>>, %arg15: memref<80x256xf32, #tpu.memory_space<vmem>>, %arg16: memref<80x256xf32, #tpu.memory_space<vmem>>, %arg17: memref<128xf32, #tpu.memory_space<vmem>>, %arg18: memref<8x128xf32, #tpu.memory_space<vmem>>, %arg19: memref<!tpu.dma_semaphore, #tpu.memory_space<semaphore_mem>>, %arg20: memref<!tpu.dma_semaphore, #tpu.memory_space<semaphore_mem>>, %arg21: memref<!tpu.dma_semaphore, #tpu.memory_space<semaphore_mem>>, %arg22: memref<!tpu.dma_semaphore, #tpu.memory_space<semaphore_mem>>, %arg23: memref<!tpu.dma_semaphore, #tpu.memory_space<semaphore_mem>>, %arg24: memref<!tpu.dma_semaphore, #tpu.memory_space<semaphore_mem>>) attributes {dimension_semantics = [#tpu.dimension_semantics<core_parallel>, #tpu.dimension_semantics<subcore_parallel>], iteration_bounds = array<i64: 2, 16>, scalar_prefetch = 0 : i64, scratch_operands = 16 : i64, tpu.core_type = #tpu.core_type<sc_vector_subcore>, window_params = [{transform_indices = #map}, {transform_indices = #map}, {transform_indices = #map1}, {transform_indices = #map1}, {transform_indices = #map1}, {transform_indices = #map}, {transform_indices = #map2}]} {
    %mul3A = arith.constant 2 : i32
    %mul3A_0 = arith.muli %arg1, %mul3A : i32
    %add3A = arith.addi %mul3A_0, %arg0 : i32
    %mul3A_1 = arith.constant 10000 : i32
    %mul3A_2 = arith.muli %add3A, %mul3A_1 : i32
    "tpu.region"() ({
      %run_scoped3A = tpu.sem_alloc : memref<!tpu.dma_semaphore, #tpu.memory_space<semaphore_mem>>
      tpu.enqueue_dma source(%arg4 : memref<128xf32, #tpu.memory_space<hbm>>) target(%arg17 : memref<128xf32, #tpu.memory_space<vmem>>) target_semaphore(%run_scoped3A : memref<!tpu.dma_semaphore, #tpu.memory_space<semaphore_mem>>)
      tpu.wait_dma2 semaphore(%run_scoped3A : memref<!tpu.dma_semaphore, #tpu.memory_space<semaphore_mem>>) src(%arg4 : memref<128xf32, #tpu.memory_space<hbm>>) dst(%arg17 : memref<128xf32, #tpu.memory_space<vmem>>)
      tpu.yield
    }) : () -> ()
    %get3A = arith.constant 0 : index
    %get3A_3 = tpu.vector_load %arg17[%get3A] {strides = array<i32>} : memref<128xf32, #tpu.memory_space<vmem>>, vector<16xf32>,
    %get3A_4 = vector.shape_cast %get3A_3 : vector<16xf32> to vector<16xf32>
    %get3A_5 = arith.constant 16 : index
    %get3A_6 = tpu.vector_load %arg17[%get3A_5] {strides = array<i32>} : memref<128xf32, #tpu.memory_space<vmem>>, vector<16xf32>,
    %get3A_7 = vector.shape_cast %get3A_6 : vector<16xf32> to vector<16xf32>
    %get3A_8 = arith.constant 32 : index
    %get3A_9 = tpu.vector_load %arg17[%get3A_8] {strides = array<i32>} : memref<128xf32, #tpu.memory_space<vmem>>, vector<16xf32>,
    %get3A_10 = vector.shape_cast %get3A_9 : vector<16xf32> to vector<16xf32>
    %get3A_11 = arith.constant 48 : index
    %get3A_12 = tpu.vector_load %arg17[%get3A_11] {strides = array<i32>} : memref<128xf32, #tpu.memory_space<vmem>>, vector<16xf32>,
    %get3A_13 = vector.shape_cast %get3A_12 : vector<16xf32> to vector<16xf32>
    %get3A_14 = arith.constant 64 : index
    %get3A_15 = tpu.vector_load %arg17[%get3A_14] {strides = array<i32>} : memref<128xf32, #tpu.memory_space<vmem>>, vector<16xf32>,
    %get3A_16 = vector.shape_cast %get3A_15 : vector<16xf32> to vector<16xf32>
    %get3A_17 = arith.constant 80 : index
    %get3A_18 = tpu.vector_load %arg17[%get3A_17] {strides = array<i32>} : memref<128xf32, #tpu.memory_space<vmem>>, vector<16xf32>,
    %get3A_19 = vector.shape_cast %get3A_18 : vector<16xf32> to vector<16xf32>
    %get3A_20 = arith.constant 96 : index
    %get3A_21 = tpu.vector_load %arg17[%get3A_20] {strides = array<i32>} : memref<128xf32, #tpu.memory_space<vmem>>, vector<16xf32>,
    %get3A_22 = vector.shape_cast %get3A_21 : vector<16xf32> to vector<16xf32>
    %get3A_23 = arith.constant 112 : index
    %get3A_24 = tpu.vector_load %arg17[%get3A_23] {strides = array<i32>} : memref<128xf32, #tpu.memory_space<vmem>>, vector<16xf32>,
    %get3A_25 = vector.shape_cast %get3A_24 : vector<16xf32> to vector<16xf32>
    "tpu.region"() ({
      %run_scoped3A = tpu.sem_alloc : memref<!tpu.dma_semaphore, #tpu.memory_space<semaphore_mem>>
      %dma_start3A_482 = tpu.memref_slice %arg5[%mul3A_2] : memref<320000xi32, #tpu.memory_space<hbm>> -> memref<80xi32, #tpu.memory_space<hbm>>
      %dma_start3A_483 = tpu.memref_slice %arg5[%mul3A_2] : memref<320000xi32, #tpu.memory_space<hbm>> -> memref<80xi32, #tpu.memory_space<hbm>>
      tpu.enqueue_dma source(%dma_start3A_483 : memref<80xi32, #tpu.memory_space<hbm>>) target(%arg9 : memref<80xi32, #tpu.memory_space<vmem>>) target_semaphore(%run_scoped3A : memref<!tpu.dma_semaphore, #tpu.memory_space<semaphore_mem>>)
      %dma_wait3A_484 = tpu.memref_slice %arg5[%mul3A_2] : memref<320000xi32, #tpu.memory_space<hbm>> -> memref<80xi32, #tpu.memory_space<hbm>>
      %dma_wait3A_485 = tpu.memref_slice %arg5[%mul3A_2] : memref<320000xi32, #tpu.memory_space<hbm>> -> memref<80xi32, #tpu.memory_space<hbm>>
      tpu.wait_dma2 semaphore(%run_scoped3A : memref<!tpu.dma_semaphore, #tpu.memory_space<semaphore_mem>>) src(%dma_wait3A_485 : memref<80xi32, #tpu.memory_space<hbm>>) dst(%arg9 : memref<80xi32, #tpu.memory_space<vmem>>)
      tpu.yield
    }) : () -> ()
    "tpu.region"() ({
      %run_scoped3A = tpu.sem_alloc : memref<!tpu.dma_semaphore, #tpu.memory_space<semaphore_mem>>
      %dma_start3A_482 = tpu.memref_slice %arg6[%mul3A_2] : memref<320000xi32, #tpu.memory_space<hbm>> -> memref<80xi32, #tpu.memory_space<hbm>>
      %dma_start3A_483 = tpu.memref_slice %arg6[%mul3A_2] : memref<320000xi32, #tpu.memory_space<hbm>> -> memref<80xi32, #tpu.memory_space<hbm>>
      tpu.enqueue_dma source(%dma_start3A_483 : memref<80xi32, #tpu.memory_space<hbm>>) target(%arg10 : memref<80xi32, #tpu.memory_space<vmem>>) target_semaphore(%run_scoped3A : memref<!tpu.dma_semaphore, #tpu.memory_space<semaphore_mem>>)
      %dma_wait3A_484 = tpu.memref_slice %arg6[%mul3A_2] : memref<320000xi32, #tpu.memory_space<hbm>> -> memref<80xi32, #tpu.memory_space<hbm>>
      %dma_wait3A_485 = tpu.memref_slice %arg6[%mul3A_2] : memref<320000xi32, #tpu.memory_space<hbm>> -> memref<80xi32, #tpu.memory_space<hbm>>
      tpu.wait_dma2 semaphore(%run_scoped3A : memref<!tpu.dma_semaphore, #tpu.memory_space<semaphore_mem>>) src(%dma_wait3A_485 : memref<80xi32, #tpu.memory_space<hbm>>) dst(%arg10 : memref<80xi32, #tpu.memory_space<vmem>>)
      tpu.yield
    }) : () -> ()
    %dma_start3A = arith.constant 0 : i32
    %dma_start3A_26 = arith.constant 0 : i32
    %dma_start3A_27 = tpu.memref_slice %arg2[%dma_start3A, %dma_start3A_26] : memref<10000x256xf32, #tpu.memory_space<hbm>> -> memref<10000x256xf32, #tpu.memory_space<hbm>>
    tpu.enqueue_indirect_dma source(%dma_start3A_27 : memref<10000x256xf32, #tpu.memory_space<hbm>>) target(%arg13 : memref<80x256xf32, #tpu.memory_space<vmem>>) offsets(%arg9 : memref<80xi32, #tpu.memory_space<vmem>>) semaphore(%arg19 : memref<!tpu.dma_semaphore, #tpu.memory_space<semaphore_mem>>)
    %dma_start3A_28 = arith.constant 0 : i32
    %dma_start3A_29 = arith.constant 0 : i32
    %dma_start3A_30 = tpu.memref_slice %arg3[%dma_start3A_28, %dma_start3A_29] : memref<10000x256xf32, #tpu.memory_space<hbm>> -> memref<10000x256xf32, #tpu.memory_space<hbm>>
    tpu.enqueue_indirect_dma source(%dma_start3A_30 : memref<10000x256xf32, #tpu.memory_space<hbm>>) target(%arg14 : memref<80x256xf32, #tpu.memory_space<vmem>>) offsets(%arg10 : memref<80xi32, #tpu.memory_space<vmem>>) semaphore(%arg19 : memref<!tpu.dma_semaphore, #tpu.memory_space<semaphore_mem>>)
    %add3A_31 = arith.constant 80 : i32
    %add3A_32 = arith.addi %mul3A_2, %add3A_31 : i32
    %dma_start3A_33 = tpu.memref_slice %arg5[%add3A_32] : memref<320000xi32, #tpu.memory_space<hbm>> -> memref<80xi32, #tpu.memory_space<hbm>>
    %dma_start3A_34 = tpu.memref_slice %arg5[%add3A_32] : memref<320000xi32, #tpu.memory_space<hbm>> -> memref<80xi32, #tpu.memory_space<hbm>>
    tpu.enqueue_dma source(%dma_start3A_34 : memref<80xi32, #tpu.memory_space<hbm>>) target(%arg11 : memref<80xi32, #tpu.memory_space<vmem>>) target_semaphore(%arg24 : memref<!tpu.dma_semaphore, #tpu.memory_space<semaphore_mem>>)
    %dma_start3A_35 = tpu.memref_slice %arg6[%add3A_32] : memref<320000xi32, #tpu.memory_space<hbm>> -> memref<80xi32, #tpu.memory_space<hbm>>
    %dma_start3A_36 = tpu.memref_slice %arg6[%add3A_32] : memref<320000xi32, #tpu.memory_space<hbm>> -> memref<80xi32, #tpu.memory_space<hbm>>
    tpu.enqueue_dma source(%dma_start3A_36 : memref<80xi32, #tpu.memory_space<hbm>>) target(%arg12 : memref<80xi32, #tpu.memory_space<vmem>>) target_semaphore(%arg24 : memref<!tpu.dma_semaphore, #tpu.memory_space<semaphore_mem>>)
    %broadcast_in_dim3A = arith.constant 0.000000e+00 : f32
    %broadcast_in_dim3A_37 = vector.broadcast %broadcast_in_dim3A : f32 to vector<16xf32>
    %scan3A = arith.constant 0 : i32
    %scan3A_38 = arith.constant 62 : i32
    %scan3A_39 = arith.addi %scan3A, %scan3A_38 : i32
    %scan3A_40 = arith.constant 1 : i32
    %scan3A_41:16 = scf.for %scan3A_482 = %scan3A to %scan3A_39 step %scan3A_40 iter_args(%scan3A_483 = %broadcast_in_dim3A_37, %scan3A_484 = %broadcast_in_dim3A_37, %scan3A_485 = %broadcast_in_dim3A_37, %scan3A_486 = %broadcast_in_dim3A_37, %scan3A_487 = %broadcast_in_dim3A_37, %scan3A_488 = %broadcast_in_dim3A_37, %scan3A_489 = %broadcast_in_dim3A_37, %scan3A_490 = %broadcast_in_dim3A_37, %scan3A_491 = %broadcast_in_dim3A_37, %scan3A_492 = %broadcast_in_dim3A_37, %scan3A_493 = %broadcast_in_dim3A_37, %scan3A_494 = %broadcast_in_dim3A_37, %scan3A_495 = %broadcast_in_dim3A_37, %scan3A_496 = %broadcast_in_dim3A_37, %scan3A_497 = %broadcast_in_dim3A_37, %scan3A_498 = %broadcast_in_dim3A_37) -> (vector<16xf32>, vector<16xf32>, vector<16xf32>, vector<16xf32>, vector<16xf32>, vector<16xf32>, vector<16xf32>, vector<16xf32>, vector<16xf32>, vector<16xf32>, vector<16xf32>, vector<16xf32>, vector<16xf32>, vector<16xf32>, vector<16xf32>, vector<16xf32>)  : i32 {
      %mul3A_499 = arith.constant 2 : i32
      %mul3A_500 = arith.muli %mul3A_499, %scan3A_482 : i32
      %dma_wait3A_501 = arith.constant 0 : i32
      %dma_wait3A_502 = arith.constant 0 : i32
      %dma_wait3A_503 = tpu.memref_slice %arg2[%dma_wait3A_501, %dma_wait3A_502] : memref<10000x256xf32, #tpu.memory_space<hbm>> -> memref<10000x256xf32, #tpu.memory_space<hbm>>
      tpu.wait_indirect_dma semaphore(%arg19 : memref<!tpu.dma_semaphore, #tpu.memory_space<semaphore_mem>>) src(%dma_wait3A_503 : memref<10000x256xf32, #tpu.memory_space<hbm>>) dst(%arg13 : memref<80x256xf32, #tpu.memory_space<vmem>>)
      %dma_wait3A_504 = arith.constant 0 : i32
      %dma_wait3A_505 = arith.constant 0 : i32
      %dma_wait3A_506 = tpu.memref_slice %arg3[%dma_wait3A_504, %dma_wait3A_505] : memref<10000x256xf32, #tpu.memory_space<hbm>> -> memref<10000x256xf32, #tpu.memory_space<hbm>>
      tpu.wait_indirect_dma semaphore(%arg19 : memref<!tpu.dma_semaphore, #tpu.memory_space<semaphore_mem>>) src(%dma_wait3A_506 : memref<10000x256xf32, #tpu.memory_space<hbm>>) dst(%arg14 : memref<80x256xf32, #tpu.memory_space<vmem>>)
      %add3A_507 = arith.constant 2 : i32
      %add3A_508 = arith.addi %mul3A_500, %add3A_507 : i32
      %lt3A_509 = arith.constant 125 : i32
      %lt3A_510 = arith.cmpi slt, %add3A_508, %lt3A_509 : i32
      %convert_element_type3A_511 = arith.extui %lt3A_510 : i1 to i32
      %cond3A_512 = arith.constant 0 : i32
      %cond3A_513 = arith.cmpi ne, %convert_element_type3A_511, %cond3A_512 : i32
      scf.if %cond3A_513 {
        %add3A_591 = arith.constant 2 : i32
        %add3A_592 = arith.addi %mul3A_500, %add3A_591 : i32
        %mul3A_593 = arith.constant 80 : i32
        %mul3A_594 = arith.muli %add3A_592, %mul3A_593 : i32
        %add3A_595 = arith.addi %mul3A_2, %mul3A_594 : i32
        %dma_start3A_596 = tpu.memref_slice %arg5[%add3A_595] : memref<320000xi32, #tpu.memory_space<hbm>> -> memref<80xi32, #tpu.memory_space<hbm>>
        %dma_start3A_597 = tpu.memref_slice %arg5[%add3A_595] : memref<320000xi32, #tpu.memory_space<hbm>> -> memref<80xi32, #tpu.memory_space<hbm>>
        tpu.enqueue_dma source(%dma_start3A_597 : memref<80xi32, #tpu.memory_space<hbm>>) target(%arg9 : memref<80xi32, #tpu.memory_space<vmem>>) target_semaphore(%arg23 : memref<!tpu.dma_semaphore, #tpu.memory_space<semaphore_mem>>)
        %dma_start3A_598 = tpu.memref_slice %arg6[%add3A_595] : memref<320000xi32, #tpu.memory_space<hbm>> -> memref<80xi32, #tpu.memory_space<hbm>>
        %dma_start3A_599 = tpu.memref_slice %arg6[%add3A_595] : memref<320000xi32, #tpu.memory_space<hbm>> -> memref<80xi32, #tpu.memory_space<hbm>>
        tpu.enqueue_dma source(%dma_start3A_599 : memref<80xi32, #tpu.memory_space<hbm>>) target(%arg10 : memref<80xi32, #tpu.memory_space<vmem>>) target_semaphore(%arg23 : memref<!tpu.dma_semaphore, #tpu.memory_space<semaphore_mem>>)
      } else {
      }
      %ge3A_514 = arith.constant 1 : i32
      %ge3A_515 = arith.cmpi sge, %mul3A_500, %ge3A_514 : i32
      %convert_element_type3A_516 = arith.extui %ge3A_515 : i1 to i32
      %cond3A_517 = arith.constant 0 : i32
      %cond3A_518 = arith.cmpi ne, %convert_element_type3A_516, %cond3A_517 : i32
      scf.if %cond3A_518 {
        %dma_wait3A_591 = arith.constant 0 : i32
        %dma_wait3A_592 = arith.constant 0 : i32
        %dma_wait3A_593 = tpu.memref_slice %arg15[%dma_wait3A_591, %dma_wait3A_592] : memref<80x256xf32, #tpu.memory_space<vmem>> -> memref<80x128xf32, #tpu.memory_space<vmem>>
        %dma_wait3A_594 = arith.constant 0 : i32
        %dma_wait3A_595 = arith.constant 0 : i32
        %dma_wait3A_596 = tpu.memref_slice %arg7[%dma_wait3A_594, %dma_wait3A_595] : memref<320000x128xf32, #tpu.memory_space<hbm>> -> memref<80x128xf32, #tpu.memory_space<hbm>>
        %dma_wait3A_597 = arith.constant 0 : i32
        %dma_wait3A_598 = arith.constant 0 : i32
        %dma_wait3A_599 = tpu.memref_slice %arg7[%dma_wait3A_597, %dma_wait3A_598] : memref<320000x128xf32, #tpu.memory_space<hbm>> -> memref<80x128xf32, #tpu.memory_space<hbm>>
        %dma_wait3A_600 = arith.constant 0 : i32
        %dma_wait3A_601 = arith.constant 0 : i32
        %dma_wait3A_602 = tpu.memref_slice %arg15[%dma_wait3A_600, %dma_wait3A_601] : memref<80x256xf32, #tpu.memory_space<vmem>> -> memref<80x128xf32, #tpu.memory_space<vmem>>
        tpu.wait_dma2 semaphore(%arg22 : memref<!tpu.dma_semaphore, #tpu.memory_space<semaphore_mem>>) src(%dma_wait3A_602 : memref<80x128xf32, #tpu.memory_space<vmem>>) dst(%dma_wait3A_599 : memref<80x128xf32, #tpu.memory_space<hbm>>)
      } else {
      }
      %add3A_519 = arith.constant 1 : i32
      %add3A_520 = arith.addi %mul3A_500, %add3A_519 : i32
      %lt3A_521 = arith.constant 125 : i32
      %lt3A_522 = arith.cmpi slt, %add3A_520, %lt3A_521 : i32
      %convert_element_type3A_523 = arith.extui %lt3A_522 : i1 to i32
      %cond3A_524 = arith.constant 0 : i32
      %cond3A_525 = arith.cmpi ne, %convert_element_type3A_523, %cond3A_524 : i32
      scf.if %cond3A_525 {
        %dma_wait3A_591 = arith.constant 0 : i32
        %dma_wait3A_592 = tpu.memref_slice %arg5[%dma_wait3A_591] : memref<320000xi32, #tpu.memory_space<hbm>> -> memref<80xi32, #tpu.memory_space<hbm>>
        %dma_wait3A_593 = arith.constant 0 : i32
        %dma_wait3A_594 = tpu.memref_slice %arg5[%dma_wait3A_593] : memref<320000xi32, #tpu.memory_space<hbm>> -> memref<80xi32, #tpu.memory_space<hbm>>
        tpu.wait_dma2 semaphore(%arg24 : memref<!tpu.dma_semaphore, #tpu.memory_space<semaphore_mem>>) src(%dma_wait3A_594 : memref<80xi32, #tpu.memory_space<hbm>>) dst(%arg11 : memref<80xi32, #tpu.memory_space<vmem>>)
        %dma_wait3A_595 = arith.constant 0 : i32
        %dma_wait3A_596 = tpu.memref_slice %arg6[%dma_wait3A_595] : memref<320000xi32, #tpu.memory_space<hbm>> -> memref<80xi32, #tpu.memory_space<hbm>>
        %dma_wait3A_597 = arith.constant 0 : i32
        %dma_wait3A_598 = tpu.memref_slice %arg6[%dma_wait3A_597] : memref<320000xi32, #tpu.memory_space<hbm>> -> memref<80xi32, #tpu.memory_space<hbm>>
        tpu.wait_dma2 semaphore(%arg24 : memref<!tpu.dma_semaphore, #tpu.memory_space<semaphore_mem>>) src(%dma_wait3A_598 : memref<80xi32, #tpu.memory_space<hbm>>) dst(%arg12 : memref<80xi32, #tpu.memory_space<vmem>>)
        %dma_start3A_599 = arith.constant 0 : i32
        %dma_start3A_600 = arith.constant 0 : i32
        %dma_start3A_601 = tpu.memref_slice %arg2[%dma_start3A_599, %dma_start3A_600] : memref<10000x256xf32, #tpu.memory_space<hbm>> -> memref<10000x256xf32, #tpu.memory_space<hbm>>
        tpu.enqueue_indirect_dma source(%dma_start3A_601 : memref<10000x256xf32, #tpu.memory_space<hbm>>) target(%arg15 : memref<80x256xf32, #tpu.memory_space<vmem>>) offsets(%arg11 : memref<80xi32, #tpu.memory_space<vmem>>) semaphore(%arg20 : memref<!tpu.dma_semaphore, #tpu.memory_space<semaphore_mem>>)
        %dma_start3A_602 = arith.constant 0 : i32
        %dma_start3A_603 = arith.constant 0 : i32
        %dma_start3A_604 = tpu.memref_slice %arg3[%dma_start3A_602, %dma_start3A_603] : memref<10000x256xf32, #tpu.memory_space<hbm>> -> memref<10000x256xf32, #tpu.memory_space<hbm>>
        tpu.enqueue_indirect_dma source(%dma_start3A_604 : memref<10000x256xf32, #tpu.memory_space<hbm>>) target(%arg16 : memref<80x256xf32, #tpu.memory_space<vmem>>) offsets(%arg12 : memref<80xi32, #tpu.memory_space<vmem>>) semaphore(%arg20 : memref<!tpu.dma_semaphore, #tpu.memory_space<semaphore_mem>>)
      } else {
      }
      %scan3A_526 = arith.constant 0 : i32
      %scan3A_527 = arith.constant 80 : i32
      %scan3A_528 = arith.addi %scan3A_526, %scan3A_527 : i32
      %scan3A_529 = arith.constant 1 : i32
      %scan3A_530:16 = scf.for %scan3A_591 = %scan3A_526 to %scan3A_528 step %scan3A_529 iter_args(%scan3A_592 = %scan3A_483, %scan3A_593 = %scan3A_484, %scan3A_594 = %scan3A_485, %scan3A_595 = %scan3A_486, %scan3A_596 = %scan3A_487, %scan3A_597 = %scan3A_488, %scan3A_598 = %scan3A_489, %scan3A_599 = %scan3A_490, %scan3A_600 = %scan3A_491, %scan3A_601 = %scan3A_492, %scan3A_602 = %scan3A_493, %scan3A_603 = %scan3A_494, %scan3A_604 = %scan3A_495, %scan3A_605 = %scan3A_496, %scan3A_606 = %scan3A_497, %scan3A_607 = %scan3A_498) -> (vector<16xf32>, vector<16xf32>, vector<16xf32>, vector<16xf32>, vector<16xf32>, vector<16xf32>, vector<16xf32>, vector<16xf32>, vector<16xf32>, vector<16xf32>, vector<16xf32>, vector<16xf32>, vector<16xf32>, vector<16xf32>, vector<16xf32>, vector<16xf32>)  : i32 {
        %get3A_608 = arith.index_cast %scan3A_591 : i32 to index
        %get3A_609 = arith.constant 128 : index
        %get3A_610 = tpu.vector_load %arg13[%get3A_608, %get3A_609] {strides = array<i32>} : memref<80x256xf32, #tpu.memory_space<vmem>>, vector<1x16xf32>,
        %get3A_611 = vector.shape_cast %get3A_610 : vector<1x16xf32> to vector<16xf32>
        %get3A_612 = arith.index_cast %scan3A_591 : i32 to index
        %get3A_613 = arith.constant 128 : index
        %get3A_614 = tpu.vector_load %arg14[%get3A_612, %get3A_613] {strides = array<i32>} : memref<80x256xf32, #tpu.memory_space<vmem>>, vector<1x16xf32>,
        %get3A_615 = vector.shape_cast %get3A_614 : vector<1x16xf32> to vector<16xf32>
        %add3A_616 = arith.addf %get3A_611, %get3A_615 : vector<16xf32>
        %slice3A = vector.extract_strided_slice %add3A_616 {offsets = [0], sizes = [1], strides = [1]} : vector<16xf32> to vector<1xf32>
        %squeeze3A = vector.extract %slice3A[0] : f32 from vector<1xf32>
        %slice3A_617 = vector.extract_strided_slice %add3A_616 {offsets = [0], sizes = [1], strides = [1]} : vector<16xf32> to vector<1xf32>
        %squeeze3A_618 = vector.extract %slice3A_617[0] : f32 from vector<1xf32>
        %mul3A_619 = arith.mulf %squeeze3A, %squeeze3A_618 : f32
        %slice3A_620 = vector.extract_strided_slice %add3A_616 {offsets = [1], sizes = [1], strides = [1]} : vector<16xf32> to vector<1xf32>
        %squeeze3A_621 = vector.extract %slice3A_620[0] : f32 from vector<1xf32>
        %slice3A_622 = vector.extract_strided_slice %add3A_616 {offsets = [1], sizes = [1], strides = [1]} : vector<16xf32> to vector<1xf32>
        %squeeze3A_623 = vector.extract %slice3A_622[0] : f32 from vector<1xf32>
        %mul3A_624 = arith.mulf %squeeze3A_621, %squeeze3A_623 : f32
        %add3A_625 = arith.addf %mul3A_619, %mul3A_624 : f32
        %slice3A_626 = vector.extract_strided_slice %add3A_616 {offsets = [2], sizes = [1], strides = [1]} : vector<16xf32> to vector<1xf32>
        %squeeze3A_627 = vector.extract %slice3A_626[0] : f32 from vector<1xf32>
        %slice3A_628 = vector.extract_strided_slice %add3A_616 {offsets = [2], sizes = [1], strides = [1]} : vector<16xf32> to vector<1xf32>
        %squeeze3A_629 = vector.extract %slice3A_628[0] : f32 from vector<1xf32>
        %mul3A_630 = arith.mulf %squeeze3A_627, %squeeze3A_629 : f32
        %add3A_631 = arith.addf %add3A_625, %mul3A_630 : f32
        %get3A_632 = arith.index_cast %scan3A_591 : i32 to index
        %get3A_633 = arith.constant 0 : index
        %get3A_634 = tpu.vector_load %arg13[%get3A_632, %get3A_633] {strides = array<i32>} : memref<80x256xf32, #tpu.memory_space<vmem>>, vector<1x16xf32>,
        %get3A_635 = vector.shape_cast %get3A_634 : vector<1x16xf32> to vector<16xf32>
        %get3A_636 = arith.index_cast %scan3A_591 : i32 to index
        %get3A_637 = arith.constant 0 : index
        %get3A_638 = tpu.vector_load %arg14[%get3A_636, %get3A_637] {strides = array<i32>} : memref<80x256xf32, #tpu.memory_space<vmem>>, vector<1x16xf32>,
        %get3A_639 = vector.shape_cast %get3A_638 : vector<1x16xf32> to vector<16xf32>
        %add3A_640 = arith.addf %get3A_635, %get3A_639 : vector<16xf32>
        %mul3A_641 = vector.broadcast %add3A_631 : f32 to vector<16xf32>
        %mul3A_642 = arith.mulf %mul3A_641, %get3A_4 : vector<16xf32>
        %add3A_643 = arith.addf %add3A_640, %mul3A_642 : vector<16xf32>
        %swap3A_644 = arith.index_cast %scan3A_591 : i32 to index
        %swap3A_645 = arith.constant 0 : index
        %swap3A_646 = tpu.vector_load %arg13[%swap3A_644, %swap3A_645] {strides = array<i32>} : memref<80x256xf32, #tpu.memory_space<vmem>>, vector<1x16xf32>,
        %swap3A_647 = vector.shape_cast %swap3A_646 : vector<1x16xf32> to vector<16xf32>
        %swap3A_648 = vector.shape_cast %add3A_643 : vector<16xf32> to vector<1x16xf32>
        tpu.vector_store %arg13[%swap3A_644, %swap3A_645], %swap3A_648 {strides = array<i32>} : memref<80x256xf32, #tpu.memory_space<vmem>>, vector<1x16xf32>,
        %add3A_649 = arith.addf %scan3A_592, %add3A_643 : vector<16xf32>
        %mul3A_650 = arith.mulf %add3A_643, %add3A_643 : vector<16xf32>
        %add3A_651 = arith.addf %scan3A_600, %mul3A_650 : vector<16xf32>
        %get3A_652 = arith.index_cast %scan3A_591 : i32 to index
        %get3A_653 = arith.constant 16 : index
        %get3A_654 = tpu.vector_load %arg13[%get3A_652, %get3A_653] {strides = array<i32>} : memref<80x256xf32, #tpu.memory_space<vmem>>, vector<1x16xf32>,
        %get3A_655 = vector.shape_cast %get3A_654 : vector<1x16xf32> to vector<16xf32>
        %get3A_656 = arith.index_cast %scan3A_591 : i32 to index
        %get3A_657 = arith.constant 16 : index
        %get3A_658 = tpu.vector_load %arg14[%get3A_656, %get3A_657] {strides = array<i32>} : memref<80x256xf32, #tpu.memory_space<vmem>>, vector<1x16xf32>,
        %get3A_659 = vector.shape_cast %get3A_658 : vector<1x16xf32> to vector<16xf32>
        %add3A_660 = arith.addf %get3A_655, %get3A_659 : vector<16xf32>
        %mul3A_661 = vector.broadcast %add3A_631 : f32 to vector<16xf32>
        %mul3A_662 = arith.mulf %mul3A_661, %get3A_7 : vector<16xf32>
        %add3A_663 = arith.addf %add3A_660, %mul3A_662 : vector<16xf32>
        %swap3A_664 = arith.index_cast %scan3A_591 : i32 to index
        %swap3A_665 = arith.constant 16 : index
        %swap3A_666 = tpu.vector_load %arg13[%swap3A_664, %swap3A_665] {strides = array<i32>} : memref<80x256xf32, #tpu.memory_space<vmem>>, vector<1x16xf32>,
        %swap3A_667 = vector.shape_cast %swap3A_666 : vector<1x16xf32> to vector<16xf32>
        %swap3A_668 = vector.shape_cast %add3A_663 : vector<16xf32> to vector<1x16xf32>
        tpu.vector_store %arg13[%swap3A_664, %swap3A_665], %swap3A_668 {strides = array<i32>} : memref<80x256xf32, #tpu.memory_space<vmem>>, vector<1x16xf32>,
        %add3A_669 = arith.addf %scan3A_593, %add3A_663 : vector<16xf32>
        %mul3A_670 = arith.mulf %add3A_663, %add3A_663 : vector<16xf32>
        %add3A_671 = arith.addf %scan3A_601, %mul3A_670 : vector<16xf32>
        %get3A_672 = arith.index_cast %scan3A_591 : i32 to index
        %get3A_673 = arith.constant 32 : index
        %get3A_674 = tpu.vector_load %arg13[%get3A_672, %get3A_673] {strides = array<i32>} : memref<80x256xf32, #tpu.memory_space<vmem>>, vector<1x16xf32>,
        %get3A_675 = vector.shape_cast %get3A_674 : vector<1x16xf32> to vector<16xf32>
        %get3A_676 = arith.index_cast %scan3A_591 : i32 to index
        %get3A_677 = arith.constant 32 : index
        %get3A_678 = tpu.vector_load %arg14[%get3A_676, %get3A_677] {strides = array<i32>} : memref<80x256xf32, #tpu.memory_space<vmem>>, vector<1x16xf32>,
        %get3A_679 = vector.shape_cast %get3A_678 : vector<1x16xf32> to vector<16xf32>
        %add3A_680 = arith.addf %get3A_675, %get3A_679 : vector<16xf32>
        %mul3A_681 = vector.broadcast %add3A_631 : f32 to vector<16xf32>
        %mul3A_682 = arith.mulf %mul3A_681, %get3A_10 : vector<16xf32>
        %add3A_683 = arith.addf %add3A_680, %mul3A_682 : vector<16xf32>
        %swap3A_684 = arith.index_cast %scan3A_591 : i32 to index
        %swap3A_685 = arith.constant 32 : index
        %swap3A_686 = tpu.vector_load %arg13[%swap3A_684, %swap3A_685] {strides = array<i32>} : memref<80x256xf32, #tpu.memory_space<vmem>>, vector<1x16xf32>,
        %swap3A_687 = vector.shape_cast %swap3A_686 : vector<1x16xf32> to vector<16xf32>
        %swap3A_688 = vector.shape_cast %add3A_683 : vector<16xf32> to vector<1x16xf32>
        tpu.vector_store %arg13[%swap3A_684, %swap3A_685], %swap3A_688 {strides = array<i32>} : memref<80x256xf32, #tpu.memory_space<vmem>>, vector<1x16xf32>,
        %add3A_689 = arith.addf %scan3A_594, %add3A_683 : vector<16xf32>
        %mul3A_690 = arith.mulf %add3A_683, %add3A_683 : vector<16xf32>
        %add3A_691 = arith.addf %scan3A_602, %mul3A_690 : vector<16xf32>
        %get3A_692 = arith.index_cast %scan3A_591 : i32 to index
        %get3A_693 = arith.constant 48 : index
        %get3A_694 = tpu.vector_load %arg13[%get3A_692, %get3A_693] {strides = array<i32>} : memref<80x256xf32, #tpu.memory_space<vmem>>, vector<1x16xf32>,
        %get3A_695 = vector.shape_cast %get3A_694 : vector<1x16xf32> to vector<16xf32>
        %get3A_696 = arith.index_cast %scan3A_591 : i32 to index
        %get3A_697 = arith.constant 48 : index
        %get3A_698 = tpu.vector_load %arg14[%get3A_696, %get3A_697] {strides = array<i32>} : memref<80x256xf32, #tpu.memory_space<vmem>>, vector<1x16xf32>,
        %get3A_699 = vector.shape_cast %get3A_698 : vector<1x16xf32> to vector<16xf32>
        %add3A_700 = arith.addf %get3A_695, %get3A_699 : vector<16xf32>
        %mul3A_701 = vector.broadcast %add3A_631 : f32 to vector<16xf32>
        %mul3A_702 = arith.mulf %mul3A_701, %get3A_13 : vector<16xf32>
        %add3A_703 = arith.addf %add3A_700, %mul3A_702 : vector<16xf32>
        %swap3A_704 = arith.index_cast %scan3A_591 : i32 to index
        %swap3A_705 = arith.constant 48 : index
        %swap3A_706 = tpu.vector_load %arg13[%swap3A_704, %swap3A_705] {strides = array<i32>} : memref<80x256xf32, #tpu.memory_space<vmem>>, vector<1x16xf32>,
        %swap3A_707 = vector.shape_cast %swap3A_706 : vector<1x16xf32> to vector<16xf32>
        %swap3A_708 = vector.shape_cast %add3A_703 : vector<16xf32> to vector<1x16xf32>
        tpu.vector_store %arg13[%swap3A_704, %swap3A_705], %swap3A_708 {strides = array<i32>} : memref<80x256xf32, #tpu.memory_space<vmem>>, vector<1x16xf32>,
        %add3A_709 = arith.addf %scan3A_595, %add3A_703 : vector<16xf32>
        %mul3A_710 = arith.mulf %add3A_703, %add3A_703 : vector<16xf32>
        %add3A_711 = arith.addf %scan3A_603, %mul3A_710 : vector<16xf32>
        %get3A_712 = arith.index_cast %scan3A_591 : i32 to index
        %get3A_713 = arith.constant 64 : index
        %get3A_714 = tpu.vector_load %arg13[%get3A_712, %get3A_713] {strides = array<i32>} : memref<80x256xf32, #tpu.memory_space<vmem>>, vector<1x16xf32>,
        %get3A_715 = vector.shape_cast %get3A_714 : vector<1x16xf32> to vector<16xf32>
        %get3A_716 = arith.index_cast %scan3A_591 : i32 to index
        %get3A_717 = arith.constant 64 : index
        %get3A_718 = tpu.vector_load %arg14[%get3A_716, %get3A_717] {strides = array<i32>} : memref<80x256xf32, #tpu.memory_space<vmem>>, vector<1x16xf32>,
        %get3A_719 = vector.shape_cast %get3A_718 : vector<1x16xf32> to vector<16xf32>
        %add3A_720 = arith.addf %get3A_715, %get3A_719 : vector<16xf32>
        %mul3A_721 = vector.broadcast %add3A_631 : f32 to vector<16xf32>
        %mul3A_722 = arith.mulf %mul3A_721, %get3A_16 : vector<16xf32>
        %add3A_723 = arith.addf %add3A_720, %mul3A_722 : vector<16xf32>
        %swap3A_724 = arith.index_cast %scan3A_591 : i32 to index
        %swap3A_725 = arith.constant 64 : index
        %swap3A_726 = tpu.vector_load %arg13[%swap3A_724, %swap3A_725] {strides = array<i32>} : memref<80x256xf32, #tpu.memory_space<vmem>>, vector<1x16xf32>,
        %swap3A_727 = vector.shape_cast %swap3A_726 : vector<1x16xf32> to vector<16xf32>
        %swap3A_728 = vector.shape_cast %add3A_723 : vector<16xf32> to vector<1x16xf32>
        tpu.vector_store %arg13[%swap3A_724, %swap3A_725], %swap3A_728 {strides = array<i32>} : memref<80x256xf32, #tpu.memory_space<vmem>>, vector<1x16xf32>,
        %add3A_729 = arith.addf %scan3A_596, %add3A_723 : vector<16xf32>
        %mul3A_730 = arith.mulf %add3A_723, %add3A_723 : vector<16xf32>
        %add3A_731 = arith.addf %scan3A_604, %mul3A_730 : vector<16xf32>
        %get3A_732 = arith.index_cast %scan3A_591 : i32 to index
        %get3A_733 = arith.constant 80 : index
        %get3A_734 = tpu.vector_load %arg13[%get3A_732, %get3A_733] {strides = array<i32>} : memref<80x256xf32, #tpu.memory_space<vmem>>, vector<1x16xf32>,
        %get3A_735 = vector.shape_cast %get3A_734 : vector<1x16xf32> to vector<16xf32>
        %get3A_736 = arith.index_cast %scan3A_591 : i32 to index
        %get3A_737 = arith.constant 80 : index
        %get3A_738 = tpu.vector_load %arg14[%get3A_736, %get3A_737] {strides = array<i32>} : memref<80x256xf32, #tpu.memory_space<vmem>>, vector<1x16xf32>,
        %get3A_739 = vector.shape_cast %get3A_738 : vector<1x16xf32> to vector<16xf32>
        %add3A_740 = arith.addf %get3A_735, %get3A_739 : vector<16xf32>
        %mul3A_741 = vector.broadcast %add3A_631 : f32 to vector<16xf32>
        %mul3A_742 = arith.mulf %mul3A_741, %get3A_19 : vector<16xf32>
        %add3A_743 = arith.addf %add3A_740, %mul3A_742 : vector<16xf32>
        %swap3A_744 = arith.index_cast %scan3A_591 : i32 to index
        %swap3A_745 = arith.constant 80 : index
        %swap3A_746 = tpu.vector_load %arg13[%swap3A_744, %swap3A_745] {strides = array<i32>} : memref<80x256xf32, #tpu.memory_space<vmem>>, vector<1x16xf32>,
        %swap3A_747 = vector.shape_cast %swap3A_746 : vector<1x16xf32> to vector<16xf32>
        %swap3A_748 = vector.shape_cast %add3A_743 : vector<16xf32> to vector<1x16xf32>
        tpu.vector_store %arg13[%swap3A_744, %swap3A_745], %swap3A_748 {strides = array<i32>} : memref<80x256xf32, #tpu.memory_space<vmem>>, vector<1x16xf32>,
        %add3A_749 = arith.addf %scan3A_597, %add3A_743 : vector<16xf32>
        %mul3A_750 = arith.mulf %add3A_743, %add3A_743 : vector<16xf32>
        %add3A_751 = arith.addf %scan3A_605, %mul3A_750 : vector<16xf32>
        %get3A_752 = arith.index_cast %scan3A_591 : i32 to index
        %get3A_753 = arith.constant 96 : index
        %get3A_754 = tpu.vector_load %arg13[%get3A_752, %get3A_753] {strides = array<i32>} : memref<80x256xf32, #tpu.memory_space<vmem>>, vector<1x16xf32>,
        %get3A_755 = vector.shape_cast %get3A_754 : vector<1x16xf32> to vector<16xf32>
        %get3A_756 = arith.index_cast %scan3A_591 : i32 to index
        %get3A_757 = arith.constant 96 : index
        %get3A_758 = tpu.vector_load %arg14[%get3A_756, %get3A_757] {strides = array<i32>} : memref<80x256xf32, #tpu.memory_space<vmem>>, vector<1x16xf32>,
        %get3A_759 = vector.shape_cast %get3A_758 : vector<1x16xf32> to vector<16xf32>
        %add3A_760 = arith.addf %get3A_755, %get3A_759 : vector<16xf32>
        %mul3A_761 = vector.broadcast %add3A_631 : f32 to vector<16xf32>
        %mul3A_762 = arith.mulf %mul3A_761, %get3A_22 : vector<16xf32>
        %add3A_763 = arith.addf %add3A_760, %mul3A_762 : vector<16xf32>
        %swap3A_764 = arith.index_cast %scan3A_591 : i32 to index
        %swap3A_765 = arith.constant 96 : index
        %swap3A_766 = tpu.vector_load %arg13[%swap3A_764, %swap3A_765] {strides = array<i32>} : memref<80x256xf32, #tpu.memory_space<vmem>>, vector<1x16xf32>,
        %swap3A_767 = vector.shape_cast %swap3A_766 : vector<1x16xf32> to vector<16xf32>
        %swap3A_768 = vector.shape_cast %add3A_763 : vector<16xf32> to vector<1x16xf32>
        tpu.vector_store %arg13[%swap3A_764, %swap3A_765], %swap3A_768 {strides = array<i32>} : memref<80x256xf32, #tpu.memory_space<vmem>>, vector<1x16xf32>,
        %add3A_769 = arith.addf %scan3A_598, %add3A_763 : vector<16xf32>
        %mul3A_770 = arith.mulf %add3A_763, %add3A_763 : vector<16xf32>
        %add3A_771 = arith.addf %scan3A_606, %mul3A_770 : vector<16xf32>
        %get3A_772 = arith.index_cast %scan3A_591 : i32 to index
        %get3A_773 = arith.constant 112 : index
        %get3A_774 = tpu.vector_load %arg13[%get3A_772, %get3A_773] {strides = array<i32>} : memref<80x256xf32, #tpu.memory_space<vmem>>, vector<1x16xf32>,
        %get3A_775 = vector.shape_cast %get3A_774 : vector<1x16xf32> to vector<16xf32>
        %get3A_776 = arith.index_cast %scan3A_591 : i32 to index
        %get3A_777 = arith.constant 112 : index
        %get3A_778 = tpu.vector_load %arg14[%get3A_776, %get3A_777] {strides = array<i32>} : memref<80x256xf32, #tpu.memory_space<vmem>>, vector<1x16xf32>,
        %get3A_779 = vector.shape_cast %get3A_778 : vector<1x16xf32> to vector<16xf32>
        %add3A_780 = arith.addf %get3A_775, %get3A_779 : vector<16xf32>
        %mul3A_781 = vector.broadcast %add3A_631 : f32 to vector<16xf32>
        %mul3A_782 = arith.mulf %mul3A_781, %get3A_25 : vector<16xf32>
        %add3A_783 = arith.addf %add3A_780, %mul3A_782 : vector<16xf32>
        %swap3A_784 = arith.index_cast %scan3A_591 : i32 to index
        %swap3A_785 = arith.constant 112 : index
        %swap3A_786 = tpu.vector_load %arg13[%swap3A_784, %swap3A_785] {strides = array<i32>} : memref<80x256xf32, #tpu.memory_space<vmem>>, vector<1x16xf32>,
        %swap3A_787 = vector.shape_cast %swap3A_786 : vector<1x16xf32> to vector<16xf32>
        %swap3A_788 = vector.shape_cast %add3A_783 : vector<16xf32> to vector<1x16xf32>
        tpu.vector_store %arg13[%swap3A_784, %swap3A_785], %swap3A_788 {strides = array<i32>} : memref<80x256xf32, #tpu.memory_space<vmem>>, vector<1x16xf32>,
        %add3A_789 = arith.addf %scan3A_599, %add3A_783 : vector<16xf32>
        %mul3A_790 = arith.mulf %add3A_783, %add3A_783 : vector<16xf32>
        %add3A_791 = arith.addf %scan3A_607, %mul3A_790 : vector<16xf32>
        scf.yield %add3A_649, %add3A_669, %add3A_689, %add3A_709, %add3A_729, %add3A_749, %add3A_769, %add3A_789, %add3A_651, %add3A_671, %add3A_691, %add3A_711, %add3A_731, %add3A_751, %add3A_771, %add3A_791 : vector<16xf32>, vector<16xf32>, vector<16xf32>, vector<16xf32>, vector<16xf32>, vector<16xf32>, vector<16xf32>, vector<16xf32>, vector<16xf32>, vector<16xf32>, vector<16xf32>, vector<16xf32>, vector<16xf32>, vector<16xf32>, vector<16xf32>, vector<16xf32>
      }
      %scan3A_531 = arith.constant 80 : i32
      %mul3A_532 = arith.constant 80 : i32
      %mul3A_533 = arith.muli %mul3A_500, %mul3A_532 : i32
      %add3A_534 = arith.addi %mul3A_2, %mul3A_533 : i32
      %dma_start3A_535 = arith.constant 0 : i32
      %dma_start3A_536 = arith.constant 0 : i32
      %dma_start3A_537 = tpu.memref_slice %arg13[%dma_start3A_535, %dma_start3A_536] : memref<80x256xf32, #tpu.memory_space<vmem>> -> memref<80x128xf32, #tpu.memory_space<vmem>>
      %dma_start3A_538 = arith.constant 0 : i32
      %dma_start3A_539 = tpu.memref_slice %arg7[%add3A_534, %dma_start3A_538] : memref<320000x128xf32, #tpu.memory_space<hbm>> -> memref<80x128xf32, #tpu.memory_space<hbm>>
      %dma_start3A_540 = arith.constant 0 : i32
      %dma_start3A_541 = tpu.memref_slice %arg7[%add3A_534, %dma_start3A_540] : memref<320000x128xf32, #tpu.memory_space<hbm>> -> memref<80x128xf32, #tpu.memory_space<hbm>>
      %dma_start3A_542 = arith.constant 0 : i32
      %dma_start3A_543 = arith.constant 0 : i32
      %dma_start3A_544 = tpu.memref_slice %arg13[%dma_start3A_542, %dma_start3A_543] : memref<80x256xf32, #tpu.memory_space<vmem>> -> memref<80x128xf32, #tpu.memory_space<vmem>>
      tpu.enqueue_dma source(%dma_start3A_544 : memref<80x128xf32, #tpu.memory_space<vmem>>) target(%dma_start3A_541 : memref<80x128xf32, #tpu.memory_space<hbm>>) target_semaphore(%arg21 : memref<!tpu.dma_semaphore, #tpu.memory_space<semaphore_mem>>)
      %add3A_545 = arith.constant 1 : i32
      %add3A_546 = arith.addi %mul3A_500, %add3A_545 : i32
      %dma_wait3A_547 = arith.constant 0 : i32
      %dma_wait3A_548 = arith.constant 0 : i32
      %dma_wait3A_549 = tpu.memref_slice %arg2[%dma_wait3A_547, %dma_wait3A_548] : memref<10000x256xf32, #tpu.memory_space<hbm>> -> memref<10000x256xf32, #tpu.memory_space<hbm>>
      tpu.wait_indirect_dma semaphore(%arg20 : memref<!tpu.dma_semaphore, #tpu.memory_space<semaphore_mem>>) src(%dma_wait3A_549 : memref<10000x256xf32, #tpu.memory_space<hbm>>) dst(%arg15 : memref<80x256xf32, #tpu.memory_space<vmem>>)
      %dma_wait3A_550 = arith.constant 0 : i32
      %dma_wait3A_551 = arith.constant 0 : i32
      %dma_wait3A_552 = tpu.memref_slice %arg3[%dma_wait3A_550, %dma_wait3A_551] : memref<10000x256xf32, #tpu.memory_space<hbm>> -> memref<10000x256xf32, #tpu.memory_space<hbm>>
      tpu.wait_indirect_dma semaphore(%arg20 : memref<!tpu.dma_semaphore, #tpu.memory_space<semaphore_mem>>) src(%dma_wait3A_552 : memref<10000x256xf32, #tpu.memory_space<hbm>>) dst(%arg16 : memref<80x256xf32, #tpu.memory_space<vmem>>)
      %add3A_553 = arith.constant 2 : i32
      %add3A_554 = arith.addi %add3A_546, %add3A_553 : i32
      %lt3A_555 = arith.constant 125 : i32
      %lt3A_556 = arith.cmpi slt, %add3A_554, %lt3A_555 : i32
      %convert_element_type3A_557 = arith.extui %lt3A_556 : i1 to i32
      %cond3A_558 = arith.constant 0 : i32
      %cond3A_559 = arith.cmpi ne, %convert_element_type3A_557, %cond3A_558 : i32
      scf.if %cond3A_559 {
        %add3A_591 = arith.constant 2 : i32
        %add3A_592 = arith.addi %add3A_546, %add3A_591 : i32
        %mul3A_593 = arith.constant 80 : i32
        %mul3A_594 = arith.muli %add3A_592, %mul3A_593 : i32
        %add3A_595 = arith.addi %mul3A_2, %mul3A_594 : i32
        %dma_start3A_596 = tpu.memref_slice %arg5[%add3A_595] : memref<320000xi32, #tpu.memory_space<hbm>> -> memref<80xi32, #tpu.memory_space<hbm>>
        %dma_start3A_597 = tpu.memref_slice %arg5[%add3A_595] : memref<320000xi32, #tpu.memory_space<hbm>> -> memref<80xi32, #tpu.memory_space<hbm>>
        tpu.enqueue_dma source(%dma_start3A_597 : memref<80xi32, #tpu.memory_space<hbm>>) target(%arg11 : memref<80xi32, #tpu.memory_space<vmem>>) target_semaphore(%arg24 : memref<!tpu.dma_semaphore, #tpu.memory_space<semaphore_mem>>)
        %dma_start3A_598 = tpu.memref_slice %arg6[%add3A_595] : memref<320000xi32, #tpu.memory_space<hbm>> -> memref<80xi32, #tpu.memory_space<hbm>>
        %dma_start3A_599 = tpu.memref_slice %arg6[%add3A_595] : memref<320000xi32, #tpu.memory_space<hbm>> -> memref<80xi32, #tpu.memory_space<hbm>>
        tpu.enqueue_dma source(%dma_start3A_599 : memref<80xi32, #tpu.memory_space<hbm>>) target(%arg12 : memref<80xi32, #tpu.memory_space<vmem>>) target_semaphore(%arg24 : memref<!tpu.dma_semaphore, #tpu.memory_space<semaphore_mem>>)
      } else {
      }
      %ge3A_560 = arith.constant 1 : i32
      %ge3A_561 = arith.cmpi sge, %add3A_546, %ge3A_560 : i32
      %convert_element_type3A_562 = arith.extui %ge3A_561 : i1 to i32
      %cond3A_563 = arith.constant 0 : i32
      %cond3A_564 = arith.cmpi ne, %convert_element_type3A_562, %cond3A_563 : i32
      scf.if %cond3A_564 {
        %dma_wait3A_591 = arith.constant 0 : i32
        %dma_wait3A_592 = arith.constant 0 : i32
        %dma_wait3A_593 = tpu.memref_slice %arg13[%dma_wait3A_591, %dma_wait3A_592] : memref<80x256xf32, #tpu.memory_space<vmem>> -> memref<80x128xf32, #tpu.memory_space<vmem>>
        %dma_wait3A_594 = arith.constant 0 : i32
        %dma_wait3A_595 = arith.constant 0 : i32
        %dma_wait3A_596 = tpu.memref_slice %arg7[%dma_wait3A_594, %dma_wait3A_595] : memref<320000x128xf32, #tpu.memory_space<hbm>> -> memref<80x128xf32, #tpu.memory_space<hbm>>
        %dma_wait3A_597 = arith.constant 0 : i32
        %dma_wait3A_598 = arith.constant 0 : i32
        %dma_wait3A_599 = tpu.memref_slice %arg7[%dma_wait3A_597, %dma_wait3A_598] : memref<320000x128xf32, #tpu.memory_space<hbm>> -> memref<80x128xf32, #tpu.memory_space<hbm>>
        %dma_wait3A_600 = arith.constant 0 : i32
        %dma_wait3A_601 = arith.constant 0 : i32
        %dma_wait3A_602 = tpu.memref_slice %arg13[%dma_wait3A_600, %dma_wait3A_601] : memref<80x256xf32, #tpu.memory_space<vmem>> -> memref<80x128xf32, #tpu.memory_space<vmem>>
        tpu.wait_dma2 semaphore(%arg21 : memref<!tpu.dma_semaphore, #tpu.memory_space<semaphore_mem>>) src(%dma_wait3A_602 : memref<80x128xf32, #tpu.memory_space<vmem>>) dst(%dma_wait3A_599 : memref<80x128xf32, #tpu.memory_space<hbm>>)
      } else {
      }
      %add3A_565 = arith.constant 1 : i32
      %add3A_566 = arith.addi %add3A_546, %add3A_565 : i32
      %lt3A_567 = arith.constant 125 : i32
      %lt3A_568 = arith.cmpi slt, %add3A_566, %lt3A_567 : i32
      %convert_element_type3A_569 = arith.extui %lt3A_568 : i1 to i32
      %cond3A_570 = arith.constant 0 : i32
      %cond3A_571 = arith.cmpi ne, %convert_element_type3A_569, %cond3A_570 : i32
      scf.if %cond3A_571 {
        %dma_wait3A_591 = arith.constant 0 : i32
        %dma_wait3A_592 = tpu.memref_slice %arg5[%dma_wait3A_591] : memref<320000xi32, #tpu.memory_space<hbm>> -> memref<80xi32, #tpu.memory_space<hbm>>
        %dma_wait3A_593 = arith.constant 0 : i32
        %dma_wait3A_594 = tpu.memref_slice %arg5[%dma_wait3A_593] : memref<320000xi32, #tpu.memory_space<hbm>> -> memref<80xi32, #tpu.memory_space<hbm>>
        tpu.wait_dma2 semaphore(%arg23 : memref<!tpu.dma_semaphore, #tpu.memory_space<semaphore_mem>>) src(%dma_wait3A_594 : memref<80xi32, #tpu.memory_space<hbm>>) dst(%arg9 : memref<80xi32, #tpu.memory_space<vmem>>)
        %dma_wait3A_595 = arith.constant 0 : i32
        %dma_wait3A_596 = tpu.memref_slice %arg6[%dma_wait3A_595] : memref<320000xi32, #tpu.memory_space<hbm>> -> memref<80xi32, #tpu.memory_space<hbm>>
        %dma_wait3A_597 = arith.constant 0 : i32
        %dma_wait3A_598 = tpu.memref_slice %arg6[%dma_wait3A_597] : memref<320000xi32, #tpu.memory_space<hbm>> -> memref<80xi32, #tpu.memory_space<hbm>>
        tpu.wait_dma2 semaphore(%arg23 : memref<!tpu.dma_semaphore, #tpu.memory_space<semaphore_mem>>) src(%dma_wait3A_598 : memref<80xi32, #tpu.memory_space<hbm>>) dst(%arg10 : memref<80xi32, #tpu.memory_space<vmem>>)
        %dma_start3A_599 = arith.constant 0 : i32
        %dma_start3A_600 = arith.constant 0 : i32
        %dma_start3A_601 = tpu.memref_slice %arg2[%dma_start3A_599, %dma_start3A_600] : memref<10000x256xf32, #tpu.memory_space<hbm>> -> memref<10000x256xf32, #tpu.memory_space<hbm>>
        tpu.enqueue_indirect_dma source(%dma_start3A_601 : memref<10000x256xf32, #tpu.memory_space<hbm>>) target(%arg13 : memref<80x256xf32, #tpu.memory_space<vmem>>) offsets(%arg9 : memref<80xi32, #tpu.memory_space<vmem>>) semaphore(%arg19 : memref<!tpu.dma_semaphore, #tpu.memory_space<semaphore_mem>>)
        %dma_start3A_602 = arith.constant 0 : i32
        %dma_start3A_603 = arith.constant 0 : i32
        %dma_start3A_604 = tpu.memref_slice %arg3[%dma_start3A_602, %dma_start3A_603] : memref<10000x256xf32, #tpu.memory_space<hbm>> -> memref<10000x256xf32, #tpu.memory_space<hbm>>
        tpu.enqueue_indirect_dma source(%dma_start3A_604 : memref<10000x256xf32, #tpu.memory_space<hbm>>) target(%arg14 : memref<80x256xf32, #tpu.memory_space<vmem>>) offsets(%arg10 : memref<80xi32, #tpu.memory_space<vmem>>) semaphore(%arg19 : memref<!tpu.dma_semaphore, #tpu.memory_space<semaphore_mem>>)
      } else {
      }
      %scan3A_572 = arith.constant 0 : i32
      %scan3A_573 = arith.constant 80 : i32
      %scan3A_574 = arith.addi %scan3A_572, %scan3A_573 : i32
      %scan3A_575 = arith.constant 1 : i32
      %scan3A_576:16 = scf.for %scan3A_591 = %scan3A_572 to %scan3A_574 step %scan3A_575 iter_args(%scan3A_592 = %scan3A_530#0, %scan3A_593 = %scan3A_530#1, %scan3A_594 = %scan3A_530#2, %scan3A_595 = %scan3A_530#3, %scan3A_596 = %scan3A_530#4, %scan3A_597 = %scan3A_530#5, %scan3A_598 = %scan3A_530#6, %scan3A_599 = %scan3A_530#7, %scan3A_600 = %scan3A_530#8, %scan3A_601 = %scan3A_530#9, %scan3A_602 = %scan3A_530#10, %scan3A_603 = %scan3A_530#11, %scan3A_604 = %scan3A_530#12, %scan3A_605 = %scan3A_530#13, %scan3A_606 = %scan3A_530#14, %scan3A_607 = %scan3A_530#15) -> (vector<16xf32>, vector<16xf32>, vector<16xf32>, vector<16xf32>, vector<16xf32>, vector<16xf32>, vector<16xf32>, vector<16xf32>, vector<16xf32>, vector<16xf32>, vector<16xf32>, vector<16xf32>, vector<16xf32>, vector<16xf32>, vector<16xf32>, vector<16xf32>)  : i32 {
        %get3A_608 = arith.index_cast %scan3A_591 : i32 to index
        %get3A_609 = arith.constant 128 : index
        %get3A_610 = tpu.vector_load %arg15[%get3A_608, %get3A_609] {strides = array<i32>} : memref<80x256xf32, #tpu.memory_space<vmem>>, vector<1x16xf32>,
        %get3A_611 = vector.shape_cast %get3A_610 : vector<1x16xf32> to vector<16xf32>
        %get3A_612 = arith.index_cast %scan3A_591 : i32 to index
        %get3A_613 = arith.constant 128 : index
        %get3A_614 = tpu.vector_load %arg16[%get3A_612, %get3A_613] {strides = array<i32>} : memref<80x256xf32, #tpu.memory_space<vmem>>, vector<1x16xf32>,
        %get3A_615 = vector.shape_cast %get3A_614 : vector<1x16xf32> to vector<16xf32>
        %add3A_616 = arith.addf %get3A_611, %get3A_615 : vector<16xf32>
        %slice3A = vector.extract_strided_slice %add3A_616 {offsets = [0], sizes = [1], strides = [1]} : vector<16xf32> to vector<1xf32>
        %squeeze3A = vector.extract %slice3A[0] : f32 from vector<1xf32>
        %slice3A_617 = vector.extract_strided_slice %add3A_616 {offsets = [0], sizes = [1], strides = [1]} : vector<16xf32> to vector<1xf32>
        %squeeze3A_618 = vector.extract %slice3A_617[0] : f32 from vector<1xf32>
        %mul3A_619 = arith.mulf %squeeze3A, %squeeze3A_618 : f32
        %slice3A_620 = vector.extract_strided_slice %add3A_616 {offsets = [1], sizes = [1], strides = [1]} : vector<16xf32> to vector<1xf32>
        %squeeze3A_621 = vector.extract %slice3A_620[0] : f32 from vector<1xf32>
        %slice3A_622 = vector.extract_strided_slice %add3A_616 {offsets = [1], sizes = [1], strides = [1]} : vector<16xf32> to vector<1xf32>
        %squeeze3A_623 = vector.extract %slice3A_622[0] : f32 from vector<1xf32>
        %mul3A_624 = arith.mulf %squeeze3A_621, %squeeze3A_623 : f32
        %add3A_625 = arith.addf %mul3A_619, %mul3A_624 : f32
        %slice3A_626 = vector.extract_strided_slice %add3A_616 {offsets = [2], sizes = [1], strides = [1]} : vector<16xf32> to vector<1xf32>
        %squeeze3A_627 = vector.extract %slice3A_626[0] : f32 from vector<1xf32>
        %slice3A_628 = vector.extract_strided_slice %add3A_616 {offsets = [2], sizes = [1], strides = [1]} : vector<16xf32> to vector<1xf32>
        %squeeze3A_629 = vector.extract %slice3A_628[0] : f32 from vector<1xf32>
        %mul3A_630 = arith.mulf %squeeze3A_627, %squeeze3A_629 : f32
        %add3A_631 = arith.addf %add3A_625, %mul3A_630 : f32
        %get3A_632 = arith.index_cast %scan3A_591 : i32 to index
        %get3A_633 = arith.constant 0 : index
        %get3A_634 = tpu.vector_load %arg15[%get3A_632, %get3A_633] {strides = array<i32>} : memref<80x256xf32, #tpu.memory_space<vmem>>, vector<1x16xf32>,
        %get3A_635 = vector.shape_cast %get3A_634 : vector<1x16xf32> to vector<16xf32>
        %get3A_636 = arith.index_cast %scan3A_591 : i32 to index
        %get3A_637 = arith.constant 0 : index
        %get3A_638 = tpu.vector_load %arg16[%get3A_636, %get3A_637] {strides = array<i32>} : memref<80x256xf32, #tpu.memory_space<vmem>>, vector<1x16xf32>,
        %get3A_639 = vector.shape_cast %get3A_638 : vector<1x16xf32> to vector<16xf32>
        %add3A_640 = arith.addf %get3A_635, %get3A_639 : vector<16xf32>
        %mul3A_641 = vector.broadcast %add3A_631 : f32 to vector<16xf32>
        %mul3A_642 = arith.mulf %mul3A_641, %get3A_4 : vector<16xf32>
        %add3A_643 = arith.addf %add3A_640, %mul3A_642 : vector<16xf32>
        %swap3A_644 = arith.index_cast %scan3A_591 : i32 to index
        %swap3A_645 = arith.constant 0 : index
        %swap3A_646 = tpu.vector_load %arg15[%swap3A_644, %swap3A_645] {strides = array<i32>} : memref<80x256xf32, #tpu.memory_space<vmem>>, vector<1x16xf32>,
        %swap3A_647 = vector.shape_cast %swap3A_646 : vector<1x16xf32> to vector<16xf32>
        %swap3A_648 = vector.shape_cast %add3A_643 : vector<16xf32> to vector<1x16xf32>
        tpu.vector_store %arg15[%swap3A_644, %swap3A_645], %swap3A_648 {strides = array<i32>} : memref<80x256xf32, #tpu.memory_space<vmem>>, vector<1x16xf32>,
        %add3A_649 = arith.addf %scan3A_592, %add3A_643 : vector<16xf32>
        %mul3A_650 = arith.mulf %add3A_643, %add3A_643 : vector<16xf32>
        %add3A_651 = arith.addf %scan3A_600, %mul3A_650 : vector<16xf32>
        %get3A_652 = arith.index_cast %scan3A_591 : i32 to index
        %get3A_653 = arith.constant 16 : index
        %get3A_654 = tpu.vector_load %arg15[%get3A_652, %get3A_653] {strides = array<i32>} : memref<80x256xf32, #tpu.memory_space<vmem>>, vector<1x16xf32>,
        %get3A_655 = vector.shape_cast %get3A_654 : vector<1x16xf32> to vector<16xf32>
        %get3A_656 = arith.index_cast %scan3A_591 : i32 to index
        %get3A_657 = arith.constant 16 : index
        %get3A_658 = tpu.vector_load %arg16[%get3A_656, %get3A_657] {strides = array<i32>} : memref<80x256xf32, #tpu.memory_space<vmem>>, vector<1x16xf32>,
        %get3A_659 = vector.shape_cast %get3A_658 : vector<1x16xf32> to vector<16xf32>
        %add3A_660 = arith.addf %get3A_655, %get3A_659 : vector<16xf32>
        %mul3A_661 = vector.broadcast %add3A_631 : f32 to vector<16xf32>
        %mul3A_662 = arith.mulf %mul3A_661, %get3A_7 : vector<16xf32>
        %add3A_663 = arith.addf %add3A_660, %mul3A_662 : vector<16xf32>
        %swap3A_664 = arith.index_cast %scan3A_591 : i32 to index
        %swap3A_665 = arith.constant 16 : index
        %swap3A_666 = tpu.vector_load %arg15[%swap3A_664, %swap3A_665] {strides = array<i32>} : memref<80x256xf32, #tpu.memory_space<vmem>>, vector<1x16xf32>,
        %swap3A_667 = vector.shape_cast %swap3A_666 : vector<1x16xf32> to vector<16xf32>
        %swap3A_668 = vector.shape_cast %add3A_663 : vector<16xf32> to vector<1x16xf32>
        tpu.vector_store %arg15[%swap3A_664, %swap3A_665], %swap3A_668 {strides = array<i32>} : memref<80x256xf32, #tpu.memory_space<vmem>>, vector<1x16xf32>,
        %add3A_669 = arith.addf %scan3A_593, %add3A_663 : vector<16xf32>
        %mul3A_670 = arith.mulf %add3A_663, %add3A_663 : vector<16xf32>
        %add3A_671 = arith.addf %scan3A_601, %mul3A_670 : vector<16xf32>
        %get3A_672 = arith.index_cast %scan3A_591 : i32 to index
        %get3A_673 = arith.constant 32 : index
        %get3A_674 = tpu.vector_load %arg15[%get3A_672, %get3A_673] {strides = array<i32>} : memref<80x256xf32, #tpu.memory_space<vmem>>, vector<1x16xf32>,
        %get3A_675 = vector.shape_cast %get3A_674 : vector<1x16xf32> to vector<16xf32>
        %get3A_676 = arith.index_cast %scan3A_591 : i32 to index
        %get3A_677 = arith.constant 32 : index
        %get3A_678 = tpu.vector_load %arg16[%get3A_676, %get3A_677] {strides = array<i32>} : memref<80x256xf32, #tpu.memory_space<vmem>>, vector<1x16xf32>,
        %get3A_679 = vector.shape_cast %get3A_678 : vector<1x16xf32> to vector<16xf32>
        %add3A_680 = arith.addf %get3A_675, %get3A_679 : vector<16xf32>
        %mul3A_681 = vector.broadcast %add3A_631 : f32 to vector<16xf32>
        %mul3A_682 = arith.mulf %mul3A_681, %get3A_10 : vector<16xf32>
        %add3A_683 = arith.addf %add3A_680, %mul3A_682 : vector<16xf32>
        %swap3A_684 = arith.index_cast %scan3A_591 : i32 to index
        %swap3A_685 = arith.constant 32 : index
        %swap3A_686 = tpu.vector_load %arg15[%swap3A_684, %swap3A_685] {strides = array<i32>} : memref<80x256xf32, #tpu.memory_space<vmem>>, vector<1x16xf32>,
        %swap3A_687 = vector.shape_cast %swap3A_686 : vector<1x16xf32> to vector<16xf32>
        %swap3A_688 = vector.shape_cast %add3A_683 : vector<16xf32> to vector<1x16xf32>
        tpu.vector_store %arg15[%swap3A_684, %swap3A_685], %swap3A_688 {strides = array<i32>} : memref<80x256xf32, #tpu.memory_space<vmem>>, vector<1x16xf32>,
        %add3A_689 = arith.addf %scan3A_594, %add3A_683 : vector<16xf32>
        %mul3A_690 = arith.mulf %add3A_683, %add3A_683 : vector<16xf32>
        %add3A_691 = arith.addf %scan3A_602, %mul3A_690 : vector<16xf32>
        %get3A_692 = arith.index_cast %scan3A_591 : i32 to index
        %get3A_693 = arith.constant 48 : index
        %get3A_694 = tpu.vector_load %arg15[%get3A_692, %get3A_693] {strides = array<i32>} : memref<80x256xf32, #tpu.memory_space<vmem>>, vector<1x16xf32>,
        %get3A_695 = vector.shape_cast %get3A_694 : vector<1x16xf32> to vector<16xf32>
        %get3A_696 = arith.index_cast %scan3A_591 : i32 to index
        %get3A_697 = arith.constant 48 : index
        %get3A_698 = tpu.vector_load %arg16[%get3A_696, %get3A_697] {strides = array<i32>} : memref<80x256xf32, #tpu.memory_space<vmem>>, vector<1x16xf32>,
        %get3A_699 = vector.shape_cast %get3A_698 : vector<1x16xf32> to vector<16xf32>
        %add3A_700 = arith.addf %get3A_695, %get3A_699 : vector<16xf32>
        %mul3A_701 = vector.broadcast %add3A_631 : f32 to vector<16xf32>
        %mul3A_702 = arith.mulf %mul3A_701, %get3A_13 : vector<16xf32>
        %add3A_703 = arith.addf %add3A_700, %mul3A_702 : vector<16xf32>
        %swap3A_704 = arith.index_cast %scan3A_591 : i32 to index
        %swap3A_705 = arith.constant 48 : index
        %swap3A_706 = tpu.vector_load %arg15[%swap3A_704, %swap3A_705] {strides = array<i32>} : memref<80x256xf32, #tpu.memory_space<vmem>>, vector<1x16xf32>,
        %swap3A_707 = vector.shape_cast %swap3A_706 : vector<1x16xf32> to vector<16xf32>
        %swap3A_708 = vector.shape_cast %add3A_703 : vector<16xf32> to vector<1x16xf32>
        tpu.vector_store %arg15[%swap3A_704, %swap3A_705], %swap3A_708 {strides = array<i32>} : memref<80x256xf32, #tpu.memory_space<vmem>>, vector<1x16xf32>,
        %add3A_709 = arith.addf %scan3A_595, %add3A_703 : vector<16xf32>
        %mul3A_710 = arith.mulf %add3A_703, %add3A_703 : vector<16xf32>
        %add3A_711 = arith.addf %scan3A_603, %mul3A_710 : vector<16xf32>
        %get3A_712 = arith.index_cast %scan3A_591 : i32 to index
        %get3A_713 = arith.constant 64 : index
        %get3A_714 = tpu.vector_load %arg15[%get3A_712, %get3A_713] {strides = array<i32>} : memref<80x256xf32, #tpu.memory_space<vmem>>, vector<1x16xf32>,
        %get3A_715 = vector.shape_cast %get3A_714 : vector<1x16xf32> to vector<16xf32>
        %get3A_716 = arith.index_cast %scan3A_591 : i32 to index
        %get3A_717 = arith.constant 64 : index
        %get3A_718 = tpu.vector_load %arg16[%get3A_716, %get3A_717] {strides = array<i32>} : memref<80x256xf32, #tpu.memory_space<vmem>>, vector<1x16xf32>,
        %get3A_719 = vector.shape_cast %get3A_718 : vector<1x16xf32> to vector<16xf32>
        %add3A_720 = arith.addf %get3A_715, %get3A_719 : vector<16xf32>
        %mul3A_721 = vector.broadcast %add3A_631 : f32 to vector<16xf32>
        %mul3A_722 = arith.mulf %mul3A_721, %get3A_16 : vector<16xf32>
        %add3A_723 = arith.addf %add3A_720, %mul3A_722 : vector<16xf32>
        %swap3A_724 = arith.index_cast %scan3A_591 : i32 to index
        %swap3A_725 = arith.constant 64 : index
        %swap3A_726 = tpu.vector_load %arg15[%swap3A_724, %swap3A_725] {strides = array<i32>} : memref<80x256xf32, #tpu.memory_space<vmem>>, vector<1x16xf32>,
        %swap3A_727 = vector.shape_cast %swap3A_726 : vector<1x16xf32> to vector<16xf32>
        %swap3A_728 = vector.shape_cast %add3A_723 : vector<16xf32> to vector<1x16xf32>
        tpu.vector_store %arg15[%swap3A_724, %swap3A_725], %swap3A_728 {strides = array<i32>} : memref<80x256xf32, #tpu.memory_space<vmem>>, vector<1x16xf32>,
        %add3A_729 = arith.addf %scan3A_596, %add3A_723 : vector<16xf32>
        %mul3A_730 = arith.mulf %add3A_723, %add3A_723 : vector<16xf32>
        %add3A_731 = arith.addf %scan3A_604, %mul3A_730 : vector<16xf32>
        %get3A_732 = arith.index_cast %scan3A_591 : i32 to index
        %get3A_733 = arith.constant 80 : index
        %get3A_734 = tpu.vector_load %arg15[%get3A_732, %get3A_733] {strides = array<i32>} : memref<80x256xf32, #tpu.memory_space<vmem>>, vector<1x16xf32>,
        %get3A_735 = vector.shape_cast %get3A_734 : vector<1x16xf32> to vector<16xf32>
        %get3A_736 = arith.index_cast %scan3A_591 : i32 to index
        %get3A_737 = arith.constant 80 : index
        %get3A_738 = tpu.vector_load %arg16[%get3A_736, %get3A_737] {strides = array<i32>} : memref<80x256xf32, #tpu.memory_space<vmem>>, vector<1x16xf32>,
        %get3A_739 = vector.shape_cast %get3A_738 : vector<1x16xf32> to vector<16xf32>
        %add3A_740 = arith.addf %get3A_735, %get3A_739 : vector<16xf32>
        %mul3A_741 = vector.broadcast %add3A_631 : f32 to vector<16xf32>
        %mul3A_742 = arith.mulf %mul3A_741, %get3A_19 : vector<16xf32>
        %add3A_743 = arith.addf %add3A_740, %mul3A_742 : vector<16xf32>
        %swap3A_744 = arith.index_cast %scan3A_591 : i32 to index
        %swap3A_745 = arith.constant 80 : index
        %swap3A_746 = tpu.vector_load %arg15[%swap3A_744, %swap3A_745] {strides = array<i32>} : memref<80x256xf32, #tpu.memory_space<vmem>>, vector<1x16xf32>,
        %swap3A_747 = vector.shape_cast %swap3A_746 : vector<1x16xf32> to vector<16xf32>
        %swap3A_748 = vector.shape_cast %add3A_743 : vector<16xf32> to vector<1x16xf32>
        tpu.vector_store %arg15[%swap3A_744, %swap3A_745], %swap3A_748 {strides = array<i32>} : memref<80x256xf32, #tpu.memory_space<vmem>>, vector<1x16xf32>,
        %add3A_749 = arith.addf %scan3A_597, %add3A_743 : vector<16xf32>
        %mul3A_750 = arith.mulf %add3A_743, %add3A_743 : vector<16xf32>
        %add3A_751 = arith.addf %scan3A_605, %mul3A_750 : vector<16xf32>
        %get3A_752 = arith.index_cast %scan3A_591 : i32 to index
        %get3A_753 = arith.constant 96 : index
        %get3A_754 = tpu.vector_load %arg15[%get3A_752, %get3A_753] {strides = array<i32>} : memref<80x256xf32, #tpu.memory_space<vmem>>, vector<1x16xf32>,
        %get3A_755 = vector.shape_cast %get3A_754 : vector<1x16xf32> to vector<16xf32>
        %get3A_756 = arith.index_cast %scan3A_591 : i32 to index
        %get3A_757 = arith.constant 96 : index
        %get3A_758 = tpu.vector_load %arg16[%get3A_756, %get3A_757] {strides = array<i32>} : memref<80x256xf32, #tpu.memory_space<vmem>>, vector<1x16xf32>,
        %get3A_759 = vector.shape_cast %get3A_758 : vector<1x16xf32> to vector<16xf32>
        %add3A_760 = arith.addf %get3A_755, %get3A_759 : vector<16xf32>
        %mul3A_761 = vector.broadcast %add3A_631 : f32 to vector<16xf32>
        %mul3A_762 = arith.mulf %mul3A_761, %get3A_22 : vector<16xf32>
        %add3A_763 = arith.addf %add3A_760, %mul3A_762 : vector<16xf32>
        %swap3A_764 = arith.index_cast %scan3A_591 : i32 to index
        %swap3A_765 = arith.constant 96 : index
        %swap3A_766 = tpu.vector_load %arg15[%swap3A_764, %swap3A_765] {strides = array<i32>} : memref<80x256xf32, #tpu.memory_space<vmem>>, vector<1x16xf32>,
        %swap3A_767 = vector.shape_cast %swap3A_766 : vector<1x16xf32> to vector<16xf32>
        %swap3A_768 = vector.shape_cast %add3A_763 : vector<16xf32> to vector<1x16xf32>
        tpu.vector_store %arg15[%swap3A_764, %swap3A_765], %swap3A_768 {strides = array<i32>} : memref<80x256xf32, #tpu.memory_space<vmem>>, vector<1x16xf32>,
        %add3A_769 = arith.addf %scan3A_598, %add3A_763 : vector<16xf32>
        %mul3A_770 = arith.mulf %add3A_763, %add3A_763 : vector<16xf32>
        %add3A_771 = arith.addf %scan3A_606, %mul3A_770 : vector<16xf32>
        %get3A_772 = arith.index_cast %scan3A_591 : i32 to index
        %get3A_773 = arith.constant 112 : index
        %get3A_774 = tpu.vector_load %arg15[%get3A_772, %get3A_773] {strides = array<i32>} : memref<80x256xf32, #tpu.memory_space<vmem>>, vector<1x16xf32>,
        %get3A_775 = vector.shape_cast %get3A_774 : vector<1x16xf32> to vector<16xf32>
        %get3A_776 = arith.index_cast %scan3A_591 : i32 to index
        %get3A_777 = arith.constant 112 : index
        %get3A_778 = tpu.vector_load %arg16[%get3A_776, %get3A_777] {strides = array<i32>} : memref<80x256xf32, #tpu.memory_space<vmem>>, vector<1x16xf32>,
        %get3A_779 = vector.shape_cast %get3A_778 : vector<1x16xf32> to vector<16xf32>
        %add3A_780 = arith.addf %get3A_775, %get3A_779 : vector<16xf32>
        %mul3A_781 = vector.broadcast %add3A_631 : f32 to vector<16xf32>
        %mul3A_782 = arith.mulf %mul3A_781, %get3A_25 : vector<16xf32>
        %add3A_783 = arith.addf %add3A_780, %mul3A_782 : vector<16xf32>
        %swap3A_784 = arith.index_cast %scan3A_591 : i32 to index
        %swap3A_785 = arith.constant 112 : index
        %swap3A_786 = tpu.vector_load %arg15[%swap3A_784, %swap3A_785] {strides = array<i32>} : memref<80x256xf32, #tpu.memory_space<vmem>>, vector<1x16xf32>,
        %swap3A_787 = vector.shape_cast %swap3A_786 : vector<1x16xf32> to vector<16xf32>
        %swap3A_788 = vector.shape_cast %add3A_783 : vector<16xf32> to vector<1x16xf32>
        tpu.vector_store %arg15[%swap3A_784, %swap3A_785], %swap3A_788 {strides = array<i32>} : memref<80x256xf32, #tpu.memory_space<vmem>>, vector<1x16xf32>,
        %add3A_789 = arith.addf %scan3A_599, %add3A_783 : vector<16xf32>
        %mul3A_790 = arith.mulf %add3A_783, %add3A_783 : vector<16xf32>
        %add3A_791 = arith.addf %scan3A_607, %mul3A_790 : vector<16xf32>
        scf.yield %add3A_649, %add3A_669, %add3A_689, %add3A_709, %add3A_729, %add3A_749, %add3A_769, %add3A_789, %add3A_651, %add3A_671, %add3A_691, %add3A_711, %add3A_731, %add3A_751, %add3A_771, %add3A_791 : vector<16xf32>, vector<16xf32>, vector<16xf32>, vector<16xf32>, vector<16xf32>, vector<16xf32>, vector<16xf32>, vector<16xf32>, vector<16xf32>, vector<16xf32>, vector<16xf32>, vector<16xf32>, vector<16xf32>, vector<16xf32>, vector<16xf32>, vector<16xf32>
      }
      %scan3A_577 = arith.constant 80 : i32
      %mul3A_578 = arith.constant 80 : i32
      %mul3A_579 = arith.muli %add3A_546, %mul3A_578 : i32
      %add3A_580 = arith.addi %mul3A_2, %mul3A_579 : i32
      %dma_start3A_581 = arith.constant 0 : i32
      %dma_start3A_582 = arith.constant 0 : i32
      %dma_start3A_583 = tpu.memref_slice %arg15[%dma_start3A_581, %dma_start3A_582] : memref<80x256xf32, #tpu.memory_space<vmem>> -> memref<80x128xf32, #tpu.memory_space<vmem>>
      %dma_start3A_584 = arith.constant 0 : i32
      %dma_start3A_585 = tpu.memref_slice %arg7[%add3A_580, %dma_start3A_584] : memref<320000x128xf32, #tpu.memory_space<hbm>> -> memref<80x128xf32, #tpu.memory_space<hbm>>
      %dma_start3A_586 = arith.constant 0 : i32
      %dma_start3A_587 = tpu.memref_slice %arg7[%add3A_580, %dma_start3A_586] : memref<320000x128xf32, #tpu.memory_space<hbm>> -> memref<80x128xf32, #tpu.memory_space<hbm>>
      %dma_start3A_588 = arith.constant 0 : i32
      %dma_start3A_589 = arith.constant 0 : i32
      %dma_start3A_590 = tpu.memref_slice %arg15[%dma_start3A_588, %dma_start3A_589] : memref<80x256xf32, #tpu.memory_space<vmem>> -> memref<80x128xf32, #tpu.memory_space<vmem>>
      tpu.enqueue_dma source(%dma_start3A_590 : memref<80x128xf32, #tpu.memory_space<vmem>>) target(%dma_start3A_587 : memref<80x128xf32, #tpu.memory_space<hbm>>) target_semaphore(%arg22 : memref<!tpu.dma_semaphore, #tpu.memory_space<semaphore_mem>>)
      scf.yield %scan3A_576#0, %scan3A_576#1, %scan3A_576#2, %scan3A_576#3, %scan3A_576#4, %scan3A_576#5, %scan3A_576#6, %scan3A_576#7, %scan3A_576#8, %scan3A_576#9, %scan3A_576#10, %scan3A_576#11, %scan3A_576#12, %scan3A_576#13, %scan3A_576#14, %scan3A_576#15 : vector<16xf32>, vector<16xf32>, vector<16xf32>, vector<16xf32>, vector<16xf32>, vector<16xf32>, vector<16xf32>, vector<16xf32>, vector<16xf32>, vector<16xf32>, vector<16xf32>, vector<16xf32>, vector<16xf32>, vector<16xf32>, vector<16xf32>, vector<16xf32>
    }
    %scan3A_42 = arith.constant 62 : i32
    %dma_wait3A = arith.constant 0 : i32
    %dma_wait3A_43 = arith.constant 0 : i32
    %dma_wait3A_44 = tpu.memref_slice %arg2[%dma_wait3A, %dma_wait3A_43] : memref<10000x256xf32, #tpu.memory_space<hbm>> -> memref<10000x256xf32, #tpu.memory_space<hbm>>
    tpu.wait_indirect_dma semaphore(%arg19 : memref<!tpu.dma_semaphore, #tpu.memory_space<semaphore_mem>>) src(%dma_wait3A_44 : memref<10000x256xf32, #tpu.memory_space<hbm>>) dst(%arg13 : memref<80x256xf32, #tpu.memory_space<vmem>>)
    %dma_wait3A_45 = arith.constant 0 : i32
    %dma_wait3A_46 = arith.constant 0 : i32
    %dma_wait3A_47 = tpu.memref_slice %arg3[%dma_wait3A_45, %dma_wait3A_46] : memref<10000x256xf32, #tpu.memory_space<hbm>> -> memref<10000x256xf32, #tpu.memory_space<hbm>>
    tpu.wait_indirect_dma semaphore(%arg19 : memref<!tpu.dma_semaphore, #tpu.memory_space<semaphore_mem>>) src(%dma_wait3A_47 : memref<10000x256xf32, #tpu.memory_space<hbm>>) dst(%arg14 : memref<80x256xf32, #tpu.memory_space<vmem>>)
    %add3A_48 = arith.constant 124 : i32
    %add3A_49 = arith.constant 2 : i32
    %add3A_50 = arith.addi %add3A_48, %add3A_49 : i32
    %lt3A = arith.constant 125 : i32
    %lt3A_51 = arith.cmpi slt, %add3A_50, %lt3A : i32
    %convert_element_type3A = arith.extui %lt3A_51 : i1 to i32
    %cond3A = arith.constant 124 : i32
    %cond3A_52 = arith.constant 0 : i32
    %cond3A_53 = arith.cmpi ne, %convert_element_type3A, %cond3A_52 : i32
    scf.if %cond3A_53 {
      %add3A_482 = arith.constant 2 : i32
      %add3A_483 = arith.addi %cond3A, %add3A_482 : i32
      %mul3A_484 = arith.constant 80 : i32
      %mul3A_485 = arith.muli %add3A_483, %mul3A_484 : i32
      %add3A_486 = arith.addi %mul3A_2, %mul3A_485 : i32
      %dma_start3A_487 = tpu.memref_slice %arg5[%add3A_486] : memref<320000xi32, #tpu.memory_space<hbm>> -> memref<80xi32, #tpu.memory_space<hbm>>
      %dma_start3A_488 = tpu.memref_slice %arg5[%add3A_486] : memref<320000xi32, #tpu.memory_space<hbm>> -> memref<80xi32, #tpu.memory_space<hbm>>
      tpu.enqueue_dma source(%dma_start3A_488 : memref<80xi32, #tpu.memory_space<hbm>>) target(%arg9 : memref<80xi32, #tpu.memory_space<vmem>>) target_semaphore(%arg23 : memref<!tpu.dma_semaphore, #tpu.memory_space<semaphore_mem>>)
      %dma_start3A_489 = tpu.memref_slice %arg6[%add3A_486] : memref<320000xi32, #tpu.memory_space<hbm>> -> memref<80xi32, #tpu.memory_space<hbm>>
      %dma_start3A_490 = tpu.memref_slice %arg6[%add3A_486] : memref<320000xi32, #tpu.memory_space<hbm>> -> memref<80xi32, #tpu.memory_space<hbm>>
      tpu.enqueue_dma source(%dma_start3A_490 : memref<80xi32, #tpu.memory_space<hbm>>) target(%arg10 : memref<80xi32, #tpu.memory_space<vmem>>) target_semaphore(%arg23 : memref<!tpu.dma_semaphore, #tpu.memory_space<semaphore_mem>>)
    } else {
    }
    %ge3A = arith.constant 124 : i32
    %ge3A_54 = arith.constant 1 : i32
    %ge3A_55 = arith.cmpi sge, %ge3A, %ge3A_54 : i32
    %convert_element_type3A_56 = arith.extui %ge3A_55 : i1 to i32
    %cond3A_57 = arith.constant 0 : i32
    %cond3A_58 = arith.cmpi ne, %convert_element_type3A_56, %cond3A_57 : i32
    scf.if %cond3A_58 {
      %dma_wait3A_482 = arith.constant 0 : i32
      %dma_wait3A_483 = arith.constant 0 : i32
      %dma_wait3A_484 = tpu.memref_slice %arg15[%dma_wait3A_482, %dma_wait3A_483] : memref<80x256xf32, #tpu.memory_space<vmem>> -> memref<80x128xf32, #tpu.memory_space<vmem>>
      %dma_wait3A_485 = arith.constant 0 : i32
      %dma_wait3A_486 = arith.constant 0 : i32
      %dma_wait3A_487 = tpu.memref_slice %arg7[%dma_wait3A_485, %dma_wait3A_486] : memref<320000x128xf32, #tpu.memory_space<hbm>> -> memref<80x128xf32, #tpu.memory_space<hbm>>
      %dma_wait3A_488 = arith.constant 0 : i32
      %dma_wait3A_489 = arith.constant 0 : i32
      %dma_wait3A_490 = tpu.memref_slice %arg7[%dma_wait3A_488, %dma_wait3A_489] : memref<320000x128xf32, #tpu.memory_space<hbm>> -> memref<80x128xf32, #tpu.memory_space<hbm>>
      %dma_wait3A_491 = arith.constant 0 : i32
      %dma_wait3A_492 = arith.constant 0 : i32
      %dma_wait3A_493 = tpu.memref_slice %arg15[%dma_wait3A_491, %dma_wait3A_492] : memref<80x256xf32, #tpu.memory_space<vmem>> -> memref<80x128xf32, #tpu.memory_space<vmem>>
      tpu.wait_dma2 semaphore(%arg22 : memref<!tpu.dma_semaphore, #tpu.memory_space<semaphore_mem>>) src(%dma_wait3A_493 : memref<80x128xf32, #tpu.memory_space<vmem>>) dst(%dma_wait3A_490 : memref<80x128xf32, #tpu.memory_space<hbm>>)
    } else {
    }
    %add3A_59 = arith.constant 124 : i32
    %add3A_60 = arith.constant 1 : i32
    %add3A_61 = arith.addi %add3A_59, %add3A_60 : i32
    %lt3A_62 = arith.constant 125 : i32
    %lt3A_63 = arith.cmpi slt, %add3A_61, %lt3A_62 : i32
    %convert_element_type3A_64 = arith.extui %lt3A_63 : i1 to i32
    %cond3A_65 = arith.constant 0 : i32
    %cond3A_66 = arith.cmpi ne, %convert_element_type3A_64, %cond3A_65 : i32
    scf.if %cond3A_66 {
      %dma_wait3A_482 = arith.constant 0 : i32
      %dma_wait3A_483 = tpu.memref_slice %arg5[%dma_wait3A_482] : memref<320000xi32, #tpu.memory_space<hbm>> -> memref<80xi32, #tpu.memory_space<hbm>>
      %dma_wait3A_484 = arith.constant 0 : i32
      %dma_wait3A_485 = tpu.memref_slice %arg5[%dma_wait3A_484] : memref<320000xi32, #tpu.memory_space<hbm>> -> memref<80xi32, #tpu.memory_space<hbm>>
      tpu.wait_dma2 semaphore(%arg24 : memref<!tpu.dma_semaphore, #tpu.memory_space<semaphore_mem>>) src(%dma_wait3A_485 : memref<80xi32, #tpu.memory_space<hbm>>) dst(%arg11 : memref<80xi32, #tpu.memory_space<vmem>>)
      %dma_wait3A_486 = arith.constant 0 : i32
      %dma_wait3A_487 = tpu.memref_slice %arg6[%dma_wait3A_486] : memref<320000xi32, #tpu.memory_space<hbm>> -> memref<80xi32, #tpu.memory_space<hbm>>
      %dma_wait3A_488 = arith.constant 0 : i32
      %dma_wait3A_489 = tpu.memref_slice %arg6[%dma_wait3A_488] : memref<320000xi32, #tpu.memory_space<hbm>> -> memref<80xi32, #tpu.memory_space<hbm>>
      tpu.wait_dma2 semaphore(%arg24 : memref<!tpu.dma_semaphore, #tpu.memory_space<semaphore_mem>>) src(%dma_wait3A_489 : memref<80xi32, #tpu.memory_space<hbm>>) dst(%arg12 : memref<80xi32, #tpu.memory_space<vmem>>)
      %dma_start3A_490 = arith.constant 0 : i32
      %dma_start3A_491 = arith.constant 0 : i32
      %dma_start3A_492 = tpu.memref_slice %arg2[%dma_start3A_490, %dma_start3A_491] : memref<10000x256xf32, #tpu.memory_space<hbm>> -> memref<10000x256xf32, #tpu.memory_space<hbm>>
      tpu.enqueue_indirect_dma source(%dma_start3A_492 : memref<10000x256xf32, #tpu.memory_space<hbm>>) target(%arg15 : memref<80x256xf32, #tpu.memory_space<vmem>>) offsets(%arg11 : memref<80xi32, #tpu.memory_space<vmem>>) semaphore(%arg20 : memref<!tpu.dma_semaphore, #tpu.memory_space<semaphore_mem>>)
      %dma_start3A_493 = arith.constant 0 : i32
      %dma_start3A_494 = arith.constant 0 : i32
      %dma_start3A_495 = tpu.memref_slice %arg3[%dma_start3A_493, %dma_start3A_494] : memref<10000x256xf32, #tpu.memory_space<hbm>> -> memref<10000x256xf32, #tpu.memory_space<hbm>>
      tpu.enqueue_indirect_dma source(%dma_start3A_495 : memref<10000x256xf32, #tpu.memory_space<hbm>>) target(%arg16 : memref<80x256xf32, #tpu.memory_space<vmem>>) offsets(%arg12 : memref<80xi32, #tpu.memory_space<vmem>>) semaphore(%arg20 : memref<!tpu.dma_semaphore, #tpu.memory_space<semaphore_mem>>)
    } else {
    }
    %scan3A_67 = arith.constant 0 : i32
    %scan3A_68 = arith.constant 80 : i32
    %scan3A_69 = arith.addi %scan3A_67, %scan3A_68 : i32
    %scan3A_70 = arith.constant 1 : i32
    %scan3A_71:16 = scf.for %scan3A_482 = %scan3A_67 to %scan3A_69 step %scan3A_70 iter_args(%scan3A_483 = %scan3A_41#0, %scan3A_484 = %scan3A_41#1, %scan3A_485 = %scan3A_41#2, %scan3A_486 = %scan3A_41#3, %scan3A_487 = %scan3A_41#4, %scan3A_488 = %scan3A_41#5, %scan3A_489 = %scan3A_41#6, %scan3A_490 = %scan3A_41#7, %scan3A_491 = %scan3A_41#8, %scan3A_492 = %scan3A_41#9, %scan3A_493 = %scan3A_41#10, %scan3A_494 = %scan3A_41#11, %scan3A_495 = %scan3A_41#12, %scan3A_496 = %scan3A_41#13, %scan3A_497 = %scan3A_41#14, %scan3A_498 = %scan3A_41#15) -> (vector<16xf32>, vector<16xf32>, vector<16xf32>, vector<16xf32>, vector<16xf32>, vector<16xf32>, vector<16xf32>, vector<16xf32>, vector<16xf32>, vector<16xf32>, vector<16xf32>, vector<16xf32>, vector<16xf32>, vector<16xf32>, vector<16xf32>, vector<16xf32>)  : i32 {
      %get3A_499 = arith.index_cast %scan3A_482 : i32 to index
      %get3A_500 = arith.constant 128 : index
      %get3A_501 = tpu.vector_load %arg13[%get3A_499, %get3A_500] {strides = array<i32>} : memref<80x256xf32, #tpu.memory_space<vmem>>, vector<1x16xf32>,
      %get3A_502 = vector.shape_cast %get3A_501 : vector<1x16xf32> to vector<16xf32>
      %get3A_503 = arith.index_cast %scan3A_482 : i32 to index
      %get3A_504 = arith.constant 128 : index
      %get3A_505 = tpu.vector_load %arg14[%get3A_503, %get3A_504] {strides = array<i32>} : memref<80x256xf32, #tpu.memory_space<vmem>>, vector<1x16xf32>,
      %get3A_506 = vector.shape_cast %get3A_505 : vector<1x16xf32> to vector<16xf32>
      %add3A_507 = arith.addf %get3A_502, %get3A_506 : vector<16xf32>
      %slice3A = vector.extract_strided_slice %add3A_507 {offsets = [0], sizes = [1], strides = [1]} : vector<16xf32> to vector<1xf32>
      %squeeze3A = vector.extract %slice3A[0] : f32 from vector<1xf32>
      %slice3A_508 = vector.extract_strided_slice %add3A_507 {offsets = [0], sizes = [1], strides = [1]} : vector<16xf32> to vector<1xf32>
      %squeeze3A_509 = vector.extract %slice3A_508[0] : f32 from vector<1xf32>
      %mul3A_510 = arith.mulf %squeeze3A, %squeeze3A_509 : f32
      %slice3A_511 = vector.extract_strided_slice %add3A_507 {offsets = [1], sizes = [1], strides = [1]} : vector<16xf32> to vector<1xf32>
      %squeeze3A_512 = vector.extract %slice3A_511[0] : f32 from vector<1xf32>
      %slice3A_513 = vector.extract_strided_slice %add3A_507 {offsets = [1], sizes = [1], strides = [1]} : vector<16xf32> to vector<1xf32>
      %squeeze3A_514 = vector.extract %slice3A_513[0] : f32 from vector<1xf32>
      %mul3A_515 = arith.mulf %squeeze3A_512, %squeeze3A_514 : f32
      %add3A_516 = arith.addf %mul3A_510, %mul3A_515 : f32
      %slice3A_517 = vector.extract_strided_slice %add3A_507 {offsets = [2], sizes = [1], strides = [1]} : vector<16xf32> to vector<1xf32>
      %squeeze3A_518 = vector.extract %slice3A_517[0] : f32 from vector<1xf32>
      %slice3A_519 = vector.extract_strided_slice %add3A_507 {offsets = [2], sizes = [1], strides = [1]} : vector<16xf32> to vector<1xf32>
      %squeeze3A_520 = vector.extract %slice3A_519[0] : f32 from vector<1xf32>
      %mul3A_521 = arith.mulf %squeeze3A_518, %squeeze3A_520 : f32
      %add3A_522 = arith.addf %add3A_516, %mul3A_521 : f32
      %get3A_523 = arith.index_cast %scan3A_482 : i32 to index
      %get3A_524 = arith.constant 0 : index
      %get3A_525 = tpu.vector_load %arg13[%get3A_523, %get3A_524] {strides = array<i32>} : memref<80x256xf32, #tpu.memory_space<vmem>>, vector<1x16xf32>,
      %get3A_526 = vector.shape_cast %get3A_525 : vector<1x16xf32> to vector<16xf32>
      %get3A_527 = arith.index_cast %scan3A_482 : i32 to index
      %get3A_528 = arith.constant 0 : index
      %get3A_529 = tpu.vector_load %arg14[%get3A_527, %get3A_528] {strides = array<i32>} : memref<80x256xf32, #tpu.memory_space<vmem>>, vector<1x16xf32>,
      %get3A_530 = vector.shape_cast %get3A_529 : vector<1x16xf32> to vector<16xf32>
      %add3A_531 = arith.addf %get3A_526, %get3A_530 : vector<16xf32>
      %mul3A_532 = vector.broadcast %add3A_522 : f32 to vector<16xf32>
      %mul3A_533 = arith.mulf %mul3A_532, %get3A_4 : vector<16xf32>
      %add3A_534 = arith.addf %add3A_531, %mul3A_533 : vector<16xf32>
      %swap3A_535 = arith.index_cast %scan3A_482 : i32 to index
      %swap3A_536 = arith.constant 0 : index
      %swap3A_537 = tpu.vector_load %arg13[%swap3A_535, %swap3A_536] {strides = array<i32>} : memref<80x256xf32, #tpu.memory_space<vmem>>, vector<1x16xf32>,
      %swap3A_538 = vector.shape_cast %swap3A_537 : vector<1x16xf32> to vector<16xf32>
      %swap3A_539 = vector.shape_cast %add3A_534 : vector<16xf32> to vector<1x16xf32>
      tpu.vector_store %arg13[%swap3A_535, %swap3A_536], %swap3A_539 {strides = array<i32>} : memref<80x256xf32, #tpu.memory_space<vmem>>, vector<1x16xf32>,
      %add3A_540 = arith.addf %scan3A_483, %add3A_534 : vector<16xf32>
      %mul3A_541 = arith.mulf %add3A_534, %add3A_534 : vector<16xf32>
      %add3A_542 = arith.addf %scan3A_491, %mul3A_541 : vector<16xf32>
      %get3A_543 = arith.index_cast %scan3A_482 : i32 to index
      %get3A_544 = arith.constant 16 : index
      %get3A_545 = tpu.vector_load %arg13[%get3A_543, %get3A_544] {strides = array<i32>} : memref<80x256xf32, #tpu.memory_space<vmem>>, vector<1x16xf32>,
      %get3A_546 = vector.shape_cast %get3A_545 : vector<1x16xf32> to vector<16xf32>
      %get3A_547 = arith.index_cast %scan3A_482 : i32 to index
      %get3A_548 = arith.constant 16 : index
      %get3A_549 = tpu.vector_load %arg14[%get3A_547, %get3A_548] {strides = array<i32>} : memref<80x256xf32, #tpu.memory_space<vmem>>, vector<1x16xf32>,
      %get3A_550 = vector.shape_cast %get3A_549 : vector<1x16xf32> to vector<16xf32>
      %add3A_551 = arith.addf %get3A_546, %get3A_550 : vector<16xf32>
      %mul3A_552 = vector.broadcast %add3A_522 : f32 to vector<16xf32>
      %mul3A_553 = arith.mulf %mul3A_552, %get3A_7 : vector<16xf32>
      %add3A_554 = arith.addf %add3A_551, %mul3A_553 : vector<16xf32>
      %swap3A_555 = arith.index_cast %scan3A_482 : i32 to index
      %swap3A_556 = arith.constant 16 : index
      %swap3A_557 = tpu.vector_load %arg13[%swap3A_555, %swap3A_556] {strides = array<i32>} : memref<80x256xf32, #tpu.memory_space<vmem>>, vector<1x16xf32>,
      %swap3A_558 = vector.shape_cast %swap3A_557 : vector<1x16xf32> to vector<16xf32>
      %swap3A_559 = vector.shape_cast %add3A_554 : vector<16xf32> to vector<1x16xf32>
      tpu.vector_store %arg13[%swap3A_555, %swap3A_556], %swap3A_559 {strides = array<i32>} : memref<80x256xf32, #tpu.memory_space<vmem>>, vector<1x16xf32>,
      %add3A_560 = arith.addf %scan3A_484, %add3A_554 : vector<16xf32>
      %mul3A_561 = arith.mulf %add3A_554, %add3A_554 : vector<16xf32>
      %add3A_562 = arith.addf %scan3A_492, %mul3A_561 : vector<16xf32>
      %get3A_563 = arith.index_cast %scan3A_482 : i32 to index
      %get3A_564 = arith.constant 32 : index
      %get3A_565 = tpu.vector_load %arg13[%get3A_563, %get3A_564] {strides = array<i32>} : memref<80x256xf32, #tpu.memory_space<vmem>>, vector<1x16xf32>,
      %get3A_566 = vector.shape_cast %get3A_565 : vector<1x16xf32> to vector<16xf32>
      %get3A_567 = arith.index_cast %scan3A_482 : i32 to index
      %get3A_568 = arith.constant 32 : index
      %get3A_569 = tpu.vector_load %arg14[%get3A_567, %get3A_568] {strides = array<i32>} : memref<80x256xf32, #tpu.memory_space<vmem>>, vector<1x16xf32>,
      %get3A_570 = vector.shape_cast %get3A_569 : vector<1x16xf32> to vector<16xf32>
      %add3A_571 = arith.addf %get3A_566, %get3A_570 : vector<16xf32>
      %mul3A_572 = vector.broadcast %add3A_522 : f32 to vector<16xf32>
      %mul3A_573 = arith.mulf %mul3A_572, %get3A_10 : vector<16xf32>
      %add3A_574 = arith.addf %add3A_571, %mul3A_573 : vector<16xf32>
      %swap3A_575 = arith.index_cast %scan3A_482 : i32 to index
      %swap3A_576 = arith.constant 32 : index
      %swap3A_577 = tpu.vector_load %arg13[%swap3A_575, %swap3A_576] {strides = array<i32>} : memref<80x256xf32, #tpu.memory_space<vmem>>, vector<1x16xf32>,
      %swap3A_578 = vector.shape_cast %swap3A_577 : vector<1x16xf32> to vector<16xf32>
      %swap3A_579 = vector.shape_cast %add3A_574 : vector<16xf32> to vector<1x16xf32>
      tpu.vector_store %arg13[%swap3A_575, %swap3A_576], %swap3A_579 {strides = array<i32>} : memref<80x256xf32, #tpu.memory_space<vmem>>, vector<1x16xf32>,
      %add3A_580 = arith.addf %scan3A_485, %add3A_574 : vector<16xf32>
      %mul3A_581 = arith.mulf %add3A_574, %add3A_574 : vector<16xf32>
      %add3A_582 = arith.addf %scan3A_493, %mul3A_581 : vector<16xf32>
      %get3A_583 = arith.index_cast %scan3A_482 : i32 to index
      %get3A_584 = arith.constant 48 : index
      %get3A_585 = tpu.vector_load %arg13[%get3A_583, %get3A_584] {strides = array<i32>} : memref<80x256xf32, #tpu.memory_space<vmem>>, vector<1x16xf32>,
      %get3A_586 = vector.shape_cast %get3A_585 : vector<1x16xf32> to vector<16xf32>
      %get3A_587 = arith.index_cast %scan3A_482 : i32 to index
      %get3A_588 = arith.constant 48 : index
      %get3A_589 = tpu.vector_load %arg14[%get3A_587, %get3A_588] {strides = array<i32>} : memref<80x256xf32, #tpu.memory_space<vmem>>, vector<1x16xf32>,
      %get3A_590 = vector.shape_cast %get3A_589 : vector<1x16xf32> to vector<16xf32>
      %add3A_591 = arith.addf %get3A_586, %get3A_590 : vector<16xf32>
      %mul3A_592 = vector.broadcast %add3A_522 : f32 to vector<16xf32>
      %mul3A_593 = arith.mulf %mul3A_592, %get3A_13 : vector<16xf32>
      %add3A_594 = arith.addf %add3A_591, %mul3A_593 : vector<16xf32>
      %swap3A_595 = arith.index_cast %scan3A_482 : i32 to index
      %swap3A_596 = arith.constant 48 : index
      %swap3A_597 = tpu.vector_load %arg13[%swap3A_595, %swap3A_596] {strides = array<i32>} : memref<80x256xf32, #tpu.memory_space<vmem>>, vector<1x16xf32>,
      %swap3A_598 = vector.shape_cast %swap3A_597 : vector<1x16xf32> to vector<16xf32>
      %swap3A_599 = vector.shape_cast %add3A_594 : vector<16xf32> to vector<1x16xf32>
      tpu.vector_store %arg13[%swap3A_595, %swap3A_596], %swap3A_599 {strides = array<i32>} : memref<80x256xf32, #tpu.memory_space<vmem>>, vector<1x16xf32>,
      %add3A_600 = arith.addf %scan3A_486, %add3A_594 : vector<16xf32>
      %mul3A_601 = arith.mulf %add3A_594, %add3A_594 : vector<16xf32>
      %add3A_602 = arith.addf %scan3A_494, %mul3A_601 : vector<16xf32>
      %get3A_603 = arith.index_cast %scan3A_482 : i32 to index
      %get3A_604 = arith.constant 64 : index
      %get3A_605 = tpu.vector_load %arg13[%get3A_603, %get3A_604] {strides = array<i32>} : memref<80x256xf32, #tpu.memory_space<vmem>>, vector<1x16xf32>,
      %get3A_606 = vector.shape_cast %get3A_605 : vector<1x16xf32> to vector<16xf32>
      %get3A_607 = arith.index_cast %scan3A_482 : i32 to index
      %get3A_608 = arith.constant 64 : index
      %get3A_609 = tpu.vector_load %arg14[%get3A_607, %get3A_608] {strides = array<i32>} : memref<80x256xf32, #tpu.memory_space<vmem>>, vector<1x16xf32>,
      %get3A_610 = vector.shape_cast %get3A_609 : vector<1x16xf32> to vector<16xf32>
      %add3A_611 = arith.addf %get3A_606, %get3A_610 : vector<16xf32>
      %mul3A_612 = vector.broadcast %add3A_522 : f32 to vector<16xf32>
      %mul3A_613 = arith.mulf %mul3A_612, %get3A_16 : vector<16xf32>
      %add3A_614 = arith.addf %add3A_611, %mul3A_613 : vector<16xf32>
      %swap3A_615 = arith.index_cast %scan3A_482 : i32 to index
      %swap3A_616 = arith.constant 64 : index
      %swap3A_617 = tpu.vector_load %arg13[%swap3A_615, %swap3A_616] {strides = array<i32>} : memref<80x256xf32, #tpu.memory_space<vmem>>, vector<1x16xf32>,
      %swap3A_618 = vector.shape_cast %swap3A_617 : vector<1x16xf32> to vector<16xf32>
      %swap3A_619 = vector.shape_cast %add3A_614 : vector<16xf32> to vector<1x16xf32>
      tpu.vector_store %arg13[%swap3A_615, %swap3A_616], %swap3A_619 {strides = array<i32>} : memref<80x256xf32, #tpu.memory_space<vmem>>, vector<1x16xf32>,
      %add3A_620 = arith.addf %scan3A_487, %add3A_614 : vector<16xf32>
      %mul3A_621 = arith.mulf %add3A_614, %add3A_614 : vector<16xf32>
      %add3A_622 = arith.addf %scan3A_495, %mul3A_621 : vector<16xf32>
      %get3A_623 = arith.index_cast %scan3A_482 : i32 to index
      %get3A_624 = arith.constant 80 : index
      %get3A_625 = tpu.vector_load %arg13[%get3A_623, %get3A_624] {strides = array<i32>} : memref<80x256xf32, #tpu.memory_space<vmem>>, vector<1x16xf32>,
      %get3A_626 = vector.shape_cast %get3A_625 : vector<1x16xf32> to vector<16xf32>
      %get3A_627 = arith.index_cast %scan3A_482 : i32 to index
      %get3A_628 = arith.constant 80 : index
      %get3A_629 = tpu.vector_load %arg14[%get3A_627, %get3A_628] {strides = array<i32>} : memref<80x256xf32, #tpu.memory_space<vmem>>, vector<1x16xf32>,
      %get3A_630 = vector.shape_cast %get3A_629 : vector<1x16xf32> to vector<16xf32>
      %add3A_631 = arith.addf %get3A_626, %get3A_630 : vector<16xf32>
      %mul3A_632 = vector.broadcast %add3A_522 : f32 to vector<16xf32>
      %mul3A_633 = arith.mulf %mul3A_632, %get3A_19 : vector<16xf32>
      %add3A_634 = arith.addf %add3A_631, %mul3A_633 : vector<16xf32>
      %swap3A_635 = arith.index_cast %scan3A_482 : i32 to index
      %swap3A_636 = arith.constant 80 : index
      %swap3A_637 = tpu.vector_load %arg13[%swap3A_635, %swap3A_636] {strides = array<i32>} : memref<80x256xf32, #tpu.memory_space<vmem>>, vector<1x16xf32>,
      %swap3A_638 = vector.shape_cast %swap3A_637 : vector<1x16xf32> to vector<16xf32>
      %swap3A_639 = vector.shape_cast %add3A_634 : vector<16xf32> to vector<1x16xf32>
      tpu.vector_store %arg13[%swap3A_635, %swap3A_636], %swap3A_639 {strides = array<i32>} : memref<80x256xf32, #tpu.memory_space<vmem>>, vector<1x16xf32>,
      %add3A_640 = arith.addf %scan3A_488, %add3A_634 : vector<16xf32>
      %mul3A_641 = arith.mulf %add3A_634, %add3A_634 : vector<16xf32>
      %add3A_642 = arith.addf %scan3A_496, %mul3A_641 : vector<16xf32>
      %get3A_643 = arith.index_cast %scan3A_482 : i32 to index
      %get3A_644 = arith.constant 96 : index
      %get3A_645 = tpu.vector_load %arg13[%get3A_643, %get3A_644] {strides = array<i32>} : memref<80x256xf32, #tpu.memory_space<vmem>>, vector<1x16xf32>,
      %get3A_646 = vector.shape_cast %get3A_645 : vector<1x16xf32> to vector<16xf32>
      %get3A_647 = arith.index_cast %scan3A_482 : i32 to index
      %get3A_648 = arith.constant 96 : index
      %get3A_649 = tpu.vector_load %arg14[%get3A_647, %get3A_648] {strides = array<i32>} : memref<80x256xf32, #tpu.memory_space<vmem>>, vector<1x16xf32>,
      %get3A_650 = vector.shape_cast %get3A_649 : vector<1x16xf32> to vector<16xf32>
      %add3A_651 = arith.addf %get3A_646, %get3A_650 : vector<16xf32>
      %mul3A_652 = vector.broadcast %add3A_522 : f32 to vector<16xf32>
      %mul3A_653 = arith.mulf %mul3A_652, %get3A_22 : vector<16xf32>
      %add3A_654 = arith.addf %add3A_651, %mul3A_653 : vector<16xf32>
      %swap3A_655 = arith.index_cast %scan3A_482 : i32 to index
      %swap3A_656 = arith.constant 96 : index
      %swap3A_657 = tpu.vector_load %arg13[%swap3A_655, %swap3A_656] {strides = array<i32>} : memref<80x256xf32, #tpu.memory_space<vmem>>, vector<1x16xf32>,
      %swap3A_658 = vector.shape_cast %swap3A_657 : vector<1x16xf32> to vector<16xf32>
      %swap3A_659 = vector.shape_cast %add3A_654 : vector<16xf32> to vector<1x16xf32>
      tpu.vector_store %arg13[%swap3A_655, %swap3A_656], %swap3A_659 {strides = array<i32>} : memref<80x256xf32, #tpu.memory_space<vmem>>, vector<1x16xf32>,
      %add3A_660 = arith.addf %scan3A_489, %add3A_654 : vector<16xf32>
      %mul3A_661 = arith.mulf %add3A_654, %add3A_654 : vector<16xf32>
      %add3A_662 = arith.addf %scan3A_497, %mul3A_661 : vector<16xf32>
      %get3A_663 = arith.index_cast %scan3A_482 : i32 to index
      %get3A_664 = arith.constant 112 : index
      %get3A_665 = tpu.vector_load %arg13[%get3A_663, %get3A_664] {strides = array<i32>} : memref<80x256xf32, #tpu.memory_space<vmem>>, vector<1x16xf32>,
      %get3A_666 = vector.shape_cast %get3A_665 : vector<1x16xf32> to vector<16xf32>
      %get3A_667 = arith.index_cast %scan3A_482 : i32 to index
      %get3A_668 = arith.constant 112 : index
      %get3A_669 = tpu.vector_load %arg14[%get3A_667, %get3A_668] {strides = array<i32>} : memref<80x256xf32, #tpu.memory_space<vmem>>, vector<1x16xf32>,
      %get3A_670 = vector.shape_cast %get3A_669 : vector<1x16xf32> to vector<16xf32>
      %add3A_671 = arith.addf %get3A_666, %get3A_670 : vector<16xf32>
      %mul3A_672 = vector.broadcast %add3A_522 : f32 to vector<16xf32>
      %mul3A_673 = arith.mulf %mul3A_672, %get3A_25 : vector<16xf32>
      %add3A_674 = arith.addf %add3A_671, %mul3A_673 : vector<16xf32>
      %swap3A_675 = arith.index_cast %scan3A_482 : i32 to index
      %swap3A_676 = arith.constant 112 : index
      %swap3A_677 = tpu.vector_load %arg13[%swap3A_675, %swap3A_676] {strides = array<i32>} : memref<80x256xf32, #tpu.memory_space<vmem>>, vector<1x16xf32>,
      %swap3A_678 = vector.shape_cast %swap3A_677 : vector<1x16xf32> to vector<16xf32>
      %swap3A_679 = vector.shape_cast %add3A_674 : vector<16xf32> to vector<1x16xf32>
      tpu.vector_store %arg13[%swap3A_675, %swap3A_676], %swap3A_679 {strides = array<i32>} : memref<80x256xf32, #tpu.memory_space<vmem>>, vector<1x16xf32>,
      %add3A_680 = arith.addf %scan3A_490, %add3A_674 : vector<16xf32>
      %mul3A_681 = arith.mulf %add3A_674, %add3A_674 : vector<16xf32>
      %add3A_682 = arith.addf %scan3A_498, %mul3A_681 : vector<16xf32>
      scf.yield %add3A_540, %add3A_560, %add3A_580, %add3A_600, %add3A_620, %add3A_640, %add3A_660, %add3A_680, %add3A_542, %add3A_562, %add3A_582, %add3A_602, %add3A_622, %add3A_642, %add3A_662, %add3A_682 : vector<16xf32>, vector<16xf32>, vector<16xf32>, vector<16xf32>, vector<16xf32>, vector<16xf32>, vector<16xf32>, vector<16xf32>, vector<16xf32>, vector<16xf32>, vector<16xf32>, vector<16xf32>, vector<16xf32>, vector<16xf32>, vector<16xf32>, vector<16xf32>
    }
    %scan3A_72 = arith.constant 80 : i32
    %mul3A_73 = arith.constant 124 : i32
    %mul3A_74 = arith.constant 80 : i32
    %mul3A_75 = arith.muli %mul3A_73, %mul3A_74 : i32
    %add3A_76 = arith.addi %mul3A_2, %mul3A_75 : i32
    %dma_start3A_77 = arith.constant 0 : i32
    %dma_start3A_78 = arith.constant 0 : i32
    %dma_start3A_79 = tpu.memref_slice %arg13[%dma_start3A_77, %dma_start3A_78] : memref<80x256xf32, #tpu.memory_space<vmem>> -> memref<80x128xf32, #tpu.memory_space<vmem>>
    %dma_start3A_80 = arith.constant 0 : i32
    %dma_start3A_81 = tpu.memref_slice %arg7[%add3A_76, %dma_start3A_80] : memref<320000x128xf32, #tpu.memory_space<hbm>> -> memref<80x128xf32, #tpu.memory_space<hbm>>
    %dma_start3A_82 = arith.constant 0 : i32
    %dma_start3A_83 = tpu.memref_slice %arg7[%add3A_76, %dma_start3A_82] : memref<320000x128xf32, #tpu.memory_space<hbm>> -> memref<80x128xf32, #tpu.memory_space<hbm>>
    %dma_start3A_84 = arith.constant 0 : i32
    %dma_start3A_85 = arith.constant 0 : i32
    %dma_start3A_86 = tpu.memref_slice %arg13[%dma_start3A_84, %dma_start3A_85] : memref<80x256xf32, #tpu.memory_space<vmem>> -> memref<80x128xf32, #tpu.memory_space<vmem>>
    tpu.enqueue_dma source(%dma_start3A_86 : memref<80x128xf32, #tpu.memory_space<vmem>>) target(%dma_start3A_83 : memref<80x128xf32, #tpu.memory_space<hbm>>) target_semaphore(%arg21 : memref<!tpu.dma_semaphore, #tpu.memory_space<semaphore_mem>>)
    %dma_wait3A_87 = arith.constant 0 : i32
    %dma_wait3A_88 = arith.constant 0 : i32
    %dma_wait3A_89 = tpu.memref_slice %arg13[%dma_wait3A_87, %dma_wait3A_88] : memref<80x256xf32, #tpu.memory_space<vmem>> -> memref<80x128xf32, #tpu.memory_space<vmem>>
    %dma_wait3A_90 = arith.constant 0 : i32
    %dma_wait3A_91 = arith.constant 0 : i32
    %dma_wait3A_92 = tpu.memref_slice %arg7[%dma_wait3A_90, %dma_wait3A_91] : memref<320000x128xf32, #tpu.memory_space<hbm>> -> memref<80x128xf32, #tpu.memory_space<hbm>>
    %dma_wait3A_93 = arith.constant 0 : i32
    %dma_wait3A_94 = arith.constant 0 : i32
    %dma_wait3A_95 = tpu.memref_slice %arg7[%dma_wait3A_93, %dma_wait3A_94] : memref<320000x128xf32, #tpu.memory_space<hbm>> -> memref<80x128xf32, #tpu.memory_space<hbm>>
    %dma_wait3A_96 = arith.constant 0 : i32
    %dma_wait3A_97 = arith.constant 0 : i32
    %dma_wait3A_98 = tpu.memref_slice %arg13[%dma_wait3A_96, %dma_wait3A_97] : memref<80x256xf32, #tpu.memory_space<vmem>> -> memref<80x128xf32, #tpu.memory_space<vmem>>
    tpu.wait_dma2 semaphore(%arg21 : memref<!tpu.dma_semaphore, #tpu.memory_space<semaphore_mem>>) src(%dma_wait3A_98 : memref<80x128xf32, #tpu.memory_space<vmem>>) dst(%dma_wait3A_95 : memref<80x128xf32, #tpu.memory_space<hbm>>)
    %swap3A = arith.constant 2 : i32
    %swap3A_99 = arith.index_cast %swap3A : i32 to index
    %swap3A_100 = arith.constant 0 : index
    %swap3A_101 = tpu.vector_load %arg18[%swap3A_99, %swap3A_100] {strides = array<i32>} : memref<8x128xf32, #tpu.memory_space<vmem>>, vector<1x16xf32>,
    %swap3A_102 = vector.shape_cast %swap3A_101 : vector<1x16xf32> to vector<16xf32>
    %swap3A_103 = vector.shape_cast %broadcast_in_dim3A_37 : vector<16xf32> to vector<1x16xf32>
    tpu.vector_store %arg18[%swap3A_99, %swap3A_100], %swap3A_103 {strides = array<i32>} : memref<8x128xf32, #tpu.memory_space<vmem>>, vector<1x16xf32>,
    %swap3A_104 = arith.constant 2 : i32
    %swap3A_105 = arith.index_cast %swap3A_104 : i32 to index
    %swap3A_106 = arith.constant 16 : index
    %swap3A_107 = tpu.vector_load %arg18[%swap3A_105, %swap3A_106] {strides = array<i32>} : memref<8x128xf32, #tpu.memory_space<vmem>>, vector<1x16xf32>,
    %swap3A_108 = vector.shape_cast %swap3A_107 : vector<1x16xf32> to vector<16xf32>
    %swap3A_109 = vector.shape_cast %broadcast_in_dim3A_37 : vector<16xf32> to vector<1x16xf32>
    tpu.vector_store %arg18[%swap3A_105, %swap3A_106], %swap3A_109 {strides = array<i32>} : memref<8x128xf32, #tpu.memory_space<vmem>>, vector<1x16xf32>,
    %swap3A_110 = arith.constant 2 : i32
    %swap3A_111 = arith.index_cast %swap3A_110 : i32 to index
    %swap3A_112 = arith.constant 32 : index
    %swap3A_113 = tpu.vector_load %arg18[%swap3A_111, %swap3A_112] {strides = array<i32>} : memref<8x128xf32, #tpu.memory_space<vmem>>, vector<1x16xf32>,
    %swap3A_114 = vector.shape_cast %swap3A_113 : vector<1x16xf32> to vector<16xf32>
    %swap3A_115 = vector.shape_cast %broadcast_in_dim3A_37 : vector<16xf32> to vector<1x16xf32>
    tpu.vector_store %arg18[%swap3A_111, %swap3A_112], %swap3A_115 {strides = array<i32>} : memref<8x128xf32, #tpu.memory_space<vmem>>, vector<1x16xf32>,
    %swap3A_116 = arith.constant 2 : i32
    %swap3A_117 = arith.index_cast %swap3A_116 : i32 to index
    %swap3A_118 = arith.constant 48 : index
    %swap3A_119 = tpu.vector_load %arg18[%swap3A_117, %swap3A_118] {strides = array<i32>} : memref<8x128xf32, #tpu.memory_space<vmem>>, vector<1x16xf32>,
    %swap3A_120 = vector.shape_cast %swap3A_119 : vector<1x16xf32> to vector<16xf32>
    %swap3A_121 = vector.shape_cast %broadcast_in_dim3A_37 : vector<16xf32> to vector<1x16xf32>
    tpu.vector_store %arg18[%swap3A_117, %swap3A_118], %swap3A_121 {strides = array<i32>} : memref<8x128xf32, #tpu.memory_space<vmem>>, vector<1x16xf32>,
    %swap3A_122 = arith.constant 2 : i32
    %swap3A_123 = arith.index_cast %swap3A_122 : i32 to index
    %swap3A_124 = arith.constant 64 : index
    %swap3A_125 = tpu.vector_load %arg18[%swap3A_123, %swap3A_124] {strides = array<i32>} : memref<8x128xf32, #tpu.memory_space<vmem>>, vector<1x16xf32>,
    %swap3A_126 = vector.shape_cast %swap3A_125 : vector<1x16xf32> to vector<16xf32>
    %swap3A_127 = vector.shape_cast %broadcast_in_dim3A_37 : vector<16xf32> to vector<1x16xf32>
    tpu.vector_store %arg18[%swap3A_123, %swap3A_124], %swap3A_127 {strides = array<i32>} : memref<8x128xf32, #tpu.memory_space<vmem>>, vector<1x16xf32>,
    %swap3A_128 = arith.constant 2 : i32
    %swap3A_129 = arith.index_cast %swap3A_128 : i32 to index
    %swap3A_130 = arith.constant 80 : index
    %swap3A_131 = tpu.vector_load %arg18[%swap3A_129, %swap3A_130] {strides = array<i32>} : memref<8x128xf32, #tpu.memory_space<vmem>>, vector<1x16xf32>,
    %swap3A_132 = vector.shape_cast %swap3A_131 : vector<1x16xf32> to vector<16xf32>
    %swap3A_133 = vector.shape_cast %broadcast_in_dim3A_37 : vector<16xf32> to vector<1x16xf32>
    tpu.vector_store %arg18[%swap3A_129, %swap3A_130], %swap3A_133 {strides = array<i32>} : memref<8x128xf32, #tpu.memory_space<vmem>>, vector<1x16xf32>,
    %swap3A_134 = arith.constant 2 : i32
    %swap3A_135 = arith.index_cast %swap3A_134 : i32 to index
    %swap3A_136 = arith.constant 96 : index
    %swap3A_137 = tpu.vector_load %arg18[%swap3A_135, %swap3A_136] {strides = array<i32>} : memref<8x128xf32, #tpu.memory_space<vmem>>, vector<1x16xf32>,
    %swap3A_138 = vector.shape_cast %swap3A_137 : vector<1x16xf32> to vector<16xf32>
    %swap3A_139 = vector.shape_cast %broadcast_in_dim3A_37 : vector<16xf32> to vector<1x16xf32>
    tpu.vector_store %arg18[%swap3A_135, %swap3A_136], %swap3A_139 {strides = array<i32>} : memref<8x128xf32, #tpu.memory_space<vmem>>, vector<1x16xf32>,
    %swap3A_140 = arith.constant 2 : i32
    %swap3A_141 = arith.index_cast %swap3A_140 : i32 to index
    %swap3A_142 = arith.constant 112 : index
    %swap3A_143 = tpu.vector_load %arg18[%swap3A_141, %swap3A_142] {strides = array<i32>} : memref<8x128xf32, #tpu.memory_space<vmem>>, vector<1x16xf32>,
    %swap3A_144 = vector.shape_cast %swap3A_143 : vector<1x16xf32> to vector<16xf32>
    %swap3A_145 = vector.shape_cast %broadcast_in_dim3A_37 : vector<16xf32> to vector<1x16xf32>
    tpu.vector_store %arg18[%swap3A_141, %swap3A_142], %swap3A_145 {strides = array<i32>} : memref<8x128xf32, #tpu.memory_space<vmem>>, vector<1x16xf32>,
    %swap3A_146 = arith.constant 3 : i32
    %swap3A_147 = arith.index_cast %swap3A_146 : i32 to index
    %swap3A_148 = arith.constant 0 : index
    %swap3A_149 = tpu.vector_load %arg18[%swap3A_147, %swap3A_148] {strides = array<i32>} : memref<8x128xf32, #tpu.memory_space<vmem>>, vector<1x16xf32>,
    %swap3A_150 = vector.shape_cast %swap3A_149 : vector<1x16xf32> to vector<16xf32>
    %swap3A_151 = vector.shape_cast %broadcast_in_dim3A_37 : vector<16xf32> to vector<1x16xf32>
    tpu.vector_store %arg18[%swap3A_147, %swap3A_148], %swap3A_151 {strides = array<i32>} : memref<8x128xf32, #tpu.memory_space<vmem>>, vector<1x16xf32>,
    %swap3A_152 = arith.constant 3 : i32
    %swap3A_153 = arith.index_cast %swap3A_152 : i32 to index
    %swap3A_154 = arith.constant 16 : index
    %swap3A_155 = tpu.vector_load %arg18[%swap3A_153, %swap3A_154] {strides = array<i32>} : memref<8x128xf32, #tpu.memory_space<vmem>>, vector<1x16xf32>,
    %swap3A_156 = vector.shape_cast %swap3A_155 : vector<1x16xf32> to vector<16xf32>
    %swap3A_157 = vector.shape_cast %broadcast_in_dim3A_37 : vector<16xf32> to vector<1x16xf32>
    tpu.vector_store %arg18[%swap3A_153, %swap3A_154], %swap3A_157 {strides = array<i32>} : memref<8x128xf32, #tpu.memory_space<vmem>>, vector<1x16xf32>,
    %swap3A_158 = arith.constant 3 : i32
    %swap3A_159 = arith.index_cast %swap3A_158 : i32 to index
    %swap3A_160 = arith.constant 32 : index
    %swap3A_161 = tpu.vector_load %arg18[%swap3A_159, %swap3A_160] {strides = array<i32>} : memref<8x128xf32, #tpu.memory_space<vmem>>, vector<1x16xf32>,
    %swap3A_162 = vector.shape_cast %swap3A_161 : vector<1x16xf32> to vector<16xf32>
    %swap3A_163 = vector.shape_cast %broadcast_in_dim3A_37 : vector<16xf32> to vector<1x16xf32>
    tpu.vector_store %arg18[%swap3A_159, %swap3A_160], %swap3A_163 {strides = array<i32>} : memref<8x128xf32, #tpu.memory_space<vmem>>, vector<1x16xf32>,
    %swap3A_164 = arith.constant 3 : i32
    %swap3A_165 = arith.index_cast %swap3A_164 : i32 to index
    %swap3A_166 = arith.constant 48 : index
    %swap3A_167 = tpu.vector_load %arg18[%swap3A_165, %swap3A_166] {strides = array<i32>} : memref<8x128xf32, #tpu.memory_space<vmem>>, vector<1x16xf32>,
    %swap3A_168 = vector.shape_cast %swap3A_167 : vector<1x16xf32> to vector<16xf32>
    %swap3A_169 = vector.shape_cast %broadcast_in_dim3A_37 : vector<16xf32> to vector<1x16xf32>
    tpu.vector_store %arg18[%swap3A_165, %swap3A_166], %swap3A_169 {strides = array<i32>} : memref<8x128xf32, #tpu.memory_space<vmem>>, vector<1x16xf32>,
    %swap3A_170 = arith.constant 3 : i32
    %swap3A_171 = arith.index_cast %swap3A_170 : i32 to index
    %swap3A_172 = arith.constant 64 : index
    %swap3A_173 = tpu.vector_load %arg18[%swap3A_171, %swap3A_172] {strides = array<i32>} : memref<8x128xf32, #tpu.memory_space<vmem>>, vector<1x16xf32>,
    %swap3A_174 = vector.shape_cast %swap3A_173 : vector<1x16xf32> to vector<16xf32>
    %swap3A_175 = vector.shape_cast %broadcast_in_dim3A_37 : vector<16xf32> to vector<1x16xf32>
    tpu.vector_store %arg18[%swap3A_171, %swap3A_172], %swap3A_175 {strides = array<i32>} : memref<8x128xf32, #tpu.memory_space<vmem>>, vector<1x16xf32>,
    %swap3A_176 = arith.constant 3 : i32
    %swap3A_177 = arith.index_cast %swap3A_176 : i32 to index
    %swap3A_178 = arith.constant 80 : index
    %swap3A_179 = tpu.vector_load %arg18[%swap3A_177, %swap3A_178] {strides = array<i32>} : memref<8x128xf32, #tpu.memory_space<vmem>>, vector<1x16xf32>,
    %swap3A_180 = vector.shape_cast %swap3A_179 : vector<1x16xf32> to vector<16xf32>
    %swap3A_181 = vector.shape_cast %broadcast_in_dim3A_37 : vector<16xf32> to vector<1x16xf32>
    tpu.vector_store %arg18[%swap3A_177, %swap3A_178], %swap3A_181 {strides = array<i32>} : memref<8x128xf32, #tpu.memory_space<vmem>>, vector<1x16xf32>,
    %swap3A_182 = arith.constant 3 : i32
    %swap3A_183 = arith.index_cast %swap3A_182 : i32 to index
    %swap3A_184 = arith.constant 96 : index
    %swap3A_185 = tpu.vector_load %arg18[%swap3A_183, %swap3A_184] {strides = array<i32>} : memref<8x128xf32, #tpu.memory_space<vmem>>, vector<1x16xf32>,
    %swap3A_186 = vector.shape_cast %swap3A_185 : vector<1x16xf32> to vector<16xf32>
    %swap3A_187 = vector.shape_cast %broadcast_in_dim3A_37 : vector<16xf32> to vector<1x16xf32>
    tpu.vector_store %arg18[%swap3A_183, %swap3A_184], %swap3A_187 {strides = array<i32>} : memref<8x128xf32, #tpu.memory_space<vmem>>, vector<1x16xf32>,
    %swap3A_188 = arith.constant 3 : i32
    %swap3A_189 = arith.index_cast %swap3A_188 : i32 to index
    %swap3A_190 = arith.constant 112 : index
    %swap3A_191 = tpu.vector_load %arg18[%swap3A_189, %swap3A_190] {strides = array<i32>} : memref<8x128xf32, #tpu.memory_space<vmem>>, vector<1x16xf32>,
    %swap3A_192 = vector.shape_cast %swap3A_191 : vector<1x16xf32> to vector<16xf32>
    %swap3A_193 = vector.shape_cast %broadcast_in_dim3A_37 : vector<16xf32> to vector<1x16xf32>
    tpu.vector_store %arg18[%swap3A_189, %swap3A_190], %swap3A_193 {strides = array<i32>} : memref<8x128xf32, #tpu.memory_space<vmem>>, vector<1x16xf32>,
    %swap3A_194 = arith.constant 4 : i32
    %swap3A_195 = arith.index_cast %swap3A_194 : i32 to index
    %swap3A_196 = arith.constant 0 : index
    %swap3A_197 = tpu.vector_load %arg18[%swap3A_195, %swap3A_196] {strides = array<i32>} : memref<8x128xf32, #tpu.memory_space<vmem>>, vector<1x16xf32>,
    %swap3A_198 = vector.shape_cast %swap3A_197 : vector<1x16xf32> to vector<16xf32>
    %swap3A_199 = vector.shape_cast %broadcast_in_dim3A_37 : vector<16xf32> to vector<1x16xf32>
    tpu.vector_store %arg18[%swap3A_195, %swap3A_196], %swap3A_199 {strides = array<i32>} : memref<8x128xf32, #tpu.memory_space<vmem>>, vector<1x16xf32>,
    %swap3A_200 = arith.constant 4 : i32
    %swap3A_201 = arith.index_cast %swap3A_200 : i32 to index
    %swap3A_202 = arith.constant 16 : index
    %swap3A_203 = tpu.vector_load %arg18[%swap3A_201, %swap3A_202] {strides = array<i32>} : memref<8x128xf32, #tpu.memory_space<vmem>>, vector<1x16xf32>,
    %swap3A_204 = vector.shape_cast %swap3A_203 : vector<1x16xf32> to vector<16xf32>
    %swap3A_205 = vector.shape_cast %broadcast_in_dim3A_37 : vector<16xf32> to vector<1x16xf32>
    tpu.vector_store %arg18[%swap3A_201, %swap3A_202], %swap3A_205 {strides = array<i32>} : memref<8x128xf32, #tpu.memory_space<vmem>>, vector<1x16xf32>,
    %swap3A_206 = arith.constant 4 : i32
    %swap3A_207 = arith.index_cast %swap3A_206 : i32 to index
    %swap3A_208 = arith.constant 32 : index
    %swap3A_209 = tpu.vector_load %arg18[%swap3A_207, %swap3A_208] {strides = array<i32>} : memref<8x128xf32, #tpu.memory_space<vmem>>, vector<1x16xf32>,
    %swap3A_210 = vector.shape_cast %swap3A_209 : vector<1x16xf32> to vector<16xf32>
    %swap3A_211 = vector.shape_cast %broadcast_in_dim3A_37 : vector<16xf32> to vector<1x16xf32>
    tpu.vector_store %arg18[%swap3A_207, %swap3A_208], %swap3A_211 {strides = array<i32>} : memref<8x128xf32, #tpu.memory_space<vmem>>, vector<1x16xf32>,
    %swap3A_212 = arith.constant 4 : i32
    %swap3A_213 = arith.index_cast %swap3A_212 : i32 to index
    %swap3A_214 = arith.constant 48 : index
    %swap3A_215 = tpu.vector_load %arg18[%swap3A_213, %swap3A_214] {strides = array<i32>} : memref<8x128xf32, #tpu.memory_space<vmem>>, vector<1x16xf32>,
    %swap3A_216 = vector.shape_cast %swap3A_215 : vector<1x16xf32> to vector<16xf32>
    %swap3A_217 = vector.shape_cast %broadcast_in_dim3A_37 : vector<16xf32> to vector<1x16xf32>
    tpu.vector_store %arg18[%swap3A_213, %swap3A_214], %swap3A_217 {strides = array<i32>} : memref<8x128xf32, #tpu.memory_space<vmem>>, vector<1x16xf32>,
    %swap3A_218 = arith.constant 4 : i32
    %swap3A_219 = arith.index_cast %swap3A_218 : i32 to index
    %swap3A_220 = arith.constant 64 : index
    %swap3A_221 = tpu.vector_load %arg18[%swap3A_219, %swap3A_220] {strides = array<i32>} : memref<8x128xf32, #tpu.memory_space<vmem>>, vector<1x16xf32>,
    %swap3A_222 = vector.shape_cast %swap3A_221 : vector<1x16xf32> to vector<16xf32>
    %swap3A_223 = vector.shape_cast %broadcast_in_dim3A_37 : vector<16xf32> to vector<1x16xf32>
    tpu.vector_store %arg18[%swap3A_219, %swap3A_220], %swap3A_223 {strides = array<i32>} : memref<8x128xf32, #tpu.memory_space<vmem>>, vector<1x16xf32>,
    %swap3A_224 = arith.constant 4 : i32
    %swap3A_225 = arith.index_cast %swap3A_224 : i32 to index
    %swap3A_226 = arith.constant 80 : index
    %swap3A_227 = tpu.vector_load %arg18[%swap3A_225, %swap3A_226] {strides = array<i32>} : memref<8x128xf32, #tpu.memory_space<vmem>>, vector<1x16xf32>,
    %swap3A_228 = vector.shape_cast %swap3A_227 : vector<1x16xf32> to vector<16xf32>
    %swap3A_229 = vector.shape_cast %broadcast_in_dim3A_37 : vector<16xf32> to vector<1x16xf32>
    tpu.vector_store %arg18[%swap3A_225, %swap3A_226], %swap3A_229 {strides = array<i32>} : memref<8x128xf32, #tpu.memory_space<vmem>>, vector<1x16xf32>,
    %swap3A_230 = arith.constant 4 : i32
    %swap3A_231 = arith.index_cast %swap3A_230 : i32 to index
    %swap3A_232 = arith.constant 96 : index
    %swap3A_233 = tpu.vector_load %arg18[%swap3A_231, %swap3A_232] {strides = array<i32>} : memref<8x128xf32, #tpu.memory_space<vmem>>, vector<1x16xf32>,
    %swap3A_234 = vector.shape_cast %swap3A_233 : vector<1x16xf32> to vector<16xf32>
    %swap3A_235 = vector.shape_cast %broadcast_in_dim3A_37 : vector<16xf32> to vector<1x16xf32>
    tpu.vector_store %arg18[%swap3A_231, %swap3A_232], %swap3A_235 {strides = array<i32>} : memref<8x128xf32, #tpu.memory_space<vmem>>, vector<1x16xf32>,
    %swap3A_236 = arith.constant 4 : i32
    %swap3A_237 = arith.index_cast %swap3A_236 : i32 to index
    %swap3A_238 = arith.constant 112 : index
    %swap3A_239 = tpu.vector_load %arg18[%swap3A_237, %swap3A_238] {strides = array<i32>} : memref<8x128xf32, #tpu.memory_space<vmem>>, vector<1x16xf32>,
    %swap3A_240 = vector.shape_cast %swap3A_239 : vector<1x16xf32> to vector<16xf32>
    %swap3A_241 = vector.shape_cast %broadcast_in_dim3A_37 : vector<16xf32> to vector<1x16xf32>
    tpu.vector_store %arg18[%swap3A_237, %swap3A_238], %swap3A_241 {strides = array<i32>} : memref<8x128xf32, #tpu.memory_space<vmem>>, vector<1x16xf32>,
    %swap3A_242 = arith.constant 5 : i32
    %swap3A_243 = arith.index_cast %swap3A_242 : i32 to index
    %swap3A_244 = arith.constant 0 : index
    %swap3A_245 = tpu.vector_load %arg18[%swap3A_243, %swap3A_244] {strides = array<i32>} : memref<8x128xf32, #tpu.memory_space<vmem>>, vector<1x16xf32>,
    %swap3A_246 = vector.shape_cast %swap3A_245 : vector<1x16xf32> to vector<16xf32>
    %swap3A_247 = vector.shape_cast %broadcast_in_dim3A_37 : vector<16xf32> to vector<1x16xf32>
    tpu.vector_store %arg18[%swap3A_243, %swap3A_244], %swap3A_247 {strides = array<i32>} : memref<8x128xf32, #tpu.memory_space<vmem>>, vector<1x16xf32>,
    %swap3A_248 = arith.constant 5 : i32
    %swap3A_249 = arith.index_cast %swap3A_248 : i32 to index
    %swap3A_250 = arith.constant 16 : index
    %swap3A_251 = tpu.vector_load %arg18[%swap3A_249, %swap3A_250] {strides = array<i32>} : memref<8x128xf32, #tpu.memory_space<vmem>>, vector<1x16xf32>,
    %swap3A_252 = vector.shape_cast %swap3A_251 : vector<1x16xf32> to vector<16xf32>
    %swap3A_253 = vector.shape_cast %broadcast_in_dim3A_37 : vector<16xf32> to vector<1x16xf32>
    tpu.vector_store %arg18[%swap3A_249, %swap3A_250], %swap3A_253 {strides = array<i32>} : memref<8x128xf32, #tpu.memory_space<vmem>>, vector<1x16xf32>,
    %swap3A_254 = arith.constant 5 : i32
    %swap3A_255 = arith.index_cast %swap3A_254 : i32 to index
    %swap3A_256 = arith.constant 32 : index
    %swap3A_257 = tpu.vector_load %arg18[%swap3A_255, %swap3A_256] {strides = array<i32>} : memref<8x128xf32, #tpu.memory_space<vmem>>, vector<1x16xf32>,
    %swap3A_258 = vector.shape_cast %swap3A_257 : vector<1x16xf32> to vector<16xf32>
    %swap3A_259 = vector.shape_cast %broadcast_in_dim3A_37 : vector<16xf32> to vector<1x16xf32>
    tpu.vector_store %arg18[%swap3A_255, %swap3A_256], %swap3A_259 {strides = array<i32>} : memref<8x128xf32, #tpu.memory_space<vmem>>, vector<1x16xf32>,
    %swap3A_260 = arith.constant 5 : i32
    %swap3A_261 = arith.index_cast %swap3A_260 : i32 to index
    %swap3A_262 = arith.constant 48 : index
    %swap3A_263 = tpu.vector_load %arg18[%swap3A_261, %swap3A_262] {strides = array<i32>} : memref<8x128xf32, #tpu.memory_space<vmem>>, vector<1x16xf32>,
    %swap3A_264 = vector.shape_cast %swap3A_263 : vector<1x16xf32> to vector<16xf32>
    %swap3A_265 = vector.shape_cast %broadcast_in_dim3A_37 : vector<16xf32> to vector<1x16xf32>
    tpu.vector_store %arg18[%swap3A_261, %swap3A_262], %swap3A_265 {strides = array<i32>} : memref<8x128xf32, #tpu.memory_space<vmem>>, vector<1x16xf32>,
    %swap3A_266 = arith.constant 5 : i32
    %swap3A_267 = arith.index_cast %swap3A_266 : i32 to index
    %swap3A_268 = arith.constant 64 : index
    %swap3A_269 = tpu.vector_load %arg18[%swap3A_267, %swap3A_268] {strides = array<i32>} : memref<8x128xf32, #tpu.memory_space<vmem>>, vector<1x16xf32>,
    %swap3A_270 = vector.shape_cast %swap3A_269 : vector<1x16xf32> to vector<16xf32>
    %swap3A_271 = vector.shape_cast %broadcast_in_dim3A_37 : vector<16xf32> to vector<1x16xf32>
    tpu.vector_store %arg18[%swap3A_267, %swap3A_268], %swap3A_271 {strides = array<i32>} : memref<8x128xf32, #tpu.memory_space<vmem>>, vector<1x16xf32>,
    %swap3A_272 = arith.constant 5 : i32
    %swap3A_273 = arith.index_cast %swap3A_272 : i32 to index
    %swap3A_274 = arith.constant 80 : index
    %swap3A_275 = tpu.vector_load %arg18[%swap3A_273, %swap3A_274] {strides = array<i32>} : memref<8x128xf32, #tpu.memory_space<vmem>>, vector<1x16xf32>,
    %swap3A_276 = vector.shape_cast %swap3A_275 : vector<1x16xf32> to vector<16xf32>
    %swap3A_277 = vector.shape_cast %broadcast_in_dim3A_37 : vector<16xf32> to vector<1x16xf32>
    tpu.vector_store %arg18[%swap3A_273, %swap3A_274], %swap3A_277 {strides = array<i32>} : memref<8x128xf32, #tpu.memory_space<vmem>>, vector<1x16xf32>,
    %swap3A_278 = arith.constant 5 : i32
    %swap3A_279 = arith.index_cast %swap3A_278 : i32 to index
    %swap3A_280 = arith.constant 96 : index
    %swap3A_281 = tpu.vector_load %arg18[%swap3A_279, %swap3A_280] {strides = array<i32>} : memref<8x128xf32, #tpu.memory_space<vmem>>, vector<1x16xf32>,
    %swap3A_282 = vector.shape_cast %swap3A_281 : vector<1x16xf32> to vector<16xf32>
    %swap3A_283 = vector.shape_cast %broadcast_in_dim3A_37 : vector<16xf32> to vector<1x16xf32>
    tpu.vector_store %arg18[%swap3A_279, %swap3A_280], %swap3A_283 {strides = array<i32>} : memref<8x128xf32, #tpu.memory_space<vmem>>, vector<1x16xf32>,
    %swap3A_284 = arith.constant 5 : i32
    %swap3A_285 = arith.index_cast %swap3A_284 : i32 to index
    %swap3A_286 = arith.constant 112 : index
    %swap3A_287 = tpu.vector_load %arg18[%swap3A_285, %swap3A_286] {strides = array<i32>} : memref<8x128xf32, #tpu.memory_space<vmem>>, vector<1x16xf32>,
    %swap3A_288 = vector.shape_cast %swap3A_287 : vector<1x16xf32> to vector<16xf32>
    %swap3A_289 = vector.shape_cast %broadcast_in_dim3A_37 : vector<16xf32> to vector<1x16xf32>
    tpu.vector_store %arg18[%swap3A_285, %swap3A_286], %swap3A_289 {strides = array<i32>} : memref<8x128xf32, #tpu.memory_space<vmem>>, vector<1x16xf32>,
    %swap3A_290 = arith.constant 6 : i32
    %swap3A_291 = arith.index_cast %swap3A_290 : i32 to index
    %swap3A_292 = arith.constant 0 : index
    %swap3A_293 = tpu.vector_load %arg18[%swap3A_291, %swap3A_292] {strides = array<i32>} : memref<8x128xf32, #tpu.memory_space<vmem>>, vector<1x16xf32>,
    %swap3A_294 = vector.shape_cast %swap3A_293 : vector<1x16xf32> to vector<16xf32>
    %swap3A_295 = vector.shape_cast %broadcast_in_dim3A_37 : vector<16xf32> to vector<1x16xf32>
    tpu.vector_store %arg18[%swap3A_291, %swap3A_292], %swap3A_295 {strides = array<i32>} : memref<8x128xf32, #tpu.memory_space<vmem>>, vector<1x16xf32>,
    %swap3A_296 = arith.constant 6 : i32
    %swap3A_297 = arith.index_cast %swap3A_296 : i32 to index
    %swap3A_298 = arith.constant 16 : index
    %swap3A_299 = tpu.vector_load %arg18[%swap3A_297, %swap3A_298] {strides = array<i32>} : memref<8x128xf32, #tpu.memory_space<vmem>>, vector<1x16xf32>,
    %swap3A_300 = vector.shape_cast %swap3A_299 : vector<1x16xf32> to vector<16xf32>
    %swap3A_301 = vector.shape_cast %broadcast_in_dim3A_37 : vector<16xf32> to vector<1x16xf32>
    tpu.vector_store %arg18[%swap3A_297, %swap3A_298], %swap3A_301 {strides = array<i32>} : memref<8x128xf32, #tpu.memory_space<vmem>>, vector<1x16xf32>,
    %swap3A_302 = arith.constant 6 : i32
    %swap3A_303 = arith.index_cast %swap3A_302 : i32 to index
    %swap3A_304 = arith.constant 32 : index
    %swap3A_305 = tpu.vector_load %arg18[%swap3A_303, %swap3A_304] {strides = array<i32>} : memref<8x128xf32, #tpu.memory_space<vmem>>, vector<1x16xf32>,
    %swap3A_306 = vector.shape_cast %swap3A_305 : vector<1x16xf32> to vector<16xf32>
    %swap3A_307 = vector.shape_cast %broadcast_in_dim3A_37 : vector<16xf32> to vector<1x16xf32>
    tpu.vector_store %arg18[%swap3A_303, %swap3A_304], %swap3A_307 {strides = array<i32>} : memref<8x128xf32, #tpu.memory_space<vmem>>, vector<1x16xf32>,
    %swap3A_308 = arith.constant 6 : i32
    %swap3A_309 = arith.index_cast %swap3A_308 : i32 to index
    %swap3A_310 = arith.constant 48 : index
    %swap3A_311 = tpu.vector_load %arg18[%swap3A_309, %swap3A_310] {strides = array<i32>} : memref<8x128xf32, #tpu.memory_space<vmem>>, vector<1x16xf32>,
    %swap3A_312 = vector.shape_cast %swap3A_311 : vector<1x16xf32> to vector<16xf32>
    %swap3A_313 = vector.shape_cast %broadcast_in_dim3A_37 : vector<16xf32> to vector<1x16xf32>
    tpu.vector_store %arg18[%swap3A_309, %swap3A_310], %swap3A_313 {strides = array<i32>} : memref<8x128xf32, #tpu.memory_space<vmem>>, vector<1x16xf32>,
    %swap3A_314 = arith.constant 6 : i32
    %swap3A_315 = arith.index_cast %swap3A_314 : i32 to index
    %swap3A_316 = arith.constant 64 : index
    %swap3A_317 = tpu.vector_load %arg18[%swap3A_315, %swap3A_316] {strides = array<i32>} : memref<8x128xf32, #tpu.memory_space<vmem>>, vector<1x16xf32>,
    %swap3A_318 = vector.shape_cast %swap3A_317 : vector<1x16xf32> to vector<16xf32>
    %swap3A_319 = vector.shape_cast %broadcast_in_dim3A_37 : vector<16xf32> to vector<1x16xf32>
    tpu.vector_store %arg18[%swap3A_315, %swap3A_316], %swap3A_319 {strides = array<i32>} : memref<8x128xf32, #tpu.memory_space<vmem>>, vector<1x16xf32>,
    %swap3A_320 = arith.constant 6 : i32
    %swap3A_321 = arith.index_cast %swap3A_320 : i32 to index
    %swap3A_322 = arith.constant 80 : index
    %swap3A_323 = tpu.vector_load %arg18[%swap3A_321, %swap3A_322] {strides = array<i32>} : memref<8x128xf32, #tpu.memory_space<vmem>>, vector<1x16xf32>,
    %swap3A_324 = vector.shape_cast %swap3A_323 : vector<1x16xf32> to vector<16xf32>
    %swap3A_325 = vector.shape_cast %broadcast_in_dim3A_37 : vector<16xf32> to vector<1x16xf32>
    tpu.vector_store %arg18[%swap3A_321, %swap3A_322], %swap3A_325 {strides = array<i32>} : memref<8x128xf32, #tpu.memory_space<vmem>>, vector<1x16xf32>,
    %swap3A_326 = arith.constant 6 : i32
    %swap3A_327 = arith.index_cast %swap3A_326 : i32 to index
    %swap3A_328 = arith.constant 96 : index
    %swap3A_329 = tpu.vector_load %arg18[%swap3A_327, %swap3A_328] {strides = array<i32>} : memref<8x128xf32, #tpu.memory_space<vmem>>, vector<1x16xf32>,
    %swap3A_330 = vector.shape_cast %swap3A_329 : vector<1x16xf32> to vector<16xf32>
    %swap3A_331 = vector.shape_cast %broadcast_in_dim3A_37 : vector<16xf32> to vector<1x16xf32>
    tpu.vector_store %arg18[%swap3A_327, %swap3A_328], %swap3A_331 {strides = array<i32>} : memref<8x128xf32, #tpu.memory_space<vmem>>, vector<1x16xf32>,
    %swap3A_332 = arith.constant 6 : i32
    %swap3A_333 = arith.index_cast %swap3A_332 : i32 to index
    %swap3A_334 = arith.constant 112 : index
    %swap3A_335 = tpu.vector_load %arg18[%swap3A_333, %swap3A_334] {strides = array<i32>} : memref<8x128xf32, #tpu.memory_space<vmem>>, vector<1x16xf32>,
    %swap3A_336 = vector.shape_cast %swap3A_335 : vector<1x16xf32> to vector<16xf32>
    %swap3A_337 = vector.shape_cast %broadcast_in_dim3A_37 : vector<16xf32> to vector<1x16xf32>
    tpu.vector_store %arg18[%swap3A_333, %swap3A_334], %swap3A_337 {strides = array<i32>} : memref<8x128xf32, #tpu.memory_space<vmem>>, vector<1x16xf32>,
    %swap3A_338 = arith.constant 7 : i32
    %swap3A_339 = arith.index_cast %swap3A_338 : i32 to index
    %swap3A_340 = arith.constant 0 : index
    %swap3A_341 = tpu.vector_load %arg18[%swap3A_339, %swap3A_340] {strides = array<i32>} : memref<8x128xf32, #tpu.memory_space<vmem>>, vector<1x16xf32>,
    %swap3A_342 = vector.shape_cast %swap3A_341 : vector<1x16xf32> to vector<16xf32>
    %swap3A_343 = vector.shape_cast %broadcast_in_dim3A_37 : vector<16xf32> to vector<1x16xf32>
    tpu.vector_store %arg18[%swap3A_339, %swap3A_340], %swap3A_343 {strides = array<i32>} : memref<8x128xf32, #tpu.memory_space<vmem>>, vector<1x16xf32>,
    %swap3A_344 = arith.constant 7 : i32
    %swap3A_345 = arith.index_cast %swap3A_344 : i32 to index
    %swap3A_346 = arith.constant 16 : index
    %swap3A_347 = tpu.vector_load %arg18[%swap3A_345, %swap3A_346] {strides = array<i32>} : memref<8x128xf32, #tpu.memory_space<vmem>>, vector<1x16xf32>,
    %swap3A_348 = vector.shape_cast %swap3A_347 : vector<1x16xf32> to vector<16xf32>
    %swap3A_349 = vector.shape_cast %broadcast_in_dim3A_37 : vector<16xf32> to vector<1x16xf32>
    tpu.vector_store %arg18[%swap3A_345, %swap3A_346], %swap3A_349 {strides = array<i32>} : memref<8x128xf32, #tpu.memory_space<vmem>>, vector<1x16xf32>,
    %swap3A_350 = arith.constant 7 : i32
    %swap3A_351 = arith.index_cast %swap3A_350 : i32 to index
    %swap3A_352 = arith.constant 32 : index
    %swap3A_353 = tpu.vector_load %arg18[%swap3A_351, %swap3A_352] {strides = array<i32>} : memref<8x128xf32, #tpu.memory_space<vmem>>, vector<1x16xf32>,
    %swap3A_354 = vector.shape_cast %swap3A_353 : vector<1x16xf32> to vector<16xf32>
    %swap3A_355 = vector.shape_cast %broadcast_in_dim3A_37 : vector<16xf32> to vector<1x16xf32>
    tpu.vector_store %arg18[%swap3A_351, %swap3A_352], %swap3A_355 {strides = array<i32>} : memref<8x128xf32, #tpu.memory_space<vmem>>, vector<1x16xf32>,
    %swap3A_356 = arith.constant 7 : i32
    %swap3A_357 = arith.index_cast %swap3A_356 : i32 to index
    %swap3A_358 = arith.constant 48 : index
    %swap3A_359 = tpu.vector_load %arg18[%swap3A_357, %swap3A_358] {strides = array<i32>} : memref<8x128xf32, #tpu.memory_space<vmem>>, vector<1x16xf32>,
    %swap3A_360 = vector.shape_cast %swap3A_359 : vector<1x16xf32> to vector<16xf32>
    %swap3A_361 = vector.shape_cast %broadcast_in_dim3A_37 : vector<16xf32> to vector<1x16xf32>
    tpu.vector_store %arg18[%swap3A_357, %swap3A_358], %swap3A_361 {strides = array<i32>} : memref<8x128xf32, #tpu.memory_space<vmem>>, vector<1x16xf32>,
    %swap3A_362 = arith.constant 7 : i32
    %swap3A_363 = arith.index_cast %swap3A_362 : i32 to index
    %swap3A_364 = arith.constant 64 : index
    %swap3A_365 = tpu.vector_load %arg18[%swap3A_363, %swap3A_364] {strides = array<i32>} : memref<8x128xf32, #tpu.memory_space<vmem>>, vector<1x16xf32>,
    %swap3A_366 = vector.shape_cast %swap3A_365 : vector<1x16xf32> to vector<16xf32>
    %swap3A_367 = vector.shape_cast %broadcast_in_dim3A_37 : vector<16xf32> to vector<1x16xf32>
    tpu.vector_store %arg18[%swap3A_363, %swap3A_364], %swap3A_367 {strides = array<i32>} : memref<8x128xf32, #tpu.memory_space<vmem>>, vector<1x16xf32>,
    %swap3A_368 = arith.constant 7 : i32
    %swap3A_369 = arith.index_cast %swap3A_368 : i32 to index
    %swap3A_370 = arith.constant 80 : index
    %swap3A_371 = tpu.vector_load %arg18[%swap3A_369, %swap3A_370] {strides = array<i32>} : memref<8x128xf32, #tpu.memory_space<vmem>>, vector<1x16xf32>,
    %swap3A_372 = vector.shape_cast %swap3A_371 : vector<1x16xf32> to vector<16xf32>
    %swap3A_373 = vector.shape_cast %broadcast_in_dim3A_37 : vector<16xf32> to vector<1x16xf32>
    tpu.vector_store %arg18[%swap3A_369, %swap3A_370], %swap3A_373 {strides = array<i32>} : memref<8x128xf32, #tpu.memory_space<vmem>>, vector<1x16xf32>,
    %swap3A_374 = arith.constant 7 : i32
    %swap3A_375 = arith.index_cast %swap3A_374 : i32 to index
    %swap3A_376 = arith.constant 96 : index
    %swap3A_377 = tpu.vector_load %arg18[%swap3A_375, %swap3A_376] {strides = array<i32>} : memref<8x128xf32, #tpu.memory_space<vmem>>, vector<1x16xf32>,
    %swap3A_378 = vector.shape_cast %swap3A_377 : vector<1x16xf32> to vector<16xf32>
    %swap3A_379 = vector.shape_cast %broadcast_in_dim3A_37 : vector<16xf32> to vector<1x16xf32>
    tpu.vector_store %arg18[%swap3A_375, %swap3A_376], %swap3A_379 {strides = array<i32>} : memref<8x128xf32, #tpu.memory_space<vmem>>, vector<1x16xf32>,
    %swap3A_380 = arith.constant 7 : i32
    %swap3A_381 = arith.index_cast %swap3A_380 : i32 to index
    %swap3A_382 = arith.constant 112 : index
    %swap3A_383 = tpu.vector_load %arg18[%swap3A_381, %swap3A_382] {strides = array<i32>} : memref<8x128xf32, #tpu.memory_space<vmem>>, vector<1x16xf32>,
    %swap3A_384 = vector.shape_cast %swap3A_383 : vector<1x16xf32> to vector<16xf32>
    %swap3A_385 = vector.shape_cast %broadcast_in_dim3A_37 : vector<16xf32> to vector<1x16xf32>
    tpu.vector_store %arg18[%swap3A_381, %swap3A_382], %swap3A_385 {strides = array<i32>} : memref<8x128xf32, #tpu.memory_space<vmem>>, vector<1x16xf32>,
    %swap3A_386 = arith.constant 0 : i32
    %swap3A_387 = arith.index_cast %swap3A_386 : i32 to index
    %swap3A_388 = arith.constant 0 : index
    %swap3A_389 = tpu.vector_load %arg18[%swap3A_387, %swap3A_388] {strides = array<i32>} : memref<8x128xf32, #tpu.memory_space<vmem>>, vector<1x16xf32>,
    %swap3A_390 = vector.shape_cast %swap3A_389 : vector<1x16xf32> to vector<16xf32>
    %swap3A_391 = vector.shape_cast %scan3A_71#0 : vector<16xf32> to vector<1x16xf32>
    tpu.vector_store %arg18[%swap3A_387, %swap3A_388], %swap3A_391 {strides = array<i32>} : memref<8x128xf32, #tpu.memory_space<vmem>>, vector<1x16xf32>,
    %swap3A_392 = arith.constant 1 : i32
    %swap3A_393 = arith.index_cast %swap3A_392 : i32 to index
    %swap3A_394 = arith.constant 0 : index
    %swap3A_395 = tpu.vector_load %arg18[%swap3A_393, %swap3A_394] {strides = array<i32>} : memref<8x128xf32, #tpu.memory_space<vmem>>, vector<1x16xf32>,
    %swap3A_396 = vector.shape_cast %swap3A_395 : vector<1x16xf32> to vector<16xf32>
    %swap3A_397 = vector.shape_cast %scan3A_71#8 : vector<16xf32> to vector<1x16xf32>
    tpu.vector_store %arg18[%swap3A_393, %swap3A_394], %swap3A_397 {strides = array<i32>} : memref<8x128xf32, #tpu.memory_space<vmem>>, vector<1x16xf32>,
    %swap3A_398 = arith.constant 0 : i32
    %swap3A_399 = arith.index_cast %swap3A_398 : i32 to index
    %swap3A_400 = arith.constant 16 : index
    %swap3A_401 = tpu.vector_load %arg18[%swap3A_399, %swap3A_400] {strides = array<i32>} : memref<8x128xf32, #tpu.memory_space<vmem>>, vector<1x16xf32>,
    %swap3A_402 = vector.shape_cast %swap3A_401 : vector<1x16xf32> to vector<16xf32>
    %swap3A_403 = vector.shape_cast %scan3A_71#1 : vector<16xf32> to vector<1x16xf32>
    tpu.vector_store %arg18[%swap3A_399, %swap3A_400], %swap3A_403 {strides = array<i32>} : memref<8x128xf32, #tpu.memory_space<vmem>>, vector<1x16xf32>,
    %swap3A_404 = arith.constant 1 : i32
    %swap3A_405 = arith.index_cast %swap3A_404 : i32 to index
    %swap3A_406 = arith.constant 16 : index
    %swap3A_407 = tpu.vector_load %arg18[%swap3A_405, %swap3A_406] {strides = array<i32>} : memref<8x128xf32, #tpu.memory_space<vmem>>, vector<1x16xf32>,
    %swap3A_408 = vector.shape_cast %swap3A_407 : vector<1x16xf32> to vector<16xf32>
    %swap3A_409 = vector.shape_cast %scan3A_71#9 : vector<16xf32> to vector<1x16xf32>
    tpu.vector_store %arg18[%swap3A_405, %swap3A_406], %swap3A_409 {strides = array<i32>} : memref<8x128xf32, #tpu.memory_space<vmem>>, vector<1x16xf32>,
    %swap3A_410 = arith.constant 0 : i32
    %swap3A_411 = arith.index_cast %swap3A_410 : i32 to index
    %swap3A_412 = arith.constant 32 : index
    %swap3A_413 = tpu.vector_load %arg18[%swap3A_411, %swap3A_412] {strides = array<i32>} : memref<8x128xf32, #tpu.memory_space<vmem>>, vector<1x16xf32>,
    %swap3A_414 = vector.shape_cast %swap3A_413 : vector<1x16xf32> to vector<16xf32>
    %swap3A_415 = vector.shape_cast %scan3A_71#2 : vector<16xf32> to vector<1x16xf32>
    tpu.vector_store %arg18[%swap3A_411, %swap3A_412], %swap3A_415 {strides = array<i32>} : memref<8x128xf32, #tpu.memory_space<vmem>>, vector<1x16xf32>,
    %swap3A_416 = arith.constant 1 : i32
    %swap3A_417 = arith.index_cast %swap3A_416 : i32 to index
    %swap3A_418 = arith.constant 32 : index
    %swap3A_419 = tpu.vector_load %arg18[%swap3A_417, %swap3A_418] {strides = array<i32>} : memref<8x128xf32, #tpu.memory_space<vmem>>, vector<1x16xf32>,
    %swap3A_420 = vector.shape_cast %swap3A_419 : vector<1x16xf32> to vector<16xf32>
    %swap3A_421 = vector.shape_cast %scan3A_71#10 : vector<16xf32> to vector<1x16xf32>
    tpu.vector_store %arg18[%swap3A_417, %swap3A_418], %swap3A_421 {strides = array<i32>} : memref<8x128xf32, #tpu.memory_space<vmem>>, vector<1x16xf32>,
    %swap3A_422 = arith.constant 0 : i32
    %swap3A_423 = arith.index_cast %swap3A_422 : i32 to index
    %swap3A_424 = arith.constant 48 : index
    %swap3A_425 = tpu.vector_load %arg18[%swap3A_423, %swap3A_424] {strides = array<i32>} : memref<8x128xf32, #tpu.memory_space<vmem>>, vector<1x16xf32>,
    %swap3A_426 = vector.shape_cast %swap3A_425 : vector<1x16xf32> to vector<16xf32>
    %swap3A_427 = vector.shape_cast %scan3A_71#3 : vector<16xf32> to vector<1x16xf32>
    tpu.vector_store %arg18[%swap3A_423, %swap3A_424], %swap3A_427 {strides = array<i32>} : memref<8x128xf32, #tpu.memory_space<vmem>>, vector<1x16xf32>,
    %swap3A_428 = arith.constant 1 : i32
    %swap3A_429 = arith.index_cast %swap3A_428 : i32 to index
    %swap3A_430 = arith.constant 48 : index
    %swap3A_431 = tpu.vector_load %arg18[%swap3A_429, %swap3A_430] {strides = array<i32>} : memref<8x128xf32, #tpu.memory_space<vmem>>, vector<1x16xf32>,
    %swap3A_432 = vector.shape_cast %swap3A_431 : vector<1x16xf32> to vector<16xf32>
    %swap3A_433 = vector.shape_cast %scan3A_71#11 : vector<16xf32> to vector<1x16xf32>
    tpu.vector_store %arg18[%swap3A_429, %swap3A_430], %swap3A_433 {strides = array<i32>} : memref<8x128xf32, #tpu.memory_space<vmem>>, vector<1x16xf32>,
    %swap3A_434 = arith.constant 0 : i32
    %swap3A_435 = arith.index_cast %swap3A_434 : i32 to index
    %swap3A_436 = arith.constant 64 : index
    %swap3A_437 = tpu.vector_load %arg18[%swap3A_435, %swap3A_436] {strides = array<i32>} : memref<8x128xf32, #tpu.memory_space<vmem>>, vector<1x16xf32>,
    %swap3A_438 = vector.shape_cast %swap3A_437 : vector<1x16xf32> to vector<16xf32>
    %swap3A_439 = vector.shape_cast %scan3A_71#4 : vector<16xf32> to vector<1x16xf32>
    tpu.vector_store %arg18[%swap3A_435, %swap3A_436], %swap3A_439 {strides = array<i32>} : memref<8x128xf32, #tpu.memory_space<vmem>>, vector<1x16xf32>,
    %swap3A_440 = arith.constant 1 : i32
    %swap3A_441 = arith.index_cast %swap3A_440 : i32 to index
    %swap3A_442 = arith.constant 64 : index
    %swap3A_443 = tpu.vector_load %arg18[%swap3A_441, %swap3A_442] {strides = array<i32>} : memref<8x128xf32, #tpu.memory_space<vmem>>, vector<1x16xf32>,
    %swap3A_444 = vector.shape_cast %swap3A_443 : vector<1x16xf32> to vector<16xf32>
    %swap3A_445 = vector.shape_cast %scan3A_71#12 : vector<16xf32> to vector<1x16xf32>
    tpu.vector_store %arg18[%swap3A_441, %swap3A_442], %swap3A_445 {strides = array<i32>} : memref<8x128xf32, #tpu.memory_space<vmem>>, vector<1x16xf32>,
    %swap3A_446 = arith.constant 0 : i32
    %swap3A_447 = arith.index_cast %swap3A_446 : i32 to index
    %swap3A_448 = arith.constant 80 : index
    %swap3A_449 = tpu.vector_load %arg18[%swap3A_447, %swap3A_448] {strides = array<i32>} : memref<8x128xf32, #tpu.memory_space<vmem>>, vector<1x16xf32>,
    %swap3A_450 = vector.shape_cast %swap3A_449 : vector<1x16xf32> to vector<16xf32>
    %swap3A_451 = vector.shape_cast %scan3A_71#5 : vector<16xf32> to vector<1x16xf32>
    tpu.vector_store %arg18[%swap3A_447, %swap3A_448], %swap3A_451 {strides = array<i32>} : memref<8x128xf32, #tpu.memory_space<vmem>>, vector<1x16xf32>,
    %swap3A_452 = arith.constant 1 : i32
    %swap3A_453 = arith.index_cast %swap3A_452 : i32 to index
    %swap3A_454 = arith.constant 80 : index
    %swap3A_455 = tpu.vector_load %arg18[%swap3A_453, %swap3A_454] {strides = array<i32>} : memref<8x128xf32, #tpu.memory_space<vmem>>, vector<1x16xf32>,
    %swap3A_456 = vector.shape_cast %swap3A_455 : vector<1x16xf32> to vector<16xf32>
    %swap3A_457 = vector.shape_cast %scan3A_71#13 : vector<16xf32> to vector<1x16xf32>
    tpu.vector_store %arg18[%swap3A_453, %swap3A_454], %swap3A_457 {strides = array<i32>} : memref<8x128xf32, #tpu.memory_space<vmem>>, vector<1x16xf32>,
    %swap3A_458 = arith.constant 0 : i32
    %swap3A_459 = arith.index_cast %swap3A_458 : i32 to index
    %swap3A_460 = arith.constant 96 : index
    %swap3A_461 = tpu.vector_load %arg18[%swap3A_459, %swap3A_460] {strides = array<i32>} : memref<8x128xf32, #tpu.memory_space<vmem>>, vector<1x16xf32>,
    %swap3A_462 = vector.shape_cast %swap3A_461 : vector<1x16xf32> to vector<16xf32>
    %swap3A_463 = vector.shape_cast %scan3A_71#6 : vector<16xf32> to vector<1x16xf32>
    tpu.vector_store %arg18[%swap3A_459, %swap3A_460], %swap3A_463 {strides = array<i32>} : memref<8x128xf32, #tpu.memory_space<vmem>>, vector<1x16xf32>,
    %swap3A_464 = arith.constant 1 : i32
    %swap3A_465 = arith.index_cast %swap3A_464 : i32 to index
    %swap3A_466 = arith.constant 96 : index
    %swap3A_467 = tpu.vector_load %arg18[%swap3A_465, %swap3A_466] {strides = array<i32>} : memref<8x128xf32, #tpu.memory_space<vmem>>, vector<1x16xf32>,
    %swap3A_468 = vector.shape_cast %swap3A_467 : vector<1x16xf32> to vector<16xf32>
    %swap3A_469 = vector.shape_cast %scan3A_71#14 : vector<16xf32> to vector<1x16xf32>
    tpu.vector_store %arg18[%swap3A_465, %swap3A_466], %swap3A_469 {strides = array<i32>} : memref<8x128xf32, #tpu.memory_space<vmem>>, vector<1x16xf32>,
    %swap3A_470 = arith.constant 0 : i32
    %swap3A_471 = arith.index_cast %swap3A_470 : i32 to index
    %swap3A_472 = arith.constant 112 : index
    %swap3A_473 = tpu.vector_load %arg18[%swap3A_471, %swap3A_472] {strides = array<i32>} : memref<8x128xf32, #tpu.memory_space<vmem>>, vector<1x16xf32>,
    %swap3A_474 = vector.shape_cast %swap3A_473 : vector<1x16xf32> to vector<16xf32>
    %swap3A_475 = vector.shape_cast %scan3A_71#7 : vector<16xf32> to vector<1x16xf32>
    tpu.vector_store %arg18[%swap3A_471, %swap3A_472], %swap3A_475 {strides = array<i32>} : memref<8x128xf32, #tpu.memory_space<vmem>>, vector<1x16xf32>,
    %swap3A_476 = arith.constant 1 : i32
    %swap3A_477 = arith.index_cast %swap3A_476 : i32 to index
    %swap3A_478 = arith.constant 112 : index
    %swap3A_479 = tpu.vector_load %arg18[%swap3A_477, %swap3A_478] {strides = array<i32>} : memref<8x128xf32, #tpu.memory_space<vmem>>, vector<1x16xf32>,
    %swap3A_480 = vector.shape_cast %swap3A_479 : vector<1x16xf32> to vector<16xf32>
    %swap3A_481 = vector.shape_cast %scan3A_71#15 : vector<16xf32> to vector<1x16xf32>
    tpu.vector_store %arg18[%swap3A_477, %swap3A_478], %swap3A_481 {strides = array<i32>} : memref<8x128xf32, #tpu.memory_space<vmem>>, vector<1x16xf32>,
    "tpu.region"() ({
      %run_scoped3A = tpu.sem_alloc : memref<!tpu.dma_semaphore, #tpu.memory_space<semaphore_mem>>
      %dma_start3A_482 = arith.constant 0 : i32
      %dma_start3A_483 = arith.constant 0 : i32
      %dma_start3A_484 = tpu.memref_slice %arg8[%add3A, %dma_start3A_482, %dma_start3A_483] : memref<32x8x128xf32, #tpu.memory_space<hbm>> -> memref<1x8x128xf32, #tpu.memory_space<hbm>>
      %dma_start3A_485 = tpu.memref_squeeze %dma_start3A_484 : memref<1x8x128xf32, #tpu.memory_space<hbm>> -> memref<8x128xf32, #tpu.memory_space<hbm>>
      %dma_start3A_486 = arith.constant 0 : i32
      %dma_start3A_487 = arith.constant 0 : i32
      %dma_start3A_488 = tpu.memref_slice %arg8[%add3A, %dma_start3A_486, %dma_start3A_487] : memref<32x8x128xf32, #tpu.memory_space<hbm>> -> memref<1x8x128xf32, #tpu.memory_space<hbm>>
      %dma_start3A_489 = tpu.memref_squeeze %dma_start3A_488 : memref<1x8x128xf32, #tpu.memory_space<hbm>> -> memref<8x128xf32, #tpu.memory_space<hbm>>
      tpu.enqueue_dma source(%arg18 : memref<8x128xf32, #tpu.memory_space<vmem>>) target(%dma_start3A_489 : memref<8x128xf32, #tpu.memory_space<hbm>>) target_semaphore(%run_scoped3A : memref<!tpu.dma_semaphore, #tpu.memory_space<semaphore_mem>>)
      %dma_wait3A_490 = arith.constant 0 : i32
      %dma_wait3A_491 = arith.constant 0 : i32
      %dma_wait3A_492 = tpu.memref_slice %arg8[%add3A, %dma_wait3A_490, %dma_wait3A_491] : memref<32x8x128xf32, #tpu.memory_space<hbm>> -> memref<1x8x128xf32, #tpu.memory_space<hbm>>
      %dma_wait3A_493 = tpu.memref_squeeze %dma_wait3A_492 : memref<1x8x128xf32, #tpu.memory_space<hbm>> -> memref<8x128xf32, #tpu.memory_space<hbm>>
      %dma_wait3A_494 = arith.constant 0 : i32
      %dma_wait3A_495 = arith.constant 0 : i32
      %dma_wait3A_496 = tpu.memref_slice %arg8[%add3A, %dma_wait3A_494, %dma_wait3A_495] : memref<32x8x128xf32, #tpu.memory_space<hbm>> -> memref<1x8x128xf32, #tpu.memory_space<hbm>>
      %dma_wait3A_497 = tpu.memref_squeeze %dma_wait3A_496 : memref<1x8x128xf32, #tpu.memory_space<hbm>> -> memref<8x128xf32, #tpu.memory_space<hbm>>
      tpu.wait_dma2 semaphore(%run_scoped3A : memref<!tpu.dma_semaphore, #tpu.memory_space<semaphore_mem>>) src(%arg18 : memref<8x128xf32, #tpu.memory_space<vmem>>) dst(%dma_wait3A_497 : memref<8x128xf32, #tpu.memory_space<hbm>>)
      tpu.yield
    }) : () -> ()
    return
  }
}

module attributes {stable_mosaic.version = 14 : i64} {
  func.func @_k1_body(%arg0: memref<10000x128xf32, #tpu.memory_space<vmem>>, %arg1: memref<10000x3xf32, #tpu.memory_space<vmem>>, %arg2: memref<128x128xf32, #tpu.memory_space<vmem>>, %arg3: memref<128x128xf32, #tpu.memory_space<vmem>>, %arg4: memref<1x128xf32, #tpu.memory_space<vmem>>, %arg5: memref<10000x256xf32, #tpu.memory_space<vmem>>, %arg6: memref<10000x256xf32, #tpu.memory_space<vmem>>) attributes {dimension_semantics = [], scalar_prefetch = 0 : i64, scratch_operands = 0 : i64, tpu.core_type = #tpu.core_type<tc>} {
    %get3A = arith.constant 0 : index
    %get3A_0 = arith.constant 0 : index
    %get3A_1 = vector.load %arg0[%get3A, %get3A_0] : memref<10000x128xf32, #tpu.memory_space<vmem>>, vector<10000x128xf32>
    %get3A_2 = arith.constant 0 : index
    %get3A_3 = arith.constant 0 : index
    %get3A_4 = vector.load %arg1[%get3A_2, %get3A_3] : memref<10000x3xf32, #tpu.memory_space<vmem>>, vector<10000x3xf32>
    %broadcast_in_dim3A = arith.constant 0.000000e+00 : f32
    %broadcast_in_dim3A_5 = vector.broadcast %broadcast_in_dim3A : f32 to vector<10000x125xf32>
    %get3A_6 = arith.constant 0 : index
    %get3A_7 = arith.constant 0 : index
    %get3A_8 = vector.load %arg2[%get3A_6, %get3A_7] : memref<128x128xf32, #tpu.memory_space<vmem>>, vector<128x128xf32>
    %dot_general3A = arith.constant dense<0.000000e+00> : vector<10000x128xf32>
    %dot_general3A_9 = tpu.matmul %get3A_1, %get3A_8, %dot_general3A {dimension_numbers = #tpu.dot_dimension_numbers<[1], [0], [0], [1], [0, 0, 1, 1], [], []>, transpose_lhs_hint = false} : vector<10000x128xf32>, vector<128x128xf32>, vector<10000x128xf32> -> vector<10000x128xf32>
    %get3A_10 = arith.constant 0 : index
    %get3A_11 = arith.constant 0 : index
    %get3A_12 = vector.load %arg3[%get3A_10, %get3A_11] : memref<128x128xf32, #tpu.memory_space<vmem>>, vector<128x128xf32>
    %dot_general3A_13 = arith.constant dense<0.000000e+00> : vector<10000x128xf32>
    %dot_general3A_14 = tpu.matmul %get3A_1, %get3A_12, %dot_general3A_13 {dimension_numbers = #tpu.dot_dimension_numbers<[1], [0], [0], [1], [0, 0, 1, 1], [], []>, transpose_lhs_hint = false} : vector<10000x128xf32>, vector<128x128xf32>, vector<10000x128xf32> -> vector<10000x128xf32>
    %get3A_15 = arith.constant 0 : index
    %get3A_16 = arith.constant 0 : index
    %get3A_17 = vector.load %arg4[%get3A_15, %get3A_16] : memref<1x128xf32, #tpu.memory_space<vmem>>, vector<1x128xf32>
    %add3A = vector.broadcast %get3A_17 : vector<1x128xf32> to vector<10000x128xf32>
    %add3A_18 = arith.addf %dot_general3A_14, %add3A : vector<10000x128xf32>
    %concatenate3A = tpu.concatenate %dot_general3A_9, %get3A_4, %broadcast_in_dim3A_5 in 1 : vector<10000x128xf32>, vector<10000x3xf32>, vector<10000x125xf32> -> vector<10000x256xf32>
    %swap3A = arith.constant 0 : index
    %swap3A_19 = arith.constant 0 : index
    %swap3A_20 = vector.load %arg5[%swap3A, %swap3A_19] : memref<10000x256xf32, #tpu.memory_space<vmem>>, vector<10000x256xf32>
    tpu.vector_store %arg5[%swap3A, %swap3A_19], %concatenate3A {strides = array<i32>} : memref<10000x256xf32, #tpu.memory_space<vmem>>, vector<10000x256xf32>,
    %neg3A = arith.constant 0.000000e+00 : f32
    %neg3A_21 = vector.broadcast %neg3A : f32 to vector<10000x3xf32>
    %neg3A_22 = arith.subf %neg3A_21, %get3A_4 : vector<10000x3xf32>
    %concatenate3A_23 = tpu.concatenate %add3A_18, %neg3A_22, %broadcast_in_dim3A_5 in 1 : vector<10000x128xf32>, vector<10000x3xf32>, vector<10000x125xf32> -> vector<10000x256xf32>
    %swap3A_24 = arith.constant 0 : index
    %swap3A_25 = arith.constant 0 : index
    %swap3A_26 = vector.load %arg6[%swap3A_24, %swap3A_25] : memref<10000x256xf32, #tpu.memory_space<vmem>>, vector<10000x256xf32>
    tpu.vector_store %arg6[%swap3A_24, %swap3A_25], %concatenate3A_23 {strides = array<i32>} : memref<10000x256xf32, #tpu.memory_space<vmem>>, vector<10000x256xf32>,
    return
  }
}

module attributes {stable_mosaic.version = 14 : i64} {
  func.func @_k4_body(%arg0: i32, %arg1: memref<8000x128xf32, #tpu.memory_space<vmem>>, %arg2: memref<1x128xf32, #tpu.memory_space<vmem>>, %arg3: memref<1x128xf32, #tpu.memory_space<vmem>>, %arg4: memref<128x128xf32, #tpu.memory_space<vmem>>, %arg5: memref<1x128xf32, #tpu.memory_space<vmem>>, %arg6: memref<8000x128xbf16, #tpu.memory_space<vmem>>, %arg7: memref<8x128xf32, #tpu.memory_space<vmem>>) attributes {dimension_semantics = [#tpu.dimension_semantics<arbitrary>], iteration_bounds = array<i64: 40>, scalar_prefetch = 0 : i64, scratch_operands = 0 : i64, tpu.core_type = #tpu.core_type<tc>, window_params = [{transform_indices = @transform_0, window_bounds = array<i64: 8000, 128>}, {pipeline_mode = #tpu.pipeline_mode<synchronous>, transform_indices = @transform_1, window_bounds = array<i64: 1, 128>}, {pipeline_mode = #tpu.pipeline_mode<synchronous>, transform_indices = @transform_2, window_bounds = array<i64: 1, 128>}, {pipeline_mode = #tpu.pipeline_mode<synchronous>, transform_indices = @transform_3, window_bounds = array<i64: 128, 128>}, {pipeline_mode = #tpu.pipeline_mode<synchronous>, transform_indices = @transform_4, window_bounds = array<i64: 1, 128>}, {transform_indices = @transform_5, window_bounds = array<i64: 8000, 128>}, {pipeline_mode = #tpu.pipeline_mode<synchronous>, transform_indices = @transform_6, window_bounds = array<i64: 8, 128>}]} {
    %get3A = arith.constant 0 : index
    %get3A_0 = arith.constant 0 : index
    %get3A_1 = vector.load %arg1[%get3A, %get3A_0] : memref<8000x128xf32, #tpu.memory_space<vmem>>, vector<8000x128xf32>
    %get3A_2 = arith.constant 0 : index
    %get3A_3 = arith.constant 0 : index
    %get3A_4 = vector.load %arg2[%get3A_2, %get3A_3] : memref<1x128xf32, #tpu.memory_space<vmem>>, vector<1x128xf32>
    %mul3A = vector.broadcast %get3A_4 : vector<1x128xf32> to vector<8000x128xf32>
    %mul3A_5 = arith.mulf %get3A_1, %mul3A : vector<8000x128xf32>
    %get3A_6 = arith.constant 0 : index
    %get3A_7 = arith.constant 0 : index
    %get3A_8 = vector.load %arg3[%get3A_6, %get3A_7] : memref<1x128xf32, #tpu.memory_space<vmem>>, vector<1x128xf32>
    %add3A = vector.broadcast %get3A_8 : vector<1x128xf32> to vector<8000x128xf32>
    %add3A_9 = arith.addf %mul3A_5, %add3A : vector<8000x128xf32>
    %max3A = arith.constant 0.000000e+00 : f32
    %max3A_10 = vector.broadcast %max3A : f32 to vector<8000x128xf32>
    %max3A_11 = arith.maximumf %add3A_9, %max3A_10 : vector<8000x128xf32>
    %convert_element_type3A = arith.truncf %max3A_11 : vector<8000x128xf32> to vector<8000x128xbf16>
    %get3A_12 = arith.constant 0 : index
    %get3A_13 = arith.constant 0 : index
    %get3A_14 = vector.load %arg4[%get3A_12, %get3A_13] : memref<128x128xf32, #tpu.memory_space<vmem>>, vector<128x128xf32>
    %convert_element_type3A_15 = arith.truncf %get3A_14 : vector<128x128xf32> to vector<128x128xbf16>
    %dot_general3A = arith.constant dense<0.000000e+00> : vector<8000x128xf32>
    %dot_general3A_16 = tpu.matmul %convert_element_type3A, %convert_element_type3A_15, %dot_general3A {dimension_numbers = #tpu.dot_dimension_numbers<[1], [0], [0], [1], [0, 0, 1, 1], [], []>, transpose_lhs_hint = false} : vector<8000x128xbf16>, vector<128x128xbf16>, vector<8000x128xf32> -> vector<8000x128xf32>
    %get3A_17 = arith.constant 0 : index
    %get3A_18 = arith.constant 0 : index
    %get3A_19 = vector.load %arg5[%get3A_17, %get3A_18] : memref<1x128xf32, #tpu.memory_space<vmem>>, vector<1x128xf32>
    %add3A_20 = vector.broadcast %get3A_19 : vector<1x128xf32> to vector<8000x128xf32>
    %add3A_21 = arith.addf %dot_general3A_16, %add3A_20 : vector<8000x128xf32>
    %convert_element_type3A_22 = arith.truncf %add3A_21 : vector<8000x128xf32> to vector<8000x128xbf16>
    %swap3A = arith.constant 0 : index
    %swap3A_23 = arith.constant 0 : index
    %swap3A_24 = vector.load %arg6[%swap3A, %swap3A_23] : memref<8000x128xbf16, #tpu.memory_space<vmem>>, vector<8000x128xbf16>
    tpu.vector_store %arg6[%swap3A, %swap3A_23], %convert_element_type3A_22 {strides = array<i32>} : memref<8000x128xbf16, #tpu.memory_space<vmem>>, vector<8000x128xbf16>,
    %eq3A = arith.constant 0 : i32
    %eq3A_25 = arith.cmpi eq, %arg0, %eq3A : i32
    %convert_element_type3A_26 = arith.extui %eq3A_25 : i1 to i32
    %cond3A = arith.constant 0 : i32
    %cond3A_27 = arith.cmpi ne, %convert_element_type3A_26, %cond3A : i32
    scf.if %cond3A_27 {
      %broadcast_in_dim3A_47 = arith.constant 0.000000e+00 : f32
      %broadcast_in_dim3A_48 = vector.broadcast %broadcast_in_dim3A_47 : f32 to vector<8x128xf32>
      %swap3A_49 = arith.constant 0 : index
      %swap3A_50 = arith.constant 0 : index
      %swap3A_51 = vector.load %arg7[%swap3A_49, %swap3A_50] : memref<8x128xf32, #tpu.memory_space<vmem>>, vector<8x128xf32>
      tpu.vector_store %arg7[%swap3A_49, %swap3A_50], %broadcast_in_dim3A_48 {strides = array<i32>} : memref<8x128xf32, #tpu.memory_space<vmem>>, vector<8x128xf32>,
    } else {
    }
    %get3A_28 = arith.constant 0 : index
    %get3A_29 = arith.constant 0 : index
    %get3A_30 = vector.load %arg7[%get3A_28, %get3A_29] : memref<8x128xf32, #tpu.memory_space<vmem>>, vector<1x128xf32>
    %reduce_sum3A = arith.constant dense<0.000000e+00> : vector<128xf32>
    %reduce_sum3A_31 = vector.multi_reduction <add>, %add3A_21, %reduce_sum3A [0] : vector<8000x128xf32> to vector<128xf32>
    %broadcast_in_dim3A = vector.shape_cast %reduce_sum3A_31 : vector<128xf32> to vector<1x128xf32>
    %add3A_32 = arith.addf %get3A_30, %broadcast_in_dim3A : vector<1x128xf32>
    %swap3A_33 = arith.constant 0 : index
    %swap3A_34 = arith.constant 0 : index
    %swap3A_35 = vector.load %arg7[%swap3A_33, %swap3A_34] : memref<8x128xf32, #tpu.memory_space<vmem>>, vector<1x128xf32>
    tpu.vector_store %arg7[%swap3A_33, %swap3A_34], %add3A_32 {strides = array<i32>} : memref<8x128xf32, #tpu.memory_space<vmem>>, vector<1x128xf32>,
    %get3A_36 = arith.constant 1 : index
    %get3A_37 = arith.constant 0 : index
    %get3A_38 = vector.load %arg7[%get3A_36, %get3A_37] : memref<8x128xf32, #tpu.memory_space<vmem>>, vector<1x128xf32>
    %mul3A_39 = arith.mulf %add3A_21, %add3A_21 : vector<8000x128xf32>
    %reduce_sum3A_40 = arith.constant dense<0.000000e+00> : vector<128xf32>
    %reduce_sum3A_41 = vector.multi_reduction <add>, %mul3A_39, %reduce_sum3A_40 [0] : vector<8000x128xf32> to vector<128xf32>
    %broadcast_in_dim3A_42 = vector.shape_cast %reduce_sum3A_41 : vector<128xf32> to vector<1x128xf32>
    %add3A_43 = arith.addf %get3A_38, %broadcast_in_dim3A_42 : vector<1x128xf32>
    %swap3A_44 = arith.constant 1 : index
    %swap3A_45 = arith.constant 0 : index
    %swap3A_46 = vector.load %arg7[%swap3A_44, %swap3A_45] : memref<8x128xf32, #tpu.memory_space<vmem>>, vector<1x128xf32>
    tpu.vector_store %arg7[%swap3A_44, %swap3A_45], %add3A_43 {strides = array<i32>} : memref<8x128xf32, #tpu.memory_space<vmem>>, vector<1x128xf32>,
    return
  }
  func.func @transform_0(%arg0: i32) -> (i32, i32) {
    %c0_i32 = arith.constant 0 : i32
    %c0_i32_0 = arith.constant 0 : i32
    return %arg0, %c0_i32 : i32, i32
  }
  func.func @transform_1(%arg0: i32) -> (i32, i32) {
    %c0_i32 = arith.constant 0 : i32
    %c0_i32_0 = arith.constant 0 : i32
    %c0_i32_1 = arith.constant 0 : i32
    return %c0_i32, %c0_i32_0 : i32, i32
  }
  func.func @transform_2(%arg0: i32) -> (i32, i32) {
    %c0_i32 = arith.constant 0 : i32
    %c0_i32_0 = arith.constant 0 : i32
    %c0_i32_1 = arith.constant 0 : i32
    return %c0_i32, %c0_i32_0 : i32, i32
  }
  func.func @transform_3(%arg0: i32) -> (i32, i32) {
    %c0_i32 = arith.constant 0 : i32
    %c0_i32_0 = arith.constant 0 : i32
    %c0_i32_1 = arith.constant 0 : i32
    return %c0_i32, %c0_i32_0 : i32, i32
  }
  func.func @transform_4(%arg0: i32) -> (i32, i32) {
    %c0_i32 = arith.constant 0 : i32
    %c0_i32_0 = arith.constant 0 : i32
    %c0_i32_1 = arith.constant 0 : i32
    return %c0_i32, %c0_i32_0 : i32, i32
  }
  func.func @transform_5(%arg0: i32) -> (i32, i32) {
    %c0_i32 = arith.constant 0 : i32
    %c0_i32_0 = arith.constant 0 : i32
    return %arg0, %c0_i32 : i32, i32
  }
  func.func @transform_6(%arg0: i32) -> (i32, i32) {
    %c0_i32 = arith.constant 0 : i32
    %c0_i32_0 = arith.constant 0 : i32
    %c0_i32_1 = arith.constant 0 : i32
    return %c0_i32, %c0_i32_0 : i32, i32
  }
}

module attributes {stable_mosaic.version = 14 : i64} {
  func.func @_k5_body(%arg0: i32, %arg1: memref<8000x128xbf16, #tpu.memory_space<vmem>>, %arg2: memref<1x128xf32, #tpu.memory_space<vmem>>, %arg3: memref<1x128xf32, #tpu.memory_space<vmem>>, %arg4: memref<1x128xf32, #tpu.memory_space<vmem>>, %arg5: memref<1x1xf32, #tpu.memory_space<vmem>>, %arg6: memref<8000x128xf32, #tpu.memory_space<vmem>>) attributes {dimension_semantics = [#tpu.dimension_semantics<arbitrary>], iteration_bounds = array<i64: 40>, scalar_prefetch = 0 : i64, scratch_operands = 0 : i64, tpu.core_type = #tpu.core_type<tc>, window_params = [{transform_indices = @transform_0, window_bounds = array<i64: 8000, 128>}, {pipeline_mode = #tpu.pipeline_mode<synchronous>, transform_indices = @transform_1, window_bounds = array<i64: 1, 128>}, {pipeline_mode = #tpu.pipeline_mode<synchronous>, transform_indices = @transform_2, window_bounds = array<i64: 1, 128>}, {pipeline_mode = #tpu.pipeline_mode<synchronous>, transform_indices = @transform_3, window_bounds = array<i64: 1, 128>}, {pipeline_mode = #tpu.pipeline_mode<synchronous>, transform_indices = @transform_4, window_bounds = array<i64: 1, 1>}, {transform_indices = @transform_5, window_bounds = array<i64: 8000, 128>}]} {
    %get3A = arith.constant 0 : index
    %get3A_0 = arith.constant 0 : index
    %get3A_1 = vector.load %arg1[%get3A, %get3A_0] : memref<8000x128xbf16, #tpu.memory_space<vmem>>, vector<8000x128xbf16>
    %convert_element_type3A = arith.extf %get3A_1 : vector<8000x128xbf16> to vector<8000x128xf32>
    %get3A_2 = arith.constant 0 : index
    %get3A_3 = arith.constant 0 : index
    %get3A_4 = vector.load %arg2[%get3A_2, %get3A_3] : memref<1x128xf32, #tpu.memory_space<vmem>>, vector<1x128xf32>
    %mul3A = vector.broadcast %get3A_4 : vector<1x128xf32> to vector<8000x128xf32>
    %mul3A_5 = arith.mulf %convert_element_type3A, %mul3A : vector<8000x128xf32>
    %get3A_6 = arith.constant 0 : index
    %get3A_7 = arith.constant 0 : index
    %get3A_8 = vector.load %arg3[%get3A_6, %get3A_7] : memref<1x128xf32, #tpu.memory_space<vmem>>, vector<1x128xf32>
    %add3A = vector.broadcast %get3A_8 : vector<1x128xf32> to vector<8000x128xf32>
    %add3A_9 = arith.addf %mul3A_5, %add3A : vector<8000x128xf32>
    %max3A = arith.constant 0.000000e+00 : f32
    %max3A_10 = vector.broadcast %max3A : f32 to vector<8000x128xf32>
    %max3A_11 = arith.maximumf %add3A_9, %max3A_10 : vector<8000x128xf32>
    %get3A_12 = arith.constant 0 : index
    %get3A_13 = arith.constant 0 : index
    %get3A_14 = vector.load %arg4[%get3A_12, %get3A_13] : memref<1x128xf32, #tpu.memory_space<vmem>>, vector<1x128xf32>
    %mul3A_15 = vector.broadcast %get3A_14 : vector<1x128xf32> to vector<8000x128xf32>
    %mul3A_16 = arith.mulf %max3A_11, %mul3A_15 : vector<8000x128xf32>
    %reduce_sum3A = arith.constant dense<0.000000e+00> : vector<8000xf32>
    %reduce_sum3A_17 = vector.multi_reduction <add>, %mul3A_16, %reduce_sum3A [1] : vector<8000x128xf32> to vector<8000xf32>
    %broadcast_in_dim3A = vector.shape_cast %reduce_sum3A_17 : vector<8000xf32> to vector<8000x1xf32>
    %get3A_18 = arith.constant 0 : index
    %get3A_19 = arith.constant 0 : index
    %get3A_20 = vector.load %arg5[%get3A_18, %get3A_19] : memref<1x1xf32, #tpu.memory_space<vmem>>, vector<1x1xf32>
    %get3A_21 = vector.extract %get3A_20[0, 0] : f32 from vector<1x1xf32>
    %add3A_22 = vector.broadcast %get3A_21 : f32 to vector<8000x1xf32>
    %add3A_23 = arith.addf %broadcast_in_dim3A, %add3A_22 : vector<8000x1xf32>
    %logistic3A = arith.negf %add3A_23 : vector<8000x1xf32>
    %logistic3A_24 = math.exp %logistic3A : vector<8000x1xf32>
    %logistic3A_25 = arith.constant 1.000000e+00 : f32
    %logistic3A_26 = vector.broadcast %logistic3A_25 : f32 to vector<8000x1xf32>
    %logistic3A_27 = arith.addf %logistic3A_26, %logistic3A_24 : vector<8000x1xf32>
    %logistic3A_28 = arith.divf %logistic3A_26, %logistic3A_27 : vector<8000x1xf32>
    %mul3A_29 = vector.broadcast %logistic3A_28 : vector<8000x1xf32> to vector<8000x128xf32>
    %mul3A_30 = arith.mulf %max3A_11, %mul3A_29 : vector<8000x128xf32>
    %swap3A = arith.constant 0 : index
    %swap3A_31 = arith.constant 0 : index
    %swap3A_32 = vector.load %arg6[%swap3A, %swap3A_31] : memref<8000x128xf32, #tpu.memory_space<vmem>>, vector<8000x128xf32>
    tpu.vector_store %arg6[%swap3A, %swap3A_31], %mul3A_30 {strides = array<i32>} : memref<8000x128xf32, #tpu.memory_space<vmem>>, vector<8000x128xf32>,
    return
  }
  func.func @transform_0(%arg0: i32) -> (i32, i32) {
    %c0_i32 = arith.constant 0 : i32
    %c0_i32_0 = arith.constant 0 : i32
    return %arg0, %c0_i32 : i32, i32
  }
  func.func @transform_1(%arg0: i32) -> (i32, i32) {
    %c0_i32 = arith.constant 0 : i32
    %c0_i32_0 = arith.constant 0 : i32
    %c0_i32_1 = arith.constant 0 : i32
    return %c0_i32, %c0_i32_0 : i32, i32
  }
  func.func @transform_2(%arg0: i32) -> (i32, i32) {
    %c0_i32 = arith.constant 0 : i32
    %c0_i32_0 = arith.constant 0 : i32
    %c0_i32_1 = arith.constant 0 : i32
    return %c0_i32, %c0_i32_0 : i32, i32
  }
  func.func @transform_3(%arg0: i32) -> (i32, i32) {
    %c0_i32 = arith.constant 0 : i32
    %c0_i32_0 = arith.constant 0 : i32
    %c0_i32_1 = arith.constant 0 : i32
    return %c0_i32, %c0_i32_0 : i32, i32
  }
  func.func @transform_4(%arg0: i32) -> (i32, i32) {
    %c0_i32 = arith.constant 0 : i32
    %c0_i32_0 = arith.constant 0 : i32
    %c0_i32_1 = arith.constant 0 : i32
    return %c0_i32, %c0_i32_0 : i32, i32
  }
  func.func @transform_5(%arg0: i32) -> (i32, i32) {
    %c0_i32 = arith.constant 0 : i32
    %c0_i32_0 = arith.constant 0 : i32
    return %arg0, %c0_i32 : i32, i32
  }
}

module attributes {stable_mosaic.version = 14 : i64} {
  func.func @_k7_body(%arg0: memref<2x10000x128xf32, #tpu.memory_space<vmem>>, %arg1: memref<10000x128xf32, #tpu.memory_space<vmem>>, %arg2: memref<128x128xf32, #tpu.memory_space<vmem>>, %arg3: memref<1x128xf32, #tpu.memory_space<vmem>>, %arg4: memref<1x128xf32, #tpu.memory_space<vmem>>, %arg5: memref<1x128xf32, #tpu.memory_space<vmem>>, %arg6: memref<128x128xf32, #tpu.memory_space<vmem>>, %arg7: memref<1x128xf32, #tpu.memory_space<vmem>>, %arg8: memref<1x128xf32, #tpu.memory_space<vmem>>, %arg9: memref<1x128xf32, #tpu.memory_space<vmem>>, %arg10: memref<10000x128xf32, #tpu.memory_space<vmem>>) attributes {dimension_semantics = [], scalar_prefetch = 0 : i64, scratch_operands = 0 : i64, tpu.core_type = #tpu.core_type<tc>} {
    %get3A = arith.constant 0 : index
    %get3A_0 = arith.constant 0 : index
    %get3A_1 = vector.load %arg1[%get3A, %get3A_0] : memref<10000x128xf32, #tpu.memory_space<vmem>>, vector<10000x128xf32>
    %get3A_2 = arith.constant 0 : index
    %get3A_3 = arith.constant 0 : index
    %get3A_4 = arith.constant 0 : index
    %get3A_5 = vector.load %arg0[%get3A_2, %get3A_3, %get3A_4] : memref<2x10000x128xf32, #tpu.memory_space<vmem>>, vector<1x10000x128xf32>
    %get3A_6 = vector.shape_cast %get3A_5 : vector<1x10000x128xf32> to vector<10000x128xf32>
    %get3A_7 = arith.constant 1 : index
    %get3A_8 = arith.constant 0 : index
    %get3A_9 = arith.constant 0 : index
    %get3A_10 = vector.load %arg0[%get3A_7, %get3A_8, %get3A_9] : memref<2x10000x128xf32, #tpu.memory_space<vmem>>, vector<1x10000x128xf32>
    %get3A_11 = vector.shape_cast %get3A_10 : vector<1x10000x128xf32> to vector<10000x128xf32>
    %add3A = arith.addf %get3A_6, %get3A_11 : vector<10000x128xf32>
    %add3A_12 = arith.addf %add3A, %get3A_1 : vector<10000x128xf32>
    %get3A_13 = arith.constant 0 : index
    %get3A_14 = arith.constant 0 : index
    %get3A_15 = vector.load %arg2[%get3A_13, %get3A_14] : memref<128x128xf32, #tpu.memory_space<vmem>>, vector<128x128xf32>
    %dot_general3A = arith.constant dense<0.000000e+00> : vector<10000x128xf32>
    %dot_general3A_16 = tpu.matmul %add3A_12, %get3A_15, %dot_general3A {dimension_numbers = #tpu.dot_dimension_numbers<[1], [0], [0], [1], [0, 0, 1, 1], [], []>, transpose_lhs_hint = false} : vector<10000x128xf32>, vector<128x128xf32>, vector<10000x128xf32> -> vector<10000x128xf32>
    %get3A_17 = arith.constant 0 : index
    %get3A_18 = arith.constant 0 : index
    %get3A_19 = vector.load %arg3[%get3A_17, %get3A_18] : memref<1x128xf32, #tpu.memory_space<vmem>>, vector<1x128xf32>
    %add3A_20 = vector.broadcast %get3A_19 : vector<1x128xf32> to vector<10000x128xf32>
    %add3A_21 = arith.addf %dot_general3A_16, %add3A_20 : vector<10000x128xf32>
    %reduce_sum3A = arith.constant dense<0.000000e+00> : vector<128xf32>
    %reduce_sum3A_22 = vector.multi_reduction <add>, %add3A_21, %reduce_sum3A [0] : vector<10000x128xf32> to vector<128xf32>
    %broadcast_in_dim3A = vector.shape_cast %reduce_sum3A_22 : vector<128xf32> to vector<1x128xf32>
    %mul3A = arith.mulf %add3A_21, %add3A_21 : vector<10000x128xf32>
    %reduce_sum3A_23 = arith.constant dense<0.000000e+00> : vector<128xf32>
    %reduce_sum3A_24 = vector.multi_reduction <add>, %mul3A, %reduce_sum3A_23 [0] : vector<10000x128xf32> to vector<128xf32>
    %broadcast_in_dim3A_25 = vector.shape_cast %reduce_sum3A_24 : vector<128xf32> to vector<1x128xf32>
    %get3A_26 = arith.constant 0 : index
    %get3A_27 = arith.constant 0 : index
    %get3A_28 = vector.load %arg4[%get3A_26, %get3A_27] : memref<1x128xf32, #tpu.memory_space<vmem>>, vector<1x128xf32>
    %get3A_29 = arith.constant 0 : index
    %get3A_30 = arith.constant 0 : index
    %get3A_31 = vector.load %arg5[%get3A_29, %get3A_30] : memref<1x128xf32, #tpu.memory_space<vmem>>, vector<1x128xf32>
    %div3A = arith.constant 1.000000e+04 : f32
    %div3A_32 = vector.broadcast %div3A : f32 to vector<1x128xf32>
    %div3A_33 = arith.divf %broadcast_in_dim3A, %div3A_32 : vector<1x128xf32>
    %div3A_34 = arith.constant 1.000000e+04 : f32
    %div3A_35 = vector.broadcast %div3A_34 : f32 to vector<1x128xf32>
    %div3A_36 = arith.divf %broadcast_in_dim3A_25, %div3A_35 : vector<1x128xf32>
    %mul3A_37 = arith.mulf %div3A_33, %div3A_33 : vector<1x128xf32>
    %sub3A = arith.subf %div3A_36, %mul3A_37 : vector<1x128xf32>
    %add3A_38 = arith.constant 9.99999974E-6 : f32
    %add3A_39 = vector.broadcast %add3A_38 : f32 to vector<1x128xf32>
    %add3A_40 = arith.addf %sub3A, %add3A_39 : vector<1x128xf32>
    %rsqrt3A = math.rsqrt %add3A_40 : vector<1x128xf32>
    %mul3A_41 = arith.mulf %get3A_28, %rsqrt3A : vector<1x128xf32>
    %mul3A_42 = arith.mulf %div3A_33, %mul3A_41 : vector<1x128xf32>
    %sub3A_43 = arith.subf %get3A_31, %mul3A_42 : vector<1x128xf32>
    %mul3A_44 = vector.broadcast %mul3A_41 : vector<1x128xf32> to vector<10000x128xf32>
    %mul3A_45 = arith.mulf %add3A_21, %mul3A_44 : vector<10000x128xf32>
    %add3A_46 = vector.broadcast %sub3A_43 : vector<1x128xf32> to vector<10000x128xf32>
    %add3A_47 = arith.addf %mul3A_45, %add3A_46 : vector<10000x128xf32>
    %max3A = arith.constant 0.000000e+00 : f32
    %max3A_48 = vector.broadcast %max3A : f32 to vector<10000x128xf32>
    %max3A_49 = arith.maximumf %add3A_47, %max3A_48 : vector<10000x128xf32>
    %get3A_50 = arith.constant 0 : index
    %get3A_51 = arith.constant 0 : index
    %get3A_52 = vector.load %arg6[%get3A_50, %get3A_51] : memref<128x128xf32, #tpu.memory_space<vmem>>, vector<128x128xf32>
    %dot_general3A_53 = arith.constant dense<0.000000e+00> : vector<10000x128xf32>
    %dot_general3A_54 = tpu.matmul %max3A_49, %get3A_52, %dot_general3A_53 {dimension_numbers = #tpu.dot_dimension_numbers<[1], [0], [0], [1], [0, 0, 1, 1], [], []>, transpose_lhs_hint = false} : vector<10000x128xf32>, vector<128x128xf32>, vector<10000x128xf32> -> vector<10000x128xf32>
    %get3A_55 = arith.constant 0 : index
    %get3A_56 = arith.constant 0 : index
    %get3A_57 = vector.load %arg7[%get3A_55, %get3A_56] : memref<1x128xf32, #tpu.memory_space<vmem>>, vector<1x128xf32>
    %add3A_58 = vector.broadcast %get3A_57 : vector<1x128xf32> to vector<10000x128xf32>
    %add3A_59 = arith.addf %dot_general3A_54, %add3A_58 : vector<10000x128xf32>
    %reduce_sum3A_60 = arith.constant dense<0.000000e+00> : vector<128xf32>
    %reduce_sum3A_61 = vector.multi_reduction <add>, %add3A_59, %reduce_sum3A_60 [0] : vector<10000x128xf32> to vector<128xf32>
    %broadcast_in_dim3A_62 = vector.shape_cast %reduce_sum3A_61 : vector<128xf32> to vector<1x128xf32>
    %mul3A_63 = arith.mulf %add3A_59, %add3A_59 : vector<10000x128xf32>
    %reduce_sum3A_64 = arith.constant dense<0.000000e+00> : vector<128xf32>
    %reduce_sum3A_65 = vector.multi_reduction <add>, %mul3A_63, %reduce_sum3A_64 [0] : vector<10000x128xf32> to vector<128xf32>
    %broadcast_in_dim3A_66 = vector.shape_cast %reduce_sum3A_65 : vector<128xf32> to vector<1x128xf32>
    %get3A_67 = arith.constant 0 : index
    %get3A_68 = arith.constant 0 : index
    %get3A_69 = vector.load %arg8[%get3A_67, %get3A_68] : memref<1x128xf32, #tpu.memory_space<vmem>>, vector<1x128xf32>
    %get3A_70 = arith.constant 0 : index
    %get3A_71 = arith.constant 0 : index
    %get3A_72 = vector.load %arg9[%get3A_70, %get3A_71] : memref<1x128xf32, #tpu.memory_space<vmem>>, vector<1x128xf32>
    %div3A_73 = arith.constant 1.000000e+04 : f32
    %div3A_74 = vector.broadcast %div3A_73 : f32 to vector<1x128xf32>
    %div3A_75 = arith.divf %broadcast_in_dim3A_62, %div3A_74 : vector<1x128xf32>
    %div3A_76 = arith.constant 1.000000e+04 : f32
    %div3A_77 = vector.broadcast %div3A_76 : f32 to vector<1x128xf32>
    %div3A_78 = arith.divf %broadcast_in_dim3A_66, %div3A_77 : vector<1x128xf32>
    %mul3A_79 = arith.mulf %div3A_75, %div3A_75 : vector<1x128xf32>
    %sub3A_80 = arith.subf %div3A_78, %mul3A_79 : vector<1x128xf32>
    %add3A_81 = arith.constant 9.99999974E-6 : f32
    %add3A_82 = vector.broadcast %add3A_81 : f32 to vector<1x128xf32>
    %add3A_83 = arith.addf %sub3A_80, %add3A_82 : vector<1x128xf32>
    %rsqrt3A_84 = math.rsqrt %add3A_83 : vector<1x128xf32>
    %mul3A_85 = arith.mulf %get3A_69, %rsqrt3A_84 : vector<1x128xf32>
    %mul3A_86 = arith.mulf %div3A_75, %mul3A_85 : vector<1x128xf32>
    %sub3A_87 = arith.subf %get3A_72, %mul3A_86 : vector<1x128xf32>
    %mul3A_88 = vector.broadcast %mul3A_85 : vector<1x128xf32> to vector<10000x128xf32>
    %mul3A_89 = arith.mulf %add3A_59, %mul3A_88 : vector<10000x128xf32>
    %add3A_90 = vector.broadcast %sub3A_87 : vector<1x128xf32> to vector<10000x128xf32>
    %add3A_91 = arith.addf %mul3A_89, %add3A_90 : vector<10000x128xf32>
    %add3A_92 = arith.addf %add3A_91, %get3A_1 : vector<10000x128xf32>
    %swap3A = arith.constant 0 : index
    %swap3A_93 = arith.constant 0 : index
    %swap3A_94 = vector.load %arg10[%swap3A, %swap3A_93] : memref<10000x128xf32, #tpu.memory_space<vmem>>, vector<10000x128xf32>
    tpu.vector_store %arg10[%swap3A, %swap3A_93], %add3A_92 {strides = array<i32>} : memref<10000x128xf32, #tpu.memory_space<vmem>>, vector<10000x128xf32>,
    return
  }
}

</mosaic_0001>

<sc_bundles>
// kernel: kernel.11.cloned.1.call-start
scs
__scs_entry_jumppad:
0x0: {  	(pc) =	sbr.rel $0x88, $3  }
0x1: {  	(tag) =	ssettag $0x0;
	lr =	simm.s32 $0x1  }
0x2: {  	[smem:$0x3F8C] =	sst lr;
	_ =	strace $0xD0000000  }
0x3: {  	_ = 	snop  }
0x4: {  	_ = 	snop  }
0x5: {  	_ = 	snop  }
0x6: {  	_ = 	snop  }
0x7: {  	_ = 	snop  }
__scs_overlays_trampoline_lowered:
0x8: {  	[smem:$0x3F9B] =	sst s0  }
0x9: {  	[smem:$0x3F9C] =	sst s1  }
0xa: {  	[smem:$0x3F9D] =	sst s2  }
0xb: {  	[smem:$0x3F9E] =	sst s3  }
0xc: {  	[smem:$0x3F9F] =	sst s4  }
0xd: {  	[smem:$0x3FA0] =	sst s5  }
0xe: {  	[smem:$0x3FA1] =	sst s6  }
0xf: {  	[smem:$0x3FA2] =	sst s7  }
0x10: {  	[smem:$0x3FA3] =	sst s8  }
0x11: {  	[smem:$0x3FA4] =	sst s9;
	s0 =	simm.s32 @!p0 $0x0  }
0x12: {  	s1 =	sld [smem:$0x3F8A];
	s0 =	simm.s32 @p0 $0x1  }
0x13: {  	[smem:$0x3FA5] =	sst s0;
	s0 =	simm.s32 @!p1 $0x0  }
0x14: {  	s2 =	sld [smem:$0x3F89];
	s0 =	simm.s32 @p1 $0x1  }
0x15: {  	[smem:$0x3FA6] =	sst s0;
	s0 =	simm.s32 @!p2 $0x0  }
0x16: {  	s3 =	sld [smem:$0x3FDB];
	s0 =	simm.s32 @p2 $0x1  }
0x17: {  	s4 =	simm.s32 $0x1BF5;
	[smem:$0x3FA8] =	sst s0  }
0x18: {  	s0 =	sld [smem:$0x3F8B];
	_ =	swait.ge [sflag:s4], $0x0  }
0x19: {  	s7 =	sld [smem:$0x3F8C]  }
0x1a: {  	s8 =	sadd.s32 $0xFFFFE003, lr  }
0x1b: {  	s9 =	sadd.s32 $0xFFFFFEF7, lr;
	s5 =	simm.s32 $0xFFFFFFFF;
	p2 =	slt.u32 s8, $0xFFFFF086  }
0x1c: {  	p1 =	slt.u32 s9, $0xF7A;
	s5 =	simm.s32 @!p2 $0x0  }
0x1d: {  	s5 =	simm.s32 @p1 $0x1;
	p0 =	seq.s32 s7, s2  }
0x1e: {  	s7 =	smul.u32 @!p0 $0xF7A, s2;
	p2 =	seq.s32 @!p0 s5, $0x0  }
0x1f: {  	s9 =	smul.u32 $0xF7A, s1;
	s8 =	simm.s32 @!p0 $0x1BF5;
	p2 =	por !p2, p0  }
0x20: {  	[sflag:s8] =	ssyncset.s32 @!p0 $0xFFFFF086;
	s6 =	sadd.s32 @!p0 s3, s7;
	s7 =	simm.s32 @!p0 $0x108  }
0x21: {  	s3 =	sadd.s32 s3, s9;
	s6 =	sadd.s32 @!p0 $0x88, s6;
	s7 =	simm.s32 @p2 $0x1082  }
0x22: {  	[simem:s7], [sflag:s8] =	dma.local @!p0 [hbm:s6], $0xF7A  }
0x23: {  	s9 =	sor.u32 $0xD0000000, s2;
	s6 =	simm.s32 $0x108;
	_ =	swait.ge @!p0 [sflag:s8], $0x0  }
0x24: {  	s3 =	sadd.s32 $0x88, s3;
	s6 =	simm.s32 @!p1 $0x1082;
	[sflag:s4] =	ssyncset.s32 $0xFFFFF086  }
0x25: {  	[simem:s6], [sflag:s4] =	dma.local [hbm:s3], $0xF7A  }
0x26: {  	[smem:$0x3F8C] =	sst s1;
	(tag) =	ssettag s2;
	_ =	strace s9  }
0x27: {  	s1 =	sld [smem:$0x3F9C]  }
0x28: {  	s2 =	sld [smem:$0x3F9D]  }
0x29: {  	s4 =	sld [smem:$0x3F9F]  }
0x2a: {  	p0 =	seq.s32 s5, $0x0;
	s5 =	sld [smem:$0x3FA0]  }
0x2b: {  	s6 =	sld [smem:$0x3FA1]  }
0x2c: {  	s7 =	sld [smem:$0x3FA2]  }
0x2d: {  	s3 =	simm.s32 $0x108;
	s8 =	sld [smem:$0x3FA3]  }
0x2e: {  	s3 =	simm.s32 @!p0 $0x1082;
	s9 =	sld [smem:$0x3FA4]  }
0x2f: {  	lr =	sadd.s32 s0, s3;
	s0 =	sld [smem:$0x3F9B]  }
0x30: {  	s3 =	sld [smem:$0x3F9E]  }
0x31: {  	[smem:$0x3FA7] =	sst s10  }
0x32: {  	s10 =	sld [smem:$0x3FA5];
	_ =	sdelay $0x3  }
0x33: {  	p0 =	seq.s32 s10, $0x1;
	s10 =	sld [smem:$0x3FA7];
	_ =	sdelay $0x3  }
0x34: {  	[smem:$0x3FA7] =	sst s10  }
0x35: {  	s10 =	sld [smem:$0x3FA6];
	_ =	sdelay $0x3  }
0x36: {  	p1 =	seq.s32 s10, $0x1;
	s10 =	sld [smem:$0x3FA7];
	_ =	sdelay $0x3  }
0x37: {  	[smem:$0x3FA7] =	sst s10  }
0x38: {  	s10 =	sld [smem:$0x3FA8]  }
0x39: {  	_ = 	snop;
	(pc) =	sbr.ind lr, $3  }
0x3a: {  	_ = 	snop  }
0x3b: {  	_ = 	snop  }
0x3c: {  	p2 =	seq.s32 s10, $0x1;
	s10 =	sld [smem:$0x3FA7]  }
0x3d: {  	_ =	shalt  }
0x3e: {  	_ =	shalt  }
0x3f: {  	_ =	shalt  }
0x40: {  	_ =	shalt  }
0x41: {  	_ =	shalt  }
0x42: {  	_ =	shalt  }
0x43: {  	_ =	shalt  }
0x44: {  	_ =	shalt  }
0x45: {  	_ =	shalt  }
0x46: {  	_ =	shalt  }
0x47: {  	_ =	shalt  }
0x48: {  	_ =	shalt  }
0x49: {  	_ =	shalt  }
0x4a: {  	_ =	shalt  }
0x4b: {  	_ =	shalt  }
0x4c: {  	_ =	shalt  }
0x4d: {  	_ =	shalt  }
0x4e: {  	_ =	shalt  }
0x4f: {  	_ =	shalt  }
0x50: {  	_ =	shalt  }
0x51: {  	_ =	shalt  }
0x52: {  	_ =	shalt  }
0x53: {  	_ =	shalt  }
0x54: {  	_ =	shalt  }
0x55: {  	_ =	shalt  }
0x56: {  	_ =	shalt  }
0x57: {  	_ =	shalt  }
0x58: {  	_ =	shalt  }
0x59: {  	_ =	shalt  }
0x5a: {  	_ =	shalt  }
0x5b: {  	_ =	shalt  }
0x5c: {  	_ =	shalt  }
0x5d: {  	_ =	shalt  }
0x5e: {  	_ =	shalt  }
0x5f: {  	_ =	shalt  }
0x60: {  	_ =	shalt  }
0x61: {  	_ =	shalt  }
0x62: {  	_ =	shalt  }
0x63: {  	_ =	shalt  }
0x64: {  	_ =	shalt  }
0x65: {  	_ =	shalt  }
0x66: {  	_ =	shalt  }
0x67: {  	_ =	shalt  }
0x68: {  	_ =	shalt  }
0x69: {  	_ =	shalt  }
0x6a: {  	_ =	shalt  }
0x6b: {  	_ =	shalt  }
0x6c: {  	_ =	shalt  }
0x6d: {  	_ =	shalt  }
0x6e: {  	_ =	shalt  }
0x6f: {  	_ =	shalt  }
0x70: {  	_ =	shalt  }
0x71: {  	_ =	shalt  }
0x72: {  	_ =	shalt  }
0x73: {  	_ =	shalt  }
0x74: {  	_ =	shalt  }
0x75: {  	_ =	shalt  }
0x76: {  	_ =	shalt  }
0x77: {  	_ =	shalt  }
0x78: {  	_ =	shalt  }
0x79: {  	_ =	shalt  }
0x7a: {  	_ =	shalt  }
0x7b: {  	_ =	shalt  }
0x7c: {  	_ =	shalt  }
0x7d: {  	_ =	shalt  }
0x7e: {  	_ =	shalt  }
0x7f: {  	_ =	shalt  }
0x80: {  	_ =	shalt  }
0x81: {  	_ =	shalt  }
0x82: {  	_ =	shalt  }
0x83: {  	_ =	shalt  }
0x84: {  	_ =	shalt  }
0x85: {  	_ =	shalt  }
0x86: {  	_ =	shalt  }
0x87: {  	_ =	shalt  }
.Lfunc_end0:
.L_simem_size_0:
called_computation.1_lowered:
.L_overlay_start_0:
0x88: {  	s2 =	sld [smem:$0x3FD9]  }
0x89: {  	s3 =	sld [smem:$0x3FFE];
	_ =	sdelay $0x1  }
0x8a: {  	s1 =	srdreg.scid  }
0x8b: {  	s0 =	sand.u32 $0x1, s1  }
0x8c: {  	s17 =	sshll.u32 s0, $0xA;
	s2 =	sadd.s32 s3, s2  }
0x8d: {  	s2 =	sadd.s32 s2, s17  }
0x8e: {  	[smem:$0x3FB3] =	sst s2  }
0x8f: {  	_ = 	snop  }
0x90: {  	s2 =	sld [smem:$0x3FD0];
	(tm) =	ssettm $0x1  }
0x91: {  	s18 =	sld [smem:$0x3FFB];
	_ =	sdelay $0x3  }
0x92: {  	_ =	strace s18  }
0x93: {  	s3 =	sld [smem:$0x3FFC];
	_ =	sdelay $0x3  }
0x94: {  	_ =	strace s3  }
0x95: {  	s3 =	sld [smem:$0x3FFD];
	_ =	sdelay $0x3  }
0x96: {  	_ =	strace s3  }
0x97: {  	_ =	strace $0x8FFFFFFF  }
0x98: {  	s19 =	sld [smem:$0x3FDB];
	_ =	sdelay $0x1  }
0x99: {  	s4 =	simm.s32 $_scs_section_size  }
0x9a: {  	s5 =	simm.s32 $_size__tile_overlayer_lowered;
	s6 =	simm.s32 $_tile_overlayer_lowered  }
0x9b: {  	s22 =	simm.s32 $0x1BFF;
	s21 =	sshll.u32 s6, $0x1;
	s3 =	sadd.s32 s4, s19  }
0x9c: {  	s7 =	simm.s32 $0x0;
	s20 =	sshll.u32 s5, $0x1;
	s5 =	sadd.s32 s21, s3  }
0x9d: {  	[timem:s7], [sflag:s22] =	dma.local [hbm:s5], s20  }
0x9e: {  	_ =	swait.ge [sflag:s22], s20  }
0x9f: {  	s4 =	ssub.s32 $0x0, s20;
	[sflag:s22] =	ssyncset.done $0x0  }
0xa0: {  	[sflag:s22] =	ssyncadd.s32 s4;
	_ =	sdelay $0x1  }
0xa1: {  	s23 =	simm.s32 $0x1B8B  }
0xa2: {  	_ =	swait.ge [sflag:s23], $0x1  }
0xa3: {  	[sflag:s23] =	ssyncset.done $0x0  }
0xa4: {  	s25 =	simm.s32 $0x1B8E;
	s24 =	sld [smem:$0x3FFE];
	[sflag:s23] =	ssyncadd.s32 $0xFFFFFFFF  }
0xa5: {  	s26 =	simm.s32 $execute0_lowered;
	[smem:$0x3FD2] =	sst s25  }
0xa6: {  	s5 =	sshll.u32 s26, $0x1;
	_ =	strace $0x80000049;
	[dreg:$0x1] =	wrdreg $0xFFFFFFFF  }
0xa7: {  	s28 =	simm.s32 $_size_execute0_lowered;
	s3 =	sadd.s32 s3, s5;
	[dreg:$0x0] =	wrdreg $0x0  }
0xa8: {  	s5 =	sshll.u32 s28, $0x1;
	[dreg:$0x2] =	wrdreg s3  }
0xa9: {  	[dreg:$0x3] =	wrdreg s5  }
0xaa: {  	[dreg:$0x4] =	wrdreg $0xC0  }
0xab: {  	_ =	task [dreg:s7], $0x5FFFF  }
0xac: {  	[dreg:$0x1] =	wrdreg $0xFFFFFFFF  }
0xad: {  	[dreg:$0x0] =	wrdreg $0x60  }
0xae: {  	[dreg:$0x2] =	wrdreg s24  }
0xaf: {  	[dreg:$0x3] =	wrdreg s2  }
0xb0: {  	[dreg:$0x4] =	wrdreg $0xB5000  }
0xb1: {  	[dreg:$0x5] =	wrdreg $0x9  }
0xb2: {  	_ =	task.clear_ibuf [dreg:s7], $0x6FFFF;
	_ =	strace $0x90000049  }
0xb3: {  	s29 =	simm.s32 $0x9;
	_ =	strace $0x8000004B  }
0xb4: {  	_ =	swait.ge [sflag:s29], $0x1  }
0xb5: {  	[sflag:s29] =	ssyncadd.s32 $0xFFFFFFFF  }
0xb6: {  	_ =	strace $0x9000004B  }
0xb7: {  	_ =	sfence  }
0xb8: {  	s30 =	sld [smem:$0x0];
	_ =	sdelay $0x2  }
0xb9: {  	s31 =	sshll.u32 s1, $0xD;
	s1 =	sshrl.u32 s1, $0x2  }
0xba: {  	s3 =	sand.u32 $0x4000, s31;
	s1 =	sadd.s32 s1, s30  }
0xbb: {  	s0 =	sor.u32 s3, s0;
	s1 =	sshll.u32 s1, $0x11  }
0xbc: {  	s0 =	sor.u32 s1, s0  }
0xbd: {  	s0 =	sadd.s32 $0x8F2B, s0  }
0xbe: {  	[sflag:s0] =	ssyncadd.remote.s32 $0x1  }
0xbf: {  	_ =	sfence.sel $0xFFFF  }
0xc0: {  	[dreg:$0x0] =	wrdreg $0xFFFFFFFF;
	(pc) =	sbr.abs _section_cstart, $3  }
0xc1: {  	[dreg:$0x1] =	wrdreg $0xFFFFFFFF  }
0xc2: {  	_ =	task.clear_ibuf [dreg:s7], $0x2FFFF;
	_ =	strace $0x9FFFFFFF  }
0xc3: {  	(tm) =	ssettm $0x7FFFFFFF  }
tec
execute0_lowered:
.L_overlay_start_1:
0x0: {  	(tag) =	ssettag $0x1  }
0x1: {  	s0 =	rddreg [dreg:$0x0]  }
0x2: {  	s18 =	rddreg [dreg:$0x1]  }
0x3: {  	s2 =	rddreg [dreg:$0x2];
	s1 =	srdreg.scid  }
0x4: {  	s20 =	stileid.u32;
	s3 =	simm.s32 $0x0;
	s28 =	simm.s32 $0x3  }
0x5: {  	s29 =	simm.s32 $0x4;
	s30 =	simm.s32 $0x0;
	s19 =	smul.u32 $0x19000, s20  }
0x6: {  	s1 =	sand.u32 $0x1, s1;
	s9 =	sor.u32 $0x10, s20;
	s25 =	smul.u32 $0x6400, s20  }
0x7: {  	s4 =	sshll.u32 s20, $0x1;
	s11 =	sor.u32 $0x20, s20;
	s7 =	smul.u32 $0x19000, s9  }
0x8: {  	[smem:$0x7FF] =	sst s3;
	s14 =	sor.u32 $0x30, s20;
	s13 =	smul.u32 $0x19000, s11  }
0x9: {  	s8 =	sadd.s32 $0x3400, s0;
	s5 =	sor.u32 s1, s4;
	s21 =	smul.u32 $0x19000, s14  }
0xa: {  	s0 =	sadd.s32 $0x4E5400, s0;
	p0 =	sgt.u32 s20, $0x1;
	s10 =	smul.u32 $0x2710, s5  }
0xb: {  	_ =	strace $0x8000004A;
	s6 =	ssub.s32 $0x2, s1;
	s16 =	smul.u32 $0x27100, s5  }
0xc: {  	s12 =	sshrl.u32 s6, $0x1;
	s4 =	sshrl.u32 s19, $0x2;
	s19 =	smul.u32 $0x6400, s9  }
0xd: {  	s15 =	ssub.s32 s6, s12;
	s4 =	sadd.s32 s4, s2;
	s22 =	sshrl.u32 s7, $0x2  }
0xe: {  	s23 =	sshrl.u32 s13, $0x2;
	s13 =	smul.u32 $0x138800, s1;
	s24 =	sshrl.u32 s21, $0x2  }
0xf: {  	s5 =	sadd.s32 s22, s2;
	s6 =	sadd.s32 s23, s2;
	s7 =	sadd.s32 s24, s2  }
0x10: {  	s17 =	sshrl.u32 s10, $0x3;
	s31 =	sadd.s32 s8, s16;
	s22 =	smul.u32 $0x6400, s14  }
0x11: {  	s9 =	sadd.s32 $0x50, s10;
	s24 =	smul.u32 $0x4E20, s20;
	s26 =	sadd.s32 s18, s17  }
0x12: {  	[dreg:$0x5] =	wrdreg s31;
	s17 =	sadd.s32 s13, s19;
	s19 =	smul.u32 $0x6400, s11  }
0x13: {  	s12 =	sadd.s32 s25, s13;
	s25 =	smul.u32 $0x2710, s1;
	s31 =	sshrl.u32 s9, $0x3  }
0x14: {  	s1 =	smul.u32 $0x27100, s1;
	s16 =	sshll.u32 s9, $0x4;
	[dreg:$0x4] =	wrdreg s26  }
0x15: {  	s10 =	sshrl.u32 s12, $0x3;
	s21 =	sshrl.u32 s17, $0x3;
	s26 =	smul.u32 $0x4E200, s20  }
0x16: {  	s16 =	sadd.s32 s8, s16;
	s20 =	simm.s32 $0x5;
	s10 =	sadd.s32 s0, s10  }
0x17: {  	s11 =	sadd.s32 s0, s21;
	s23 =	sadd.s32 s13, s19;
	s13 =	sadd.s32 s13, s22  }
0x18: {  	s17 =	sadd.s32 s25, s24;
	s19 =	simm.s32 $0x5100;
	s21 =	simm.s32 $0x100  }
0x19: {  	s22 =	simm.s32 $0x1;
	s24 =	simm.s32 $0x2900;
	s25 =	simm.s32 $0x50  }
.Ltmp0:
0x1a: {  	s14 =	sshrl.u32 s23, $0x3;
	s13 =	sshrl.u32 s13, $0x3;
	(pc) =	sbr.rel .LBB2_1-.Ltmp0, $4  }
0x1b: {  	s17 =	sadd.s32 $0xA0, s17;
	s23 =	simm.s32 $0x80;
	s12 =	sadd.s32 s0, s14  }
0x1c: {  	s13 =	sadd.s32 s0, s13;
	s14 =	smax.u32 s15, $0x1;
	s0 =	sadd.s32 s26, s8  }
0x1d: {  	s15 =	sadd.s32 s18, s31;
	s17 =	sshrl.u32 s17, $0x3;
	s0 =	sadd.s32 s1, s0  }
0x1e: {  	v0 =	vimm.f32 $0.0e+00;
	s26 =	simm.s32 $0x2;
	s1 =	sadd.s32 $0xA00, s0;
	s0 =	sadd.s32 s17, s18  }
.LBB2_6:
0x1f: {  	[spmem:s2] =	stream.indirect.scatter.add.f32 [tilespmem:s21], [sflag:$0x3], $0x80, s3, s25, $0xb8;
	[tilespmem:$0x1ED80] =	vst v63  }
.LBB2_10:
0x20: {  	_ =	swait.ge [sflag:s28], $0x2800  }
0x21: {  	s8 =	stileid.u32;
	[sflag:s28] =	ssyncset.done $0x0  }
0x22: {  	s8 =	sshll.u32 s8, $0x6;
	[sflag:s28] =	ssyncadd.s32 $0xFFFFD800  }
0x23: {  	s9 =	sshrl.u32 s4, $0x3;
	s8 =	sor.u32 $0x1C05, s8;
	[bflag:$0x0] =	sbarrier.arrive $0xFFFF  }
0x24: {  	[hbm:s10], [sflag:s8] =	dma.local [spmem:s9], $0xC80  }
0x25: {  	_ =	swait.ge [sflag:s20], $0xC80  }
0x26: {  	[sflag:s20] =	ssyncset.done $0x0  }
0x27: {  	s18 =	sshrl.u32 s5, $0x3;
	[sflag:s20] =	ssyncadd.s32 $0xFFFFF380  }
0x28: {  	[hbm:s11], [sflag:s8] =	dma.local [spmem:s18], $0xC80  }
0x29: {  	_ =	swait.ge [sflag:s20], $0xC80  }
0x2a: {  	[sflag:s20] =	ssyncset.done $0x0  }
0x2b: {  	s31 =	sshrl.u32 s6, $0x3;
	[sflag:s20] =	ssyncadd.s32 $0xFFFFF380  }
0x2c: {  	[hbm:s12], [sflag:s8] =	dma.local [spmem:s31], $0xC80  }
0x2d: {  	_ =	swait.ge [sflag:s20], $0xC80  }
0x2e: {  	s30 =	sadd.s32 $0x1, s30;
	[sflag:s20] =	ssyncset.done $0x0  }
0x2f: {  	p1 =	sne.s32 s30, s14;
	s9 =	sshrl.u32 @!p0 s7, $0x3;
	[sflag:s20] =	ssyncadd.s32 $0xFFFFF380  }
0x30: {  	[hbm:s13], [sflag:s8] =	dma.local @!p0 [spmem:s9], $0xC80  }
.Ltmp1:
0x31: {  	_ = 	snop;
	(pc) =	sbr.rel @!p1 .LBB2_11-.Ltmp1, $4  }
0x32: {  	s8 =	simm.s32 @!p0 $0x5  }
0x33: {  	_ =	swait.ge @!p0 [sflag:s8], $0xC80  }
0x34: {  	[sflag:s8] =	ssyncset.done @!p0 $0x0  }
0x35: {  	[sflag:s8] =	ssyncadd.s32 @!p0 $0xFFFFF380  }
.LBB2_1:
0x36: {  	s17 =	simm.s32 $0x0;
	s18 =	simm.s32 $0x200  }
.LBB2_2:
0x37: {  	p1 =	sne.s32 s18, $0x18E00;
	[tilespmem:s17+$0x5170] =	vst v0  }
0x38: {  	[tilespmem:s17+$0x5100] =	vst v0  }
0x39: {  	[tilespmem:s17+$0x5110] =	vst v0  }
.Ltmp2:
0x3a: {  	[tilespmem:s17+$0x5120] =	vst v0;
	(pc) =	sbr.rel @p1 .LBB2_2-.Ltmp2, $4  }
0x3b: {  	[tilespmem:s17+$0x5130] =	vst v0  }
0x3c: {  	[tilespmem:s17+$0x5140] =	vst v0  }
0x3d: {  	[tilespmem:s17+$0x5150] =	vst v0  }
0x3e: {  	[tilespmem:s17+$0x5160] =	vst v0;
	s17 =	sshra.s32 s18, $0x2;
	s18 =	sadd.s32 $0x200, s18  }
0x3f: {  	[tilespmem:s17+$0x5170] =	vst v0  }
0x40: {  	[tilespmem:s17+$0x5100] =	vst v0  }
0x41: {  	[tilespmem:s17+$0x5110] =	vst v0  }
0x42: {  	[tilespmem:s17+$0x5120] =	vst v0  }
0x43: {  	[tilespmem:s17+$0x5130] =	vst v0  }
0x44: {  	[tilespmem:s17+$0x5140] =	vst v0  }
0x45: {  	[tilespmem:s17+$0x5150] =	vst v0  }
0x46: {  	[tilespmem:s17+$0x5160] =	vst v0  }
0x47: {  	[spmem:s4] =	stream.linear.scatter [tilespmem:s19], [sflag:$0x5], $0x6400, $0x38;
	[tilespmem:$0x1ED80] =	vst v63  }
0x48: {  	_ =	swait.ge [sflag:s20], $0x6400  }
0x49: {  	[sflag:s20] =	ssyncset.done $0x0  }
0x4a: {  	[sflag:s20] =	ssyncadd.s32 $0xFFFF9C00  }
0x4b: {  	[spmem:s5] =	stream.linear.scatter [tilespmem:s19], [sflag:$0x5], $0x6400, $0x38;
	[tilespmem:$0x1ED80] =	vst v63  }
0x4c: {  	_ =	swait.ge [sflag:s20], $0x6400  }
0x4d: {  	[sflag:s20] =	ssyncset.done $0x0  }
0x4e: {  	[sflag:s20] =	ssyncadd.s32 $0xFFFF9C00  }
0x4f: {  	[spmem:s6] =	stream.linear.scatter [tilespmem:s19], [sflag:$0x5], $0x6400, $0x38;
	[tilespmem:$0x1ED80] =	vst v63  }
0x50: {  	_ =	swait.ge [sflag:s20], $0x6400  }
0x51: {  	[sflag:s20] =	ssyncset.done $0x0  }
0x52: {  	s8 =	simm.s32 @!p0 $0x5100;
	[sflag:s20] =	ssyncadd.s32 $0xFFFF9C00  }
0x53: {  	[spmem:s7] =	stream.linear.scatter @!p0 [tilespmem:s8], [sflag:$0x5], $0x6400, $0x38;
	[tilespmem:$0x1ED80] =	vst v63  }
0x54: {  	s8 =	simm.s32 @!p0 $0x5  }
0x55: {  	_ =	swait.ge @!p0 [sflag:s8], $0x6400  }
0x56: {  	[sflag:s8] =	ssyncset.done @!p0 $0x0  }
0x57: {  	[sflag:s8] =	ssyncadd.s32 @!p0 $0xFFFF9C00  }
0x58: {  	[bflag:$0x0] =	sbarrier.arrive $0xFFFF  }
0x59: {  	s17 =	rddreg [dreg:$0x4]  }
0x5a: {  	[tilespmem:s3], [sflag:$0x1] =	stream.linear.gather [hbm4b:s17+s3], $0x50, $0x38;
	[tilespmem:$0x1ED80] =	vst v63  }
0x5b: {  	s18 =	rddreg [dreg:$0x5]  }
0x5c: {  	[tilespmem:s21], [sflag:$0x1] =	stream.linear.gather [hbm4b:s18+s3], $0x2800, $0x38;
	[tilespmem:$0x1ED80] =	vst v63  }
0x5d: {  	_ =	swait.ge [sflag:s22], $0x50  }
0x5e: {  	[sflag:s22] =	ssyncset.done $0x0  }
0x5f: {  	[sflag:s22] =	ssyncadd.s32 $0xFFFFFFB0  }
0x60: {  	_ =	swait.ge [sflag:s22], $0x2800  }
0x61: {  	[sflag:s22] =	ssyncset.done $0x0  }
0x62: {  	[sflag:s22] =	ssyncadd.s32 $0xFFFFD800  }
0x63: {  	[tilespmem:s23], [sflag:$0x2] =	stream.linear.gather [hbm4b:s15+s3], $0x50, $0x38;
	[tilespmem:$0x1ED80] =	vst v63  }
.Ltmp3:
0x64: {  	_ = 	snop;
	(pc) =	sbr.rel .LBB2_4-.Ltmp3, $4  }
0x65: {  	_ = 	snop  }
0x66: {  	[tilespmem:s24], [sflag:$0x2] =	stream.linear.gather [hbm4b:s16+s3], $0x2800, $0x38;
	[tilespmem:$0x1ED80] =	vst v63  }
0x67: {  	s31 =	simm.s32 $0xFFFFFF84;
	s17 =	smov.u32 s1;
	s18 =	smov.u32 s0  }
0x68: {  	[spmem:s2] =	stream.indirect.scatter.add.f32 [tilespmem:s21], [sflag:$0x3], $0x80, s3, s25, $0xb8;
	[tilespmem:$0x1ED80] =	vst v63  }
.LBB2_8:
0x69: {  	_ =	swait.ge [sflag:s26], $0x50  }
0x6a: {  	[sflag:s26] =	ssyncset.done $0x0  }
0x6b: {  	[sflag:s26] =	ssyncadd.s32 $0xFFFFFFB0  }
0x6c: {  	_ =	swait.ge [sflag:s26], $0x2800  }
0x6d: {  	[sflag:s26] =	ssyncset.done $0x0  }
0x6e: {  	[sflag:s26] =	ssyncadd.s32 $0xFFFFD800  }
0x6f: {  	_ =	swait.ge [sflag:s28], $0x2800  }
0x70: {  	p1 =	seq.s32 s31, $0xFFFFFFFF;
	[sflag:s28] =	ssyncset.done $0x0  }
0x71: {  	s8 =	simm.s32 @!p1 $0x0;
	[sflag:s28] =	ssyncadd.s32 $0xFFFFD800  }
0x72: {  	[tilespmem:s8], [sflag:$0x1] =	stream.linear.gather @!p1 [hbm4b:s18+s8], $0x50, $0x38;
	[tilespmem:$0x1ED80] =	vst v63  }
0x73: {  	s9 =	simm.s32 @!p1 $0x100  }
0x74: {  	[tilespmem:s9], [sflag:$0x1] =	stream.linear.gather @!p1 [hbm4b:s17+s8], $0x2800, $0x38;
	[tilespmem:$0x1ED80] =	vst v63  }
0x75: {  	_ = 	snop  }
0x76: {  	[spmem:s2] =	stream.indirect.scatter.add.f32 [tilespmem:s24], [sflag:$0x4], $0x80, s23, s25, $0xb8;
	[tilespmem:$0x1ED80] =	vst v63  }
.LBB2_9:
0x77: {  	s31 =	sadd.s32 $0x1, s31  }
0x78: {  	p1 =	seq.s32 s31, $0x0  }
.Ltmp4:
0x79: {  	_ = 	snop;
	(pc) =	sbr.rel @p1 .LBB2_10-.Ltmp4, $2  }
0x7a: {  	_ =	sdelay $0x2  }
0x7b: {  	s17 =	sadd.s32 $0x500, s17;
	s18 =	sadd.s32 $0xA, s18  }
.LBB2_4:
0x7c: {  	s8 =	sadd.s32 $0x7D, s31  }
0x7d: {  	s8 =	sand.u32 $0x1, s8  }
0x7e: {  	p1 =	seq.s32 s8, $0x1  }
.Ltmp5:
0x7f: {  	_ = 	snop;
	(pc) =	sbr.rel @p1 .LBB2_8-.Ltmp5, $1  }
0x80: {  	_ =	sdelay $0x3  }
0x81: {  	_ =	swait.ge [sflag:s22], $0x50  }
0x82: {  	[sflag:s22] =	ssyncset.done $0x0  }
0x83: {  	[sflag:s22] =	ssyncadd.s32 $0xFFFFFFB0  }
0x84: {  	p1 =	sne.s32 s31, $0xFFFFFFFF;
	_ =	swait.ge [sflag:s22], $0x2800  }
.Ltmp6:
0x85: {  	[sflag:s22] =	ssyncset.done $0x0;
	(pc) =	sbr.rel @!p1 .LBB2_6-.Ltmp6, $4  }
0x86: {  	[sflag:s22] =	ssyncadd.s32 $0xFFFFD800  }
0x87: {  	_ =	swait.ge [sflag:s29], $0x2800  }
0x88: {  	[sflag:s29] =	ssyncset.done $0x0  }
0x89: {  	[sflag:s29] =	ssyncadd.s32 $0xFFFFD800  }
0x8a: {  	[tilespmem:s23], [sflag:$0x2] =	stream.linear.gather [hbm4b:s18+s3], $0x50, $0x38;
	[tilespmem:$0x1ED80] =	vst v63  }
0x8b: {  	p1 =	seq.s32 s8, $0x0  }
.Ltmp7:
0x8c: {  	_ = 	snop;
	(pc) =	sbr.rel @p1 .LBB2_9-.Ltmp7, $4  }
.Ltmp8:
0x8d: {  	_ = 	snop;
	(pc) =	sbr.rel @!p1 .LBB2_8-.Ltmp8, $4  }
0x8e: {  	[tilespmem:s24], [sflag:$0x2] =	stream.linear.gather [hbm4b:s17+s3], $0x2800, $0x38;
	[tilespmem:$0x1ED80] =	vst v63  }
0x8f: {  	_ = 	snop  }
0x90: {  	[spmem:s2] =	stream.indirect.scatter.add.f32 [tilespmem:s21], [sflag:$0x3], $0x80, s3, s25, $0xb8;
	[tilespmem:$0x1ED80] =	vst v63  }
0x91: {  	_ = 	snop  }
.LBB2_11:
0x92: {  	_ =	sfence.sel $0x180000  }
0x93: {  	[bflag:$0x0] =	sbarrier.arrive $0xFFFF  }
0x94: {  	_ =	strace $0x9000004A  }
0x95: {  	s0 =	stileid.u32;
	[bflag:$0x2] =	sbarrier.arrive $0xFFFF  }
0x96: {  	p0 =	sne.s32 s0, $0x0;
	s0 =	rddreg [dreg:$0x3]  }
0x97: {  	s0 =	sadd.s32 @!p0 $0x100000, s0  }
0x98: {  	[sflag:s0] =	ssyncadd.tile.s32 @!p0 $0x1;
	_ =	shalt  }
.Lfunc_end2:
_tile_overlayer_lowered:
.L_overlay_start_2:
0x99: {  	(tag) =	ssettag $0x2  }
0x9a: {  	s0 =	rddreg [dreg:$0x0];
	s2 =	stileid.u32  }
0x9b: {  	s1 =	rddreg [dreg:$0x1];
	p0 =	sne.s32 s2, $0x0  }
0x9c: {  	s3 =	rddreg [dreg:$0x2];
	[bflag:$0x3] =	sbarrier.arrive $0xFFFF;
	s2 =	simm.s32 @!p0 $0x1C05  }
0x9d: {  	[timem:s3], [sflag:s2] =	dma.local @!p0 [hbm:s0], s1  }
0x9e: {  	s0 =	simm.s32 @!p0 $0x5  }
0x9f: {  	_ =	swait.ge @!p0 [sflag:s0], s1  }
0xa0: {  	s1 =	ssub.s32 @!p0 $0x0, s1;
	[sflag:s0] =	ssyncset.done @!p0 $0x0  }
0xa1: {  	[sflag:s0] =	ssyncadd.s32 @!p0 s1  }
0xa2: {  	[bflag:$0x3] =	sbarrier.arrive $0xFFFF  }
0xa3: {  	_ =	shalt  }

// kernel: kernel.8.cloned.1.call-start
scs
__scs_entry_jumppad:
0x0: {  	(pc) =	sbr.rel $0x88, $3  }
0x1: {  	(tag) =	ssettag $0x0;
	lr =	simm.s32 $0x1  }
0x2: {  	[smem:$0x3F8C] =	sst lr;
	_ =	strace $0xD0000000  }
0x3: {  	_ = 	snop  }
0x4: {  	_ = 	snop  }
0x5: {  	_ = 	snop  }
0x6: {  	_ = 	snop  }
0x7: {  	_ = 	snop  }
__scs_overlays_trampoline_lowered:
0x8: {  	[smem:$0x3F9B] =	sst s0  }
0x9: {  	[smem:$0x3F9C] =	sst s1  }
0xa: {  	[smem:$0x3F9D] =	sst s2  }
0xb: {  	[smem:$0x3F9E] =	sst s3  }
0xc: {  	[smem:$0x3F9F] =	sst s4  }
0xd: {  	[smem:$0x3FA0] =	sst s5  }
0xe: {  	[smem:$0x3FA1] =	sst s6  }
0xf: {  	[smem:$0x3FA2] =	sst s7  }
0x10: {  	[smem:$0x3FA3] =	sst s8  }
0x11: {  	[smem:$0x3FA4] =	sst s9;
	s0 =	simm.s32 @!p0 $0x0  }
0x12: {  	s1 =	sld [smem:$0x3F8A];
	s0 =	simm.s32 @p0 $0x1  }
0x13: {  	[smem:$0x3FA5] =	sst s0;
	s0 =	simm.s32 @!p1 $0x0  }
0x14: {  	s2 =	sld [smem:$0x3F89];
	s0 =	simm.s32 @p1 $0x1  }
0x15: {  	[smem:$0x3FA6] =	sst s0;
	s0 =	simm.s32 @!p2 $0x0  }
0x16: {  	s3 =	sld [smem:$0x3FDB];
	s0 =	simm.s32 @p2 $0x1  }
0x17: {  	s4 =	simm.s32 $0x1BF5;
	[smem:$0x3FA8] =	sst s0  }
0x18: {  	s0 =	sld [smem:$0x3F8B];
	_ =	swait.ge [sflag:s4], $0x0  }
0x19: {  	s7 =	sld [smem:$0x3F8C]  }
0x1a: {  	s8 =	sadd.s32 $0xFFFFE003, lr  }
0x1b: {  	s9 =	sadd.s32 $0xFFFFFEF7, lr;
	s5 =	simm.s32 $0xFFFFFFFF;
	p2 =	slt.u32 s8, $0xFFFFF086  }
0x1c: {  	p1 =	slt.u32 s9, $0xF7A;
	s5 =	simm.s32 @!p2 $0x0  }
0x1d: {  	s5 =	simm.s32 @p1 $0x1;
	p0 =	seq.s32 s7, s2  }
0x1e: {  	s7 =	smul.u32 @!p0 $0xF7A, s2;
	p2 =	seq.s32 @!p0 s5, $0x0  }
0x1f: {  	s9 =	smul.u32 $0xF7A, s1;
	s8 =	simm.s32 @!p0 $0x1BF5;
	p2 =	por !p2, p0  }
0x20: {  	[sflag:s8] =	ssyncset.s32 @!p0 $0xFFFFF086;
	s6 =	sadd.s32 @!p0 s3, s7;
	s7 =	simm.s32 @!p0 $0x108  }
0x21: {  	s3 =	sadd.s32 s3, s9;
	s6 =	sadd.s32 @!p0 $0x88, s6;
	s7 =	simm.s32 @p2 $0x1082  }
0x22: {  	[simem:s7], [sflag:s8] =	dma.local @!p0 [hbm:s6], $0xF7A  }
0x23: {  	s9 =	sor.u32 $0xD0000000, s2;
	s6 =	simm.s32 $0x108;
	_ =	swait.ge @!p0 [sflag:s8], $0x0  }
0x24: {  	s3 =	sadd.s32 $0x88, s3;
	s6 =	simm.s32 @!p1 $0x1082;
	[sflag:s4] =	ssyncset.s32 $0xFFFFF086  }
0x25: {  	[simem:s6], [sflag:s4] =	dma.local [hbm:s3], $0xF7A  }
0x26: {  	[smem:$0x3F8C] =	sst s1;
	(tag) =	ssettag s2;
	_ =	strace s9  }
0x27: {  	s1 =	sld [smem:$0x3F9C]  }
0x28: {  	s2 =	sld [smem:$0x3F9D]  }
0x29: {  	s4 =	sld [smem:$0x3F9F]  }
0x2a: {  	p0 =	seq.s32 s5, $0x0;
	s5 =	sld [smem:$0x3FA0]  }
0x2b: {  	s6 =	sld [smem:$0x3FA1]  }
0x2c: {  	s7 =	sld [smem:$0x3FA2]  }
0x2d: {  	s3 =	simm.s32 $0x108;
	s8 =	sld [smem:$0x3FA3]  }
0x2e: {  	s3 =	simm.s32 @!p0 $0x1082;
	s9 =	sld [smem:$0x3FA4]  }
0x2f: {  	lr =	sadd.s32 s0, s3;
	s0 =	sld [smem:$0x3F9B]  }
0x30: {  	s3 =	sld [smem:$0x3F9E]  }
0x31: {  	[smem:$0x3FA7] =	sst s10  }
0x32: {  	s10 =	sld [smem:$0x3FA5];
	_ =	sdelay $0x3  }
0x33: {  	p0 =	seq.s32 s10, $0x1;
	s10 =	sld [smem:$0x3FA7];
	_ =	sdelay $0x3  }
0x34: {  	[smem:$0x3FA7] =	sst s10  }
0x35: {  	s10 =	sld [smem:$0x3FA6];
	_ =	sdelay $0x3  }
0x36: {  	p1 =	seq.s32 s10, $0x1;
	s10 =	sld [smem:$0x3FA7];
	_ =	sdelay $0x3  }
0x37: {  	[smem:$0x3FA7] =	sst s10  }
0x38: {  	s10 =	sld [smem:$0x3FA8]  }
0x39: {  	_ = 	snop;
	(pc) =	sbr.ind lr, $3  }
0x3a: {  	_ = 	snop  }
0x3b: {  	_ = 	snop  }
0x3c: {  	p2 =	seq.s32 s10, $0x1;
	s10 =	sld [smem:$0x3FA7]  }
0x3d: {  	_ =	shalt  }
0x3e: {  	_ =	shalt  }
0x3f: {  	_ =	shalt  }
0x40: {  	_ =	shalt  }
0x41: {  	_ =	shalt  }
0x42: {  	_ =	shalt  }
0x43: {  	_ =	shalt  }
0x44: {  	_ =	shalt  }
0x45: {  	_ =	shalt  }
0x46: {  	_ =	shalt  }
0x47: {  	_ =	shalt  }
0x48: {  	_ =	shalt  }
0x49: {  	_ =	shalt  }
0x4a: {  	_ =	shalt  }
0x4b: {  	_ =	shalt  }
0x4c: {  	_ =	shalt  }
0x4d: {  	_ =	shalt  }
0x4e: {  	_ =	shalt  }
0x4f: {  	_ =	shalt  }
0x50: {  	_ =	shalt  }
0x51: {  	_ =	shalt  }
0x52: {  	_ =	shalt  }
0x53: {  	_ =	shalt  }
0x54: {  	_ =	shalt  }
0x55: {  	_ =	shalt  }
0x56: {  	_ =	shalt  }
0x57: {  	_ =	shalt  }
0x58: {  	_ =	shalt  }
0x59: {  	_ =	shalt  }
0x5a: {  	_ =	shalt  }
0x5b: {  	_ =	shalt  }
0x5c: {  	_ =	shalt  }
0x5d: {  	_ =	shalt  }
0x5e: {  	_ =	shalt  }
0x5f: {  	_ =	shalt  }
0x60: {  	_ =	shalt  }
0x61: {  	_ =	shalt  }
0x62: {  	_ =	shalt  }
0x63: {  	_ =	shalt  }
0x64: {  	_ =	shalt  }
0x65: {  	_ =	shalt  }
0x66: {  	_ =	shalt  }
0x67: {  	_ =	shalt  }
0x68: {  	_ =	shalt  }
0x69: {  	_ =	shalt  }
0x6a: {  	_ =	shalt  }
0x6b: {  	_ =	shalt  }
0x6c: {  	_ =	shalt  }
0x6d: {  	_ =	shalt  }
0x6e: {  	_ =	shalt  }
0x6f: {  	_ =	shalt  }
0x70: {  	_ =	shalt  }
0x71: {  	_ =	shalt  }
0x72: {  	_ =	shalt  }
0x73: {  	_ =	shalt  }
0x74: {  	_ =	shalt  }
0x75: {  	_ =	shalt  }
0x76: {  	_ =	shalt  }
0x77: {  	_ =	shalt  }
0x78: {  	_ =	shalt  }
0x79: {  	_ =	shalt  }
0x7a: {  	_ =	shalt  }
0x7b: {  	_ =	shalt  }
0x7c: {  	_ =	shalt  }
0x7d: {  	_ =	shalt  }
0x7e: {  	_ =	shalt  }
0x7f: {  	_ =	shalt  }
0x80: {  	_ =	shalt  }
0x81: {  	_ =	shalt  }
0x82: {  	_ =	shalt  }
0x83: {  	_ =	shalt  }
0x84: {  	_ =	shalt  }
0x85: {  	_ =	shalt  }
0x86: {  	_ =	shalt  }
0x87: {  	_ =	shalt  }
.Lfunc_end0:
.L_simem_size_0:
called_computation_lowered:
.L_overlay_start_0:
0x88: {  	s2 =	sld [smem:$0x3FD9]  }
0x89: {  	s3 =	sld [smem:$0x3FFE];
	_ =	sdelay $0x1  }
0x8a: {  	s1 =	srdreg.scid  }
0x8b: {  	s0 =	sand.u32 $0x1, s1  }
0x8c: {  	s17 =	sshll.u32 s0, $0xA;
	s2 =	sadd.s32 s3, s2  }
0x8d: {  	s2 =	sadd.s32 s2, s17  }
0x8e: {  	[smem:$0x3FB3] =	sst s2  }
0x8f: {  	_ = 	snop  }
0x90: {  	s2 =	sld [smem:$0x3FD0];
	(tm) =	ssettm $0x1  }
0x91: {  	s18 =	sld [smem:$0x3FFB];
	_ =	sdelay $0x3  }
0x92: {  	_ =	strace s18  }
0x93: {  	s3 =	sld [smem:$0x3FFC];
	_ =	sdelay $0x3  }
0x94: {  	_ =	strace s3  }
0x95: {  	s3 =	sld [smem:$0x3FFD];
	_ =	sdelay $0x3  }
0x96: {  	_ =	strace s3  }
0x97: {  	_ =	strace $0x8FFFFFFF  }
0x98: {  	s19 =	sld [smem:$0x3FDB];
	_ =	sdelay $0x1  }
0x99: {  	s4 =	simm.s32 $_scs_section_size  }
0x9a: {  	s5 =	simm.s32 $_size__tile_overlayer_lowered;
	s6 =	simm.s32 $_tile_overlayer_lowered  }
0x9b: {  	s22 =	simm.s32 $0x1BFF;
	s21 =	sshll.u32 s6, $0x1;
	s3 =	sadd.s32 s4, s19  }
0x9c: {  	s7 =	simm.s32 $0x0;
	s20 =	sshll.u32 s5, $0x1;
	s5 =	sadd.s32 s21, s3  }
0x9d: {  	[timem:s7], [sflag:s22] =	dma.local [hbm:s5], s20  }
0x9e: {  	_ =	swait.ge [sflag:s22], s20  }
0x9f: {  	s4 =	ssub.s32 $0x0, s20;
	[sflag:s22] =	ssyncset.done $0x0  }
0xa0: {  	[sflag:s22] =	ssyncadd.s32 s4;
	_ =	sdelay $0x1  }
0xa1: {  	s23 =	simm.s32 $0x1B8B  }
0xa2: {  	_ =	swait.ge [sflag:s23], $0x1  }
0xa3: {  	[sflag:s23] =	ssyncset.done $0x0  }
0xa4: {  	s25 =	simm.s32 $0x1B8E;
	s24 =	sld [smem:$0x3FFE];
	[sflag:s23] =	ssyncadd.s32 $0xFFFFFFFF  }
0xa5: {  	s26 =	simm.s32 $execute0_lowered;
	[smem:$0x3FD2] =	sst s25  }
0xa6: {  	s5 =	sshll.u32 s26, $0x1;
	_ =	strace $0x80000046;
	[dreg:$0x1] =	wrdreg $0xFFFFFFFF  }
0xa7: {  	s28 =	simm.s32 $_size_execute0_lowered;
	s3 =	sadd.s32 s3, s5;
	[dreg:$0x0] =	wrdreg $0x0  }
0xa8: {  	s5 =	sshll.u32 s28, $0x1;
	[dreg:$0x2] =	wrdreg s3  }
0xa9: {  	[dreg:$0x3] =	wrdreg s5  }
0xaa: {  	[dreg:$0x4] =	wrdreg $0xC0  }
0xab: {  	_ =	task [dreg:s7], $0x5FFFF  }
0xac: {  	[dreg:$0x1] =	wrdreg $0xFFFFFFFF  }
0xad: {  	[dreg:$0x0] =	wrdreg $0x60  }
0xae: {  	[dreg:$0x2] =	wrdreg s24  }
0xaf: {  	[dreg:$0x3] =	wrdreg s2  }
0xb0: {  	[dreg:$0x4] =	wrdreg $0x9  }
0xb1: {  	_ =	task.clear_ibuf [dreg:s7], $0x5FFFF;
	_ =	strace $0x90000046  }
0xb2: {  	s29 =	simm.s32 $0x9;
	_ =	strace $0x80000048  }
0xb3: {  	_ =	swait.ge [sflag:s29], $0x1  }
0xb4: {  	[sflag:s29] =	ssyncadd.s32 $0xFFFFFFFF  }
0xb5: {  	_ =	strace $0x90000048  }
0xb6: {  	_ =	sfence  }
0xb7: {  	s30 =	sld [smem:$0x0];
	_ =	sdelay $0x2  }
0xb8: {  	s31 =	sshll.u32 s1, $0xD;
	s1 =	sshrl.u32 s1, $0x2  }
0xb9: {  	s3 =	sand.u32 $0x4000, s31;
	s1 =	sadd.s32 s1, s30  }
0xba: {  	s0 =	sor.u32 s3, s0;
	s1 =	sshll.u32 s1, $0x11  }
0xbb: {  	s0 =	sor.u32 s1, s0  }
0xbc: {  	s0 =	sadd.s32 $0x8F2B, s0  }
0xbd: {  	[sflag:s0] =	ssyncadd.remote.s32 $0x1  }
0xbe: {  	_ =	sfence.sel $0xFFFF  }
0xbf: {  	[dreg:$0x0] =	wrdreg $0xFFFFFFFF;
	(pc) =	sbr.abs _section_cstart, $3  }
0xc0: {  	[dreg:$0x1] =	wrdreg $0xFFFFFFFF  }
0xc1: {  	_ =	task.clear_ibuf [dreg:s7], $0x2FFFF;
	_ =	strace $0x9FFFFFFF  }
0xc2: {  	(tm) =	ssettm $0x7FFFFFFF  }
0xc3: {  	_ =	shalt  }
tec
execute0_lowered:
.L_overlay_start_1:
0x0: {  	(tag) =	ssettag $0x1  }
0x1: {  	s0 =	rddreg [dreg:$0x0]  }
0x2: {  	s23 =	rddreg [dreg:$0x1];
	s3 =	simm.s32 $0x0;
	s1 =	srdreg.scid  }
0x3: {  	s2 =	stileid.u32;
	s11 =	simm.s32 $0x200;
	s12 =	simm.s32 $0xA00  }
0x4: {  	s13 =	simm.s32 $0x1200;
	s28 =	simm.s32 $0x2A00;
	s29 =	simm.s32 $0x3200  }
0x5: {  	s30 =	simm.s32 $0x3A00;
	s31 =	simm.s32 $0x4200;
	s16 =	simm.s32 $0x1  }
0x6: {  	s17 =	simm.s32 $0xB200;
	s14 =	simm.s32 $0x3;
	s15 =	simm.s32 $0x5  }
0x7: {  	[smem:$0x7FF] =	sst s3;
	s4 =	sadd.s32 $0x5B600, s0;
	s1 =	sand.u32 $0x1, s1  }
0x8: {  	s2 =	sshll.u32 s2, $0x1;
	s5 =	sadd.s32 $0xD400, s0;
	s6 =	sadd.s32 $0x3400, s0  }
0x9: {  	s7 =	sadd.s32 $0x3600, s0;
	s9 =	sadd.s32 $0xAA800, s0;
	_ =	strace $0x80000047  }
0xa: {  	[dreg:$0x3] =	wrdreg s6;
	s2 =	sor.u32 s1, s2;
	s1 =	ssub.s32 $0x2, s1  }
0xb: {  	s18 =	sshll.u32 s2, $0x7;
	s8 =	smul.u32 $0x2710, s2;
	s19 =	sshrl.u32 s1, $0x1  }
0xc: {  	s2 =	smul.u32 $0x138800, s2;
	s0 =	sadd.s32 s18, s0;
	s1 =	ssub.s32 s1, s19  }
0xd: {  	s18 =	simm.s32 $0xBA00;
	s19 =	simm.s32 $0xC200;
	s10 =	sshrl.u32 s8, $0x3  }
0xe: {  	s2 =	sshrl.u32 s2, $0x3;
	s24 =	sadd.s32 $0xA0, s8;
	s25 =	sadd.s32 $0xF0, s8  }
0xf: {  	s0 =	sadd.s32 $0xA9800, s0;
	s26 =	smax.u32 s1, $0x1;
	[dreg:$0x8] =	wrdreg s24  }
0x10: {  	s1 =	simm.s32 $0x2;
	s20 =	sadd.s32 s7, s10;
	[dreg:$0x9] =	wrdreg s25  }
0x11: {  	s21 =	sadd.s32 $0xA, s10;
	s10 =	sadd.s32 s23, s10;
	[dreg:$0xb] =	wrdreg s0  }
0x12: {  	s2 =	sadd.s32 s9, s2;
	[dreg:$0xc] =	wrdreg s26;
	s25 =	simm.s32 $0x1A00  }
0x13: {  	s26 =	simm.s32 $0x2200;
	s0 =	simm.s32 $0x4A00;
	[dreg:$0x4] =	wrdreg s20  }
0x14: {  	[dreg:$0x5] =	wrdreg s10;
	s22 =	sadd.s32 s7, s21;
	s6 =	sadd.s32 s23, s21  }
0x15: {  	v2 =	vlaneseq.u32;
	s2 =	sadd.s32 $0x26C00, s2;
	s10 =	simm.s32 $0x7;
	[dreg:$0x6] =	wrdreg s22  }
0x16: {  	vm0 =	vmmov $0xffff;
	v3 =	vimm.f32 $0.0e+00;
	v1 =	vshrl.u32 v2, $0x3;
	s21 =	simm.s32 $0x6;
	s20 =	simm.s32 $0xA200;
	[dreg:$0x7] =	wrdreg s6  }
0x17: {  	v0 =	vand.u32 $0x7, v2;
	v2 =	vor.u32 $0x8, v2;
	v1 =	vmul.u32 $0x8, v1;
	[dreg:$0xa] =	wrdreg s2;
	s22 =	simm.s32 $0xAA00;
	s6 =	simm.s32 $0x0  }
.LBB2_1:
0x18: {  	[dreg:$0xd] =	wrdreg s6  }
0x19: {  	s2 =	rddreg [dreg:$0x3];
	s24 =	simm.s32 $0x14200  }
0x1a: {  	[tilespmem:s24], [sflag:$0x7] =	stream.linear.gather [hbm4b:s2+s3], $0x80, $0x38;
	[tilespmem:$0x14680] =	vst v63  }
0x1b: {  	_ =	swait.ge [sflag:s10], $0x80  }
0x1c: {  	[sflag:s10] =	ssyncset.done $0x0  }
0x1d: {  	[sflag:s10] =	ssyncadd.s32 $0xFFFFFF80  }
0x1e: {  	v9 =	vld [tilespmem:$0x14200]  }
0x1f: {  	v4 =	vld [tilespmem:$0x14210]  }
0x20: {  	v7 =	vld [tilespmem:$0x14220]  }
0x21: {  	v8 =	vld [tilespmem:$0x14230]  }
0x22: {  	v6 =	vld [tilespmem:$0x14240]  }
0x23: {  	v5 =	vld [tilespmem:$0x14250]  }
0x24: {  	s24 =	rddreg [dreg:$0x4];
	v11 =	vld [tilespmem:$0x14260]  }
0x25: {  	v10 =	vld [tilespmem:$0x14270];
	[tilespmem:s3], [sflag:$0x7] =	stream.linear.gather [hbm4b:s24+s3], $0x50, $0x38  }
0x26: {  	_ =	swait.ge [sflag:s10], $0x50  }
0x27: {  	[sflag:s10] =	ssyncset.done $0x0  }
0x28: {  	s24 =	simm.s32 $0x80;
	s6 =	rddreg [dreg:$0x5];
	[sflag:s10] =	ssyncadd.s32 $0xFFFFFFB0  }
0x29: {  	[tilespmem:s24], [sflag:$0x7] =	stream.linear.gather [hbm4b:s6+s3], $0x50, $0x38;
	[tilespmem:$0x14680] =	vst v63  }
0x2a: {  	_ =	swait.ge [sflag:s10], $0x50  }
0x2b: {  	[sflag:s10] =	ssyncset.done $0x0  }
0x2c: {  	[sflag:s10] =	ssyncadd.s32 $0xFFFFFFB0  }
0x2d: {  	v12 =	vld [tilespmem:$0x0];
	_ =	sdelay $0x4  }
0x2e: {  	v13 =	vshll.u32 v12, $0x1  }
0x2f: {  	v12 =	vand.u32 $0x7, v12;
	v13 =	vand.u32 $0xFFFFFFF0, v13  }
0x30: {  	v12 =	vor.u32 v12, v13  }
0x31: {  	v13 =	vperm.xlane v12, v0;
	_ =	sdelay $0x1  }
0x32: {  	v12 =	vperm.xlane v12, v2;
	v13 =	vadd.s32 v1, v13;
	_ =	sdelay $0x1  }
0x33: {  	v12 =	vadd.s32 v1, v12;
	_ =	sdelay $0x2  }
0x34: {  	[tilespmem:s11], [sflag:$0x1] =	stream.indirect_vreg.gather [hbm4b:s4+s3], $0x80, v13, vm0, $0xb8;
	[tilespmem:$0x14680] =	vst v63  }
0x35: {  	_ = 	snop  }
0x36: {  	[tilespmem:s12], [sflag:$0x1] =	stream.indirect_vreg.gather [hbm4b:s4+s3], $0x80, v12, vm0, $0xb8;
	[tilespmem:$0x14680] =	vst v63  }
0x37: {  	v12 =	vld [tilespmem:$0x10];
	_ =	sdelay $0x4  }
0x38: {  	v13 =	vshll.u32 v12, $0x1  }
0x39: {  	v12 =	vand.u32 $0x7, v12;
	v13 =	vand.u32 $0xFFFFFFF0, v13  }
0x3a: {  	v12 =	vor.u32 v12, v13  }
0x3b: {  	v13 =	vperm.xlane v12, v0;
	_ =	sdelay $0x1  }
0x3c: {  	v12 =	vperm.xlane v12, v2;
	v13 =	vadd.s32 v1, v13;
	_ =	sdelay $0x1  }
0x3d: {  	v12 =	vadd.s32 v1, v12;
	_ =	sdelay $0x2  }
0x3e: {  	[tilespmem:s13], [sflag:$0x1] =	stream.indirect_vreg.gather [hbm4b:s4+s3], $0x80, v13, vm0, $0xb8;
	[tilespmem:$0x14680] =	vst v63  }
0x3f: {  	_ = 	snop  }
0x40: {  	[tilespmem:s25], [sflag:$0x1] =	stream.indirect_vreg.gather [hbm4b:s4+s3], $0x80, v12, vm0, $0xb8;
	[tilespmem:$0x14680] =	vst v63  }
0x41: {  	v12 =	vld [tilespmem:$0x20];
	_ =	sdelay $0x4  }
0x42: {  	v13 =	vshll.u32 v12, $0x1  }
0x43: {  	v12 =	vand.u32 $0x7, v12;
	v13 =	vand.u32 $0xFFFFFFF0, v13  }
0x44: {  	v12 =	vor.u32 v12, v13  }
0x45: {  	v13 =	vperm.xlane v12, v0;
	_ =	sdelay $0x1  }
0x46: {  	v12 =	vperm.xlane v12, v2;
	v13 =	vadd.s32 v1, v13;
	_ =	sdelay $0x1  }
0x47: {  	v12 =	vadd.s32 v1, v12;
	_ =	sdelay $0x2  }
0x48: {  	[tilespmem:s26], [sflag:$0x1] =	stream.indirect_vreg.gather [hbm4b:s4+s3], $0x80, v13, vm0, $0xb8;
	[tilespmem:$0x14680] =	vst v63  }
0x49: {  	_ = 	snop  }
0x4a: {  	[tilespmem:s28], [sflag:$0x1] =	stream.indirect_vreg.gather [hbm4b:s4+s3], $0x80, v12, vm0, $0xb8;
	[tilespmem:$0x14680] =	vst v63  }
0x4b: {  	v12 =	vld [tilespmem:$0x30];
	_ =	sdelay $0x4  }
0x4c: {  	v13 =	vshll.u32 v12, $0x1  }
0x4d: {  	v12 =	vand.u32 $0x7, v12;
	v13 =	vand.u32 $0xFFFFFFF0, v13  }
0x4e: {  	v12 =	vor.u32 v12, v13  }
0x4f: {  	v13 =	vperm.xlane v12, v0;
	_ =	sdelay $0x1  }
0x50: {  	v12 =	vperm.xlane v12, v2;
	v13 =	vadd.s32 v1, v13;
	_ =	sdelay $0x1  }
0x51: {  	v12 =	vadd.s32 v1, v12;
	_ =	sdelay $0x2  }
0x52: {  	[tilespmem:s29], [sflag:$0x1] =	stream.indirect_vreg.gather [hbm4b:s4+s3], $0x80, v13, vm0, $0xb8;
	[tilespmem:$0x14680] =	vst v63  }
0x53: {  	_ = 	snop  }
0x54: {  	[tilespmem:s30], [sflag:$0x1] =	stream.indirect_vreg.gather [hbm4b:s4+s3], $0x80, v12, vm0, $0xb8;
	[tilespmem:$0x14680] =	vst v63  }
0x55: {  	v12 =	vld [tilespmem:$0x40];
	_ =	sdelay $0x4  }
0x56: {  	v13 =	vshll.u32 v12, $0x1  }
0x57: {  	v12 =	vand.u32 $0x7, v12;
	v13 =	vand.u32 $0xFFFFFFF0, v13  }
0x58: {  	v12 =	vor.u32 v12, v13  }
0x59: {  	v13 =	vperm.xlane v12, v0;
	_ =	sdelay $0x1  }
0x5a: {  	v12 =	vperm.xlane v12, v2;
	v13 =	vadd.s32 v1, v13;
	_ =	sdelay $0x1  }
0x5b: {  	v12 =	vadd.s32 v1, v12;
	_ =	sdelay $0x2  }
0x5c: {  	[tilespmem:s31], [sflag:$0x1] =	stream.indirect_vreg.gather [hbm4b:s4+s3], $0x80, v13, vm0, $0xb8;
	[tilespmem:$0x14680] =	vst v63  }
0x5d: {  	_ = 	snop  }
0x5e: {  	[tilespmem:s0], [sflag:$0x1] =	stream.indirect_vreg.gather [hbm4b:s4+s3], $0x80, v12, vm0, $0xb8;
	[tilespmem:$0x14680] =	vst v63  }
0x5f: {  	v12 =	vld [tilespmem:$0x80];
	_ =	sdelay $0x4  }
0x60: {  	v13 =	vshll.u32 v12, $0x1  }
0x61: {  	v12 =	vand.u32 $0x7, v12;
	v13 =	vand.u32 $0xFFFFFFF0, v13  }
0x62: {  	v12 =	vor.u32 v12, v13  }
0x63: {  	v13 =	vperm.xlane v12, v0;
	_ =	sdelay $0x1  }
0x64: {  	v12 =	vperm.xlane v12, v2;
	v13 =	vadd.s32 v1, v13;
	_ =	sdelay $0x1  }
0x65: {  	v12 =	vadd.s32 v1, v12;
	_ =	sdelay $0x1  }
0x66: {  	s13 =	simm.s32 $0x5200  }
0x67: {  	[tilespmem:s13], [sflag:$0x1] =	stream.indirect_vreg.gather [hbm4b:s5+s3], $0x80, v13, vm0, $0xb8;
	[tilespmem:$0x14680] =	vst v63  }
0x68: {  	s24 =	simm.s32 $0x5A00  }
0x69: {  	[tilespmem:s24], [sflag:$0x1] =	stream.indirect_vreg.gather [hbm4b:s5+s3], $0x80, v12, vm0, $0xb8;
	[tilespmem:$0x14680] =	vst v63  }
0x6a: {  	v12 =	vld [tilespmem:$0x90];
	_ =	sdelay $0x4  }
0x6b: {  	v13 =	vshll.u32 v12, $0x1  }
0x6c: {  	v12 =	vand.u32 $0x7, v12;
	v13 =	vand.u32 $0xFFFFFFF0, v13  }
0x6d: {  	v12 =	vor.u32 v12, v13  }
0x6e: {  	v13 =	vperm.xlane v12, v0;
	_ =	sdelay $0x1  }
0x6f: {  	v12 =	vperm.xlane v12, v2;
	v13 =	vadd.s32 v1, v13;
	_ =	sdelay $0x1  }
0x70: {  	v12 =	vadd.s32 v1, v12;
	_ =	sdelay $0x1  }
0x71: {  	s25 =	simm.s32 $0x6200  }
0x72: {  	[tilespmem:s25], [sflag:$0x1] =	stream.indirect_vreg.gather [hbm4b:s5+s3], $0x80, v13, vm0, $0xb8;
	[tilespmem:$0x14680] =	vst v63  }
0x73: {  	s26 =	simm.s32 $0x6A00  }
0x74: {  	[tilespmem:s26], [sflag:$0x1] =	stream.indirect_vreg.gather [hbm4b:s5+s3], $0x80, v12, vm0, $0xb8;
	[tilespmem:$0x14680] =	vst v63  }
0x75: {  	v12 =	vld [tilespmem:$0xA0];
	_ =	sdelay $0x4  }
0x76: {  	v13 =	vshll.u32 v12, $0x1  }
0x77: {  	v12 =	vand.u32 $0x7, v12;
	v13 =	vand.u32 $0xFFFFFFF0, v13  }
0x78: {  	v12 =	vor.u32 v12, v13  }
0x79: {  	v13 =	vperm.xlane v12, v0;
	_ =	sdelay $0x1  }
0x7a: {  	v12 =	vperm.xlane v12, v2;
	v13 =	vadd.s32 v1, v13;
	_ =	sdelay $0x1  }
0x7b: {  	v12 =	vadd.s32 v1, v12;
	_ =	sdelay $0x1  }
0x7c: {  	s28 =	simm.s32 $0x7200  }
0x7d: {  	[tilespmem:s28], [sflag:$0x1] =	stream.indirect_vreg.gather [hbm4b:s5+s3], $0x80, v13, vm0, $0xb8;
	[tilespmem:$0x14680] =	vst v63  }
0x7e: {  	s6 =	simm.s32 $0x7A00  }
0x7f: {  	[tilespmem:s6], [sflag:$0x1] =	stream.indirect_vreg.gather [hbm4b:s5+s3], $0x80, v12, vm0, $0xb8;
	[tilespmem:$0x14680] =	vst v63  }
0x80: {  	v12 =	vld [tilespmem:$0xB0];
	_ =	sdelay $0x4  }
0x81: {  	v13 =	vshll.u32 v12, $0x1  }
0x82: {  	v12 =	vand.u32 $0x7, v12;
	v13 =	vand.u32 $0xFFFFFFF0, v13  }
0x83: {  	v12 =	vor.u32 v12, v13  }
0x84: {  	v13 =	vperm.xlane v12, v0;
	_ =	sdelay $0x1  }
0x85: {  	v12 =	vperm.xlane v12, v2;
	v13 =	vadd.s32 v1, v13;
	_ =	sdelay $0x1  }
0x86: {  	v12 =	vadd.s32 v1, v12;
	_ =	sdelay $0x1  }
0x87: {  	s10 =	simm.s32 $0x8200  }
0x88: {  	[tilespmem:s10], [sflag:$0x1] =	stream.indirect_vreg.gather [hbm4b:s5+s3], $0x80, v13, vm0, $0xb8;
	[tilespmem:$0x14680] =	vst v63  }
0x89: {  	s11 =	simm.s32 $0x8A00  }
0x8a: {  	[tilespmem:s11], [sflag:$0x1] =	stream.indirect_vreg.gather [hbm4b:s5+s3], $0x80, v12, vm0, $0xb8;
	[tilespmem:$0x14680] =	vst v63  }
0x8b: {  	v12 =	vld [tilespmem:$0xC0];
	_ =	sdelay $0x4  }
0x8c: {  	v13 =	vshll.u32 v12, $0x1  }
0x8d: {  	v12 =	vand.u32 $0x7, v12;
	v13 =	vand.u32 $0xFFFFFFF0, v13  }
0x8e: {  	v12 =	vor.u32 v12, v13  }
0x8f: {  	v13 =	vperm.xlane v12, v0;
	_ =	sdelay $0x1  }
0x90: {  	v12 =	vperm.xlane v12, v2;
	v13 =	vadd.s32 v1, v13;
	_ =	sdelay $0x1  }
0x91: {  	v12 =	vadd.s32 v1, v12;
	_ =	sdelay $0x1  }
0x92: {  	s12 =	simm.s32 $0x9200  }
0x93: {  	[tilespmem:s12], [sflag:$0x1] =	stream.indirect_vreg.gather [hbm4b:s5+s3], $0x80, v13, vm0, $0xb8;
	[tilespmem:$0x14680] =	vst v63  }
0x94: {  	v21 =	vimm.f32 $0.0e+00;
	s13 =	simm.s32 $0x9A00;
	s24 =	rddreg [dreg:$0x6]  }
0x95: {  	v17 =	vimm.f32 $0.0e+00;
	v14 =	vimm.f32 $0.0e+00;
	v22 =	vimm.f32 $0.0e+00;
	[tilespmem:s13], [sflag:$0x1] =	stream.indirect_vreg.gather [hbm4b:s5+s3], $0x80, v12, vm0, $0xb8;
	[tilespmem:$0x14680] =	vst v63  }
0x96: {  	v15 =	vimm.f32 $0.0e+00;
	v23 =	vimm.f32 $0.0e+00;
	v26 =	vimm.f32 $0.0e+00;
	s2 =	simm.s32 $0x0;
	s25 =	simm.s32 $0x100;
	s26 =	rddreg [dreg:$0x7]  }
0x97: {  	v19 =	vimm.f32 $0.0e+00;
	v24 =	vimm.f32 $0.0e+00;
	v25 =	vimm.f32 $0.0e+00;
	[tilespmem:s25], [sflag:$0x6] =	stream.linear.gather [hbm4b:s24+s3], $0x50, $0x38;
	[tilespmem:$0x14680] =	vst v63  }
0x98: {  	v20 =	vimm.f32 $0.0e+00;
	v16 =	vimm.f32 $0.0e+00;
	v27 =	vimm.f32 $0.0e+00;
	s28 =	simm.s32 $0x180;
	s12 =	simm.s32 $0xCA00;
	s13 =	simm.s32 $0xD200  }
0x99: {  	v18 =	vimm.f32 $0.0e+00;
	v13 =	vimm.f32 $0.0e+00;
	v12 =	vimm.f32 $0.0e+00;
	[tilespmem:s28], [sflag:$0x6] =	stream.linear.gather [hbm4b:s26+s3], $0x50, $0x38;
	[tilespmem:$0x14680] =	vst v63  }
.LBB2_2:
0x9a: {  	_ =	swait.ge [sflag:s16], $0x5000  }
0x9b: {  	[sflag:s16] =	ssyncset.done $0x0  }
0x9c: {  	[sflag:s16] =	ssyncadd.s32 $0xFFFFB000  }
0x9d: {  	s6 =	smul.u32 $0xA0, s2;
	_ =	swait.ge [sflag:s16], $0x5000  }
0x9e: {  	s10 =	rddreg [dreg:$0x8]  }
0x9f: {  	s10 =	sadd.s32 s6, s10  }
0xa0: {  	[sflag:s16] =	ssyncset.done $0x0;
	s10 =	sshrl.u32 s10, $0x3  }
0xa1: {  	s24 =	smov.u32 s23;
	[sflag:s16] =	ssyncadd.s32 $0xFFFFB000;
	s11 =	sadd.s32 s7, s10  }
0xa2: {  	[tilespmem:s3], [sflag:$0x5] =	stream.linear.gather [hbm4b:s11+s3], $0x50, $0x38;
	[tilespmem:$0x14680] =	vst v63  }
0xa3: {  	p0 =	seq.s32 s2, $0x0;
	s10 =	sadd.s32 s23, s10;
	s23 =	simm.s32 $0x80  }
0xa4: {  	[tilespmem:s23], [sflag:$0x5] =	stream.linear.gather [hbm4b:s10+s3], $0x50, $0x38;
	[tilespmem:$0x14680] =	vst v63  }
0xa5: {  	s10 =	simm.s32 @!p0 $0x4  }
0xa6: {  	_ =	swait.ge @!p0 [sflag:s10], $0x2800  }
0xa7: {  	[sflag:s10] =	ssyncset.done @!p0 $0x0  }
0xa8: {  	[sflag:s10] =	ssyncadd.s32 @!p0 $0xFFFFD800  }
0xa9: {  	_ =	swait.ge [sflag:s21], $0x50  }
0xaa: {  	[sflag:s21] =	ssyncset.done $0x0  }
0xab: {  	[sflag:s21] =	ssyncadd.s32 $0xFFFFFFB0  }
0xac: {  	_ =	swait.ge [sflag:s21], $0x50  }
0xad: {  	[sflag:s21] =	ssyncset.done $0x0  }
0xae: {  	[sflag:s21] =	ssyncadd.s32 $0xFFFFFFB0  }
0xaf: {  	v28 =	vld [tilespmem:$0x100];
	_ =	sdelay $0x4  }
0xb0: {  	v29 =	vshll.u32 v28, $0x1  }
0xb1: {  	v28 =	vand.u32 $0x7, v28;
	v29 =	vand.u32 $0xFFFFFFF0, v29  }
0xb2: {  	v28 =	vor.u32 v28, v29  }
0xb3: {  	v29 =	vperm.xlane v28, v0;
	_ =	sdelay $0x1  }
0xb4: {  	v28 =	vperm.xlane v28, v2;
	v29 =	vadd.s32 v1, v29;
	_ =	sdelay $0x1  }
0xb5: {  	v28 =	vadd.s32 v1, v28;
	_ =	sdelay $0x1  }
0xb6: {  	s10 =	simm.s32 $0x0  }
0xb7: {  	[tilespmem:s20], [sflag:$0x2] =	stream.indirect_vreg.gather [hbm4b:s4+s10], $0x80, v29, vm0, $0xb8;
	[tilespmem:$0x14680] =	vst v63  }
0xb8: {  	_ = 	snop  }
0xb9: {  	[tilespmem:s22], [sflag:$0x2] =	stream.indirect_vreg.gather [hbm4b:s4+s10], $0x80, v28, vm0, $0xb8;
	[tilespmem:$0x14680] =	vst v63  }
0xba: {  	v28 =	vld [tilespmem:$0x110];
	_ =	sdelay $0x4  }
0xbb: {  	v29 =	vshll.u32 v28, $0x1  }
0xbc: {  	v28 =	vand.u32 $0x7, v28;
	v29 =	vand.u32 $0xFFFFFFF0, v29  }
0xbd: {  	v28 =	vor.u32 v28, v29  }
0xbe: {  	v29 =	vperm.xlane v28, v0;
	_ =	sdelay $0x1  }
0xbf: {  	v28 =	vperm.xlane v28, v2;
	v29 =	vadd.s32 v1, v29;
	_ =	sdelay $0x1  }
0xc0: {  	v28 =	vadd.s32 v1, v28;
	_ =	sdelay $0x2  }
0xc1: {  	[tilespmem:s17], [sflag:$0x2] =	stream.indirect_vreg.gather [hbm4b:s4+s10], $0x80, v29, vm0, $0xb8;
	[tilespmem:$0x14680] =	vst v63  }
0xc2: {  	_ = 	snop  }
0xc3: {  	[tilespmem:s18], [sflag:$0x2] =	stream.indirect_vreg.gather [hbm4b:s4+s10], $0x80, v28, vm0, $0xb8;
	[tilespmem:$0x14680] =	vst v63  }
0xc4: {  	v28 =	vld [tilespmem:$0x120];
	_ =	sdelay $0x4  }
0xc5: {  	v29 =	vshll.u32 v28, $0x1  }
0xc6: {  	v28 =	vand.u32 $0x7, v28;
	v29 =	vand.u32 $0xFFFFFFF0, v29  }
0xc7: {  	v28 =	vor.u32 v28, v29  }
0xc8: {  	v29 =	vperm.xlane v28, v0;
	_ =	sdelay $0x1  }
0xc9: {  	v28 =	vperm.xlane v28, v2;
	v29 =	vadd.s32 v1, v29;
	_ =	sdelay $0x1  }
0xca: {  	v28 =	vadd.s32 v1, v28;
	_ =	sdelay $0x2  }
0xcb: {  	[tilespmem:s19], [sflag:$0x2] =	stream.indirect_vreg.gather [hbm4b:s4+s10], $0x80, v29, vm0, $0xb8;
	[tilespmem:$0x14680] =	vst v63  }
0xcc: {  	_ = 	snop  }
0xcd: {  	[tilespmem:s12], [sflag:$0x2] =	stream.indirect_vreg.gather [hbm4b:s4+s10], $0x80, v28, vm0, $0xb8;
	[tilespmem:$0x14680] =	vst v63  }
0xce: {  	v28 =	vld [tilespmem:$0x130];
	_ =	sdelay $0x4  }
0xcf: {  	v29 =	vshll.u32 v28, $0x1  }
0xd0: {  	v28 =	vand.u32 $0x7, v28;
	v29 =	vand.u32 $0xFFFFFFF0, v29  }
0xd1: {  	v28 =	vor.u32 v28, v29  }
0xd2: {  	v29 =	vperm.xlane v28, v0;
	_ =	sdelay $0x1  }
0xd3: {  	v28 =	vperm.xlane v28, v2;
	v29 =	vadd.s32 v1, v29;
	_ =	sdelay $0x1  }
0xd4: {  	v28 =	vadd.s32 v1, v28;
	_ =	sdelay $0x2  }
0xd5: {  	[tilespmem:s13], [sflag:$0x2] =	stream.indirect_vreg.gather [hbm4b:s4+s10], $0x80, v29, vm0, $0xb8;
	[tilespmem:$0x14680] =	vst v63  }
0xd6: {  	s25 =	simm.s32 $0xDA00  }
0xd7: {  	[tilespmem:s25], [sflag:$0x2] =	stream.indirect_vreg.gather [hbm4b:s4+s10], $0x80, v28, vm0, $0xb8;
	[tilespmem:$0x14680] =	vst v63  }
0xd8: {  	v28 =	vld [tilespmem:$0x140];
	_ =	sdelay $0x4  }
0xd9: {  	v29 =	vshll.u32 v28, $0x1  }
0xda: {  	v28 =	vand.u32 $0x7, v28;
	v29 =	vand.u32 $0xFFFFFFF0, v29  }
0xdb: {  	v28 =	vor.u32 v28, v29  }
0xdc: {  	v29 =	vperm.xlane v28, v0;
	_ =	sdelay $0x1  }
0xdd: {  	v28 =	vperm.xlane v28, v2;
	v29 =	vadd.s32 v1, v29;
	_ =	sdelay $0x1  }
0xde: {  	v28 =	vadd.s32 v1, v28;
	_ =	sdelay $0x1  }
0xdf: {  	s26 =	simm.s32 $0xE200  }
0xe0: {  	[tilespmem:s26], [sflag:$0x2] =	stream.indirect_vreg.gather [hbm4b:s4+s10], $0x80, v29, vm0, $0xb8;
	[tilespmem:$0x14680] =	vst v63  }
0xe1: {  	s28 =	simm.s32 $0xEA00  }
0xe2: {  	[tilespmem:s28], [sflag:$0x2] =	stream.indirect_vreg.gather [hbm4b:s4+s10], $0x80, v28, vm0, $0xb8;
	[tilespmem:$0x14680] =	vst v63  }
0xe3: {  	v28 =	vld [tilespmem:$0x180];
	_ =	sdelay $0x4  }
0xe4: {  	v29 =	vshll.u32 v28, $0x1  }
0xe5: {  	v28 =	vand.u32 $0x7, v28;
	v29 =	vand.u32 $0xFFFFFFF0, v29  }
0xe6: {  	v28 =	vor.u32 v28, v29  }
0xe7: {  	v29 =	vperm.xlane v28, v0;
	_ =	sdelay $0x1  }
0xe8: {  	v28 =	vperm.xlane v28, v2;
	v29 =	vadd.s32 v1, v29;
	_ =	sdelay $0x1  }
0xe9: {  	v28 =	vadd.s32 v1, v28;
	_ =	sdelay $0x1  }
0xea: {  	s12 =	simm.s32 $0xF200  }
0xeb: {  	[tilespmem:s12], [sflag:$0x2] =	stream.indirect_vreg.gather [hbm4b:s5+s10], $0x80, v29, vm0, $0xb8;
	[tilespmem:$0x14680] =	vst v63  }
0xec: {  	s13 =	simm.s32 $0xFA00  }
0xed: {  	[tilespmem:s13], [sflag:$0x2] =	stream.indirect_vreg.gather [hbm4b:s5+s10], $0x80, v28, vm0, $0xb8;
	[tilespmem:$0x14680] =	vst v63  }
0xee: {  	v28 =	vld [tilespmem:$0x190];
	_ =	sdelay $0x4  }
0xef: {  	v29 =	vshll.u32 v28, $0x1  }
0xf0: {  	v28 =	vand.u32 $0x7, v28;
	v29 =	vand.u32 $0xFFFFFFF0, v29  }
0xf1: {  	v28 =	vor.u32 v28, v29  }
0xf2: {  	v29 =	vperm.xlane v28, v0;
	_ =	sdelay $0x1  }
0xf3: {  	v28 =	vperm.xlane v28, v2;
	v29 =	vadd.s32 v1, v29;
	_ =	sdelay $0x1  }
0xf4: {  	v28 =	vadd.s32 v1, v28;
	_ =	sdelay $0x1  }
0xf5: {  	s17 =	simm.s32 $0x10200  }
0xf6: {  	[tilespmem:s17], [sflag:$0x2] =	stream.indirect_vreg.gather [hbm4b:s5+s10], $0x80, v29, vm0, $0xb8;
	[tilespmem:$0x14680] =	vst v63  }
0xf7: {  	s18 =	simm.s32 $0x10A00  }
0xf8: {  	[tilespmem:s18], [sflag:$0x2] =	stream.indirect_vreg.gather [hbm4b:s5+s10], $0x80, v28, vm0, $0xb8;
	[tilespmem:$0x14680] =	vst v63  }
0xf9: {  	v28 =	vld [tilespmem:$0x1A0];
	_ =	sdelay $0x4  }
0xfa: {  	v29 =	vshll.u32 v28, $0x1  }
0xfb: {  	v28 =	vand.u32 $0x7, v28;
	v29 =	vand.u32 $0xFFFFFFF0, v29  }
0xfc: {  	v28 =	vor.u32 v28, v29  }
0xfd: {  	v29 =	vperm.xlane v28, v0;
	_ =	sdelay $0x1  }
0xfe: {  	v28 =	vperm.xlane v28, v2;
	v29 =	vadd.s32 v1, v29;
	_ =	sdelay $0x1  }
0xff: {  	v28 =	vadd.s32 v1, v28;
	_ =	sdelay $0x1  }
0x100: {  	s19 =	simm.s32 $0x11200  }
0x101: {  	[tilespmem:s19], [sflag:$0x2] =	stream.indirect_vreg.gather [hbm4b:s5+s10], $0x80, v29, vm0, $0xb8;
	[tilespmem:$0x14680] =	vst v63  }
0x102: {  	s20 =	simm.s32 $0x11A00  }
0x103: {  	[tilespmem:s20], [sflag:$0x2] =	stream.indirect_vreg.gather [hbm4b:s5+s10], $0x80, v28, vm0, $0xb8;
	[tilespmem:$0x14680] =	vst v63  }
0x104: {  	v28 =	vld [tilespmem:$0x1B0];
	_ =	sdelay $0x4  }
0x105: {  	v29 =	vshll.u32 v28, $0x1  }
0x106: {  	v28 =	vand.u32 $0x7, v28;
	v29 =	vand.u32 $0xFFFFFFF0, v29  }
0x107: {  	v28 =	vor.u32 v28, v29  }
0x108: {  	v29 =	vperm.xlane v28, v0;
	_ =	sdelay $0x1  }
0x109: {  	v28 =	vperm.xlane v28, v2;
	v29 =	vadd.s32 v1, v29;
	_ =	sdelay $0x1  }
0x10a: {  	v28 =	vadd.s32 v1, v28;
	_ =	sdelay $0x1  }
0x10b: {  	s22 =	simm.s32 $0x12200  }
0x10c: {  	[tilespmem:s22], [sflag:$0x2] =	stream.indirect_vreg.gather [hbm4b:s5+s10], $0x80, v29, vm0, $0xb8;
	[tilespmem:$0x14680] =	vst v63  }
0x10d: {  	s23 =	simm.s32 $0x12A00  }
0x10e: {  	[tilespmem:s23], [sflag:$0x2] =	stream.indirect_vreg.gather [hbm4b:s5+s10], $0x80, v28, vm0, $0xb8;
	[tilespmem:$0x14680] =	vst v63  }
0x10f: {  	v28 =	vld [tilespmem:$0x1C0];
	_ =	sdelay $0x4  }
0x110: {  	v29 =	vshll.u32 v28, $0x1  }
0x111: {  	v28 =	vand.u32 $0x7, v28;
	v29 =	vand.u32 $0xFFFFFFF0, v29  }
0x112: {  	v28 =	vor.u32 v28, v29  }
0x113: {  	v29 =	vperm.xlane v28, v0;
	_ =	sdelay $0x1  }
0x114: {  	v28 =	vperm.xlane v28, v2;
	v29 =	vadd.s32 v1, v29;
	_ =	sdelay $0x1  }
0x115: {  	v28 =	vadd.s32 v1, v28;
	_ =	sdelay $0x1  }
0x116: {  	s25 =	simm.s32 $0x13200  }
0x117: {  	[tilespmem:s25], [sflag:$0x2] =	stream.indirect_vreg.gather [hbm4b:s5+s10], $0x80, v29, vm0, $0xb8;
	[tilespmem:$0x14680] =	vst v63  }
0x118: {  	s26 =	simm.s32 $0x13A00  }
0x119: {  	[tilespmem:s26], [sflag:$0x2] =	stream.indirect_vreg.gather [hbm4b:s5+s10], $0x80, v28, vm0, $0xb8;
	[tilespmem:$0x14680] =	vst v63  }
0x11a: {  	s28 =	sand.u32 $0x7800, s10;
	s10 =	sand.u32 $0x380, s10  }
0x11b: {  	s13 =	sor.u32 s10, s28  }
0x11c: {  	v28 =	vld [tilespmem:s13+$0x600]  }
0x11d: {  	v29 =	vld [tilespmem:s13+$0x5600];
	_ =	sdelay $0x4  }
0x11e: {  	v28 =	vadd.f32 v29, v28;
	_ =	sdelay $0x1  }
0x11f: {  	(v2sf) =	vpush v28, $0x0  }
0x120: {  	(v2sf) =	vpush v28, $0x1;
	_ =	sdelay $0x1  }
0x121: {  	(v2sf) =	vpush v28, $0x2  }
0x122: {  	v33 =	vld [tilespmem:s13+$0x260]  }
0x123: {  	v34 =	vld [tilespmem:s13+$0x5220]  }
0x124: {  	s11 =	simm.s32 $0x100;
	s12 =	simm.s32 $0x80;
	v35 =	vld [tilespmem:s13+$0x200]  }
0x125: {  	s10 =	sand.u32 $0x7800, s11;
	s11 =	sand.u32 $0x380, s12;
	v55 =	vld [tilespmem:s13+$0x220]  }
0x126: {  	s10 =	sor.u32 s11, s10;
	v36 =	vld [tilespmem:s13+$0x5200]  }
0x127: {  	v30 =	vld [tilespmem:s10+$0x600]  }
0x128: {  	v32 =	vld [tilespmem:s10+$0x5600]  }
0x129: {  	v37 =	vld [tilespmem:s13+$0x270]  }
0x12a: {  	v38 =	vld [tilespmem:s13+$0x5270]  }
0x12b: {  	v57 =	vld [tilespmem:s13+$0x210]  }
0x12c: {  	v41 =	vld [tilespmem:s13+$0x5250]  }
0x12d: {  	v59 =	vld [tilespmem:s13+$0x5240];
	v30 =	vadd.f32 v32, v30;
	s17 =	spop (v2sf)  }
0x12e: {  	v62 =	vld [tilespmem:s13+$0x240];
	s11 =	smul.f32 s17, s17;
	s18 =	spop (v2sf)  }
0x12f: {  	v43 =	vld [tilespmem:s13+$0x250];
	(v2sf) =	vpush v30, $0x0;
	s12 =	smul.f32 s18, s18  }
0x130: {  	v29 =	vld [tilespmem:s13+$0x5260];
	(v2sf) =	vpush v30, $0x1;
	s19 =	spop (v2sf)  }
0x131: {  	v28 =	vld [tilespmem:s13+$0x5210];
	s17 =	smul.f32 s19, s19;
	s11 =	sadd.f32 s12, s11  }
0x132: {  	v39 =	vld [tilespmem:s13+$0x230];
	(v2sf) =	vpush v30, $0x2  }
0x133: {  	v35 =	vadd.f32 v36, v35;
	v30 =	vld [tilespmem:s13+$0x5230];
	s12 =	sadd.f32 s11, s17  }
0x134: {  	v37 =	vadd.f32 v38, v37;
	v38 =	vadd.f32 v59, v62  }
0x135: {  	v53 =	vadd.f32 v41, v43;
	v29 =	vadd.f32 v29, v33;
	v56 =	vmul.f32 s12, v11  }
0x136: {  	v32 =	vadd.f32 v34, v55;
	v28 =	vadd.f32 v28, v57;
	v40 =	vmul.f32 s12, v9  }
0x137: {  	s20 =	simm.s32 $0x200;
	s22 =	simm.s32 $0x100;
	v58 =	vmul.f32 s12, v7;
	v60 =	vmul.f32 s12, v10;
	v29 =	vadd.f32 v29, v56  }
0x138: {  	v31 =	vld [tilespmem:s10+$0x5210];
	s11 =	sand.u32 $0x7800, s20;
	s17 =	sand.u32 $0x380, s22;
	v30 =	vadd.f32 v30, v39;
	v45 =	vmul.f32 s12, v8;
	v35 =	vadd.f32 v40, v35  }
0x139: {  	v61 =	vld [tilespmem:s10+$0x5260];
	s11 =	sor.u32 s17, s11;
	v32 =	vadd.f32 v32, v58;
	v33 =	vadd.f32 v37, v60;
	[tilespmem:s13+$0x260] =	vst v29  }
0x13a: {  	v48 =	vld [tilespmem:s11+$0x600];
	v50 =	vmul.f32 s12, v6;
	v30 =	vadd.f32 v30, v45;
	v56 =	vmul.f32 s12, v4;
	[tilespmem:s13+$0x200] =	vst v35  }
0x13b: {  	v42 =	vmul.f32 v32, v32;
	v16 =	vadd.f32 v32, v16;
	v18 =	vadd.f32 v35, v18;
	v44 =	vld [tilespmem:s11+$0x5600];
	[tilespmem:s13+$0x270] =	vst v33  }
0x13c: {  	v63 =	vmul.f32 v29, v29;
	v19 =	vadd.f32 v33, v19;
	v20 =	vadd.f32 v30, v20;
	[tilespmem:s13+$0x220] =	vst v32;
	v49 =	vld [tilespmem:s10+$0x260]  }
0x13d: {  	v52 =	vmul.f32 v33, v33;
	v28 =	vadd.f32 v56, v28;
	v24 =	vadd.f32 v29, v24;
	v32 =	vld [tilespmem:s11+$0x5210]  }
0x13e: {  	v54 =	vmul.f32 v30, v30;
	v15 =	vadd.f32 v42, v15;
	v17 =	vadd.f32 v63, v17;
	v51 =	vld [tilespmem:s10+$0x5220];
	[tilespmem:s13+$0x230] =	vst v30;
	s23 =	spop (v2sf)  }
0x13f: {  	v60 =	vmul.f32 v35, v35;
	v30 =	vadd.f32 v38, v50;
	v21 =	vadd.f32 v52, v21;
	v55 =	vld [tilespmem:s10+$0x220];
	s17 =	smul.f32 s23, s23;
	s25 =	spop (v2sf)  }
0x140: {  	v22 =	vadd.f32 v54, v22;
	v57 =	vld [tilespmem:s10+$0x5200];
	s18 =	smul.f32 s25, s25;
	v39 =	vadd.f32 v44, v48  }
0x141: {  	v62 =	vmul.f32 s12, v5;
	v26 =	vadd.f32 v60, v26;
	v27 =	vadd.f32 v28, v27;
	v58 =	vld [tilespmem:s10+$0x200];
	[tilespmem:s13+$0x240] =	vst v30;
	s26 =	spop (v2sf)  }
0x142: {  	v29 =	vmul.f32 v28, v28;
	v25 =	vadd.f32 v30, v25;
	v46 =	vld [tilespmem:s10+$0x5270];
	s28 =	smul.f32 s26, s26;
	s17 =	sadd.f32 s18, s17;
	(v2sf) =	vpush v39, $0x0  }
0x143: {  	v47 =	vmul.f32 v30, v30;
	v59 =	vadd.f32 v61, v49;
	v61 =	vld [tilespmem:s10+$0x270];
	(v2sf) =	vpush v39, $0x1  }
0x144: {  	v30 =	vadd.f32 v53, v62;
	v35 =	vld [tilespmem:s10+$0x230];
	[tilespmem:s13+$0x210] =	vst v28;
	s12 =	sadd.f32 s17, s28;
	(v2sf) =	vpush v39, $0x2  }
0x145: {  	v23 =	vadd.f32 v29, v23;
	v41 =	vld [tilespmem:s10+$0x5230];
	v14 =	vadd.f32 v47, v14  }
0x146: {  	v33 =	vld [tilespmem:s10+$0x5250];
	v13 =	vadd.f32 v30, v13;
	v34 =	vadd.f32 v51, v55;
	v36 =	vmul.f32 s12, v9  }
0x147: {  	v40 =	vld [tilespmem:s10+$0x5240];
	v43 =	vadd.f32 v57, v58;
	v28 =	vmul.f32 s12, v11;
	v63 =	vmul.f32 s12, v7  }
0x148: {  	s19 =	sadd.s32 @!p0 $0x50, s6;
	v42 =	vld [tilespmem:s10+$0x240];
	v39 =	vmul.f32 s12, v8;
	v44 =	vmul.f32 s12, v10;
	v37 =	vadd.f32 v46, v61  }
0x149: {  	s19 =	simm.s32 @p0 $0x50;
	v38 =	vld [tilespmem:s10+$0x210];
	[tilespmem:s13+$0x250] =	vst v30;
	s13 =	simm.s32 $0x180;
	s17 =	simm.s32 $0x300;
	v29 =	vadd.f32 v34, v63;
	v34 =	vmul.f32 s12, v6;
	v28 =	vadd.f32 v59, v28  }
.LBB2_3:
0x14a: {  	s20 =	smov.u32 s17  }
0x14b: {  	s18 =	sand.u32 $0x7800, s17;
	s22 =	sand.u32 $0x380, s13;
	v45 =	vld [tilespmem:s11+$0x5260];
	v36 =	vadd.f32 v36, v43;
	v43 =	vmul.f32 v29, v29;
	v30 =	vmul.f32 v30, v30;
	s20 =	sadd.s32 $0x100, s17  }
0x14c: {  	p0 =	sne.s32 s17, $0x4F00;
	v35 =	vadd.f32 v41, v35;
	s18 =	sor.u32 s22, s18;
	v46 =	vmul.f32 v28, v28;
	v37 =	vadd.f32 v37, v44;
	v41 =	vld [tilespmem:s10+$0x250];
	[tilespmem:s10+$0x260] =	vst v28  }
0x14d: {  	v15 =	vadd.f32 v43, v15;
	v12 =	vadd.f32 v30, v12;
	v44 =	vld [tilespmem:s18+$0x600];
	[tilespmem:s10+$0x200] =	vst v36  }
0x14e: {  	v16 =	vadd.f32 v29, v16;
	v43 =	vmul.f32 v36, v36;
	v17 =	vadd.f32 v46, v17;
	v30 =	vld [tilespmem:s18+$0x5600];
	[tilespmem:s10+$0x270] =	vst v37  }
0x14f: {  	v46 =	vld [tilespmem:s11+$0x260];
	[tilespmem:s10+$0x220] =	vst v29;
	v29 =	vadd.f32 v35, v39;
	v35 =	vadd.f32 v40, v42;
	v39 =	vmul.f32 v37, v37  }
0x150: {  	v18 =	vadd.f32 v36, v18;
	v36 =	vadd.f32 v31, v38;
	v31 =	vmov v32;
	v32 =	vld [tilespmem:s18+$0x5210]  }
0x151: {  	v19 =	vadd.f32 v37, v19;
	v38 =	vld [tilespmem:s11+$0x5220];
	s17 =	spop (v2sf);
	[tilespmem:s10+$0x230] =	vst v29;
	v40 =	vmul.f32 v29, v29;
	v42 =	vadd.f32 v33, v41  }
0x152: {  	v20 =	vadd.f32 v29, v20;
	v29 =	vadd.f32 v35, v34;
	v34 =	vmul.f32 s12, v5;
	s17 =	smul.f32 s17, s17;
	v33 =	vld [tilespmem:s11+$0x200];
	s22 =	spop (v2sf)  }
0x153: {  	v35 =	vmul.f32 s12, v4;
	v21 =	vadd.f32 v39, v21;
	v30 =	vadd.f32 v30, v44;
	s22 =	smul.f32 s22, s22;
	v37 =	vld [tilespmem:s11+$0x220];
	s23 =	spop (v2sf)  }
0x154: {  	v22 =	vadd.f32 v40, v22;
	s12 =	smul.f32 s23, s23;
	v39 =	vld [tilespmem:s11+$0x5200];
	v44 =	vadd.f32 v45, v46;
	[tilespmem:s10+$0x240] =	vst v29;
	v45 =	vmul.f32 v29, v29  }
0x155: {  	v36 =	vadd.f32 v35, v36;
	(v2sf) =	vpush v30, $0x0;
	s17 =	sadd.f32 s22, s17;
	v40 =	vld [tilespmem:s11+$0x270]  }
0x156: {  	v24 =	vadd.f32 v28, v24;
	(v2sf) =	vpush v30, $0x1;
	v46 =	vld [tilespmem:s11+$0x5270]  }
0x157: {  	v26 =	vadd.f32 v43, v26;
	v28 =	vmul.f32 v36, v36;
	(v2sf) =	vpush v30, $0x2;
	s12 =	sadd.f32 s17, s12;
	v35 =	vld [tilespmem:s11+$0x230];
	[tilespmem:s10+$0x210] =	vst v36  }
0x158: {  	v27 =	vadd.f32 v36, v27;
	v47 =	vadd.f32 v38, v37  }
.Ltmp0:
0x159: {  	v25 =	vadd.f32 v29, v25;
	v36 =	vmul.f32 s12, v9;
	v41 =	vld [tilespmem:s11+$0x5230];
	v48 =	vmul.f32 s12, v11;
	(pc) =	sbr.rel @p0 .LBB2_3-.Ltmp0, $4  }
0x15a: {  	v23 =	vadd.f32 v28, v23;
	v43 =	vadd.f32 v39, v33;
	v29 =	vmul.f32 s12, v7;
	v38 =	vld [tilespmem:s11+$0x210]  }
0x15b: {  	v30 =	vadd.f32 v42, v34;
	v39 =	vmul.f32 s12, v8;
	v33 =	vld [tilespmem:s11+$0x5250];
	v37 =	vadd.f32 v46, v40  }
0x15c: {  	s13 =	sadd.s32 $0x80, s13;
	v14 =	vadd.f32 v45, v14;
	v34 =	vmul.f32 s12, v6;
	v29 =	vadd.f32 v47, v29;
	v40 =	vld [tilespmem:s11+$0x5240]  }
0x15d: {  	s17 =	smov.u32 s20;
	v13 =	vadd.f32 v30, v13;
	v28 =	vadd.f32 v44, v48;
	v44 =	vmul.f32 s12, v10;
	v42 =	vld [tilespmem:s11+$0x240];
	[tilespmem:s10+$0x250] =	vst v30;
	s10 =	smov.u32 s11;
	s11 =	smov.u32 s18  }
0x15e: {  	_ = 	snop  }
0x15f: {  	v45 =	vld [tilespmem:s11+$0x5260];
	v35 =	vadd.f32 v41, v35;
	[tilespmem:s10+$0x220] =	vst v29;
	v37 =	vadd.f32 v37, v44  }
0x160: {  	v36 =	vadd.f32 v36, v43;
	[tilespmem:s10+$0x260] =	vst v28  }
0x161: {  	v57 =	vld [tilespmem:s10+$0x250];
	v39 =	vadd.f32 v35, v39;
	[tilespmem:s10+$0x270] =	vst v37  }
0x162: {  	[tilespmem:s10+$0x200] =	vst v36;
	v58 =	vld [tilespmem:s11+$0x260];
	v59 =	vadd.f32 v40, v42  }
0x163: {  	v44 =	vld [tilespmem:s11+$0x5220];
	[tilespmem:s10+$0x230] =	vst v39  }
0x164: {  	v35 =	vld [tilespmem:s11+$0x220];
	v34 =	vadd.f32 v59, v34  }
0x165: {  	v60 =	vmul.f32 s12, v4;
	v31 =	vadd.f32 v31, v38;
	v46 =	vld [tilespmem:s11+$0x5200];
	s13 =	spop (v2sf)  }
0x166: {  	v47 =	vld [tilespmem:s11+$0x200];
	s13 =	smul.f32 s13, s13;
	s17 =	spop (v2sf);
	[tilespmem:s10+$0x240] =	vst v34  }
0x167: {  	v40 =	vadd.f32 v60, v31;
	s17 =	smul.f32 s17, s17;
	v31 =	vld [tilespmem:s11+$0x5270]  }
0x168: {  	s18 =	spop (v2sf);
	v48 =	vld [tilespmem:s11+$0x230]  }
0x169: {  	s18 =	smul.f32 s18, s18;
	v61 =	vld [tilespmem:s11+$0x270];
	[tilespmem:s10+$0x210] =	vst v40;
	s13 =	sadd.f32 s17, s13  }
0x16a: {  	v62 =	vmul.f32 s12, v5;
	v33 =	vadd.f32 v33, v57;
	v63 =	vld [tilespmem:s11+$0x5230]  }
0x16b: {  	v49 =	vld [tilespmem:s11+$0x5250];
	s13 =	sadd.f32 s13, s18  }
0x16c: {  	v42 =	vadd.f32 v33, v62;
	v50 =	vld [tilespmem:s11+$0x5240]  }
0x16d: {  	v56 =	vadd.f32 v45, v58;
	v58 =	vld [tilespmem:s11+$0x240];
	v57 =	vmul.f32 s13, v11  }
0x16e: {  	v46 =	vadd.f32 v46, v47;
	v59 =	vld [tilespmem:s11+$0x210];
	[tilespmem:s10+$0x250] =	vst v42;
	v51 =	vmul.f32 s13, v9  }
0x16f: {  	v52 =	vld [tilespmem:s11+$0x250];
	v31 =	vadd.f32 v31, v61;
	v60 =	vmul.f32 s13, v10;
	v33 =	vadd.f32 v56, v57  }
0x170: {  	v35 =	vadd.f32 v44, v35;
	v61 =	vmul.f32 s13, v7;
	v38 =	vadd.f32 v51, v46  }
0x171: {  	v43 =	vadd.f32 v63, v48;
	v41 =	vadd.f32 v31, v60;
	v31 =	vmul.f32 s13, v8;
	[tilespmem:s11+$0x260] =	vst v33  }
0x172: {  	v62 =	vadd.f32 v50, v58;
	v63 =	vmul.f32 s13, v6;
	v44 =	vadd.f32 v35, v61;
	[tilespmem:s11+$0x200] =	vst v38  }
0x173: {  	v48 =	vmul.f32 s13, v4;
	v43 =	vadd.f32 v43, v31;
	[tilespmem:s11+$0x270] =	vst v41;
	v31 =	vadd.f32 v32, v59  }
0x174: {  	v50 =	vmul.f32 s13, v5;
	v49 =	vadd.f32 v49, v52;
	[tilespmem:s11+$0x220] =	vst v44;
	v32 =	vadd.f32 v62, v63  }
0x175: {  	[tilespmem:s11+$0x230] =	vst v43;
	v35 =	vadd.f32 v48, v31  }
0x176: {  	s17 =	sadd.s32 s8, s6;
	[tilespmem:s11+$0x240] =	vst v32;
	v31 =	vadd.f32 v49, v50  }
0x177: {  	s10 =	sshll.u32 s17, $0x4;
	[tilespmem:s11+$0x210] =	vst v35  }
0x178: {  	s10 =	sadd.s32 s9, s10;
	s13 =	simm.s32 $0x200;
	[tilespmem:s11+$0x250] =	vst v31  }
0x179: {  	[hbm4b:s10+s3] =	stream.linear.scatter [tilespmem:s13], [sflag:$0x3], $0x400, $0x38;
	[tilespmem:$0x14680] =	vst v63  }
0x17a: {  	s17 =	simm.s32 $0xA00;
	s18 =	sadd.s32 $0x80, s10  }
0x17b: {  	[hbm4b:s18+s3] =	stream.linear.scatter [tilespmem:s17], [sflag:$0x3], $0x400, $0x38;
	[tilespmem:$0x14680] =	vst v63  }
0x17c: {  	s20 =	sadd.s32 $0x100, s10;
	s18 =	simm.s32 $0x1200  }
0x17d: {  	[hbm4b:s20+s3] =	stream.linear.scatter [tilespmem:s18], [sflag:$0x3], $0x400, $0x38;
	[tilespmem:$0x14680] =	vst v63  }
0x17e: {  	s25 =	simm.s32 $0x1A00;
	s22 =	sadd.s32 $0x180, s10  }
0x17f: {  	[hbm4b:s22+s3] =	stream.linear.scatter [tilespmem:s25], [sflag:$0x3], $0x400, $0x38;
	[tilespmem:$0x14680] =	vst v63  }
0x180: {  	s26 =	simm.s32 $0x2200;
	s23 =	sadd.s32 $0x200, s10  }
0x181: {  	[hbm4b:s23+s3] =	stream.linear.scatter [tilespmem:s26], [sflag:$0x3], $0x400, $0x38;
	[tilespmem:$0x14680] =	vst v63  }
0x182: {  	s28 =	simm.s32 $0x2A00;
	s12 =	sadd.s32 $0x280, s10  }
0x183: {  	[hbm4b:s12+s3] =	stream.linear.scatter [tilespmem:s28], [sflag:$0x3], $0x400, $0x38;
	[tilespmem:$0x14680] =	vst v63  }
0x184: {  	s20 =	sadd.s32 $0x300, s10  }
0x185: {  	[hbm4b:s20+s3] =	stream.linear.scatter [tilespmem:s29], [sflag:$0x3], $0x400, $0x38;
	[tilespmem:$0x14680] =	vst v63  }
0x186: {  	s22 =	sadd.s32 $0x380, s10  }
0x187: {  	[hbm4b:s22+s3] =	stream.linear.scatter [tilespmem:s30], [sflag:$0x3], $0x400, $0x38;
	[tilespmem:$0x14680] =	vst v63  }
0x188: {  	s23 =	sadd.s32 $0x400, s10  }
0x189: {  	[hbm4b:s23+s3] =	stream.linear.scatter [tilespmem:s31], [sflag:$0x3], $0x400, $0x38;
	[tilespmem:$0x14680] =	vst v63  }
0x18a: {  	s10 =	sadd.s32 $0x480, s10  }
0x18b: {  	[hbm4b:s10+s3] =	stream.linear.scatter [tilespmem:s0], [sflag:$0x3], $0x400, $0x38;
	[tilespmem:$0x14680] =	vst v63  }
0x18c: {  	_ =	swait.ge [sflag:s1], $0x5000  }
0x18d: {  	[sflag:s1] =	ssyncset.done $0x0  }
0x18e: {  	[sflag:s1] =	ssyncadd.s32 $0xFFFFB000  }
0x18f: {  	_ =	swait.ge [sflag:s1], $0x5000  }
0x190: {  	p0 =	seq.s32 s2, $0x3D;
	s10 =	rddreg [dreg:$0x9]  }
0x191: {  	s6 =	sadd.s32 @!p0 s6, s10  }
0x192: {  	s11 =	simm.s32 @!p0 $0x0;
	[sflag:s1] =	ssyncset.done $0x0;
	s6 =	sshrl.u32 @!p0 s6, $0x3  }
0x193: {  	s12 =	simm.s32 @!p0 $0x100;
	[sflag:s1] =	ssyncadd.s32 $0xFFFFB000;
	s10 =	sadd.s32 @!p0 s7, s6  }
0x194: {  	[tilespmem:s12], [sflag:$0x6] =	stream.linear.gather @!p0 [hbm4b:s10+s11], $0x50, $0x38;
	[tilespmem:$0x14680] =	vst v63  }
0x195: {  	s6 =	sadd.s32 @!p0 s24, s6;
	s10 =	simm.s32 @!p0 $0x180  }
0x196: {  	[tilespmem:s10], [sflag:$0x6] =	stream.linear.gather @!p0 [hbm4b:s6+s11], $0x50, $0x38;
	[tilespmem:$0x14680] =	vst v63  }
0x197: {  	_ =	swait.ge [sflag:s14], $0x2800  }
0x198: {  	[sflag:s14] =	ssyncset.done $0x0  }
0x199: {  	[sflag:s14] =	ssyncadd.s32 $0xFFFFD800  }
0x19a: {  	_ =	swait.ge [sflag:s15], $0x50  }
0x19b: {  	[sflag:s15] =	ssyncset.done $0x0  }
0x19c: {  	[sflag:s15] =	ssyncadd.s32 $0xFFFFFFB0  }
0x19d: {  	_ =	swait.ge [sflag:s15], $0x50  }
0x19e: {  	[sflag:s15] =	ssyncset.done $0x0  }
0x19f: {  	[sflag:s15] =	ssyncadd.s32 $0xFFFFFFB0  }
0x1a0: {  	v51 =	vld [tilespmem:$0x0];
	_ =	sdelay $0x4  }
0x1a1: {  	v52 =	vshll.u32 v51, $0x1  }
0x1a2: {  	v45 =	vand.u32 $0x7, v51;
	v46 =	vand.u32 $0xFFFFFFF0, v52  }
0x1a3: {  	v45 =	vor.u32 v45, v46  }
0x1a4: {  	v46 =	vperm.xlane v45, v0;
	_ =	sdelay $0x1  }
0x1a5: {  	v45 =	vperm.xlane v45, v2;
	v46 =	vadd.s32 v1, v46;
	_ =	sdelay $0x1  }
0x1a6: {  	v45 =	vadd.s32 v1, v45;
	_ =	sdelay $0x1  }
0x1a7: {  	s6 =	simm.s32 $0x0  }
0x1a8: {  	[tilespmem:s13], [sflag:$0x1] =	stream.indirect_vreg.gather [hbm4b:s4+s6], $0x80, v46, vm0, $0xb8;
	[tilespmem:$0x14680] =	vst v63  }
0x1a9: {  	_ = 	snop  }
0x1aa: {  	[tilespmem:s17], [sflag:$0x1] =	stream.indirect_vreg.gather [hbm4b:s4+s6], $0x80, v45, vm0, $0xb8;
	[tilespmem:$0x14680] =	vst v63  }
0x1ab: {  	v45 =	vld [tilespmem:$0x10];
	_ =	sdelay $0x4  }
0x1ac: {  	v53 =	vshll.u32 v45, $0x1  }
0x1ad: {  	v45 =	vand.u32 $0x7, v45;
	v46 =	vand.u32 $0xFFFFFFF0, v53  }
0x1ae: {  	v45 =	vor.u32 v45, v46  }
0x1af: {  	v46 =	vperm.xlane v45, v0;
	_ =	sdelay $0x1  }
0x1b0: {  	v45 =	vperm.xlane v45, v2;
	v46 =	vadd.s32 v1, v46;
	_ =	sdelay $0x1  }
0x1b1: {  	v45 =	vadd.s32 v1, v45;
	_ =	sdelay $0x2  }
0x1b2: {  	[tilespmem:s18], [sflag:$0x1] =	stream.indirect_vreg.gather [hbm4b:s4+s6], $0x80, v46, vm0, $0xb8;
	[tilespmem:$0x14680] =	vst v63  }
0x1b3: {  	_ = 	snop  }
0x1b4: {  	[tilespmem:s25], [sflag:$0x1] =	stream.indirect_vreg.gather [hbm4b:s4+s6], $0x80, v45, vm0, $0xb8;
	[tilespmem:$0x14680] =	vst v63  }
0x1b5: {  	v45 =	vld [tilespmem:$0x20];
	_ =	sdelay $0x4  }
0x1b6: {  	v54 =	vshll.u32 v45, $0x1  }
0x1b7: {  	v45 =	vand.u32 $0x7, v45;
	v46 =	vand.u32 $0xFFFFFFF0, v54  }
0x1b8: {  	v45 =	vor.u32 v45, v46  }
0x1b9: {  	v46 =	vperm.xlane v45, v0;
	_ =	sdelay $0x1  }
0x1ba: {  	v45 =	vperm.xlane v45, v2;
	v46 =	vadd.s32 v1, v46;
	_ =	sdelay $0x1  }
0x1bb: {  	v45 =	vadd.s32 v1, v45;
	_ =	sdelay $0x2  }
0x1bc: {  	[tilespmem:s26], [sflag:$0x1] =	stream.indirect_vreg.gather [hbm4b:s4+s6], $0x80, v46, vm0, $0xb8;
	[tilespmem:$0x14680] =	vst v63  }
0x1bd: {  	_ = 	snop  }
0x1be: {  	[tilespmem:s28], [sflag:$0x1] =	stream.indirect_vreg.gather [hbm4b:s4+s6], $0x80, v45, vm0, $0xb8;
	[tilespmem:$0x14680] =	vst v63  }
0x1bf: {  	v45 =	vld [tilespmem:$0x30];
	_ =	sdelay $0x4  }
0x1c0: {  	v55 =	vshll.u32 v45, $0x1  }
0x1c1: {  	v45 =	vand.u32 $0x7, v45;
	v46 =	vand.u32 $0xFFFFFFF0, v55  }
0x1c2: {  	v45 =	vor.u32 v45, v46  }
0x1c3: {  	v46 =	vperm.xlane v45, v0;
	_ =	sdelay $0x1  }
0x1c4: {  	v45 =	vperm.xlane v45, v2;
	v46 =	vadd.s32 v1, v46;
	_ =	sdelay $0x1  }
0x1c5: {  	v45 =	vadd.s32 v1, v45;
	_ =	sdelay $0x2  }
0x1c6: {  	[tilespmem:s29], [sflag:$0x1] =	stream.indirect_vreg.gather [hbm4b:s4+s6], $0x80, v46, vm0, $0xb8;
	[tilespmem:$0x14680] =	vst v63  }
0x1c7: {  	_ = 	snop  }
0x1c8: {  	[tilespmem:s30], [sflag:$0x1] =	stream.indirect_vreg.gather [hbm4b:s4+s6], $0x80, v45, vm0, $0xb8;
	[tilespmem:$0x14680] =	vst v63  }
0x1c9: {  	v45 =	vld [tilespmem:$0x40];
	_ =	sdelay $0x4  }
0x1ca: {  	v56 =	vshll.u32 v45, $0x1  }
0x1cb: {  	v45 =	vand.u32 $0x7, v45;
	v46 =	vand.u32 $0xFFFFFFF0, v56  }
0x1cc: {  	v45 =	vor.u32 v45, v46  }
0x1cd: {  	v46 =	vperm.xlane v45, v0;
	_ =	sdelay $0x1  }
0x1ce: {  	v45 =	vperm.xlane v45, v2;
	v46 =	vadd.s32 v1, v46;
	_ =	sdelay $0x1  }
0x1cf: {  	v45 =	vadd.s32 v1, v45;
	_ =	sdelay $0x2  }
0x1d0: {  	[tilespmem:s31], [sflag:$0x1] =	stream.indirect_vreg.gather [hbm4b:s4+s6], $0x80, v46, vm0, $0xb8;
	[tilespmem:$0x14680] =	vst v63  }
0x1d1: {  	_ = 	snop  }
0x1d2: {  	[tilespmem:s0], [sflag:$0x1] =	stream.indirect_vreg.gather [hbm4b:s4+s6], $0x80, v45, vm0, $0xb8;
	[tilespmem:$0x14680] =	vst v63  }
0x1d3: {  	v45 =	vld [tilespmem:$0x80];
	_ =	sdelay $0x4  }
0x1d4: {  	v57 =	vshll.u32 v45, $0x1  }
0x1d5: {  	v45 =	vand.u32 $0x7, v45;
	v46 =	vand.u32 $0xFFFFFFF0, v57  }
0x1d6: {  	v45 =	vor.u32 v45, v46  }
0x1d7: {  	v46 =	vperm.xlane v45, v0;
	_ =	sdelay $0x1  }
0x1d8: {  	v45 =	vperm.xlane v45, v2;
	v46 =	vadd.s32 v1, v46;
	_ =	sdelay $0x1  }
0x1d9: {  	v45 =	vadd.s32 v1, v45;
	_ =	sdelay $0x1  }
0x1da: {  	s11 =	simm.s32 $0x5200  }
0x1db: {  	[tilespmem:s11], [sflag:$0x1] =	stream.indirect_vreg.gather [hbm4b:s5+s6], $0x80, v46, vm0, $0xb8;
	[tilespmem:$0x14680] =	vst v63  }
0x1dc: {  	s12 =	simm.s32 $0x5A00  }
0x1dd: {  	[tilespmem:s12], [sflag:$0x1] =	stream.indirect_vreg.gather [hbm4b:s5+s6], $0x80, v45, vm0, $0xb8;
	[tilespmem:$0x14680] =	vst v63  }
0x1de: {  	v45 =	vld [tilespmem:$0x90];
	_ =	sdelay $0x4  }
0x1df: {  	v58 =	vshll.u32 v45, $0x1  }
0x1e0: {  	v45 =	vand.u32 $0x7, v45;
	v46 =	vand.u32 $0xFFFFFFF0, v58  }
0x1e1: {  	v45 =	vor.u32 v45, v46  }
0x1e2: {  	v46 =	vperm.xlane v45, v0;
	_ =	sdelay $0x1  }
0x1e3: {  	v45 =	vperm.xlane v45, v2;
	v46 =	vadd.s32 v1, v46;
	_ =	sdelay $0x1  }
0x1e4: {  	v45 =	vadd.s32 v1, v45;
	_ =	sdelay $0x1  }
0x1e5: {  	s13 =	simm.s32 $0x6200  }
0x1e6: {  	[tilespmem:s13], [sflag:$0x1] =	stream.indirect_vreg.gather [hbm4b:s5+s6], $0x80, v46, vm0, $0xb8;
	[tilespmem:$0x14680] =	vst v63  }
0x1e7: {  	s17 =	simm.s32 $0x6A00  }
0x1e8: {  	[tilespmem:s17], [sflag:$0x1] =	stream.indirect_vreg.gather [hbm4b:s5+s6], $0x80, v45, vm0, $0xb8;
	[tilespmem:$0x14680] =	vst v63  }
0x1e9: {  	v45 =	vld [tilespmem:$0xA0];
	_ =	sdelay $0x4  }
0x1ea: {  	v59 =	vshll.u32 v45, $0x1  }
0x1eb: {  	v45 =	vand.u32 $0x7, v45;
	v46 =	vand.u32 $0xFFFFFFF0, v59  }
0x1ec: {  	v45 =	vor.u32 v45, v46  }
0x1ed: {  	v46 =	vperm.xlane v45, v0;
	_ =	sdelay $0x1  }
0x1ee: {  	v45 =	vperm.xlane v45, v2;
	v46 =	vadd.s32 v1, v46;
	_ =	sdelay $0x1  }
0x1ef: {  	v45 =	vadd.s32 v1, v45;
	_ =	sdelay $0x1  }
0x1f0: {  	s18 =	simm.s32 $0x7200  }
0x1f1: {  	[tilespmem:s18], [sflag:$0x1] =	stream.indirect_vreg.gather [hbm4b:s5+s6], $0x80, v46, vm0, $0xb8;
	[tilespmem:$0x14680] =	vst v63  }
0x1f2: {  	s20 =	simm.s32 $0x7A00  }
0x1f3: {  	[tilespmem:s20], [sflag:$0x1] =	stream.indirect_vreg.gather [hbm4b:s5+s6], $0x80, v45, vm0, $0xb8;
	[tilespmem:$0x14680] =	vst v63  }
0x1f4: {  	v45 =	vld [tilespmem:$0xB0];
	_ =	sdelay $0x4  }
0x1f5: {  	v60 =	vshll.u32 v45, $0x1  }
0x1f6: {  	v45 =	vand.u32 $0x7, v45;
	v46 =	vand.u32 $0xFFFFFFF0, v60  }
0x1f7: {  	v45 =	vor.u32 v45, v46  }
0x1f8: {  	v46 =	vperm.xlane v45, v0;
	_ =	sdelay $0x1  }
0x1f9: {  	v45 =	vperm.xlane v45, v2;
	v46 =	vadd.s32 v1, v46;
	_ =	sdelay $0x1  }
0x1fa: {  	v45 =	vadd.s32 v1, v45;
	_ =	sdelay $0x1  }
0x1fb: {  	s22 =	simm.s32 $0x8200  }
0x1fc: {  	[tilespmem:s22], [sflag:$0x1] =	stream.indirect_vreg.gather [hbm4b:s5+s6], $0x80, v46, vm0, $0xb8;
	[tilespmem:$0x14680] =	vst v63  }
0x1fd: {  	s23 =	smov.u32 s24;
	s24 =	simm.s32 $0x8A00  }
0x1fe: {  	[tilespmem:s24], [sflag:$0x1] =	stream.indirect_vreg.gather [hbm4b:s5+s6], $0x80, v45, vm0, $0xb8;
	[tilespmem:$0x14680] =	vst v63  }
0x1ff: {  	v45 =	vld [tilespmem:$0xC0];
	_ =	sdelay $0x4  }
0x200: {  	v61 =	vshll.u32 v45, $0x1  }
0x201: {  	v45 =	vand.u32 $0x7, v45;
	v46 =	vand.u32 $0xFFFFFFF0, v61  }
0x202: {  	v45 =	vor.u32 v45, v46  }
0x203: {  	v46 =	vperm.xlane v45, v0;
	_ =	sdelay $0x1  }
0x204: {  	v45 =	vperm.xlane v45, v2;
	v46 =	vadd.s32 v1, v46;
	_ =	sdelay $0x1  }
0x205: {  	v45 =	vadd.s32 v1, v45;
	_ =	sdelay $0x1  }
0x206: {  	s11 =	simm.s32 $0x9200  }
0x207: {  	[tilespmem:s11], [sflag:$0x1] =	stream.indirect_vreg.gather [hbm4b:s5+s6], $0x80, v46, vm0, $0xb8;
	[tilespmem:$0x14680] =	vst v63  }
0x208: {  	s12 =	simm.s32 $0x9A00  }
0x209: {  	[tilespmem:s12], [sflag:$0x1] =	stream.indirect_vreg.gather [hbm4b:s5+s6], $0x80, v45, vm0, $0xb8;
	[tilespmem:$0x14680] =	vst v63  }
0x20a: {  	s13 =	sand.u32 $0x7800, s6;
	s6 =	sand.u32 $0x380, s6  }
0x20b: {  	s11 =	sor.u32 s6, s13  }
0x20c: {  	v45 =	vld [tilespmem:s11+$0xA600]  }
0x20d: {  	v46 =	vld [tilespmem:s11+$0xF600];
	_ =	sdelay $0x4  }
0x20e: {  	v45 =	vadd.f32 v46, v45;
	_ =	sdelay $0x1  }
0x20f: {  	(v2sf) =	vpush v45, $0x0  }
0x210: {  	v30 =	vmul.f32 v30, v30;
	(v2sf) =	vpush v45, $0x1  }
0x211: {  	v16 =	vadd.f32 v29, v16;
	v24 =	vadd.f32 v28, v24  }
0x212: {  	v12 =	vadd.f32 v30, v12;
	(v2sf) =	vpush v45, $0x2  }
0x213: {  	v18 =	vadd.f32 v36, v18;
	v36 =	vmul.f32 v36, v36;
	v30 =	vmul.f32 v39, v39  }
0x214: {  	v19 =	vadd.f32 v37, v19;
	v20 =	vadd.f32 v39, v20  }
0x215: {  	v26 =	vadd.f32 v36, v26;
	v22 =	vadd.f32 v30, v22;
	v47 =	vmul.f32 v34, v34;
	s17 =	simm.s32 $0x100;
	s18 =	simm.s32 $0x80  }
0x216: {  	v27 =	vadd.f32 v40, v27;
	v25 =	vadd.f32 v34, v25;
	s10 =	sand.u32 $0x380, s18;
	s6 =	sand.u32 $0x7800, s17  }
0x217: {  	v14 =	vadd.f32 v47, v14;
	v62 =	vmul.f32 v29, v29;
	v29 =	vmul.f32 v37, v37;
	v37 =	vld [tilespmem:s11+$0xF210];
	s6 =	sor.u32 s10, s6  }
0x218: {  	v63 =	vmul.f32 v28, v28;
	v28 =	vmul.f32 v40, v40;
	v39 =	vadd.f32 v44, v16;
	v30 =	vld [tilespmem:s6+$0xA600]  }
0x219: {  	v18 =	vadd.f32 v38, v18;
	v15 =	vadd.f32 v62, v15;
	v48 =	vld [tilespmem:s6+$0xF600]  }
0x21a: {  	v21 =	vadd.f32 v29, v21;
	v23 =	vadd.f32 v28, v23;
	v28 =	vmul.f32 v44, v44;
	v29 =	vld [tilespmem:s11+$0xF260]  }
0x21b: {  	v19 =	vadd.f32 v41, v19;
	v38 =	vmul.f32 v38, v38;
	v24 =	vadd.f32 v33, v24;
	v50 =	vld [tilespmem:s11+$0xA260]  }
0x21c: {  	v17 =	vadd.f32 v63, v17;
	v49 =	vmul.f32 v42, v42;
	v15 =	vadd.f32 v28, v15;
	v28 =	vld [tilespmem:s11+$0xF220]  }
0x21d: {  	v20 =	vadd.f32 v43, v20;
	v26 =	vadd.f32 v38, v26;
	v16 =	vld [tilespmem:s11+$0xA200]  }
0x21e: {  	v12 =	vadd.f32 v49, v12;
	v58 =	vld [tilespmem:s11+$0xA220];
	v30 =	vadd.f32 v48, v30;
	s20 =	spop (v2sf)  }
0x21f: {  	v27 =	vadd.f32 v35, v27;
	v51 =	vadd.f32 v42, v13;
	v60 =	vld [tilespmem:s11+$0xF200];
	s10 =	smul.f32 s20, s20;
	s22 =	spop (v2sf)  }
0x220: {  	v52 =	vmul.f32 v32, v32;
	v56 =	vmul.f32 v33, v33;
	v61 =	vld [tilespmem:s11+$0xA270];
	(v2sf) =	vpush v30, $0x0;
	s12 =	smul.f32 s22, s22  }
0x221: {  	v32 =	vadd.f32 v32, v25;
	v57 =	vmul.f32 v41, v41;
	v62 =	vld [tilespmem:s11+$0xF270];
	(v2sf) =	vpush v30, $0x1;
	s24 =	spop (v2sf)  }
0x222: {  	v47 =	vadd.f32 v52, v14;
	v17 =	vadd.f32 v56, v17;
	v59 =	vmul.f32 v43, v43;
	v54 =	vld [tilespmem:s11+$0xA210];
	s13 =	smul.f32 s24, s24;
	s10 =	sadd.f32 s12, s10  }
0x223: {  	v35 =	vmul.f32 v35, v35;
	v21 =	vadd.f32 v57, v21;
	v63 =	vld [tilespmem:s11+$0xA230];
	(v2sf) =	vpush v30, $0x2  }
0x224: {  	v22 =	vadd.f32 v59, v22;
	v28 =	vadd.f32 v28, v58;
	v58 =	vld [tilespmem:s11+$0xF240];
	s12 =	sadd.f32 s10, s13  }
0x225: {  	v29 =	vadd.f32 v29, v50;
	v46 =	vadd.f32 v35, v23;
	v23 =	vld [tilespmem:s11+$0xA240]  }
0x226: {  	v16 =	vadd.f32 v60, v16;
	v30 =	vld [tilespmem:s11+$0xF230];
	v53 =	vmul.f32 s12, v11;
	v56 =	vmul.f32 s12, v7  }
0x227: {  	v57 =	vld [tilespmem:s11+$0xF250];
	v42 =	vadd.f32 v62, v61;
	v50 =	vadd.f32 v37, v54;
	v55 =	vmul.f32 s12, v9  }
0x228: {  	s17 =	simm.s32 $0x100;
	v13 =	vld [tilespmem:s6+$0xF210];
	s13 =	simm.s32 $0x200;
	v59 =	vmul.f32 s12, v10;
	v29 =	vadd.f32 v29, v53;
	v28 =	vadd.f32 v28, v56  }
0x229: {  	v61 =	vld [tilespmem:s11+$0xA250];
	v48 =	vadd.f32 v31, v51;
	s10 =	sand.u32 $0x7800, s13;
	s13 =	sand.u32 $0x380, s17;
	v44 =	vadd.f32 v55, v16  }
0x22a: {  	v60 =	vld [tilespmem:s6+$0xF260];
	s10 =	sor.u32 s13, s10;
	v16 =	vmul.f32 v31, v31;
	v34 =	vadd.f32 v42, v59;
	[tilespmem:s11+$0xA260] =	vst v29;
	v14 =	vmul.f32 v28, v28  }
0x22b: {  	v23 =	vadd.f32 v58, v23;
	v30 =	vadd.f32 v30, v63;
	v62 =	vmul.f32 s12, v8;
	v63 =	vld [tilespmem:s10+$0xA600];
	[tilespmem:s11+$0xA200] =	vst v44  }
0x22c: {  	v12 =	vadd.f32 v16, v12;
	v25 =	vmul.f32 v29, v29;
	v31 =	vld [tilespmem:s10+$0xF600];
	[tilespmem:s11+$0xA270] =	vst v34;
	v16 =	vadd.f32 v14, v15  }
0x22d: {  	[tilespmem:s11+$0xA220] =	vst v28;
	v14 =	vadd.f32 v28, v39;
	v49 =	vld [tilespmem:s6+$0xA260];
	v28 =	vadd.f32 v30, v62  }
0x22e: {  	v53 =	vadd.f32 v57, v61;
	v15 =	vadd.f32 v25, v17;
	v25 =	vld [tilespmem:s10+$0xF210];
	v30 =	vmul.f32 s12, v6  }
0x22f: {  	v52 =	vmul.f32 v34, v34;
	v17 =	vadd.f32 v44, v18;
	v51 =	vld [tilespmem:s6+$0xF220];
	v18 =	vadd.f32 v34, v19;
	s18 =	spop (v2sf);
	[tilespmem:s11+$0xA230] =	vst v28  }
0x230: {  	v54 =	vmul.f32 v28, v28;
	s13 =	smul.f32 s18, s18;
	s20 =	spop (v2sf);
	v19 =	vadd.f32 v28, v20;
	v28 =	vadd.f32 v23, v30;
	v30 =	vld [tilespmem:s6+$0xA220]  }
0x231: {  	v20 =	vadd.f32 v52, v21;
	s17 =	smul.f32 s20, s20;
	v55 =	vld [tilespmem:s6+$0xF200];
	v23 =	vadd.f32 v31, v63  }
0x232: {  	v56 =	vld [tilespmem:s6+$0xA200];
	s22 =	spop (v2sf);
	v31 =	vmul.f32 s12, v4;
	v21 =	vadd.f32 v54, v22;
	[tilespmem:s11+$0xA240] =	vst v28;
	v22 =	vadd.f32 v29, v24  }
0x233: {  	v58 =	vmul.f32 v44, v44;
	s24 =	smul.f32 s22, s22;
	v57 =	vadd.f32 v60, v49;
	s13 =	sadd.f32 s17, s13;
	v59 =	vld [tilespmem:s6+$0xA270];
	(v2sf) =	vpush v23, $0x0  }
0x234: {  	v29 =	vmul.f32 v28, v28;
	v61 =	vld [tilespmem:s6+$0xF270];
	v31 =	vadd.f32 v31, v50;
	(v2sf) =	vpush v23, $0x1  }
0x235: {  	v60 =	vmul.f32 s12, v5;
	s12 =	sadd.f32 s13, s24;
	(v2sf) =	vpush v23, $0x2;
	v23 =	vadd.f32 v58, v26  }
0x236: {  	v35 =	vld [tilespmem:s6+$0xA230];
	[tilespmem:s11+$0xA210] =	vst v31;
	v62 =	vmul.f32 v31, v31;
	v30 =	vadd.f32 v51, v30;
	v24 =	vadd.f32 v31, v27  }
0x237: {  	v26 =	vadd.f32 v28, v32;
	v43 =	vadd.f32 v55, v56;
	v41 =	vmul.f32 s12, v9;
	v39 =	vld [tilespmem:s6+$0xF230]  }
0x238: {  	v32 =	vadd.f32 v53, v60;
	v63 =	vmul.f32 s12, v11;
	v28 =	vmul.f32 s12, v7;
	v33 =	vld [tilespmem:s6+$0xF250]  }
0x239: {  	v37 =	vmul.f32 s12, v8;
	v38 =	vld [tilespmem:s6+$0xF240];
	v27 =	vadd.f32 v62, v46;
	v42 =	vadd.f32 v61, v59  }
0x23a: {  	v34 =	vmul.f32 s12, v6;
	v40 =	vld [tilespmem:s6+$0xA240];
	v31 =	vadd.f32 v30, v28;
	v28 =	vadd.f32 v29, v47  }
0x23b: {  	s18 =	simm.s32 $0x300;
	v36 =	vld [tilespmem:s6+$0xA210];
	v44 =	vmul.f32 s12, v10;
	[tilespmem:s11+$0xA250] =	vst v32;
	s11 =	simm.s32 $0x180;
	v30 =	vadd.f32 v57, v63;
	v29 =	vadd.f32 v32, v48  }
.LBB2_5:
0x23c: {  	s13 =	smov.u32 s18  }
0x23d: {  	s17 =	sand.u32 $0x7800, s18;
	s20 =	sand.u32 $0x380, s11;
	v45 =	vld [tilespmem:s10+$0xF260];
	v41 =	vadd.f32 v41, v43;
	v43 =	vmul.f32 v31, v31;
	v32 =	vmul.f32 v32, v32;
	s13 =	sadd.s32 $0x100, s18  }
0x23e: {  	p0 =	sne.s32 s18, $0x4F00;
	v35 =	vadd.f32 v39, v35;
	s17 =	sor.u32 s20, s17;
	v46 =	vmul.f32 v30, v30;
	v42 =	vadd.f32 v42, v44;
	v39 =	vld [tilespmem:s6+$0xA250];
	[tilespmem:s6+$0xA260] =	vst v30  }
0x23f: {  	v16 =	vadd.f32 v43, v16;
	v12 =	vadd.f32 v32, v12;
	v44 =	vld [tilespmem:s17+$0xA600];
	[tilespmem:s6+$0xA200] =	vst v41  }
0x240: {  	v14 =	vadd.f32 v31, v14;
	v43 =	vmul.f32 v41, v41;
	v15 =	vadd.f32 v46, v15;
	v32 =	vld [tilespmem:s17+$0xF600];
	[tilespmem:s6+$0xA270] =	vst v42  }
0x241: {  	v46 =	vld [tilespmem:s10+$0xA260];
	[tilespmem:s6+$0xA220] =	vst v31;
	v31 =	vadd.f32 v35, v37;
	v35 =	vadd.f32 v38, v40;
	v37 =	vmul.f32 v42, v42  }
0x242: {  	v36 =	vadd.f32 v13, v36;
	v13 =	vmov v25;
	v17 =	vadd.f32 v41, v17;
	v25 =	vld [tilespmem:s17+$0xF210]  }
0x243: {  	v18 =	vadd.f32 v42, v18;
	v38 =	vld [tilespmem:s10+$0xF220];
	s18 =	spop (v2sf);
	[tilespmem:s6+$0xA230] =	vst v31;
	v40 =	vmul.f32 v31, v31;
	v47 =	vadd.f32 v33, v39  }
0x244: {  	v19 =	vadd.f32 v31, v19;
	v31 =	vadd.f32 v35, v34;
	v34 =	vmul.f32 s12, v5;
	s18 =	smul.f32 s18, s18;
	v33 =	vld [tilespmem:s10+$0xA200];
	s20 =	spop (v2sf)  }
0x245: {  	v35 =	vmul.f32 s12, v4;
	v20 =	vadd.f32 v37, v20;
	v32 =	vadd.f32 v32, v44;
	s20 =	smul.f32 s20, s20;
	v39 =	vld [tilespmem:s10+$0xA220];
	s22 =	spop (v2sf)  }
0x246: {  	v21 =	vadd.f32 v40, v21;
	v40 =	vmul.f32 v31, v31;
	s12 =	smul.f32 s22, s22;
	v37 =	vld [tilespmem:s10+$0xF200];
	v44 =	vadd.f32 v45, v46;
	[tilespmem:s6+$0xA240] =	vst v31  }
0x247: {  	v36 =	vadd.f32 v35, v36;
	(v2sf) =	vpush v32, $0x0;
	s18 =	sadd.f32 s20, s18;
	v42 =	vld [tilespmem:s10+$0xA270]  }
0x248: {  	v22 =	vadd.f32 v30, v22;
	(v2sf) =	vpush v32, $0x1;
	v45 =	vld [tilespmem:s10+$0xF270]  }
0x249: {  	v23 =	vadd.f32 v43, v23;
	v30 =	vmul.f32 v36, v36;
	(v2sf) =	vpush v32, $0x2;
	s12 =	sadd.f32 s18, s12;
	v35 =	vld [tilespmem:s10+$0xA230];
	[tilespmem:s6+$0xA210] =	vst v36  }
0x24a: {  	v24 =	vadd.f32 v36, v24;
	v38 =	vadd.f32 v38, v39  }
.Ltmp1:
0x24b: {  	v26 =	vadd.f32 v31, v26;
	v41 =	vmul.f32 s12, v9;
	v39 =	vld [tilespmem:s10+$0xF230];
	v46 =	vmul.f32 s12, v11;
	(pc) =	sbr.rel @p0 .LBB2_5-.Ltmp1, $4  }
0x24c: {  	v27 =	vadd.f32 v30, v27;
	v43 =	vadd.f32 v37, v33;
	v31 =	vmul.f32 s12, v7;
	v36 =	vld [tilespmem:s10+$0xA210]  }
0x24d: {  	v32 =	vadd.f32 v47, v34;
	v37 =	vmul.f32 s12, v8;
	v33 =	vld [tilespmem:s10+$0xF250];
	v42 =	vadd.f32 v45, v42  }
0x24e: {  	s11 =	sadd.s32 $0x80, s11;
	v28 =	vadd.f32 v40, v28;
	v34 =	vmul.f32 s12, v6;
	v31 =	vadd.f32 v38, v31;
	v38 =	vld [tilespmem:s10+$0xF240]  }
0x24f: {  	s18 =	smov.u32 s13;
	v29 =	vadd.f32 v32, v29;
	v30 =	vadd.f32 v44, v46;
	v44 =	vmul.f32 s12, v10;
	v40 =	vld [tilespmem:s10+$0xA240];
	[tilespmem:s6+$0xA250] =	vst v32;
	s6 =	smov.u32 s10;
	s10 =	smov.u32 s17  }
0x250: {  	_ = 	snop  }
0x251: {  	v45 =	vld [tilespmem:s10+$0xF260];
	v35 =	vadd.f32 v39, v35;
	[tilespmem:s6+$0xA220] =	vst v31;
	v42 =	vadd.f32 v42, v44  }
0x252: {  	v41 =	vadd.f32 v41, v43;
	[tilespmem:s6+$0xA260] =	vst v30  }
0x253: {  	v60 =	vld [tilespmem:s6+$0xA250];
	v35 =	vadd.f32 v35, v37;
	[tilespmem:s6+$0xA270] =	vst v42  }
0x254: {  	[tilespmem:s6+$0xA200] =	vst v41;
	v61 =	vld [tilespmem:s10+$0xA260];
	v62 =	vadd.f32 v38, v40  }
0x255: {  	v38 =	vld [tilespmem:s10+$0xF220];
	[tilespmem:s6+$0xA230] =	vst v35  }
0x256: {  	v63 =	vld [tilespmem:s10+$0xA220];
	v34 =	vadd.f32 v62, v34  }
0x257: {  	v53 =	vmul.f32 s12, v4;
	v13 =	vadd.f32 v13, v36;
	v54 =	vld [tilespmem:s10+$0xF200];
	s11 =	spop (v2sf)  }
0x258: {  	v55 =	vld [tilespmem:s10+$0xA200];
	s11 =	smul.f32 s11, s11;
	s13 =	spop (v2sf);
	[tilespmem:s6+$0xA240] =	vst v34  }
0x259: {  	v13 =	vadd.f32 v53, v13;
	s13 =	smul.f32 s13, s13;
	v56 =	vld [tilespmem:s10+$0xF270]  }
0x25a: {  	s17 =	spop (v2sf);
	v46 =	vld [tilespmem:s10+$0xA230]  }
0x25b: {  	s17 =	smul.f32 s17, s17;
	v47 =	vld [tilespmem:s10+$0xA270];
	[tilespmem:s6+$0xA210] =	vst v13;
	s11 =	sadd.f32 s13, s11  }
0x25c: {  	v57 =	vmul.f32 s12, v5;
	v33 =	vadd.f32 v33, v60;
	v48 =	vld [tilespmem:s10+$0xF230]  }
0x25d: {  	v49 =	vld [tilespmem:s10+$0xF250];
	s11 =	sadd.f32 s11, s17  }
0x25e: {  	v33 =	vadd.f32 v33, v57;
	v58 =	vld [tilespmem:s10+$0xF240]  }
0x25f: {  	v39 =	vadd.f32 v45, v61;
	v60 =	vld [tilespmem:s10+$0xA210];
	v59 =	vmul.f32 s11, v11  }
0x260: {  	v50 =	vld [tilespmem:s10+$0xA240];
	v40 =	vadd.f32 v54, v55;
	[tilespmem:s6+$0xA250] =	vst v33;
	v51 =	vmul.f32 s11, v9  }
0x261: {  	v62 =	vld [tilespmem:s10+$0xA250];
	v36 =	vadd.f32 v56, v47;
	v61 =	vmul.f32 s11, v10;
	v39 =	vadd.f32 v39, v59  }
0x262: {  	v37 =	vadd.f32 v38, v63;
	v63 =	vmul.f32 s11, v7;
	v38 =	vadd.f32 v51, v40  }
0x263: {  	v46 =	vadd.f32 v48, v46;
	v48 =	vmul.f32 s11, v8;
	v36 =	vadd.f32 v36, v61;
	[tilespmem:s10+$0xA260] =	vst v39  }
0x264: {  	v52 =	vmul.f32 s11, v4;
	v25 =	vadd.f32 v25, v60;
	v37 =	vadd.f32 v37, v63;
	[tilespmem:s10+$0xA200] =	vst v38  }
0x265: {  	v50 =	vadd.f32 v58, v50;
	v51 =	vmul.f32 s11, v6;
	v45 =	vadd.f32 v46, v48;
	[tilespmem:s10+$0xA270] =	vst v36  }
0x266: {  	v54 =	vmul.f32 s11, v5;
	v53 =	vadd.f32 v49, v62;
	v25 =	vadd.f32 v52, v25;
	[tilespmem:s10+$0xA220] =	vst v37  }
0x267: {  	v40 =	vadd.f32 v50, v51;
	[tilespmem:s10+$0xA230] =	vst v45  }
0x268: {  	s18 =	sadd.s32 s8, s19;
	v43 =	vadd.f32 v53, v54;
	[tilespmem:s10+$0xA210] =	vst v25  }
0x269: {  	s6 =	sshll.u32 s18, $0x4;
	[tilespmem:s10+$0xA240] =	vst v40  }
0x26a: {  	s20 =	simm.s32 $0xA200;
	s6 =	sadd.s32 s9, s6;
	[tilespmem:s10+$0xA250] =	vst v43  }
0x26b: {  	[hbm4b:s6+s3] =	stream.linear.scatter [tilespmem:s20], [sflag:$0x4], $0x400, $0x38;
	[tilespmem:$0x14680] =	vst v63  }
0x26c: {  	v32 =	vmul.f32 v32, v32;
	s22 =	simm.s32 $0xAA00;
	s19 =	sadd.s32 $0x80, s6  }
0x26d: {  	v14 =	vadd.f32 v31, v14;
	v55 =	vmul.f32 v31, v31;
	[hbm4b:s19+s3] =	stream.linear.scatter [tilespmem:s22], [sflag:$0x4], $0x400, $0x38;
	[tilespmem:$0x14680] =	vst v63  }
0x26e: {  	v12 =	vadd.f32 v32, v12;
	v29 =	vadd.f32 v33, v29;
	s24 =	sadd.s32 $0x100, s6;
	s17 =	simm.s32 $0xB200  }
0x26f: {  	v16 =	vadd.f32 v55, v16;
	v56 =	vmul.f32 v30, v30;
	v58 =	vadd.f32 v41, v17;
	[hbm4b:s24+s3] =	stream.linear.scatter [tilespmem:s17], [sflag:$0x4], $0x400, $0x38;
	[tilespmem:$0x14680] =	vst v63  }
0x270: {  	s18 =	simm.s32 $0xBA00;
	v17 =	vmul.f32 v35, v35;
	v41 =	vmul.f32 v41, v41;
	v35 =	vadd.f32 v35, v19;
	s11 =	sadd.s32 $0x180, s6  }
0x271: {  	v57 =	vadd.f32 v56, v15;
	v15 =	vmul.f32 v42, v42;
	v42 =	vadd.f32 v42, v18;
	[hbm4b:s11+s3] =	stream.linear.scatter [tilespmem:s18], [sflag:$0x4], $0x400, $0x38;
	[tilespmem:$0x14680] =	vst v63  }
0x272: {  	s12 =	sadd.s32 $0x200, s6;
	v61 =	vadd.f32 v30, v22;
	v18 =	vmul.f32 v33, v33;
	v60 =	vadd.f32 v17, v21;
	s19 =	simm.s32 $0xC200  }
0x273: {  	v23 =	vadd.f32 v41, v23;
	v17 =	vmul.f32 v34, v34;
	v34 =	vadd.f32 v34, v26;
	[hbm4b:s12+s3] =	stream.linear.scatter [tilespmem:s19], [sflag:$0x4], $0x400, $0x38;
	[tilespmem:$0x14680] =	vst v63  }
0x274: {  	s13 =	sadd.s32 $0x280, s6;
	v59 =	vadd.f32 v15, v20;
	v15 =	vmul.f32 v13, v13;
	v13 =	vadd.f32 v13, v24;
	s12 =	simm.s32 $0xCA00  }
0x275: {  	v12 =	vadd.f32 v18, v12;
	v18 =	vadd.f32 v38, v58;
	[hbm4b:s13+s3] =	stream.linear.scatter [tilespmem:s12], [sflag:$0x4], $0x400, $0x38;
	[tilespmem:$0x14680] =	vst v63  }
0x276: {  	s2 =	sadd.s32 $0x1, s2;
	v26 =	vmul.f32 v38, v38;
	v19 =	vadd.f32 v36, v42;
	v24 =	vadd.f32 v39, v61;
	s24 =	sadd.s32 $0x300, s6;
	s13 =	simm.s32 $0xD200  }
0x277: {  	v28 =	vadd.f32 v17, v28;
	v17 =	vmul.f32 v39, v39;
	v22 =	vmul.f32 v45, v45;
	[hbm4b:s24+s3] =	stream.linear.scatter [tilespmem:s13], [sflag:$0x4], $0x400, $0x38;
	[tilespmem:$0x14680] =	vst v63  }
0x278: {  	p0 =	sne.s32 s2, $0x3E;
	v20 =	vadd.f32 v45, v35;
	v62 =	vadd.f32 v15, v27;
	v15 =	vmul.f32 v37, v37;
	s11 =	sadd.s32 $0x380, s6;
	s24 =	simm.s32 $0xDA00  }
0x279: {  	v26 =	vadd.f32 v26, v23;
	v23 =	vmul.f32 v25, v25;
	v27 =	vadd.f32 v25, v13;
	[hbm4b:s11+s3] =	stream.linear.scatter [tilespmem:s24], [sflag:$0x4], $0x400, $0x38;
	[tilespmem:$0x14680] =	vst v63  }
.Ltmp2:
0x27a: {  	v15 =	vadd.f32 v15, v16;
	v16 =	vadd.f32 v37, v14;
	v14 =	vmul.f32 v36, v36;
	(pc) =	sbr.rel @p0 .LBB2_2-.Ltmp2, $4  }
0x27b: {  	v25 =	vadd.f32 v40, v34;
	v63 =	vmul.f32 v43, v43;
	v13 =	vadd.f32 v43, v29;
	s11 =	sadd.s32 $0x400, s6;
	s24 =	simm.s32 $0xE200  }
0x27c: {  	v17 =	vadd.f32 v17, v57;
	v21 =	vadd.f32 v14, v59;
	v14 =	vmul.f32 v40, v40;
	[hbm4b:s11+s3] =	stream.linear.scatter [tilespmem:s24], [sflag:$0x4], $0x400, $0x38;
	[tilespmem:$0x14680] =	vst v63  }
0x27d: {  	v22 =	vadd.f32 v22, v60;
	v23 =	vadd.f32 v23, v62;
	s6 =	sadd.s32 $0x480, s6;
	s24 =	simm.s32 $0xEA00  }
0x27e: {  	v12 =	vadd.f32 v63, v12;
	v14 =	vadd.f32 v14, v28;
	[hbm4b:s6+s3] =	stream.linear.scatter [tilespmem:s24], [sflag:$0x4], $0x400, $0x38;
	[tilespmem:$0x14680] =	vst v63  }
0x27f: {  	_ =	swait.ge [sflag:s16], $0x5000  }
0x280: {  	[sflag:s16] =	ssyncset.done $0x0  }
0x281: {  	[sflag:s16] =	ssyncadd.s32 $0xFFFFB000  }
0x282: {  	_ =	swait.ge [sflag:s16], $0x5000  }
0x283: {  	[sflag:s16] =	ssyncset.done $0x0  }
0x284: {  	s10 =	simm.s32 $0x4;
	[sflag:s16] =	ssyncadd.s32 $0xFFFFB000  }
0x285: {  	s2 =	simm.s32 $0x0;
	_ =	swait.ge [sflag:s10], $0x2800  }
0x286: {  	s6 =	sand.u32 $0x7800, s2;
	s2 =	sand.u32 $0x380, s2;
	[sflag:s10] =	ssyncset.done $0x0  }
0x287: {  	s11 =	sor.u32 s2, s6;
	[sflag:s10] =	ssyncadd.s32 $0xFFFFD800  }
0x288: {  	v28 =	vld [tilespmem:s11+$0x600]  }
0x289: {  	v29 =	vld [tilespmem:s11+$0x5600];
	_ =	sdelay $0x4  }
0x28a: {  	v28 =	vadd.f32 v29, v28;
	_ =	sdelay $0x1  }
0x28b: {  	(v2sf) =	vpush v28, $0x0  }
0x28c: {  	(v2sf) =	vpush v28, $0x1;
	_ =	sdelay $0x1  }
0x28d: {  	(v2sf) =	vpush v28, $0x2;
	_ =	sdelay $0x3  }
0x28e: {  	s12 =	simm.s32 $0x80;
	s10 =	simm.s32 $0x100  }
0x28f: {  	s6 =	sand.u32 $0x380, s12;
	v33 =	vld [tilespmem:s11+$0x5210];
	s2 =	sand.u32 $0x7800, s10  }
0x290: {  	v32 =	vld [tilespmem:s11+$0x260];
	s2 =	sor.u32 s6, s2  }
0x291: {  	v30 =	vld [tilespmem:s2+$0x5600]  }
0x292: {  	v29 =	vld [tilespmem:s2+$0x600]  }
0x293: {  	v34 =	vld [tilespmem:s11+$0x5220]  }
0x294: {  	v35 =	vld [tilespmem:s11+$0x200]  }
0x295: {  	v36 =	vld [tilespmem:s11+$0x5200]  }
0x296: {  	v37 =	vld [tilespmem:s11+$0x270];
	s13 =	spop (v2sf)  }
0x297: {  	v38 =	vld [tilespmem:s11+$0x5270];
	v29 =	vadd.f32 v30, v29;
	s6 =	smul.f32 s13, s13;
	s17 =	spop (v2sf)  }
0x298: {  	v60 =	vld [tilespmem:s11+$0x5240];
	s10 =	smul.f32 s17, s17  }
0x299: {  	v28 =	vld [tilespmem:s11+$0x5260];
	(v2sf) =	vpush v29, $0x0;
	s12 =	spop (v2sf)  }
0x29a: {  	v30 =	vld [tilespmem:s11+$0x220];
	(v2sf) =	vpush v29, $0x1;
	s12 =	smul.f32 s12, s12;
	s6 =	sadd.f32 s10, s6  }
0x29b: {  	v62 =	vld [tilespmem:s11+$0x240]  }
0x29c: {  	v39 =	vld [tilespmem:s11+$0x230];
	(v2sf) =	vpush v29, $0x2;
	s10 =	sadd.f32 s6, s12  }
0x29d: {  	v35 =	vadd.f32 v36, v35;
	v29 =	vld [tilespmem:s11+$0x5230]  }
0x29e: {  	v58 =	vld [tilespmem:s11+$0x210];
	v37 =	vadd.f32 v38, v37;
	v28 =	vadd.f32 v28, v32;
	v57 =	vmul.f32 s10, v11  }
0x29f: {  	v41 =	vld [tilespmem:s11+$0x5250];
	v30 =	vadd.f32 v34, v30;
	v40 =	vmul.f32 s10, v9;
	v59 =	vmul.f32 s10, v7  }
0x2a0: {  	v43 =	vld [tilespmem:s11+$0x250];
	v38 =	vadd.f32 v60, v62;
	v49 =	vmul.f32 s10, v6;
	v42 =	vadd.f32 v28, v57  }
0x2a1: {  	s18 =	simm.s32 $0x200;
	s19 =	simm.s32 $0x100;
	v31 =	vld [tilespmem:s2+$0x5210];
	v30 =	vadd.f32 v30, v59;
	v28 =	vmul.f32 s10, v10;
	v35 =	vadd.f32 v40, v35  }
0x2a2: {  	v61 =	vld [tilespmem:s2+$0x5260];
	s6 =	sand.u32 $0x7800, s18;
	s12 =	sand.u32 $0x380, s19;
	v39 =	vadd.f32 v29, v39;
	v46 =	vmul.f32 s10, v8;
	[tilespmem:s11+$0x260] =	vst v42  }
0x2a3: {  	s6 =	sor.u32 s12, s6;
	v38 =	vadd.f32 v38, v49;
	v63 =	vmul.f32 v30, v30;
	v37 =	vadd.f32 v37, v28;
	[tilespmem:s11+$0x200] =	vst v35  }
0x2a4: {  	v44 =	vmul.f32 v42, v42;
	v28 =	vadd.f32 v30, v16;
	v16 =	vadd.f32 v39, v46;
	v45 =	vld [tilespmem:s6+$0x5600];
	[tilespmem:s11+$0x220] =	vst v30  }
0x2a5: {  	v47 =	vld [tilespmem:s6+$0x600];
	v62 =	vmul.f32 v38, v38;
	v30 =	vadd.f32 v35, v18;
	v18 =	vadd.f32 v33, v58;
	[tilespmem:s11+$0x270] =	vst v37  }
0x2a6: {  	v29 =	vadd.f32 v63, v15;
	v17 =	vadd.f32 v44, v17;
	v51 =	vmul.f32 v37, v37;
	v48 =	vld [tilespmem:s2+$0x260]  }
0x2a7: {  	v44 =	vadd.f32 v41, v43;
	v15 =	vadd.f32 v37, v19;
	v52 =	vmul.f32 v16, v16;
	v32 =	vld [tilespmem:s6+$0x5210]  }
0x2a8: {  	v55 =	vmul.f32 s10, v4;
	v19 =	vadd.f32 v16, v20;
	v14 =	vadd.f32 v62, v14;
	v50 =	vld [tilespmem:s2+$0x5220];
	s24 =	spop (v2sf);
	[tilespmem:s11+$0x230] =	vst v16  }
0x2a9: {  	v60 =	vmul.f32 s10, v5;
	s12 =	smul.f32 s24, s24;
	s13 =	spop (v2sf);
	v53 =	vld [tilespmem:s2+$0x220];
	v16 =	vadd.f32 v51, v21;
	v20 =	vadd.f32 v52, v22  }
0x2aa: {  	v56 =	vld [tilespmem:s2+$0x5200];
	v21 =	vmul.f32 v35, v35;
	v22 =	vadd.f32 v55, v18;
	s13 =	smul.f32 s13, s13;
	v54 =	vadd.f32 v45, v47  }
0x2ab: {  	v57 =	vld [tilespmem:s2+$0x200];
	[tilespmem:s11+$0x240] =	vst v38;
	v18 =	vadd.f32 v42, v24;
	v33 =	vadd.f32 v44, v60;
	s17 =	spop (v2sf)  }
0x2ac: {  	v59 =	vld [tilespmem:s2+$0x270];
	s17 =	smul.f32 s17, s17;
	v24 =	vadd.f32 v21, v26;
	s12 =	sadd.f32 s13, s12;
	(v2sf) =	vpush v54, $0x0  }
0x2ad: {  	v58 =	vadd.f32 v61, v48;
	v61 =	vld [tilespmem:s2+$0x5270];
	(v2sf) =	vpush v54, $0x1  }
0x2ae: {  	v35 =	vld [tilespmem:s2+$0x230];
	v26 =	vmul.f32 v22, v22;
	v21 =	vadd.f32 v38, v25;
	[tilespmem:s11+$0x210] =	vst v22;
	s10 =	sadd.f32 s12, s17;
	(v2sf) =	vpush v54, $0x2  }
0x2af: {  	v13 =	vadd.f32 v33, v13;
	v22 =	vadd.f32 v22, v27;
	v41 =	vld [tilespmem:s2+$0x5230]  }
0x2b0: {  	v23 =	vadd.f32 v26, v23;
	v63 =	vadd.f32 v50, v53;
	v38 =	vld [tilespmem:s2+$0x5250];
	v27 =	vmul.f32 s10, v9  }
0x2b1: {  	v36 =	vadd.f32 v56, v57;
	v40 =	vld [tilespmem:s2+$0x5240];
	v48 =	vmul.f32 s10, v11;
	v25 =	vmul.f32 s10, v7  }
0x2b2: {  	v42 =	vld [tilespmem:s2+$0x240];
	v39 =	vmul.f32 s10, v8;
	v34 =	vmul.f32 s10, v6;
	v43 =	vadd.f32 v61, v59  }
0x2b3: {  	s17 =	simm.s32 $0x300;
	v37 =	vld [tilespmem:s2+$0x210];
	s12 =	simm.s32 $0x180;
	[tilespmem:s11+$0x250] =	vst v33;
	v44 =	vmul.f32 s10, v10;
	v26 =	vadd.f32 v63, v25;
	v25 =	vadd.f32 v58, v48  }
.LBB2_8:
0x2b4: {  	s11 =	smov.u32 s17  }
0x2b5: {  	s13 =	sand.u32 $0x7800, s17;
	s18 =	sand.u32 $0x380, s12;
	v45 =	vld [tilespmem:s6+$0x5260];
	v27 =	vadd.f32 v27, v36;
	v36 =	vmul.f32 v26, v26;
	v33 =	vmul.f32 v33, v33;
	s11 =	sadd.s32 $0x100, s17  }
0x2b6: {  	p0 =	sne.s32 s17, $0x4F00;
	v35 =	vadd.f32 v41, v35;
	s13 =	sor.u32 s18, s13;
	v46 =	vmul.f32 v25, v25;
	v43 =	vadd.f32 v43, v44;
	v41 =	vld [tilespmem:s2+$0x250];
	[tilespmem:s2+$0x260] =	vst v25  }
0x2b7: {  	v29 =	vadd.f32 v36, v29;
	v12 =	vadd.f32 v33, v12;
	v44 =	vld [tilespmem:s13+$0x600];
	[tilespmem:s2+$0x200] =	vst v27  }
0x2b8: {  	v28 =	vadd.f32 v26, v28;
	v36 =	vmul.f32 v27, v27;
	v17 =	vadd.f32 v46, v17;
	v33 =	vld [tilespmem:s13+$0x5600];
	[tilespmem:s2+$0x270] =	vst v43  }
0x2b9: {  	v46 =	vld [tilespmem:s6+$0x260];
	[tilespmem:s2+$0x220] =	vst v26;
	v26 =	vadd.f32 v35, v39;
	v35 =	vadd.f32 v40, v42;
	v39 =	vmul.f32 v43, v43  }
0x2ba: {  	v30 =	vadd.f32 v27, v30;
	v27 =	vadd.f32 v31, v37;
	v31 =	vmov v32;
	v32 =	vld [tilespmem:s13+$0x5210]  }
0x2bb: {  	v15 =	vadd.f32 v43, v15;
	v37 =	vld [tilespmem:s6+$0x5220];
	s17 =	spop (v2sf);
	[tilespmem:s2+$0x230] =	vst v26;
	v40 =	vmul.f32 v26, v26;
	v42 =	vadd.f32 v38, v41  }
0x2bc: {  	v19 =	vadd.f32 v26, v19;
	v26 =	vadd.f32 v35, v34;
	v34 =	vmul.f32 s10, v5;
	s17 =	smul.f32 s17, s17;
	v38 =	vld [tilespmem:s6+$0x200];
	s18 =	spop (v2sf)  }
0x2bd: {  	v35 =	vmul.f32 s10, v4;
	v16 =	vadd.f32 v39, v16;
	v33 =	vadd.f32 v33, v44;
	s18 =	smul.f32 s18, s18;
	v41 =	vld [tilespmem:s6+$0x220];
	s19 =	spop (v2sf)  }
0x2be: {  	v20 =	vadd.f32 v40, v20;
	s10 =	smul.f32 s19, s19;
	v39 =	vld [tilespmem:s6+$0x5200];
	v44 =	vadd.f32 v45, v46;
	[tilespmem:s2+$0x240] =	vst v26;
	v45 =	vmul.f32 v26, v26  }
0x2bf: {  	v27 =	vadd.f32 v35, v27;
	(v2sf) =	vpush v33, $0x0;
	s17 =	sadd.f32 s18, s17;
	v40 =	vld [tilespmem:s6+$0x270]  }
0x2c0: {  	v18 =	vadd.f32 v25, v18;
	(v2sf) =	vpush v33, $0x1;
	v43 =	vld [tilespmem:s6+$0x5270]  }
0x2c1: {  	v24 =	vadd.f32 v36, v24;
	v25 =	vmul.f32 v27, v27;
	(v2sf) =	vpush v33, $0x2;
	s10 =	sadd.f32 s17, s10;
	v35 =	vld [tilespmem:s6+$0x230];
	[tilespmem:s2+$0x210] =	vst v27  }
0x2c2: {  	v22 =	vadd.f32 v27, v22;
	v46 =	vadd.f32 v37, v41  }
.Ltmp3:
0x2c3: {  	v21 =	vadd.f32 v26, v21;
	v27 =	vmul.f32 s10, v9;
	v41 =	vld [tilespmem:s6+$0x5230];
	v47 =	vmul.f32 s10, v11;
	(pc) =	sbr.rel @p0 .LBB2_8-.Ltmp3, $4  }
0x2c4: {  	v23 =	vadd.f32 v25, v23;
	v36 =	vadd.f32 v39, v38;
	v26 =	vmul.f32 s10, v7;
	v37 =	vld [tilespmem:s6+$0x210]  }
0x2c5: {  	v33 =	vadd.f32 v42, v34;
	v39 =	vmul.f32 s10, v8;
	v38 =	vld [tilespmem:s6+$0x5250];
	v43 =	vadd.f32 v43, v40  }
0x2c6: {  	s12 =	sadd.s32 $0x80, s12;
	v14 =	vadd.f32 v45, v14;
	v34 =	vmul.f32 s10, v6;
	v26 =	vadd.f32 v46, v26;
	v40 =	vld [tilespmem:s6+$0x5240]  }
0x2c7: {  	s17 =	smov.u32 s11;
	v13 =	vadd.f32 v33, v13;
	v25 =	vadd.f32 v44, v47;
	v44 =	vmul.f32 s10, v10;
	v42 =	vld [tilespmem:s6+$0x240];
	[tilespmem:s2+$0x250] =	vst v33;
	s2 =	smov.u32 s6;
	s6 =	smov.u32 s13  }
0x2c8: {  	v36 =	vadd.f32 v27, v36  }
0x2c9: {  	v45 =	vld [tilespmem:s6+$0x5260];
	v35 =	vadd.f32 v41, v35;
	[tilespmem:s2+$0x220] =	vst v26;
	v27 =	vadd.f32 v43, v44  }
0x2ca: {  	[tilespmem:s2+$0x260] =	vst v25  }
0x2cb: {  	v46 =	vld [tilespmem:s2+$0x250];
	v35 =	vadd.f32 v35, v39;
	[tilespmem:s2+$0x270] =	vst v27  }
0x2cc: {  	[tilespmem:s2+$0x200] =	vst v36;
	v58 =	vld [tilespmem:s6+$0x260];
	v59 =	vadd.f32 v40, v42  }
0x2cd: {  	v40 =	vld [tilespmem:s6+$0x5220];
	[tilespmem:s2+$0x230] =	vst v35  }
0x2ce: {  	v60 =	vld [tilespmem:s6+$0x220];
	v34 =	vadd.f32 v59, v34  }
0x2cf: {  	v61 =	vmul.f32 s10, v4;
	v31 =	vadd.f32 v31, v37;
	v62 =	vld [tilespmem:s6+$0x5200];
	s11 =	spop (v2sf)  }
0x2d0: {  	v63 =	vld [tilespmem:s6+$0x200];
	s11 =	smul.f32 s11, s11;
	s12 =	spop (v2sf);
	[tilespmem:s2+$0x240] =	vst v34  }
0x2d1: {  	v37 =	vadd.f32 v61, v31;
	s12 =	smul.f32 s12, s12;
	v52 =	vld [tilespmem:s6+$0x5270]  }
0x2d2: {  	s13 =	spop (v2sf);
	v47 =	vld [tilespmem:s6+$0x230]  }
0x2d3: {  	s13 =	smul.f32 s13, s13;
	v48 =	vld [tilespmem:s6+$0x270];
	[tilespmem:s2+$0x210] =	vst v37;
	s11 =	sadd.f32 s12, s11  }
0x2d4: {  	v54 =	vmul.f32 s10, v5;
	v53 =	vadd.f32 v38, v46;
	v55 =	vld [tilespmem:s6+$0x5230]  }
0x2d5: {  	v49 =	vld [tilespmem:s6+$0x5250];
	s17 =	sadd.f32 s11, s13  }
0x2d6: {  	v31 =	vadd.f32 v53, v54;
	v56 =	vld [tilespmem:s6+$0x5240]  }
0x2d7: {  	v41 =	vadd.f32 v45, v58;
	v57 =	vld [tilespmem:s6+$0x240];
	v11 =	vmul.f32 s17, v11  }
0x2d8: {  	v42 =	vadd.f32 v62, v63;
	v58 =	vld [tilespmem:s6+$0x210];
	[tilespmem:s2+$0x250] =	vst v31;
	v50 =	vmul.f32 s17, v9  }
0x2d9: {  	v59 =	vld [tilespmem:s6+$0x250];
	v44 =	vadd.f32 v52, v48;
	v10 =	vmul.f32 s17, v10;
	v9 =	vadd.f32 v41, v11  }
0x2da: {  	v39 =	vadd.f32 v40, v60;
	v61 =	vmul.f32 s17, v7;
	v60 =	vadd.f32 v50, v42  }
0x2db: {  	v8 =	vmul.f32 s17, v8;
	v62 =	vadd.f32 v55, v47;
	v7 =	vadd.f32 v44, v10;
	[tilespmem:s6+$0x260] =	vst v9  }
0x2dc: {  	v6 =	vmul.f32 s17, v6;
	v38 =	vadd.f32 v56, v57;
	v63 =	vadd.f32 v39, v61;
	[tilespmem:s6+$0x200] =	vst v60  }
0x2dd: {  	v4 =	vmul.f32 s17, v4;
	v32 =	vadd.f32 v32, v58;
	v8 =	vadd.f32 v62, v8;
	[tilespmem:s6+$0x270] =	vst v7  }
0x2de: {  	v5 =	vmul.f32 s17, v5;
	v11 =	vadd.f32 v49, v59;
	v6 =	vadd.f32 v38, v6;
	[tilespmem:s6+$0x220] =	vst v63  }
0x2df: {  	v4 =	vadd.f32 v4, v32;
	[tilespmem:s6+$0x230] =	vst v8  }
0x2e0: {  	v5 =	vadd.f32 v11, v5;
	[tilespmem:s6+$0x240] =	vst v6  }
0x2e1: {  	[tilespmem:s6+$0x210] =	vst v4  }
0x2e2: {  	s11 =	simm.s32 $0x200;
	[tilespmem:s6+$0x250] =	vst v5;
	s6 =	rddreg [dreg:$0xa]  }
0x2e3: {  	[hbm4b:s6+s3] =	stream.linear.scatter [tilespmem:s11], [sflag:$0x3], $0x400, $0x38;
	[tilespmem:$0x14680] =	vst v63  }
0x2e4: {  	s12 =	simm.s32 $0xA00;
	s18 =	sadd.s32 $0x80, s6  }
0x2e5: {  	[hbm4b:s18+s3] =	stream.linear.scatter [tilespmem:s12], [sflag:$0x3], $0x400, $0x38;
	[tilespmem:$0x14680] =	vst v63  }
0x2e6: {  	s13 =	simm.s32 $0x1200;
	s19 =	sadd.s32 $0x100, s6  }
0x2e7: {  	[hbm4b:s19+s3] =	stream.linear.scatter [tilespmem:s13], [sflag:$0x3], $0x400, $0x38;
	[tilespmem:$0x14680] =	vst v63  }
0x2e8: {  	s24 =	sadd.s32 $0x180, s6  }
0x2e9: {  	[hbm4b:s24+s3] =	stream.linear.scatter [tilespmem:s25], [sflag:$0x3], $0x400, $0x38;
	[tilespmem:$0x14680] =	vst v63  }
0x2ea: {  	s10 =	sadd.s32 $0x200, s6  }
0x2eb: {  	[hbm4b:s10+s3] =	stream.linear.scatter [tilespmem:s26], [sflag:$0x3], $0x400, $0x38;
	[tilespmem:$0x14680] =	vst v63  }
0x2ec: {  	s17 =	sadd.s32 $0x280, s6  }
0x2ed: {  	[hbm4b:s17+s3] =	stream.linear.scatter [tilespmem:s28], [sflag:$0x3], $0x400, $0x38;
	[tilespmem:$0x14680] =	vst v63  }
0x2ee: {  	s18 =	sadd.s32 $0x300, s6  }
0x2ef: {  	[hbm4b:s18+s3] =	stream.linear.scatter [tilespmem:s29], [sflag:$0x3], $0x400, $0x38;
	[tilespmem:$0x14680] =	vst v63  }
0x2f0: {  	s19 =	sadd.s32 $0x380, s6  }
0x2f1: {  	[hbm4b:s19+s3] =	stream.linear.scatter [tilespmem:s30], [sflag:$0x3], $0x400, $0x38;
	[tilespmem:$0x14680] =	vst v63  }
0x2f2: {  	s24 =	sadd.s32 $0x400, s6  }
0x2f3: {  	[hbm4b:s24+s3] =	stream.linear.scatter [tilespmem:s31], [sflag:$0x3], $0x400, $0x38;
	[tilespmem:$0x14680] =	vst v63  }
0x2f4: {  	s10 =	sadd.s32 $0x480, s6  }
0x2f5: {  	[hbm4b:s10+s3] =	stream.linear.scatter [tilespmem:s0], [sflag:$0x3], $0x400, $0x38;
	[tilespmem:$0x14680] =	vst v63  }
0x2f6: {  	_ =	swait.ge [sflag:s14], $0x2800  }
0x2f7: {  	[sflag:s14] =	ssyncset.done $0x0  }
0x2f8: {  	[sflag:s14] =	ssyncadd.s32 $0xFFFFD800  }
0x2f9: {  	[tilespmem:$0x14380] =	vst v3  }
0x2fa: {  	[tilespmem:$0x14390] =	vst v3  }
0x2fb: {  	[tilespmem:$0x143A0] =	vst v3  }
0x2fc: {  	[tilespmem:$0x143B0] =	vst v3  }
0x2fd: {  	[tilespmem:$0x143C0] =	vst v3  }
0x2fe: {  	[tilespmem:$0x143D0] =	vst v3  }
0x2ff: {  	[tilespmem:$0x143E0] =	vst v3  }
0x300: {  	[tilespmem:$0x143F0] =	vst v3  }
0x301: {  	[tilespmem:$0x14400] =	vst v3  }
0x302: {  	[tilespmem:$0x14410] =	vst v3  }
0x303: {  	[tilespmem:$0x14420] =	vst v3  }
0x304: {  	[tilespmem:$0x14430] =	vst v3  }
0x305: {  	[tilespmem:$0x14440] =	vst v3  }
0x306: {  	[tilespmem:$0x14450] =	vst v3  }
0x307: {  	[tilespmem:$0x14460] =	vst v3  }
0x308: {  	[tilespmem:$0x14470] =	vst v3  }
0x309: {  	[tilespmem:$0x14480] =	vst v3  }
0x30a: {  	[tilespmem:$0x14490] =	vst v3  }
0x30b: {  	[tilespmem:$0x144A0] =	vst v3  }
0x30c: {  	[tilespmem:$0x144B0] =	vst v3  }
0x30d: {  	[tilespmem:$0x144C0] =	vst v3  }
0x30e: {  	[tilespmem:$0x144D0] =	vst v3  }
0x30f: {  	[tilespmem:$0x144E0] =	vst v3  }
0x310: {  	[tilespmem:$0x144F0] =	vst v3  }
0x311: {  	[tilespmem:$0x14500] =	vst v3  }
0x312: {  	[tilespmem:$0x14510] =	vst v3  }
0x313: {  	[tilespmem:$0x14520] =	vst v3  }
0x314: {  	[tilespmem:$0x14530] =	vst v3  }
0x315: {  	[tilespmem:$0x14540] =	vst v3  }
0x316: {  	[tilespmem:$0x14550] =	vst v3  }
0x317: {  	[tilespmem:$0x14560] =	vst v3  }
0x318: {  	[tilespmem:$0x14570] =	vst v3  }
0x319: {  	[tilespmem:$0x14580] =	vst v3  }
0x31a: {  	[tilespmem:$0x14590] =	vst v3  }
0x31b: {  	[tilespmem:$0x145A0] =	vst v3  }
0x31c: {  	[tilespmem:$0x145B0] =	vst v3  }
0x31d: {  	[tilespmem:$0x145C0] =	vst v3  }
0x31e: {  	[tilespmem:$0x145D0] =	vst v3  }
0x31f: {  	[tilespmem:$0x145E0] =	vst v3  }
0x320: {  	[tilespmem:$0x145F0] =	vst v3  }
0x321: {  	[tilespmem:$0x14600] =	vst v3  }
0x322: {  	[tilespmem:$0x14610] =	vst v3  }
0x323: {  	[tilespmem:$0x14620] =	vst v3  }
0x324: {  	v43 =	vadd.f32 v36, v30;
	v41 =	vmul.f32 v36, v36;
	[tilespmem:$0x14630] =	vst v3  }
0x325: {  	v19 =	vadd.f32 v35, v19;
	v46 =	vmul.f32 v25, v25;
	v22 =	vadd.f32 v37, v22;
	[tilespmem:$0x14640] =	vst v3  }
0x326: {  	v44 =	vmul.f32 v37, v37;
	v24 =	vadd.f32 v41, v24;
	v45 =	vmul.f32 v60, v60;
	[tilespmem:$0x14650] =	vst v3  }
0x327: {  	v42 =	vadd.f32 v26, v28;
	v38 =	vmul.f32 v26, v26;
	v28 =	vadd.f32 v60, v43;
	[tilespmem:$0x14660] =	vst v3  }
0x328: {  	v23 =	vadd.f32 v44, v23;
	v47 =	vmul.f32 v4, v4;
	v24 =	vadd.f32 v45, v24;
	[tilespmem:$0x14670] =	vst v3  }
0x329: {  	v17 =	vadd.f32 v46, v17;
	v48 =	vmul.f32 v35, v35;
	v4 =	vadd.f32 v4, v22;
	[tilespmem:$0x14280] =	vst v28  }
0x32a: {  	v49 =	vmul.f32 v63, v63;
	v11 =	vadd.f32 v38, v29;
	v23 =	vadd.f32 v47, v23;
	[tilespmem:$0x14300] =	vst v24  }
0x32b: {  	v55 =	vadd.f32 v31, v13;
	v50 =	vmul.f32 v34, v34;
	v10 =	vadd.f32 v63, v42;
	[tilespmem:$0x14290] =	vst v4  }
0x32c: {  	v20 =	vadd.f32 v48, v20;
	v51 =	vmul.f32 v8, v8;
	v11 =	vadd.f32 v49, v11;
	[tilespmem:$0x14310] =	vst v23  }
0x32d: {  	v14 =	vadd.f32 v50, v14;
	v8 =	vadd.f32 v8, v19;
	v54 =	vmul.f32 v6, v6;
	[tilespmem:$0x142A0] =	vst v10  }
0x32e: {  	v53 =	vadd.f32 v51, v20;
	v4 =	vadd.f32 v34, v21;
	[tilespmem:$0x14320] =	vst v11  }
0x32f: {  	v39 =	vmul.f32 v33, v33;
	v59 =	vadd.f32 v25, v18;
	v57 =	vadd.f32 v54, v14;
	[tilespmem:$0x142B0] =	vst v8  }
0x330: {  	v52 =	vmul.f32 v31, v31;
	v61 =	vadd.f32 v27, v15;
	[tilespmem:$0x14330] =	vst v53;
	v4 =	vadd.f32 v6, v4  }
0x331: {  	v12 =	vadd.f32 v39, v12;
	v58 =	vmul.f32 v5, v5;
	v5 =	vadd.f32 v5, v55;
	[tilespmem:$0x14340] =	vst v57  }
0x332: {  	v60 =	vmul.f32 v9, v9;
	v9 =	vadd.f32 v9, v59;
	[tilespmem:$0x142C0] =	vst v4;
	v4 =	vmul.f32 v27, v27  }
0x333: {  	v63 =	vadd.f32 v7, v61;
	v56 =	vadd.f32 v52, v12;
	[tilespmem:$0x142D0] =	vst v5  }
0x334: {  	v62 =	vmul.f32 v7, v7;
	v5 =	vadd.f32 v60, v17;
	[tilespmem:$0x142E0] =	vst v9;
	v4 =	vadd.f32 v4, v16  }
0x335: {  	[tilespmem:$0x142F0] =	vst v63;
	v6 =	vadd.f32 v58, v56  }
0x336: {  	[tilespmem:$0x14360] =	vst v5;
	v4 =	vadd.f32 v62, v4  }
0x337: {  	[tilespmem:$0x14350] =	vst v6  }
0x338: {  	s18 =	simm.s32 $0x14280;
	s10 =	simm.s32 $0x7;
	s17 =	rddreg [dreg:$0xb];
	[tilespmem:$0x14370] =	vst v4  }
0x339: {  	[hbm4b:s17+s3] =	stream.linear.scatter [tilespmem:s18], [sflag:$0x7], $0x400, $0x38;
	[tilespmem:$0x14680] =	vst v63  }
0x33a: {  	_ =	swait.ge [sflag:s10], $0x400  }
0x33b: {  	s19 =	rddreg [dreg:$0xd]  }
0x33c: {  	s24 =	rddreg [dreg:$0xc];
	s6 =	sadd.s32 $0x1, s19  }
0x33d: {  	p0 =	sne.s32 s6, s24  }
.Ltmp4:
0x33e: {  	_ = 	snop;
	(pc) =	sbr.rel @p0 .LBB2_1-.Ltmp4, $3  }
0x33f: {  	_ =	sdelay $0x1  }
0x340: {  	s17 =	simm.s32 $0xB200;
	[sflag:s10] =	ssyncset.done $0x0  }
0x341: {  	s18 =	simm.s32 $0xBA00;
	[sflag:s10] =	ssyncadd.s32 $0xFFFFFC00;
	s19 =	simm.s32 $0xC200  }
0x342: {  	_ =	sfence.sel $0x180000  }
0x343: {  	[bflag:$0x0] =	sbarrier.arrive $0xFFFF  }
0x344: {  	_ =	strace $0x90000047  }
0x345: {  	s0 =	stileid.u32;
	[bflag:$0x2] =	sbarrier.arrive $0xFFFF  }
0x346: {  	p0 =	sne.s32 s0, $0x0;
	s0 =	rddreg [dreg:$0x2]  }
0x347: {  	s0 =	sadd.s32 @!p0 $0x100000, s0  }
0x348: {  	[sflag:s0] =	ssyncadd.tile.s32 @!p0 $0x1;
	_ =	shalt  }
.Lfunc_end2:
_tile_overlayer_lowered:
.L_overlay_start_2:
0x349: {  	(tag) =	ssettag $0x2  }
0x34a: {  	s0 =	rddreg [dreg:$0x0];
	s2 =	stileid.u32  }
0x34b: {  	s1 =	rddreg [dreg:$0x1];
	p0 =	sne.s32 s2, $0x0  }
0x34c: {  	s3 =	rddreg [dreg:$0x2];
	[bflag:$0x3] =	sbarrier.arrive $0xFFFF;
	s2 =	simm.s32 @!p0 $0x1C07  }
0x34d: {  	[timem:s3], [sflag:s2] =	dma.local @!p0 [hbm:s0], s1  }
0x34e: {  	s0 =	simm.s32 @!p0 $0x7  }
0x34f: {  	_ =	swait.ge @!p0 [sflag:s0], s1  }
0x350: {  	s1 =	ssub.s32 @!p0 $0x0, s1;
	[sflag:s0] =	ssyncset.done @!p0 $0x0  }
0x351: {  	[sflag:s0] =	ssyncadd.s32 @!p0 s1  }
0x352: {  	[bflag:$0x3] =	sbarrier.arrive $0xFFFF  }
0x353: {  	_ =	shalt  }

</sc_bundles>
